<compile_context>
chip_gen: v7x
topology: tpu7x:2x2x1
jax: 0.10.2.dev20260603
libtpu: 0.0.44.dev20260713+nightly
codegen_flags: <defaults>
</compile_context>

<pallas_src>
import jax
import jax.numpy as jnp
from jax import lax
from jax.experimental import pallas as pl
from jax.experimental.pallas import tpu as pltpu
from jax.experimental.pallas import tpu_sc as plsc

B = 4096
G = 4
L = 50
D = 128
V = 10000
NW = 32
ROWS_PER_W = B // NW


def _tc_project(b_ref, w_ref, table_ref, out_ref):
    out_ref[...] = lax.dot_general(
        w_ref[...], table_ref[...],
        (((1,), (1,)), ((), ())),
        preferred_element_type=jnp.float32,
    ) * (1.0 / L) + b_ref[0] * (1.0 / (G * L))


def _sc_pool(x_hbm, t2_hbm, out_hbm, idx_v, t2_v, out_v, sem_i0, sem_t0):
    wid = lax.axis_index("s") * 2 + lax.axis_index("c")
    base_row = wid * ROWS_PER_W
    cp_idx = pltpu.async_copy(x_hbm.at[pl.ds(base_row, ROWS_PER_W)], idx_v,
                              sem_i0)
    cp_t2 = pltpu.async_copy(t2_hbm, t2_v, sem_t0)
    lanes = lax.iota(jnp.int32, 16)
    cp_idx.wait()
    cp_t2.wait()

    def rg_body(rg, _):
        rv = lanes + rg * 16
        acc = jnp.zeros((16,), jnp.float32)
        for g in range(G):
            gv = jnp.full((16,), g, jnp.int32)
            lv = lanes
            for l0 in range(L):
                iv = plsc.load_gather(idx_v, [rv, gv, lv])
                acc = acc + plsc.load_gather(t2_v, [gv, iv])
                lvn = lv + 1
                lv = jnp.where(lvn == L, 0, lvn)
        out_v[pl.ds(rg * 16, 16)] = acc
        return 0

    lax.fori_loop(0, ROWS_PER_W // 16, rg_body, 0)
    pltpu.sync_copy(out_v, out_hbm.at[pl.ds(base_row, ROWS_PER_W)])


def kernel(x, table, W, b):
    w2 = W.reshape(G, D)
    t2 = pl.pallas_call(
        _tc_project,
        in_specs=[
            pl.BlockSpec(memory_space=pltpu.SMEM),
            pl.BlockSpec(memory_space=pltpu.VMEM),
            pl.BlockSpec(memory_space=pltpu.VMEM),
        ],
        out_shape=jax.ShapeDtypeStruct((G, V), jnp.float32),
    )(b, w2, table)

    sc = pl.kernel(
        _sc_pool,
        out_type=jax.ShapeDtypeStruct((B,), jnp.float32),
        mesh=plsc.VectorSubcoreMesh(core_axis_name="c", subcore_axis_name="s"),
        compiler_params=pltpu.CompilerParams(needs_layout_passes=False,
                                             use_tc_tiling_on_sc=True),
        scratch_types=[
            pltpu.VMEM((ROWS_PER_W, G, L), jnp.int32),
            pltpu.VMEM((G, V), jnp.float32),
            pltpu.VMEM((ROWS_PER_W,), jnp.float32),
            pltpu.SemaphoreType.DMA,
            pltpu.SemaphoreType.DMA,
        ],
    )
    out = sc(x.astype(jnp.int32), t2)
    return out.reshape(B, 1)

# --- scband reference (transcript-rebuilt; emitter-appended) ---
"""Pipeline reference for scband-my-model-61933428408998 (READ-ONLY COPY).

The authoritative reference and input builder live on the scoring server;
editing this copy changes nothing except your own understanding.
"""

import jax, jax.numpy as jnp
import numpy as np

def setup_inputs(seed: int = 0) -> dict:
    key = jax.random.key(seed)
    k1, k2, k3, k4 = jax.random.split(key, 4)
    x = jax.random.randint(k1, (4096, 4, 50), 0, 10000, dtype=jnp.int64 if jax.config.jax_enable_x64 else jnp.int32)
    table = jax.random.normal(k2, (10000, 128), dtype=jnp.float32)
    W = jax.random.normal(k3, (1, 128 * 4), dtype=jnp.float32) * (1.0 / np.sqrt(128 * 4))
    b = jax.random.normal(k4, (1,), dtype=jnp.float32) * 0.01
    return {"x": x, "table": table, "W": W, "b": b}

def reference(x, table, W, b):
    # embedding lookup: [B, 4, L] -> [B, 4, L, 128]
    embedded = jnp.take(table, x, axis=0)
    # mean over dim=2 (the hist_len dim): [B, 4, 128]
    pooled = embedded.mean(axis=2)
    # flatten: [B, 512]
    flattened = pooled.reshape(pooled.shape[0], -1)
    # linear: [B, 1]
    return flattened @ W.T + b

if __name__ == "__main__":
    import jax
    _d = setup_inputs()
    print(jax.jit(kernel)(*tuple(_d.values())))

</pallas_src>

<mosaic_0001>
#map = affine_map<(d0, d1) -> (0, 0, 0)>
#map1 = affine_map<(d0, d1) -> (0, 0)>
#map2 = affine_map<(d0, d1) -> (0)>
module attributes {stable_mosaic.version = 14 : i64} {
  func.func @_sc_pool(%arg0: i32, %arg1: i32, %arg2: memref<4096x4x50xi32, #tpu.memory_space<hbm>>, %arg3: memref<4x10000xf32, #tpu.memory_space<hbm>>, %arg4: memref<4096xf32, #tpu.memory_space<hbm>>, %arg5: memref<128x4x50xi32, #tpu.memory_space<vmem>>, %arg6: memref<4x10000xf32, #tpu.memory_space<vmem>>, %arg7: memref<128xf32, #tpu.memory_space<vmem>>, %arg8: memref<!tpu.dma_semaphore, #tpu.memory_space<semaphore_mem>>, %arg9: memref<!tpu.dma_semaphore, #tpu.memory_space<semaphore_mem>>) attributes {dimension_semantics = [#tpu.dimension_semantics<core_parallel>, #tpu.dimension_semantics<subcore_parallel>], iteration_bounds = array<i64: 2, 16>, scalar_prefetch = 0 : i64, scratch_operands = 5 : i64, tpu.core_type = #tpu.core_type<sc_vector_subcore>, window_params = [{transform_indices = #map}, {transform_indices = #map1}, {transform_indices = #map2}]} {
    %mul3A = arith.constant 2 : i32
    %mul3A_0 = arith.muli %arg1, %mul3A : i32
    %add3A = arith.addi %mul3A_0, %arg0 : i32
    %mul3A_1 = arith.constant 128 : i32
    %mul3A_2 = arith.muli %add3A, %mul3A_1 : i32
    %dma_start3A = arith.constant 0 : i32
    %dma_start3A_3 = arith.constant 0 : i32
    %dma_start3A_4 = tpu.memref_slice %arg2[%mul3A_2, %dma_start3A, %dma_start3A_3] : memref<4096x4x50xi32, #tpu.memory_space<hbm>> -> memref<128x4x50xi32, #tpu.memory_space<hbm>>
    %dma_start3A_5 = arith.constant 0 : i32
    %dma_start3A_6 = arith.constant 0 : i32
    %dma_start3A_7 = tpu.memref_slice %arg2[%mul3A_2, %dma_start3A_5, %dma_start3A_6] : memref<4096x4x50xi32, #tpu.memory_space<hbm>> -> memref<128x4x50xi32, #tpu.memory_space<hbm>>
    tpu.enqueue_dma source(%dma_start3A_7 : memref<128x4x50xi32, #tpu.memory_space<hbm>>) target(%arg5 : memref<128x4x50xi32, #tpu.memory_space<vmem>>) target_semaphore(%arg8 : memref<!tpu.dma_semaphore, #tpu.memory_space<semaphore_mem>>)
    tpu.enqueue_dma source(%arg3 : memref<4x10000xf32, #tpu.memory_space<hbm>>) target(%arg6 : memref<4x10000xf32, #tpu.memory_space<vmem>>) target_semaphore(%arg9 : memref<!tpu.dma_semaphore, #tpu.memory_space<semaphore_mem>>)
    %iota3A = tpu.iota {dimensions = array<i32: 0>} : vector<16xi32>
    %dma_wait3A = arith.constant 0 : i32
    %dma_wait3A_8 = arith.constant 0 : i32
    %dma_wait3A_9 = tpu.memref_slice %arg2[%mul3A_2, %dma_wait3A, %dma_wait3A_8] : memref<4096x4x50xi32, #tpu.memory_space<hbm>> -> memref<128x4x50xi32, #tpu.memory_space<hbm>>
    %dma_wait3A_10 = arith.constant 0 : i32
    %dma_wait3A_11 = arith.constant 0 : i32
    %dma_wait3A_12 = tpu.memref_slice %arg2[%mul3A_2, %dma_wait3A_10, %dma_wait3A_11] : memref<4096x4x50xi32, #tpu.memory_space<hbm>> -> memref<128x4x50xi32, #tpu.memory_space<hbm>>
    tpu.wait_dma2 semaphore(%arg8 : memref<!tpu.dma_semaphore, #tpu.memory_space<semaphore_mem>>) src(%dma_wait3A_12 : memref<128x4x50xi32, #tpu.memory_space<hbm>>) dst(%arg5 : memref<128x4x50xi32, #tpu.memory_space<vmem>>)
    tpu.wait_dma2 semaphore(%arg9 : memref<!tpu.dma_semaphore, #tpu.memory_space<semaphore_mem>>) src(%arg3 : memref<4x10000xf32, #tpu.memory_space<hbm>>) dst(%arg6 : memref<4x10000xf32, #tpu.memory_space<vmem>>)
    %scan3A = arith.constant 0 : i32
    %scan3A_13 = arith.constant 0 : i32
    %scan3A_14 = arith.constant 8 : i32
    %scan3A_15 = arith.addi %scan3A_13, %scan3A_14 : i32
    %scan3A_16 = arith.constant 1 : i32
    %scan3A_17 = scf.for %scan3A_19 = %scan3A_13 to %scan3A_15 step %scan3A_16 iter_args(%scan3A_20 = %scan3A) -> (i32)  : i32 {
      %mul3A_21 = arith.constant 16 : i32
      %mul3A_22 = arith.muli %scan3A_19, %mul3A_21 : i32
      %add3A_23 = vector.broadcast %mul3A_22 : i32 to vector<16xi32>
      %add3A_24 = arith.addi %iota3A, %add3A_23 : vector<16xi32>
      %broadcast_in_dim3A = arith.constant 0.000000e+00 : f32
      %broadcast_in_dim3A_25 = vector.broadcast %broadcast_in_dim3A : f32 to vector<16xf32>
      %broadcast_in_dim3A_26 = arith.constant 0 : i32
      %broadcast_in_dim3A_27 = vector.broadcast %broadcast_in_dim3A_26 : i32 to vector<16xi32>
      %gather3A = tpu.vector_load_idx %arg5[%add3A_24, %broadcast_in_dim3A_27, %iota3A] : memref<128x4x50xi32, #tpu.memory_space<vmem>>[vector<16xi32>, vector<16xi32>, vector<16xi32>], vector<16xi32>,
      %gather3A_28 = tpu.vector_load_idx %arg6[%broadcast_in_dim3A_27, %gather3A] : memref<4x10000xf32, #tpu.memory_space<vmem>>[vector<16xi32>, vector<16xi32>], vector<16xf32>,
      %add3A_29 = arith.addf %broadcast_in_dim3A_25, %gather3A_28 : vector<16xf32>
      %add3A_30 = arith.constant 1 : i32
      %add3A_31 = vector.broadcast %add3A_30 : i32 to vector<16xi32>
      %add3A_32 = arith.addi %iota3A, %add3A_31 : vector<16xi32>
      %eq3A = arith.constant 50 : i32
      %eq3A_33 = vector.broadcast %eq3A : i32 to vector<16xi32>
      %eq3A_34 = arith.cmpi eq, %add3A_32, %eq3A_33 : vector<16xi32>
      %jit3A = arith.constant 0 : i32
      %broadcast_in_dim3A_35 = vector.broadcast %jit3A : i32 to vector<16xi32>
      %select_n3A = arith.select %eq3A_34, %broadcast_in_dim3A_35, %add3A_32 : vector<16xi1>, vector<16xi32>
      %gather3A_36 = tpu.vector_load_idx %arg5[%add3A_24, %broadcast_in_dim3A_27, %select_n3A] : memref<128x4x50xi32, #tpu.memory_space<vmem>>[vector<16xi32>, vector<16xi32>, vector<16xi32>], vector<16xi32>,
      %gather3A_37 = tpu.vector_load_idx %arg6[%broadcast_in_dim3A_27, %gather3A_36] : memref<4x10000xf32, #tpu.memory_space<vmem>>[vector<16xi32>, vector<16xi32>], vector<16xf32>,
      %add3A_38 = arith.addf %add3A_29, %gather3A_37 : vector<16xf32>
      %add3A_39 = arith.constant 1 : i32
      %add3A_40 = vector.broadcast %add3A_39 : i32 to vector<16xi32>
      %add3A_41 = arith.addi %select_n3A, %add3A_40 : vector<16xi32>
      %eq3A_42 = arith.constant 50 : i32
      %eq3A_43 = vector.broadcast %eq3A_42 : i32 to vector<16xi32>
      %eq3A_44 = arith.cmpi eq, %add3A_41, %eq3A_43 : vector<16xi32>
      %jit3A_45 = arith.constant 0 : i32
      %broadcast_in_dim3A_46 = vector.broadcast %jit3A_45 : i32 to vector<16xi32>
      %select_n3A_47 = arith.select %eq3A_44, %broadcast_in_dim3A_46, %add3A_41 : vector<16xi1>, vector<16xi32>
      %gather3A_48 = tpu.vector_load_idx %arg5[%add3A_24, %broadcast_in_dim3A_27, %select_n3A_47] : memref<128x4x50xi32, #tpu.memory_space<vmem>>[vector<16xi32>, vector<16xi32>, vector<16xi32>], vector<16xi32>,
      %gather3A_49 = tpu.vector_load_idx %arg6[%broadcast_in_dim3A_27, %gather3A_48] : memref<4x10000xf32, #tpu.memory_space<vmem>>[vector<16xi32>, vector<16xi32>], vector<16xf32>,
      %add3A_50 = arith.addf %add3A_38, %gather3A_49 : vector<16xf32>
      %add3A_51 = arith.constant 1 : i32
      %add3A_52 = vector.broadcast %add3A_51 : i32 to vector<16xi32>
      %add3A_53 = arith.addi %select_n3A_47, %add3A_52 : vector<16xi32>
      %eq3A_54 = arith.constant 50 : i32
      %eq3A_55 = vector.broadcast %eq3A_54 : i32 to vector<16xi32>
      %eq3A_56 = arith.cmpi eq, %add3A_53, %eq3A_55 : vector<16xi32>
      %jit3A_57 = arith.constant 0 : i32
      %broadcast_in_dim3A_58 = vector.broadcast %jit3A_57 : i32 to vector<16xi32>
      %select_n3A_59 = arith.select %eq3A_56, %broadcast_in_dim3A_58, %add3A_53 : vector<16xi1>, vector<16xi32>
      %gather3A_60 = tpu.vector_load_idx %arg5[%add3A_24, %broadcast_in_dim3A_27, %select_n3A_59] : memref<128x4x50xi32, #tpu.memory_space<vmem>>[vector<16xi32>, vector<16xi32>, vector<16xi32>], vector<16xi32>,
      %gather3A_61 = tpu.vector_load_idx %arg6[%broadcast_in_dim3A_27, %gather3A_60] : memref<4x10000xf32, #tpu.memory_space<vmem>>[vector<16xi32>, vector<16xi32>], vector<16xf32>,
      %add3A_62 = arith.addf %add3A_50, %gather3A_61 : vector<16xf32>
      %add3A_63 = arith.constant 1 : i32
      %add3A_64 = vector.broadcast %add3A_63 : i32 to vector<16xi32>
      %add3A_65 = arith.addi %select_n3A_59, %add3A_64 : vector<16xi32>
      %eq3A_66 = arith.constant 50 : i32
      %eq3A_67 = vector.broadcast %eq3A_66 : i32 to vector<16xi32>
      %eq3A_68 = arith.cmpi eq, %add3A_65, %eq3A_67 : vector<16xi32>
      %jit3A_69 = arith.constant 0 : i32
      %broadcast_in_dim3A_70 = vector.broadcast %jit3A_69 : i32 to vector<16xi32>
      %select_n3A_71 = arith.select %eq3A_68, %broadcast_in_dim3A_70, %add3A_65 : vector<16xi1>, vector<16xi32>
      %gather3A_72 = tpu.vector_load_idx %arg5[%add3A_24, %broadcast_in_dim3A_27, %select_n3A_71] : memref<128x4x50xi32, #tpu.memory_space<vmem>>[vector<16xi32>, vector<16xi32>, vector<16xi32>], vector<16xi32>,
      %gather3A_73 = tpu.vector_load_idx %arg6[%broadcast_in_dim3A_27, %gather3A_72] : memref<4x10000xf32, #tpu.memory_space<vmem>>[vector<16xi32>, vector<16xi32>], vector<16xf32>,
      %add3A_74 = arith.addf %add3A_62, %gather3A_73 : vector<16xf32>
      %add3A_75 = arith.constant 1 : i32
      %add3A_76 = vector.broadcast %add3A_75 : i32 to vector<16xi32>
      %add3A_77 = arith.addi %select_n3A_71, %add3A_76 : vector<16xi32>
      %eq3A_78 = arith.constant 50 : i32
      %eq3A_79 = vector.broadcast %eq3A_78 : i32 to vector<16xi32>
      %eq3A_80 = arith.cmpi eq, %add3A_77, %eq3A_79 : vector<16xi32>
      %jit3A_81 = arith.constant 0 : i32
      %broadcast_in_dim3A_82 = vector.broadcast %jit3A_81 : i32 to vector<16xi32>
      %select_n3A_83 = arith.select %eq3A_80, %broadcast_in_dim3A_82, %add3A_77 : vector<16xi1>, vector<16xi32>
      %gather3A_84 = tpu.vector_load_idx %arg5[%add3A_24, %broadcast_in_dim3A_27, %select_n3A_83] : memref<128x4x50xi32, #tpu.memory_space<vmem>>[vector<16xi32>, vector<16xi32>, vector<16xi32>], vector<16xi32>,
      %gather3A_85 = tpu.vector_load_idx %arg6[%broadcast_in_dim3A_27, %gather3A_84] : memref<4x10000xf32, #tpu.memory_space<vmem>>[vector<16xi32>, vector<16xi32>], vector<16xf32>,
      %add3A_86 = arith.addf %add3A_74, %gather3A_85 : vector<16xf32>
      %add3A_87 = arith.constant 1 : i32
      %add3A_88 = vector.broadcast %add3A_87 : i32 to vector<16xi32>
      %add3A_89 = arith.addi %select_n3A_83, %add3A_88 : vector<16xi32>
      %eq3A_90 = arith.constant 50 : i32
      %eq3A_91 = vector.broadcast %eq3A_90 : i32 to vector<16xi32>
      %eq3A_92 = arith.cmpi eq, %add3A_89, %eq3A_91 : vector<16xi32>
      %jit3A_93 = arith.constant 0 : i32
      %broadcast_in_dim3A_94 = vector.broadcast %jit3A_93 : i32 to vector<16xi32>
      %select_n3A_95 = arith.select %eq3A_92, %broadcast_in_dim3A_94, %add3A_89 : vector<16xi1>, vector<16xi32>
      %gather3A_96 = tpu.vector_load_idx %arg5[%add3A_24, %broadcast_in_dim3A_27, %select_n3A_95] : memref<128x4x50xi32, #tpu.memory_space<vmem>>[vector<16xi32>, vector<16xi32>, vector<16xi32>], vector<16xi32>,
      %gather3A_97 = tpu.vector_load_idx %arg6[%broadcast_in_dim3A_27, %gather3A_96] : memref<4x10000xf32, #tpu.memory_space<vmem>>[vector<16xi32>, vector<16xi32>], vector<16xf32>,
      %add3A_98 = arith.addf %add3A_86, %gather3A_97 : vector<16xf32>
      %add3A_99 = arith.constant 1 : i32
      %add3A_100 = vector.broadcast %add3A_99 : i32 to vector<16xi32>
      %add3A_101 = arith.addi %select_n3A_95, %add3A_100 : vector<16xi32>
      %eq3A_102 = arith.constant 50 : i32
      %eq3A_103 = vector.broadcast %eq3A_102 : i32 to vector<16xi32>
      %eq3A_104 = arith.cmpi eq, %add3A_101, %eq3A_103 : vector<16xi32>
      %jit3A_105 = arith.constant 0 : i32
      %broadcast_in_dim3A_106 = vector.broadcast %jit3A_105 : i32 to vector<16xi32>
      %select_n3A_107 = arith.select %eq3A_104, %broadcast_in_dim3A_106, %add3A_101 : vector<16xi1>, vector<16xi32>
      %gather3A_108 = tpu.vector_load_idx %arg5[%add3A_24, %broadcast_in_dim3A_27, %select_n3A_107] : memref<128x4x50xi32, #tpu.memory_space<vmem>>[vector<16xi32>, vector<16xi32>, vector<16xi32>], vector<16xi32>,
      %gather3A_109 = tpu.vector_load_idx %arg6[%broadcast_in_dim3A_27, %gather3A_108] : memref<4x10000xf32, #tpu.memory_space<vmem>>[vector<16xi32>, vector<16xi32>], vector<16xf32>,
      %add3A_110 = arith.addf %add3A_98, %gather3A_109 : vector<16xf32>
      %add3A_111 = arith.constant 1 : i32
      %add3A_112 = vector.broadcast %add3A_111 : i32 to vector<16xi32>
      %add3A_113 = arith.addi %select_n3A_107, %add3A_112 : vector<16xi32>
      %eq3A_114 = arith.constant 50 : i32
      %eq3A_115 = vector.broadcast %eq3A_114 : i32 to vector<16xi32>
      %eq3A_116 = arith.cmpi eq, %add3A_113, %eq3A_115 : vector<16xi32>
      %jit3A_117 = arith.constant 0 : i32
      %broadcast_in_dim3A_118 = vector.broadcast %jit3A_117 : i32 to vector<16xi32>
      %select_n3A_119 = arith.select %eq3A_116, %broadcast_in_dim3A_118, %add3A_113 : vector<16xi1>, vector<16xi32>
      %gather3A_120 = tpu.vector_load_idx %arg5[%add3A_24, %broadcast_in_dim3A_27, %select_n3A_119] : memref<128x4x50xi32, #tpu.memory_space<vmem>>[vector<16xi32>, vector<16xi32>, vector<16xi32>], vector<16xi32>,
      %gather3A_121 = tpu.vector_load_idx %arg6[%broadcast_in_dim3A_27, %gather3A_120] : memref<4x10000xf32, #tpu.memory_space<vmem>>[vector<16xi32>, vector<16xi32>], vector<16xf32>,
      %add3A_122 = arith.addf %add3A_110, %gather3A_121 : vector<16xf32>
      %add3A_123 = arith.constant 1 : i32
      %add3A_124 = vector.broadcast %add3A_123 : i32 to vector<16xi32>
      %add3A_125 = arith.addi %select_n3A_119, %add3A_124 : vector<16xi32>
      %eq3A_126 = arith.constant 50 : i32
      %eq3A_127 = vector.broadcast %eq3A_126 : i32 to vector<16xi32>
      %eq3A_128 = arith.cmpi eq, %add3A_125, %eq3A_127 : vector<16xi32>
      %jit3A_129 = arith.constant 0 : i32
      %broadcast_in_dim3A_130 = vector.broadcast %jit3A_129 : i32 to vector<16xi32>
      %select_n3A_131 = arith.select %eq3A_128, %broadcast_in_dim3A_130, %add3A_125 : vector<16xi1>, vector<16xi32>
      %gather3A_132 = tpu.vector_load_idx %arg5[%add3A_24, %broadcast_in_dim3A_27, %select_n3A_131] : memref<128x4x50xi32, #tpu.memory_space<vmem>>[vector<16xi32>, vector<16xi32>, vector<16xi32>], vector<16xi32>,
      %gather3A_133 = tpu.vector_load_idx %arg6[%broadcast_in_dim3A_27, %gather3A_132] : memref<4x10000xf32, #tpu.memory_space<vmem>>[vector<16xi32>, vector<16xi32>], vector<16xf32>,
      %add3A_134 = arith.addf %add3A_122, %gather3A_133 : vector<16xf32>
      %add3A_135 = arith.constant 1 : i32
      %add3A_136 = vector.broadcast %add3A_135 : i32 to vector<16xi32>
      %add3A_137 = arith.addi %select_n3A_131, %add3A_136 : vector<16xi32>
      %eq3A_138 = arith.constant 50 : i32
      %eq3A_139 = vector.broadcast %eq3A_138 : i32 to vector<16xi32>
      %eq3A_140 = arith.cmpi eq, %add3A_137, %eq3A_139 : vector<16xi32>
      %jit3A_141 = arith.constant 0 : i32
      %broadcast_in_dim3A_142 = vector.broadcast %jit3A_141 : i32 to vector<16xi32>
      %select_n3A_143 = arith.select %eq3A_140, %broadcast_in_dim3A_142, %add3A_137 : vector<16xi1>, vector<16xi32>
      %gather3A_144 = tpu.vector_load_idx %arg5[%add3A_24, %broadcast_in_dim3A_27, %select_n3A_143] : memref<128x4x50xi32, #tpu.memory_space<vmem>>[vector<16xi32>, vector<16xi32>, vector<16xi32>], vector<16xi32>,
      %gather3A_145 = tpu.vector_load_idx %arg6[%broadcast_in_dim3A_27, %gather3A_144] : memref<4x10000xf32, #tpu.memory_space<vmem>>[vector<16xi32>, vector<16xi32>], vector<16xf32>,
      %add3A_146 = arith.addf %add3A_134, %gather3A_145 : vector<16xf32>
      %add3A_147 = arith.constant 1 : i32
      %add3A_148 = vector.broadcast %add3A_147 : i32 to vector<16xi32>
      %add3A_149 = arith.addi %select_n3A_143, %add3A_148 : vector<16xi32>
      %eq3A_150 = arith.constant 50 : i32
      %eq3A_151 = vector.broadcast %eq3A_150 : i32 to vector<16xi32>
      %eq3A_152 = arith.cmpi eq, %add3A_149, %eq3A_151 : vector<16xi32>
      %jit3A_153 = arith.constant 0 : i32
      %broadcast_in_dim3A_154 = vector.broadcast %jit3A_153 : i32 to vector<16xi32>
      %select_n3A_155 = arith.select %eq3A_152, %broadcast_in_dim3A_154, %add3A_149 : vector<16xi1>, vector<16xi32>
      %gather3A_156 = tpu.vector_load_idx %arg5[%add3A_24, %broadcast_in_dim3A_27, %select_n3A_155] : memref<128x4x50xi32, #tpu.memory_space<vmem>>[vector<16xi32>, vector<16xi32>, vector<16xi32>], vector<16xi32>,
      %gather3A_157 = tpu.vector_load_idx %arg6[%broadcast_in_dim3A_27, %gather3A_156] : memref<4x10000xf32, #tpu.memory_space<vmem>>[vector<16xi32>, vector<16xi32>], vector<16xf32>,
      %add3A_158 = arith.addf %add3A_146, %gather3A_157 : vector<16xf32>
      %add3A_159 = arith.constant 1 : i32
      %add3A_160 = vector.broadcast %add3A_159 : i32 to vector<16xi32>
      %add3A_161 = arith.addi %select_n3A_155, %add3A_160 : vector<16xi32>
      %eq3A_162 = arith.constant 50 : i32
      %eq3A_163 = vector.broadcast %eq3A_162 : i32 to vector<16xi32>
      %eq3A_164 = arith.cmpi eq, %add3A_161, %eq3A_163 : vector<16xi32>
      %jit3A_165 = arith.constant 0 : i32
      %broadcast_in_dim3A_166 = vector.broadcast %jit3A_165 : i32 to vector<16xi32>
      %select_n3A_167 = arith.select %eq3A_164, %broadcast_in_dim3A_166, %add3A_161 : vector<16xi1>, vector<16xi32>
      %gather3A_168 = tpu.vector_load_idx %arg5[%add3A_24, %broadcast_in_dim3A_27, %select_n3A_167] : memref<128x4x50xi32, #tpu.memory_space<vmem>>[vector<16xi32>, vector<16xi32>, vector<16xi32>], vector<16xi32>,
      %gather3A_169 = tpu.vector_load_idx %arg6[%broadcast_in_dim3A_27, %gather3A_168] : memref<4x10000xf32, #tpu.memory_space<vmem>>[vector<16xi32>, vector<16xi32>], vector<16xf32>,
      %add3A_170 = arith.addf %add3A_158, %gather3A_169 : vector<16xf32>
      %add3A_171 = arith.constant 1 : i32
      %add3A_172 = vector.broadcast %add3A_171 : i32 to vector<16xi32>
      %add3A_173 = arith.addi %select_n3A_167, %add3A_172 : vector<16xi32>
      %eq3A_174 = arith.constant 50 : i32
      %eq3A_175 = vector.broadcast %eq3A_174 : i32 to vector<16xi32>
      %eq3A_176 = arith.cmpi eq, %add3A_173, %eq3A_175 : vector<16xi32>
      %jit3A_177 = arith.constant 0 : i32
      %broadcast_in_dim3A_178 = vector.broadcast %jit3A_177 : i32 to vector<16xi32>
      %select_n3A_179 = arith.select %eq3A_176, %broadcast_in_dim3A_178, %add3A_173 : vector<16xi1>, vector<16xi32>
      %gather3A_180 = tpu.vector_load_idx %arg5[%add3A_24, %broadcast_in_dim3A_27, %select_n3A_179] : memref<128x4x50xi32, #tpu.memory_space<vmem>>[vector<16xi32>, vector<16xi32>, vector<16xi32>], vector<16xi32>,
      %gather3A_181 = tpu.vector_load_idx %arg6[%broadcast_in_dim3A_27, %gather3A_180] : memref<4x10000xf32, #tpu.memory_space<vmem>>[vector<16xi32>, vector<16xi32>], vector<16xf32>,
      %add3A_182 = arith.addf %add3A_170, %gather3A_181 : vector<16xf32>
      %add3A_183 = arith.constant 1 : i32
      %add3A_184 = vector.broadcast %add3A_183 : i32 to vector<16xi32>
      %add3A_185 = arith.addi %select_n3A_179, %add3A_184 : vector<16xi32>
      %eq3A_186 = arith.constant 50 : i32
      %eq3A_187 = vector.broadcast %eq3A_186 : i32 to vector<16xi32>
      %eq3A_188 = arith.cmpi eq, %add3A_185, %eq3A_187 : vector<16xi32>
      %jit3A_189 = arith.constant 0 : i32
      %broadcast_in_dim3A_190 = vector.broadcast %jit3A_189 : i32 to vector<16xi32>
      %select_n3A_191 = arith.select %eq3A_188, %broadcast_in_dim3A_190, %add3A_185 : vector<16xi1>, vector<16xi32>
      %gather3A_192 = tpu.vector_load_idx %arg5[%add3A_24, %broadcast_in_dim3A_27, %select_n3A_191] : memref<128x4x50xi32, #tpu.memory_space<vmem>>[vector<16xi32>, vector<16xi32>, vector<16xi32>], vector<16xi32>,
      %gather3A_193 = tpu.vector_load_idx %arg6[%broadcast_in_dim3A_27, %gather3A_192] : memref<4x10000xf32, #tpu.memory_space<vmem>>[vector<16xi32>, vector<16xi32>], vector<16xf32>,
      %add3A_194 = arith.addf %add3A_182, %gather3A_193 : vector<16xf32>
      %add3A_195 = arith.constant 1 : i32
      %add3A_196 = vector.broadcast %add3A_195 : i32 to vector<16xi32>
      %add3A_197 = arith.addi %select_n3A_191, %add3A_196 : vector<16xi32>
      %eq3A_198 = arith.constant 50 : i32
      %eq3A_199 = vector.broadcast %eq3A_198 : i32 to vector<16xi32>
      %eq3A_200 = arith.cmpi eq, %add3A_197, %eq3A_199 : vector<16xi32>
      %jit3A_201 = arith.constant 0 : i32
      %broadcast_in_dim3A_202 = vector.broadcast %jit3A_201 : i32 to vector<16xi32>
      %select_n3A_203 = arith.select %eq3A_200, %broadcast_in_dim3A_202, %add3A_197 : vector<16xi1>, vector<16xi32>
      %gather3A_204 = tpu.vector_load_idx %arg5[%add3A_24, %broadcast_in_dim3A_27, %select_n3A_203] : memref<128x4x50xi32, #tpu.memory_space<vmem>>[vector<16xi32>, vector<16xi32>, vector<16xi32>], vector<16xi32>,
      %gather3A_205 = tpu.vector_load_idx %arg6[%broadcast_in_dim3A_27, %gather3A_204] : memref<4x10000xf32, #tpu.memory_space<vmem>>[vector<16xi32>, vector<16xi32>], vector<16xf32>,
      %add3A_206 = arith.addf %add3A_194, %gather3A_205 : vector<16xf32>
      %add3A_207 = arith.constant 1 : i32
      %add3A_208 = vector.broadcast %add3A_207 : i32 to vector<16xi32>
      %add3A_209 = arith.addi %select_n3A_203, %add3A_208 : vector<16xi32>
      %eq3A_210 = arith.constant 50 : i32
      %eq3A_211 = vector.broadcast %eq3A_210 : i32 to vector<16xi32>
      %eq3A_212 = arith.cmpi eq, %add3A_209, %eq3A_211 : vector<16xi32>
      %jit3A_213 = arith.constant 0 : i32
      %broadcast_in_dim3A_214 = vector.broadcast %jit3A_213 : i32 to vector<16xi32>
      %select_n3A_215 = arith.select %eq3A_212, %broadcast_in_dim3A_214, %add3A_209 : vector<16xi1>, vector<16xi32>
      %gather3A_216 = tpu.vector_load_idx %arg5[%add3A_24, %broadcast_in_dim3A_27, %select_n3A_215] : memref<128x4x50xi32, #tpu.memory_space<vmem>>[vector<16xi32>, vector<16xi32>, vector<16xi32>], vector<16xi32>,
      %gather3A_217 = tpu.vector_load_idx %arg6[%broadcast_in_dim3A_27, %gather3A_216] : memref<4x10000xf32, #tpu.memory_space<vmem>>[vector<16xi32>, vector<16xi32>], vector<16xf32>,
      %add3A_218 = arith.addf %add3A_206, %gather3A_217 : vector<16xf32>
      %add3A_219 = arith.constant 1 : i32
      %add3A_220 = vector.broadcast %add3A_219 : i32 to vector<16xi32>
      %add3A_221 = arith.addi %select_n3A_215, %add3A_220 : vector<16xi32>
      %eq3A_222 = arith.constant 50 : i32
      %eq3A_223 = vector.broadcast %eq3A_222 : i32 to vector<16xi32>
      %eq3A_224 = arith.cmpi eq, %add3A_221, %eq3A_223 : vector<16xi32>
      %jit3A_225 = arith.constant 0 : i32
      %broadcast_in_dim3A_226 = vector.broadcast %jit3A_225 : i32 to vector<16xi32>
      %select_n3A_227 = arith.select %eq3A_224, %broadcast_in_dim3A_226, %add3A_221 : vector<16xi1>, vector<16xi32>
      %gather3A_228 = tpu.vector_load_idx %arg5[%add3A_24, %broadcast_in_dim3A_27, %select_n3A_227] : memref<128x4x50xi32, #tpu.memory_space<vmem>>[vector<16xi32>, vector<16xi32>, vector<16xi32>], vector<16xi32>,
      %gather3A_229 = tpu.vector_load_idx %arg6[%broadcast_in_dim3A_27, %gather3A_228] : memref<4x10000xf32, #tpu.memory_space<vmem>>[vector<16xi32>, vector<16xi32>], vector<16xf32>,
      %add3A_230 = arith.addf %add3A_218, %gather3A_229 : vector<16xf32>
      %add3A_231 = arith.constant 1 : i32
      %add3A_232 = vector.broadcast %add3A_231 : i32 to vector<16xi32>
      %add3A_233 = arith.addi %select_n3A_227, %add3A_232 : vector<16xi32>
      %eq3A_234 = arith.constant 50 : i32
      %eq3A_235 = vector.broadcast %eq3A_234 : i32 to vector<16xi32>
      %eq3A_236 = arith.cmpi eq, %add3A_233, %eq3A_235 : vector<16xi32>
      %jit3A_237 = arith.constant 0 : i32
      %broadcast_in_dim3A_238 = vector.broadcast %jit3A_237 : i32 to vector<16xi32>
      %select_n3A_239 = arith.select %eq3A_236, %broadcast_in_dim3A_238, %add3A_233 : vector<16xi1>, vector<16xi32>
      %gather3A_240 = tpu.vector_load_idx %arg5[%add3A_24, %broadcast_in_dim3A_27, %select_n3A_239] : memref<128x4x50xi32, #tpu.memory_space<vmem>>[vector<16xi32>, vector<16xi32>, vector<16xi32>], vector<16xi32>,
      %gather3A_241 = tpu.vector_load_idx %arg6[%broadcast_in_dim3A_27, %gather3A_240] : memref<4x10000xf32, #tpu.memory_space<vmem>>[vector<16xi32>, vector<16xi32>], vector<16xf32>,
      %add3A_242 = arith.addf %add3A_230, %gather3A_241 : vector<16xf32>
      %add3A_243 = arith.constant 1 : i32
      %add3A_244 = vector.broadcast %add3A_243 : i32 to vector<16xi32>
      %add3A_245 = arith.addi %select_n3A_239, %add3A_244 : vector<16xi32>
      %eq3A_246 = arith.constant 50 : i32
      %eq3A_247 = vector.broadcast %eq3A_246 : i32 to vector<16xi32>
      %eq3A_248 = arith.cmpi eq, %add3A_245, %eq3A_247 : vector<16xi32>
      %jit3A_249 = arith.constant 0 : i32
      %broadcast_in_dim3A_250 = vector.broadcast %jit3A_249 : i32 to vector<16xi32>
      %select_n3A_251 = arith.select %eq3A_248, %broadcast_in_dim3A_250, %add3A_245 : vector<16xi1>, vector<16xi32>
      %gather3A_252 = tpu.vector_load_idx %arg5[%add3A_24, %broadcast_in_dim3A_27, %select_n3A_251] : memref<128x4x50xi32, #tpu.memory_space<vmem>>[vector<16xi32>, vector<16xi32>, vector<16xi32>], vector<16xi32>,
      %gather3A_253 = tpu.vector_load_idx %arg6[%broadcast_in_dim3A_27, %gather3A_252] : memref<4x10000xf32, #tpu.memory_space<vmem>>[vector<16xi32>, vector<16xi32>], vector<16xf32>,
      %add3A_254 = arith.addf %add3A_242, %gather3A_253 : vector<16xf32>
      %add3A_255 = arith.constant 1 : i32
      %add3A_256 = vector.broadcast %add3A_255 : i32 to vector<16xi32>
      %add3A_257 = arith.addi %select_n3A_251, %add3A_256 : vector<16xi32>
      %eq3A_258 = arith.constant 50 : i32
      %eq3A_259 = vector.broadcast %eq3A_258 : i32 to vector<16xi32>
      %eq3A_260 = arith.cmpi eq, %add3A_257, %eq3A_259 : vector<16xi32>
      %jit3A_261 = arith.constant 0 : i32
      %broadcast_in_dim3A_262 = vector.broadcast %jit3A_261 : i32 to vector<16xi32>
      %select_n3A_263 = arith.select %eq3A_260, %broadcast_in_dim3A_262, %add3A_257 : vector<16xi1>, vector<16xi32>
      %gather3A_264 = tpu.vector_load_idx %arg5[%add3A_24, %broadcast_in_dim3A_27, %select_n3A_263] : memref<128x4x50xi32, #tpu.memory_space<vmem>>[vector<16xi32>, vector<16xi32>, vector<16xi32>], vector<16xi32>,
      %gather3A_265 = tpu.vector_load_idx %arg6[%broadcast_in_dim3A_27, %gather3A_264] : memref<4x10000xf32, #tpu.memory_space<vmem>>[vector<16xi32>, vector<16xi32>], vector<16xf32>,
      %add3A_266 = arith.addf %add3A_254, %gather3A_265 : vector<16xf32>
      %add3A_267 = arith.constant 1 : i32
      %add3A_268 = vector.broadcast %add3A_267 : i32 to vector<16xi32>
      %add3A_269 = arith.addi %select_n3A_263, %add3A_268 : vector<16xi32>
      %eq3A_270 = arith.constant 50 : i32
      %eq3A_271 = vector.broadcast %eq3A_270 : i32 to vector<16xi32>
      %eq3A_272 = arith.cmpi eq, %add3A_269, %eq3A_271 : vector<16xi32>
      %jit3A_273 = arith.constant 0 : i32
      %broadcast_in_dim3A_274 = vector.broadcast %jit3A_273 : i32 to vector<16xi32>
      %select_n3A_275 = arith.select %eq3A_272, %broadcast_in_dim3A_274, %add3A_269 : vector<16xi1>, vector<16xi32>
      %gather3A_276 = tpu.vector_load_idx %arg5[%add3A_24, %broadcast_in_dim3A_27, %select_n3A_275] : memref<128x4x50xi32, #tpu.memory_space<vmem>>[vector<16xi32>, vector<16xi32>, vector<16xi32>], vector<16xi32>,
      %gather3A_277 = tpu.vector_load_idx %arg6[%broadcast_in_dim3A_27, %gather3A_276] : memref<4x10000xf32, #tpu.memory_space<vmem>>[vector<16xi32>, vector<16xi32>], vector<16xf32>,
      %add3A_278 = arith.addf %add3A_266, %gather3A_277 : vector<16xf32>
      %add3A_279 = arith.constant 1 : i32
      %add3A_280 = vector.broadcast %add3A_279 : i32 to vector<16xi32>
      %add3A_281 = arith.addi %select_n3A_275, %add3A_280 : vector<16xi32>
      %eq3A_282 = arith.constant 50 : i32
      %eq3A_283 = vector.broadcast %eq3A_282 : i32 to vector<16xi32>
      %eq3A_284 = arith.cmpi eq, %add3A_281, %eq3A_283 : vector<16xi32>
      %jit3A_285 = arith.constant 0 : i32
      %broadcast_in_dim3A_286 = vector.broadcast %jit3A_285 : i32 to vector<16xi32>
      %select_n3A_287 = arith.select %eq3A_284, %broadcast_in_dim3A_286, %add3A_281 : vector<16xi1>, vector<16xi32>
      %gather3A_288 = tpu.vector_load_idx %arg5[%add3A_24, %broadcast_in_dim3A_27, %select_n3A_287] : memref<128x4x50xi32, #tpu.memory_space<vmem>>[vector<16xi32>, vector<16xi32>, vector<16xi32>], vector<16xi32>,
      %gather3A_289 = tpu.vector_load_idx %arg6[%broadcast_in_dim3A_27, %gather3A_288] : memref<4x10000xf32, #tpu.memory_space<vmem>>[vector<16xi32>, vector<16xi32>], vector<16xf32>,
      %add3A_290 = arith.addf %add3A_278, %gather3A_289 : vector<16xf32>
      %add3A_291 = arith.constant 1 : i32
      %add3A_292 = vector.broadcast %add3A_291 : i32 to vector<16xi32>
      %add3A_293 = arith.addi %select_n3A_287, %add3A_292 : vector<16xi32>
      %eq3A_294 = arith.constant 50 : i32
      %eq3A_295 = vector.broadcast %eq3A_294 : i32 to vector<16xi32>
      %eq3A_296 = arith.cmpi eq, %add3A_293, %eq3A_295 : vector<16xi32>
      %jit3A_297 = arith.constant 0 : i32
      %broadcast_in_dim3A_298 = vector.broadcast %jit3A_297 : i32 to vector<16xi32>
      %select_n3A_299 = arith.select %eq3A_296, %broadcast_in_dim3A_298, %add3A_293 : vector<16xi1>, vector<16xi32>
      %gather3A_300 = tpu.vector_load_idx %arg5[%add3A_24, %broadcast_in_dim3A_27, %select_n3A_299] : memref<128x4x50xi32, #tpu.memory_space<vmem>>[vector<16xi32>, vector<16xi32>, vector<16xi32>], vector<16xi32>,
      %gather3A_301 = tpu.vector_load_idx %arg6[%broadcast_in_dim3A_27, %gather3A_300] : memref<4x10000xf32, #tpu.memory_space<vmem>>[vector<16xi32>, vector<16xi32>], vector<16xf32>,
      %add3A_302 = arith.addf %add3A_290, %gather3A_301 : vector<16xf32>
      %add3A_303 = arith.constant 1 : i32
      %add3A_304 = vector.broadcast %add3A_303 : i32 to vector<16xi32>
      %add3A_305 = arith.addi %select_n3A_299, %add3A_304 : vector<16xi32>
      %eq3A_306 = arith.constant 50 : i32
      %eq3A_307 = vector.broadcast %eq3A_306 : i32 to vector<16xi32>
      %eq3A_308 = arith.cmpi eq, %add3A_305, %eq3A_307 : vector<16xi32>
      %jit3A_309 = arith.constant 0 : i32
      %broadcast_in_dim3A_310 = vector.broadcast %jit3A_309 : i32 to vector<16xi32>
      %select_n3A_311 = arith.select %eq3A_308, %broadcast_in_dim3A_310, %add3A_305 : vector<16xi1>, vector<16xi32>
      %gather3A_312 = tpu.vector_load_idx %arg5[%add3A_24, %broadcast_in_dim3A_27, %select_n3A_311] : memref<128x4x50xi32, #tpu.memory_space<vmem>>[vector<16xi32>, vector<16xi32>, vector<16xi32>], vector<16xi32>,
      %gather3A_313 = tpu.vector_load_idx %arg6[%broadcast_in_dim3A_27, %gather3A_312] : memref<4x10000xf32, #tpu.memory_space<vmem>>[vector<16xi32>, vector<16xi32>], vector<16xf32>,
      %add3A_314 = arith.addf %add3A_302, %gather3A_313 : vector<16xf32>
      %add3A_315 = arith.constant 1 : i32
      %add3A_316 = vector.broadcast %add3A_315 : i32 to vector<16xi32>
      %add3A_317 = arith.addi %select_n3A_311, %add3A_316 : vector<16xi32>
      %eq3A_318 = arith.constant 50 : i32
      %eq3A_319 = vector.broadcast %eq3A_318 : i32 to vector<16xi32>
      %eq3A_320 = arith.cmpi eq, %add3A_317, %eq3A_319 : vector<16xi32>
      %jit3A_321 = arith.constant 0 : i32
      %broadcast_in_dim3A_322 = vector.broadcast %jit3A_321 : i32 to vector<16xi32>
      %select_n3A_323 = arith.select %eq3A_320, %broadcast_in_dim3A_322, %add3A_317 : vector<16xi1>, vector<16xi32>
      %gather3A_324 = tpu.vector_load_idx %arg5[%add3A_24, %broadcast_in_dim3A_27, %select_n3A_323] : memref<128x4x50xi32, #tpu.memory_space<vmem>>[vector<16xi32>, vector<16xi32>, vector<16xi32>], vector<16xi32>,
      %gather3A_325 = tpu.vector_load_idx %arg6[%broadcast_in_dim3A_27, %gather3A_324] : memref<4x10000xf32, #tpu.memory_space<vmem>>[vector<16xi32>, vector<16xi32>], vector<16xf32>,
      %add3A_326 = arith.addf %add3A_314, %gather3A_325 : vector<16xf32>
      %add3A_327 = arith.constant 1 : i32
      %add3A_328 = vector.broadcast %add3A_327 : i32 to vector<16xi32>
      %add3A_329 = arith.addi %select_n3A_323, %add3A_328 : vector<16xi32>
      %eq3A_330 = arith.constant 50 : i32
      %eq3A_331 = vector.broadcast %eq3A_330 : i32 to vector<16xi32>
      %eq3A_332 = arith.cmpi eq, %add3A_329, %eq3A_331 : vector<16xi32>
      %jit3A_333 = arith.constant 0 : i32
      %broadcast_in_dim3A_334 = vector.broadcast %jit3A_333 : i32 to vector<16xi32>
      %select_n3A_335 = arith.select %eq3A_332, %broadcast_in_dim3A_334, %add3A_329 : vector<16xi1>, vector<16xi32>
      %gather3A_336 = tpu.vector_load_idx %arg5[%add3A_24, %broadcast_in_dim3A_27, %select_n3A_335] : memref<128x4x50xi32, #tpu.memory_space<vmem>>[vector<16xi32>, vector<16xi32>, vector<16xi32>], vector<16xi32>,
      %gather3A_337 = tpu.vector_load_idx %arg6[%broadcast_in_dim3A_27, %gather3A_336] : memref<4x10000xf32, #tpu.memory_space<vmem>>[vector<16xi32>, vector<16xi32>], vector<16xf32>,
      %add3A_338 = arith.addf %add3A_326, %gather3A_337 : vector<16xf32>
      %add3A_339 = arith.constant 1 : i32
      %add3A_340 = vector.broadcast %add3A_339 : i32 to vector<16xi32>
      %add3A_341 = arith.addi %select_n3A_335, %add3A_340 : vector<16xi32>
      %eq3A_342 = arith.constant 50 : i32
      %eq3A_343 = vector.broadcast %eq3A_342 : i32 to vector<16xi32>
      %eq3A_344 = arith.cmpi eq, %add3A_341, %eq3A_343 : vector<16xi32>
      %jit3A_345 = arith.constant 0 : i32
      %broadcast_in_dim3A_346 = vector.broadcast %jit3A_345 : i32 to vector<16xi32>
      %select_n3A_347 = arith.select %eq3A_344, %broadcast_in_dim3A_346, %add3A_341 : vector<16xi1>, vector<16xi32>
      %gather3A_348 = tpu.vector_load_idx %arg5[%add3A_24, %broadcast_in_dim3A_27, %select_n3A_347] : memref<128x4x50xi32, #tpu.memory_space<vmem>>[vector<16xi32>, vector<16xi32>, vector<16xi32>], vector<16xi32>,
      %gather3A_349 = tpu.vector_load_idx %arg6[%broadcast_in_dim3A_27, %gather3A_348] : memref<4x10000xf32, #tpu.memory_space<vmem>>[vector<16xi32>, vector<16xi32>], vector<16xf32>,
      %add3A_350 = arith.addf %add3A_338, %gather3A_349 : vector<16xf32>
      %add3A_351 = arith.constant 1 : i32
      %add3A_352 = vector.broadcast %add3A_351 : i32 to vector<16xi32>
      %add3A_353 = arith.addi %select_n3A_347, %add3A_352 : vector<16xi32>
      %eq3A_354 = arith.constant 50 : i32
      %eq3A_355 = vector.broadcast %eq3A_354 : i32 to vector<16xi32>
      %eq3A_356 = arith.cmpi eq, %add3A_353, %eq3A_355 : vector<16xi32>
      %jit3A_357 = arith.constant 0 : i32
      %broadcast_in_dim3A_358 = vector.broadcast %jit3A_357 : i32 to vector<16xi32>
      %select_n3A_359 = arith.select %eq3A_356, %broadcast_in_dim3A_358, %add3A_353 : vector<16xi1>, vector<16xi32>
      %gather3A_360 = tpu.vector_load_idx %arg5[%add3A_24, %broadcast_in_dim3A_27, %select_n3A_359] : memref<128x4x50xi32, #tpu.memory_space<vmem>>[vector<16xi32>, vector<16xi32>, vector<16xi32>], vector<16xi32>,
      %gather3A_361 = tpu.vector_load_idx %arg6[%broadcast_in_dim3A_27, %gather3A_360] : memref<4x10000xf32, #tpu.memory_space<vmem>>[vector<16xi32>, vector<16xi32>], vector<16xf32>,
      %add3A_362 = arith.addf %add3A_350, %gather3A_361 : vector<16xf32>
      %add3A_363 = arith.constant 1 : i32
      %add3A_364 = vector.broadcast %add3A_363 : i32 to vector<16xi32>
      %add3A_365 = arith.addi %select_n3A_359, %add3A_364 : vector<16xi32>
      %eq3A_366 = arith.constant 50 : i32
      %eq3A_367 = vector.broadcast %eq3A_366 : i32 to vector<16xi32>
      %eq3A_368 = arith.cmpi eq, %add3A_365, %eq3A_367 : vector<16xi32>
      %jit3A_369 = arith.constant 0 : i32
      %broadcast_in_dim3A_370 = vector.broadcast %jit3A_369 : i32 to vector<16xi32>
      %select_n3A_371 = arith.select %eq3A_368, %broadcast_in_dim3A_370, %add3A_365 : vector<16xi1>, vector<16xi32>
      %gather3A_372 = tpu.vector_load_idx %arg5[%add3A_24, %broadcast_in_dim3A_27, %select_n3A_371] : memref<128x4x50xi32, #tpu.memory_space<vmem>>[vector<16xi32>, vector<16xi32>, vector<16xi32>], vector<16xi32>,
      %gather3A_373 = tpu.vector_load_idx %arg6[%broadcast_in_dim3A_27, %gather3A_372] : memref<4x10000xf32, #tpu.memory_space<vmem>>[vector<16xi32>, vector<16xi32>], vector<16xf32>,
      %add3A_374 = arith.addf %add3A_362, %gather3A_373 : vector<16xf32>
      %add3A_375 = arith.constant 1 : i32
      %add3A_376 = vector.broadcast %add3A_375 : i32 to vector<16xi32>
      %add3A_377 = arith.addi %select_n3A_371, %add3A_376 : vector<16xi32>
      %eq3A_378 = arith.constant 50 : i32
      %eq3A_379 = vector.broadcast %eq3A_378 : i32 to vector<16xi32>
      %eq3A_380 = arith.cmpi eq, %add3A_377, %eq3A_379 : vector<16xi32>
      %jit3A_381 = arith.constant 0 : i32
      %broadcast_in_dim3A_382 = vector.broadcast %jit3A_381 : i32 to vector<16xi32>
      %select_n3A_383 = arith.select %eq3A_380, %broadcast_in_dim3A_382, %add3A_377 : vector<16xi1>, vector<16xi32>
      %gather3A_384 = tpu.vector_load_idx %arg5[%add3A_24, %broadcast_in_dim3A_27, %select_n3A_383] : memref<128x4x50xi32, #tpu.memory_space<vmem>>[vector<16xi32>, vector<16xi32>, vector<16xi32>], vector<16xi32>,
      %gather3A_385 = tpu.vector_load_idx %arg6[%broadcast_in_dim3A_27, %gather3A_384] : memref<4x10000xf32, #tpu.memory_space<vmem>>[vector<16xi32>, vector<16xi32>], vector<16xf32>,
      %add3A_386 = arith.addf %add3A_374, %gather3A_385 : vector<16xf32>
      %add3A_387 = arith.constant 1 : i32
      %add3A_388 = vector.broadcast %add3A_387 : i32 to vector<16xi32>
      %add3A_389 = arith.addi %select_n3A_383, %add3A_388 : vector<16xi32>
      %eq3A_390 = arith.constant 50 : i32
      %eq3A_391 = vector.broadcast %eq3A_390 : i32 to vector<16xi32>
      %eq3A_392 = arith.cmpi eq, %add3A_389, %eq3A_391 : vector<16xi32>
      %jit3A_393 = arith.constant 0 : i32
      %broadcast_in_dim3A_394 = vector.broadcast %jit3A_393 : i32 to vector<16xi32>
      %select_n3A_395 = arith.select %eq3A_392, %broadcast_in_dim3A_394, %add3A_389 : vector<16xi1>, vector<16xi32>
      %gather3A_396 = tpu.vector_load_idx %arg5[%add3A_24, %broadcast_in_dim3A_27, %select_n3A_395] : memref<128x4x50xi32, #tpu.memory_space<vmem>>[vector<16xi32>, vector<16xi32>, vector<16xi32>], vector<16xi32>,
      %gather3A_397 = tpu.vector_load_idx %arg6[%broadcast_in_dim3A_27, %gather3A_396] : memref<4x10000xf32, #tpu.memory_space<vmem>>[vector<16xi32>, vector<16xi32>], vector<16xf32>,
      %add3A_398 = arith.addf %add3A_386, %gather3A_397 : vector<16xf32>
      %add3A_399 = arith.constant 1 : i32
      %add3A_400 = vector.broadcast %add3A_399 : i32 to vector<16xi32>
      %add3A_401 = arith.addi %select_n3A_395, %add3A_400 : vector<16xi32>
      %eq3A_402 = arith.constant 50 : i32
      %eq3A_403 = vector.broadcast %eq3A_402 : i32 to vector<16xi32>
      %eq3A_404 = arith.cmpi eq, %add3A_401, %eq3A_403 : vector<16xi32>
      %jit3A_405 = arith.constant 0 : i32
      %broadcast_in_dim3A_406 = vector.broadcast %jit3A_405 : i32 to vector<16xi32>
      %select_n3A_407 = arith.select %eq3A_404, %broadcast_in_dim3A_406, %add3A_401 : vector<16xi1>, vector<16xi32>
      %gather3A_408 = tpu.vector_load_idx %arg5[%add3A_24, %broadcast_in_dim3A_27, %select_n3A_407] : memref<128x4x50xi32, #tpu.memory_space<vmem>>[vector<16xi32>, vector<16xi32>, vector<16xi32>], vector<16xi32>,
      %gather3A_409 = tpu.vector_load_idx %arg6[%broadcast_in_dim3A_27, %gather3A_408] : memref<4x10000xf32, #tpu.memory_space<vmem>>[vector<16xi32>, vector<16xi32>], vector<16xf32>,
      %add3A_410 = arith.addf %add3A_398, %gather3A_409 : vector<16xf32>
      %add3A_411 = arith.constant 1 : i32
      %add3A_412 = vector.broadcast %add3A_411 : i32 to vector<16xi32>
      %add3A_413 = arith.addi %select_n3A_407, %add3A_412 : vector<16xi32>
      %eq3A_414 = arith.constant 50 : i32
      %eq3A_415 = vector.broadcast %eq3A_414 : i32 to vector<16xi32>
      %eq3A_416 = arith.cmpi eq, %add3A_413, %eq3A_415 : vector<16xi32>
      %jit3A_417 = arith.constant 0 : i32
      %broadcast_in_dim3A_418 = vector.broadcast %jit3A_417 : i32 to vector<16xi32>
      %select_n3A_419 = arith.select %eq3A_416, %broadcast_in_dim3A_418, %add3A_413 : vector<16xi1>, vector<16xi32>
      %gather3A_420 = tpu.vector_load_idx %arg5[%add3A_24, %broadcast_in_dim3A_27, %select_n3A_419] : memref<128x4x50xi32, #tpu.memory_space<vmem>>[vector<16xi32>, vector<16xi32>, vector<16xi32>], vector<16xi32>,
      %gather3A_421 = tpu.vector_load_idx %arg6[%broadcast_in_dim3A_27, %gather3A_420] : memref<4x10000xf32, #tpu.memory_space<vmem>>[vector<16xi32>, vector<16xi32>], vector<16xf32>,
      %add3A_422 = arith.addf %add3A_410, %gather3A_421 : vector<16xf32>
      %add3A_423 = arith.constant 1 : i32
      %add3A_424 = vector.broadcast %add3A_423 : i32 to vector<16xi32>
      %add3A_425 = arith.addi %select_n3A_419, %add3A_424 : vector<16xi32>
      %eq3A_426 = arith.constant 50 : i32
      %eq3A_427 = vector.broadcast %eq3A_426 : i32 to vector<16xi32>
      %eq3A_428 = arith.cmpi eq, %add3A_425, %eq3A_427 : vector<16xi32>
      %jit3A_429 = arith.constant 0 : i32
      %broadcast_in_dim3A_430 = vector.broadcast %jit3A_429 : i32 to vector<16xi32>
      %select_n3A_431 = arith.select %eq3A_428, %broadcast_in_dim3A_430, %add3A_425 : vector<16xi1>, vector<16xi32>
      %gather3A_432 = tpu.vector_load_idx %arg5[%add3A_24, %broadcast_in_dim3A_27, %select_n3A_431] : memref<128x4x50xi32, #tpu.memory_space<vmem>>[vector<16xi32>, vector<16xi32>, vector<16xi32>], vector<16xi32>,
      %gather3A_433 = tpu.vector_load_idx %arg6[%broadcast_in_dim3A_27, %gather3A_432] : memref<4x10000xf32, #tpu.memory_space<vmem>>[vector<16xi32>, vector<16xi32>], vector<16xf32>,
      %add3A_434 = arith.addf %add3A_422, %gather3A_433 : vector<16xf32>
      %add3A_435 = arith.constant 1 : i32
      %add3A_436 = vector.broadcast %add3A_435 : i32 to vector<16xi32>
      %add3A_437 = arith.addi %select_n3A_431, %add3A_436 : vector<16xi32>
      %eq3A_438 = arith.constant 50 : i32
      %eq3A_439 = vector.broadcast %eq3A_438 : i32 to vector<16xi32>
      %eq3A_440 = arith.cmpi eq, %add3A_437, %eq3A_439 : vector<16xi32>
      %jit3A_441 = arith.constant 0 : i32
      %broadcast_in_dim3A_442 = vector.broadcast %jit3A_441 : i32 to vector<16xi32>
      %select_n3A_443 = arith.select %eq3A_440, %broadcast_in_dim3A_442, %add3A_437 : vector<16xi1>, vector<16xi32>
      %gather3A_444 = tpu.vector_load_idx %arg5[%add3A_24, %broadcast_in_dim3A_27, %select_n3A_443] : memref<128x4x50xi32, #tpu.memory_space<vmem>>[vector<16xi32>, vector<16xi32>, vector<16xi32>], vector<16xi32>,
      %gather3A_445 = tpu.vector_load_idx %arg6[%broadcast_in_dim3A_27, %gather3A_444] : memref<4x10000xf32, #tpu.memory_space<vmem>>[vector<16xi32>, vector<16xi32>], vector<16xf32>,
      %add3A_446 = arith.addf %add3A_434, %gather3A_445 : vector<16xf32>
      %add3A_447 = arith.constant 1 : i32
      %add3A_448 = vector.broadcast %add3A_447 : i32 to vector<16xi32>
      %add3A_449 = arith.addi %select_n3A_443, %add3A_448 : vector<16xi32>
      %eq3A_450 = arith.constant 50 : i32
      %eq3A_451 = vector.broadcast %eq3A_450 : i32 to vector<16xi32>
      %eq3A_452 = arith.cmpi eq, %add3A_449, %eq3A_451 : vector<16xi32>
      %jit3A_453 = arith.constant 0 : i32
      %broadcast_in_dim3A_454 = vector.broadcast %jit3A_453 : i32 to vector<16xi32>
      %select_n3A_455 = arith.select %eq3A_452, %broadcast_in_dim3A_454, %add3A_449 : vector<16xi1>, vector<16xi32>
      %gather3A_456 = tpu.vector_load_idx %arg5[%add3A_24, %broadcast_in_dim3A_27, %select_n3A_455] : memref<128x4x50xi32, #tpu.memory_space<vmem>>[vector<16xi32>, vector<16xi32>, vector<16xi32>], vector<16xi32>,
      %gather3A_457 = tpu.vector_load_idx %arg6[%broadcast_in_dim3A_27, %gather3A_456] : memref<4x10000xf32, #tpu.memory_space<vmem>>[vector<16xi32>, vector<16xi32>], vector<16xf32>,
      %add3A_458 = arith.addf %add3A_446, %gather3A_457 : vector<16xf32>
      %add3A_459 = arith.constant 1 : i32
      %add3A_460 = vector.broadcast %add3A_459 : i32 to vector<16xi32>
      %add3A_461 = arith.addi %select_n3A_455, %add3A_460 : vector<16xi32>
      %eq3A_462 = arith.constant 50 : i32
      %eq3A_463 = vector.broadcast %eq3A_462 : i32 to vector<16xi32>
      %eq3A_464 = arith.cmpi eq, %add3A_461, %eq3A_463 : vector<16xi32>
      %jit3A_465 = arith.constant 0 : i32
      %broadcast_in_dim3A_466 = vector.broadcast %jit3A_465 : i32 to vector<16xi32>
      %select_n3A_467 = arith.select %eq3A_464, %broadcast_in_dim3A_466, %add3A_461 : vector<16xi1>, vector<16xi32>
      %gather3A_468 = tpu.vector_load_idx %arg5[%add3A_24, %broadcast_in_dim3A_27, %select_n3A_467] : memref<128x4x50xi32, #tpu.memory_space<vmem>>[vector<16xi32>, vector<16xi32>, vector<16xi32>], vector<16xi32>,
      %gather3A_469 = tpu.vector_load_idx %arg6[%broadcast_in_dim3A_27, %gather3A_468] : memref<4x10000xf32, #tpu.memory_space<vmem>>[vector<16xi32>, vector<16xi32>], vector<16xf32>,
      %add3A_470 = arith.addf %add3A_458, %gather3A_469 : vector<16xf32>
      %add3A_471 = arith.constant 1 : i32
      %add3A_472 = vector.broadcast %add3A_471 : i32 to vector<16xi32>
      %add3A_473 = arith.addi %select_n3A_467, %add3A_472 : vector<16xi32>
      %eq3A_474 = arith.constant 50 : i32
      %eq3A_475 = vector.broadcast %eq3A_474 : i32 to vector<16xi32>
      %eq3A_476 = arith.cmpi eq, %add3A_473, %eq3A_475 : vector<16xi32>
      %jit3A_477 = arith.constant 0 : i32
      %broadcast_in_dim3A_478 = vector.broadcast %jit3A_477 : i32 to vector<16xi32>
      %select_n3A_479 = arith.select %eq3A_476, %broadcast_in_dim3A_478, %add3A_473 : vector<16xi1>, vector<16xi32>
      %gather3A_480 = tpu.vector_load_idx %arg5[%add3A_24, %broadcast_in_dim3A_27, %select_n3A_479] : memref<128x4x50xi32, #tpu.memory_space<vmem>>[vector<16xi32>, vector<16xi32>, vector<16xi32>], vector<16xi32>,
      %gather3A_481 = tpu.vector_load_idx %arg6[%broadcast_in_dim3A_27, %gather3A_480] : memref<4x10000xf32, #tpu.memory_space<vmem>>[vector<16xi32>, vector<16xi32>], vector<16xf32>,
      %add3A_482 = arith.addf %add3A_470, %gather3A_481 : vector<16xf32>
      %add3A_483 = arith.constant 1 : i32
      %add3A_484 = vector.broadcast %add3A_483 : i32 to vector<16xi32>
      %add3A_485 = arith.addi %select_n3A_479, %add3A_484 : vector<16xi32>
      %eq3A_486 = arith.constant 50 : i32
      %eq3A_487 = vector.broadcast %eq3A_486 : i32 to vector<16xi32>
      %eq3A_488 = arith.cmpi eq, %add3A_485, %eq3A_487 : vector<16xi32>
      %jit3A_489 = arith.constant 0 : i32
      %broadcast_in_dim3A_490 = vector.broadcast %jit3A_489 : i32 to vector<16xi32>
      %select_n3A_491 = arith.select %eq3A_488, %broadcast_in_dim3A_490, %add3A_485 : vector<16xi1>, vector<16xi32>
      %gather3A_492 = tpu.vector_load_idx %arg5[%add3A_24, %broadcast_in_dim3A_27, %select_n3A_491] : memref<128x4x50xi32, #tpu.memory_space<vmem>>[vector<16xi32>, vector<16xi32>, vector<16xi32>], vector<16xi32>,
      %gather3A_493 = tpu.vector_load_idx %arg6[%broadcast_in_dim3A_27, %gather3A_492] : memref<4x10000xf32, #tpu.memory_space<vmem>>[vector<16xi32>, vector<16xi32>], vector<16xf32>,
      %add3A_494 = arith.addf %add3A_482, %gather3A_493 : vector<16xf32>
      %add3A_495 = arith.constant 1 : i32
      %add3A_496 = vector.broadcast %add3A_495 : i32 to vector<16xi32>
      %add3A_497 = arith.addi %select_n3A_491, %add3A_496 : vector<16xi32>
      %eq3A_498 = arith.constant 50 : i32
      %eq3A_499 = vector.broadcast %eq3A_498 : i32 to vector<16xi32>
      %eq3A_500 = arith.cmpi eq, %add3A_497, %eq3A_499 : vector<16xi32>
      %jit3A_501 = arith.constant 0 : i32
      %broadcast_in_dim3A_502 = vector.broadcast %jit3A_501 : i32 to vector<16xi32>
      %select_n3A_503 = arith.select %eq3A_500, %broadcast_in_dim3A_502, %add3A_497 : vector<16xi1>, vector<16xi32>
      %gather3A_504 = tpu.vector_load_idx %arg5[%add3A_24, %broadcast_in_dim3A_27, %select_n3A_503] : memref<128x4x50xi32, #tpu.memory_space<vmem>>[vector<16xi32>, vector<16xi32>, vector<16xi32>], vector<16xi32>,
      %gather3A_505 = tpu.vector_load_idx %arg6[%broadcast_in_dim3A_27, %gather3A_504] : memref<4x10000xf32, #tpu.memory_space<vmem>>[vector<16xi32>, vector<16xi32>], vector<16xf32>,
      %add3A_506 = arith.addf %add3A_494, %gather3A_505 : vector<16xf32>
      %add3A_507 = arith.constant 1 : i32
      %add3A_508 = vector.broadcast %add3A_507 : i32 to vector<16xi32>
      %add3A_509 = arith.addi %select_n3A_503, %add3A_508 : vector<16xi32>
      %eq3A_510 = arith.constant 50 : i32
      %eq3A_511 = vector.broadcast %eq3A_510 : i32 to vector<16xi32>
      %eq3A_512 = arith.cmpi eq, %add3A_509, %eq3A_511 : vector<16xi32>
      %jit3A_513 = arith.constant 0 : i32
      %broadcast_in_dim3A_514 = vector.broadcast %jit3A_513 : i32 to vector<16xi32>
      %select_n3A_515 = arith.select %eq3A_512, %broadcast_in_dim3A_514, %add3A_509 : vector<16xi1>, vector<16xi32>
      %gather3A_516 = tpu.vector_load_idx %arg5[%add3A_24, %broadcast_in_dim3A_27, %select_n3A_515] : memref<128x4x50xi32, #tpu.memory_space<vmem>>[vector<16xi32>, vector<16xi32>, vector<16xi32>], vector<16xi32>,
      %gather3A_517 = tpu.vector_load_idx %arg6[%broadcast_in_dim3A_27, %gather3A_516] : memref<4x10000xf32, #tpu.memory_space<vmem>>[vector<16xi32>, vector<16xi32>], vector<16xf32>,
      %add3A_518 = arith.addf %add3A_506, %gather3A_517 : vector<16xf32>
      %add3A_519 = arith.constant 1 : i32
      %add3A_520 = vector.broadcast %add3A_519 : i32 to vector<16xi32>
      %add3A_521 = arith.addi %select_n3A_515, %add3A_520 : vector<16xi32>
      %eq3A_522 = arith.constant 50 : i32
      %eq3A_523 = vector.broadcast %eq3A_522 : i32 to vector<16xi32>
      %eq3A_524 = arith.cmpi eq, %add3A_521, %eq3A_523 : vector<16xi32>
      %jit3A_525 = arith.constant 0 : i32
      %broadcast_in_dim3A_526 = vector.broadcast %jit3A_525 : i32 to vector<16xi32>
      %select_n3A_527 = arith.select %eq3A_524, %broadcast_in_dim3A_526, %add3A_521 : vector<16xi1>, vector<16xi32>
      %gather3A_528 = tpu.vector_load_idx %arg5[%add3A_24, %broadcast_in_dim3A_27, %select_n3A_527] : memref<128x4x50xi32, #tpu.memory_space<vmem>>[vector<16xi32>, vector<16xi32>, vector<16xi32>], vector<16xi32>,
      %gather3A_529 = tpu.vector_load_idx %arg6[%broadcast_in_dim3A_27, %gather3A_528] : memref<4x10000xf32, #tpu.memory_space<vmem>>[vector<16xi32>, vector<16xi32>], vector<16xf32>,
      %add3A_530 = arith.addf %add3A_518, %gather3A_529 : vector<16xf32>
      %add3A_531 = arith.constant 1 : i32
      %add3A_532 = vector.broadcast %add3A_531 : i32 to vector<16xi32>
      %add3A_533 = arith.addi %select_n3A_527, %add3A_532 : vector<16xi32>
      %eq3A_534 = arith.constant 50 : i32
      %eq3A_535 = vector.broadcast %eq3A_534 : i32 to vector<16xi32>
      %eq3A_536 = arith.cmpi eq, %add3A_533, %eq3A_535 : vector<16xi32>
      %jit3A_537 = arith.constant 0 : i32
      %broadcast_in_dim3A_538 = vector.broadcast %jit3A_537 : i32 to vector<16xi32>
      %select_n3A_539 = arith.select %eq3A_536, %broadcast_in_dim3A_538, %add3A_533 : vector<16xi1>, vector<16xi32>
      %gather3A_540 = tpu.vector_load_idx %arg5[%add3A_24, %broadcast_in_dim3A_27, %select_n3A_539] : memref<128x4x50xi32, #tpu.memory_space<vmem>>[vector<16xi32>, vector<16xi32>, vector<16xi32>], vector<16xi32>,
      %gather3A_541 = tpu.vector_load_idx %arg6[%broadcast_in_dim3A_27, %gather3A_540] : memref<4x10000xf32, #tpu.memory_space<vmem>>[vector<16xi32>, vector<16xi32>], vector<16xf32>,
      %add3A_542 = arith.addf %add3A_530, %gather3A_541 : vector<16xf32>
      %add3A_543 = arith.constant 1 : i32
      %add3A_544 = vector.broadcast %add3A_543 : i32 to vector<16xi32>
      %add3A_545 = arith.addi %select_n3A_539, %add3A_544 : vector<16xi32>
      %eq3A_546 = arith.constant 50 : i32
      %eq3A_547 = vector.broadcast %eq3A_546 : i32 to vector<16xi32>
      %eq3A_548 = arith.cmpi eq, %add3A_545, %eq3A_547 : vector<16xi32>
      %jit3A_549 = arith.constant 0 : i32
      %broadcast_in_dim3A_550 = vector.broadcast %jit3A_549 : i32 to vector<16xi32>
      %select_n3A_551 = arith.select %eq3A_548, %broadcast_in_dim3A_550, %add3A_545 : vector<16xi1>, vector<16xi32>
      %gather3A_552 = tpu.vector_load_idx %arg5[%add3A_24, %broadcast_in_dim3A_27, %select_n3A_551] : memref<128x4x50xi32, #tpu.memory_space<vmem>>[vector<16xi32>, vector<16xi32>, vector<16xi32>], vector<16xi32>,
      %gather3A_553 = tpu.vector_load_idx %arg6[%broadcast_in_dim3A_27, %gather3A_552] : memref<4x10000xf32, #tpu.memory_space<vmem>>[vector<16xi32>, vector<16xi32>], vector<16xf32>,
      %add3A_554 = arith.addf %add3A_542, %gather3A_553 : vector<16xf32>
      %add3A_555 = arith.constant 1 : i32
      %add3A_556 = vector.broadcast %add3A_555 : i32 to vector<16xi32>
      %add3A_557 = arith.addi %select_n3A_551, %add3A_556 : vector<16xi32>
      %eq3A_558 = arith.constant 50 : i32
      %eq3A_559 = vector.broadcast %eq3A_558 : i32 to vector<16xi32>
      %eq3A_560 = arith.cmpi eq, %add3A_557, %eq3A_559 : vector<16xi32>
      %jit3A_561 = arith.constant 0 : i32
      %broadcast_in_dim3A_562 = vector.broadcast %jit3A_561 : i32 to vector<16xi32>
      %select_n3A_563 = arith.select %eq3A_560, %broadcast_in_dim3A_562, %add3A_557 : vector<16xi1>, vector<16xi32>
      %gather3A_564 = tpu.vector_load_idx %arg5[%add3A_24, %broadcast_in_dim3A_27, %select_n3A_563] : memref<128x4x50xi32, #tpu.memory_space<vmem>>[vector<16xi32>, vector<16xi32>, vector<16xi32>], vector<16xi32>,
      %gather3A_565 = tpu.vector_load_idx %arg6[%broadcast_in_dim3A_27, %gather3A_564] : memref<4x10000xf32, #tpu.memory_space<vmem>>[vector<16xi32>, vector<16xi32>], vector<16xf32>,
      %add3A_566 = arith.addf %add3A_554, %gather3A_565 : vector<16xf32>
      %add3A_567 = arith.constant 1 : i32
      %add3A_568 = vector.broadcast %add3A_567 : i32 to vector<16xi32>
      %add3A_569 = arith.addi %select_n3A_563, %add3A_568 : vector<16xi32>
      %eq3A_570 = arith.constant 50 : i32
      %eq3A_571 = vector.broadcast %eq3A_570 : i32 to vector<16xi32>
      %eq3A_572 = arith.cmpi eq, %add3A_569, %eq3A_571 : vector<16xi32>
      %jit3A_573 = arith.constant 0 : i32
      %broadcast_in_dim3A_574 = vector.broadcast %jit3A_573 : i32 to vector<16xi32>
      %select_n3A_575 = arith.select %eq3A_572, %broadcast_in_dim3A_574, %add3A_569 : vector<16xi1>, vector<16xi32>
      %gather3A_576 = tpu.vector_load_idx %arg5[%add3A_24, %broadcast_in_dim3A_27, %select_n3A_575] : memref<128x4x50xi32, #tpu.memory_space<vmem>>[vector<16xi32>, vector<16xi32>, vector<16xi32>], vector<16xi32>,
      %gather3A_577 = tpu.vector_load_idx %arg6[%broadcast_in_dim3A_27, %gather3A_576] : memref<4x10000xf32, #tpu.memory_space<vmem>>[vector<16xi32>, vector<16xi32>], vector<16xf32>,
      %add3A_578 = arith.addf %add3A_566, %gather3A_577 : vector<16xf32>
      %add3A_579 = arith.constant 1 : i32
      %add3A_580 = vector.broadcast %add3A_579 : i32 to vector<16xi32>
      %add3A_581 = arith.addi %select_n3A_575, %add3A_580 : vector<16xi32>
      %eq3A_582 = arith.constant 50 : i32
      %eq3A_583 = vector.broadcast %eq3A_582 : i32 to vector<16xi32>
      %eq3A_584 = arith.cmpi eq, %add3A_581, %eq3A_583 : vector<16xi32>
      %jit3A_585 = arith.constant 0 : i32
      %broadcast_in_dim3A_586 = vector.broadcast %jit3A_585 : i32 to vector<16xi32>
      %select_n3A_587 = arith.select %eq3A_584, %broadcast_in_dim3A_586, %add3A_581 : vector<16xi1>, vector<16xi32>
      %gather3A_588 = tpu.vector_load_idx %arg5[%add3A_24, %broadcast_in_dim3A_27, %select_n3A_587] : memref<128x4x50xi32, #tpu.memory_space<vmem>>[vector<16xi32>, vector<16xi32>, vector<16xi32>], vector<16xi32>,
      %gather3A_589 = tpu.vector_load_idx %arg6[%broadcast_in_dim3A_27, %gather3A_588] : memref<4x10000xf32, #tpu.memory_space<vmem>>[vector<16xi32>, vector<16xi32>], vector<16xf32>,
      %add3A_590 = arith.addf %add3A_578, %gather3A_589 : vector<16xf32>
      %add3A_591 = arith.constant 1 : i32
      %add3A_592 = vector.broadcast %add3A_591 : i32 to vector<16xi32>
      %add3A_593 = arith.addi %select_n3A_587, %add3A_592 : vector<16xi32>
      %eq3A_594 = arith.constant 50 : i32
      %eq3A_595 = vector.broadcast %eq3A_594 : i32 to vector<16xi32>
      %eq3A_596 = arith.cmpi eq, %add3A_593, %eq3A_595 : vector<16xi32>
      %jit3A_597 = arith.constant 0 : i32
      %broadcast_in_dim3A_598 = vector.broadcast %jit3A_597 : i32 to vector<16xi32>
      %select_n3A_599 = arith.select %eq3A_596, %broadcast_in_dim3A_598, %add3A_593 : vector<16xi1>, vector<16xi32>
      %gather3A_600 = tpu.vector_load_idx %arg5[%add3A_24, %broadcast_in_dim3A_27, %select_n3A_599] : memref<128x4x50xi32, #tpu.memory_space<vmem>>[vector<16xi32>, vector<16xi32>, vector<16xi32>], vector<16xi32>,
      %gather3A_601 = tpu.vector_load_idx %arg6[%broadcast_in_dim3A_27, %gather3A_600] : memref<4x10000xf32, #tpu.memory_space<vmem>>[vector<16xi32>, vector<16xi32>], vector<16xf32>,
      %add3A_602 = arith.addf %add3A_590, %gather3A_601 : vector<16xf32>
      %add3A_603 = arith.constant 1 : i32
      %add3A_604 = vector.broadcast %add3A_603 : i32 to vector<16xi32>
      %add3A_605 = arith.addi %select_n3A_599, %add3A_604 : vector<16xi32>
      %eq3A_606 = arith.constant 50 : i32
      %eq3A_607 = vector.broadcast %eq3A_606 : i32 to vector<16xi32>
      %eq3A_608 = arith.cmpi eq, %add3A_605, %eq3A_607 : vector<16xi32>
      %jit3A_609 = arith.constant 0 : i32
      %broadcast_in_dim3A_610 = vector.broadcast %jit3A_609 : i32 to vector<16xi32>
      %select_n3A_611 = arith.select %eq3A_608, %broadcast_in_dim3A_610, %add3A_605 : vector<16xi1>, vector<16xi32>
      %gather3A_612 = tpu.vector_load_idx %arg5[%add3A_24, %broadcast_in_dim3A_27, %select_n3A_611] : memref<128x4x50xi32, #tpu.memory_space<vmem>>[vector<16xi32>, vector<16xi32>, vector<16xi32>], vector<16xi32>,
      %gather3A_613 = tpu.vector_load_idx %arg6[%broadcast_in_dim3A_27, %gather3A_612] : memref<4x10000xf32, #tpu.memory_space<vmem>>[vector<16xi32>, vector<16xi32>], vector<16xf32>,
      %add3A_614 = arith.addf %add3A_602, %gather3A_613 : vector<16xf32>
      %add3A_615 = arith.constant 1 : i32
      %add3A_616 = vector.broadcast %add3A_615 : i32 to vector<16xi32>
      %add3A_617 = arith.addi %select_n3A_611, %add3A_616 : vector<16xi32>
      %eq3A_618 = arith.constant 50 : i32
      %eq3A_619 = vector.broadcast %eq3A_618 : i32 to vector<16xi32>
      %eq3A_620 = arith.cmpi eq, %add3A_617, %eq3A_619 : vector<16xi32>
      %jit3A_621 = arith.constant 0 : i32
      %broadcast_in_dim3A_622 = vector.broadcast %jit3A_621 : i32 to vector<16xi32>
      %select_n3A_623 = arith.select %eq3A_620, %broadcast_in_dim3A_622, %add3A_617 : vector<16xi1>, vector<16xi32>
      %broadcast_in_dim3A_624 = arith.constant 1 : i32
      %broadcast_in_dim3A_625 = vector.broadcast %broadcast_in_dim3A_624 : i32 to vector<16xi32>
      %gather3A_626 = tpu.vector_load_idx %arg5[%add3A_24, %broadcast_in_dim3A_625, %iota3A] : memref<128x4x50xi32, #tpu.memory_space<vmem>>[vector<16xi32>, vector<16xi32>, vector<16xi32>], vector<16xi32>,
      %gather3A_627 = tpu.vector_load_idx %arg6[%broadcast_in_dim3A_625, %gather3A_626] : memref<4x10000xf32, #tpu.memory_space<vmem>>[vector<16xi32>, vector<16xi32>], vector<16xf32>,
      %add3A_628 = arith.addf %add3A_614, %gather3A_627 : vector<16xf32>
      %add3A_629 = arith.constant 1 : i32
      %add3A_630 = vector.broadcast %add3A_629 : i32 to vector<16xi32>
      %add3A_631 = arith.addi %iota3A, %add3A_630 : vector<16xi32>
      %eq3A_632 = arith.constant 50 : i32
      %eq3A_633 = vector.broadcast %eq3A_632 : i32 to vector<16xi32>
      %eq3A_634 = arith.cmpi eq, %add3A_631, %eq3A_633 : vector<16xi32>
      %jit3A_635 = arith.constant 0 : i32
      %broadcast_in_dim3A_636 = vector.broadcast %jit3A_635 : i32 to vector<16xi32>
      %select_n3A_637 = arith.select %eq3A_634, %broadcast_in_dim3A_636, %add3A_631 : vector<16xi1>, vector<16xi32>
      %gather3A_638 = tpu.vector_load_idx %arg5[%add3A_24, %broadcast_in_dim3A_625, %select_n3A_637] : memref<128x4x50xi32, #tpu.memory_space<vmem>>[vector<16xi32>, vector<16xi32>, vector<16xi32>], vector<16xi32>,
      %gather3A_639 = tpu.vector_load_idx %arg6[%broadcast_in_dim3A_625, %gather3A_638] : memref<4x10000xf32, #tpu.memory_space<vmem>>[vector<16xi32>, vector<16xi32>], vector<16xf32>,
      %add3A_640 = arith.addf %add3A_628, %gather3A_639 : vector<16xf32>
      %add3A_641 = arith.constant 1 : i32
      %add3A_642 = vector.broadcast %add3A_641 : i32 to vector<16xi32>
      %add3A_643 = arith.addi %select_n3A_637, %add3A_642 : vector<16xi32>
      %eq3A_644 = arith.constant 50 : i32
      %eq3A_645 = vector.broadcast %eq3A_644 : i32 to vector<16xi32>
      %eq3A_646 = arith.cmpi eq, %add3A_643, %eq3A_645 : vector<16xi32>
      %jit3A_647 = arith.constant 0 : i32
      %broadcast_in_dim3A_648 = vector.broadcast %jit3A_647 : i32 to vector<16xi32>
      %select_n3A_649 = arith.select %eq3A_646, %broadcast_in_dim3A_648, %add3A_643 : vector<16xi1>, vector<16xi32>
      %gather3A_650 = tpu.vector_load_idx %arg5[%add3A_24, %broadcast_in_dim3A_625, %select_n3A_649] : memref<128x4x50xi32, #tpu.memory_space<vmem>>[vector<16xi32>, vector<16xi32>, vector<16xi32>], vector<16xi32>,
      %gather3A_651 = tpu.vector_load_idx %arg6[%broadcast_in_dim3A_625, %gather3A_650] : memref<4x10000xf32, #tpu.memory_space<vmem>>[vector<16xi32>, vector<16xi32>], vector<16xf32>,
      %add3A_652 = arith.addf %add3A_640, %gather3A_651 : vector<16xf32>
      %add3A_653 = arith.constant 1 : i32
      %add3A_654 = vector.broadcast %add3A_653 : i32 to vector<16xi32>
      %add3A_655 = arith.addi %select_n3A_649, %add3A_654 : vector<16xi32>
      %eq3A_656 = arith.constant 50 : i32
      %eq3A_657 = vector.broadcast %eq3A_656 : i32 to vector<16xi32>
      %eq3A_658 = arith.cmpi eq, %add3A_655, %eq3A_657 : vector<16xi32>
      %jit3A_659 = arith.constant 0 : i32
      %broadcast_in_dim3A_660 = vector.broadcast %jit3A_659 : i32 to vector<16xi32>
      %select_n3A_661 = arith.select %eq3A_658, %broadcast_in_dim3A_660, %add3A_655 : vector<16xi1>, vector<16xi32>
      %gather3A_662 = tpu.vector_load_idx %arg5[%add3A_24, %broadcast_in_dim3A_625, %select_n3A_661] : memref<128x4x50xi32, #tpu.memory_space<vmem>>[vector<16xi32>, vector<16xi32>, vector<16xi32>], vector<16xi32>,
      %gather3A_663 = tpu.vector_load_idx %arg6[%broadcast_in_dim3A_625, %gather3A_662] : memref<4x10000xf32, #tpu.memory_space<vmem>>[vector<16xi32>, vector<16xi32>], vector<16xf32>,
      %add3A_664 = arith.addf %add3A_652, %gather3A_663 : vector<16xf32>
      %add3A_665 = arith.constant 1 : i32
      %add3A_666 = vector.broadcast %add3A_665 : i32 to vector<16xi32>
      %add3A_667 = arith.addi %select_n3A_661, %add3A_666 : vector<16xi32>
      %eq3A_668 = arith.constant 50 : i32
      %eq3A_669 = vector.broadcast %eq3A_668 : i32 to vector<16xi32>
      %eq3A_670 = arith.cmpi eq, %add3A_667, %eq3A_669 : vector<16xi32>
      %jit3A_671 = arith.constant 0 : i32
      %broadcast_in_dim3A_672 = vector.broadcast %jit3A_671 : i32 to vector<16xi32>
      %select_n3A_673 = arith.select %eq3A_670, %broadcast_in_dim3A_672, %add3A_667 : vector<16xi1>, vector<16xi32>
      %gather3A_674 = tpu.vector_load_idx %arg5[%add3A_24, %broadcast_in_dim3A_625, %select_n3A_673] : memref<128x4x50xi32, #tpu.memory_space<vmem>>[vector<16xi32>, vector<16xi32>, vector<16xi32>], vector<16xi32>,
      %gather3A_675 = tpu.vector_load_idx %arg6[%broadcast_in_dim3A_625, %gather3A_674] : memref<4x10000xf32, #tpu.memory_space<vmem>>[vector<16xi32>, vector<16xi32>], vector<16xf32>,
      %add3A_676 = arith.addf %add3A_664, %gather3A_675 : vector<16xf32>
      %add3A_677 = arith.constant 1 : i32
      %add3A_678 = vector.broadcast %add3A_677 : i32 to vector<16xi32>
      %add3A_679 = arith.addi %select_n3A_673, %add3A_678 : vector<16xi32>
      %eq3A_680 = arith.constant 50 : i32
      %eq3A_681 = vector.broadcast %eq3A_680 : i32 to vector<16xi32>
      %eq3A_682 = arith.cmpi eq, %add3A_679, %eq3A_681 : vector<16xi32>
      %jit3A_683 = arith.constant 0 : i32
      %broadcast_in_dim3A_684 = vector.broadcast %jit3A_683 : i32 to vector<16xi32>
      %select_n3A_685 = arith.select %eq3A_682, %broadcast_in_dim3A_684, %add3A_679 : vector<16xi1>, vector<16xi32>
      %gather3A_686 = tpu.vector_load_idx %arg5[%add3A_24, %broadcast_in_dim3A_625, %select_n3A_685] : memref<128x4x50xi32, #tpu.memory_space<vmem>>[vector<16xi32>, vector<16xi32>, vector<16xi32>], vector<16xi32>,
      %gather3A_687 = tpu.vector_load_idx %arg6[%broadcast_in_dim3A_625, %gather3A_686] : memref<4x10000xf32, #tpu.memory_space<vmem>>[vector<16xi32>, vector<16xi32>], vector<16xf32>,
      %add3A_688 = arith.addf %add3A_676, %gather3A_687 : vector<16xf32>
      %add3A_689 = arith.constant 1 : i32
      %add3A_690 = vector.broadcast %add3A_689 : i32 to vector<16xi32>
      %add3A_691 = arith.addi %select_n3A_685, %add3A_690 : vector<16xi32>
      %eq3A_692 = arith.constant 50 : i32
      %eq3A_693 = vector.broadcast %eq3A_692 : i32 to vector<16xi32>
      %eq3A_694 = arith.cmpi eq, %add3A_691, %eq3A_693 : vector<16xi32>
      %jit3A_695 = arith.constant 0 : i32
      %broadcast_in_dim3A_696 = vector.broadcast %jit3A_695 : i32 to vector<16xi32>
      %select_n3A_697 = arith.select %eq3A_694, %broadcast_in_dim3A_696, %add3A_691 : vector<16xi1>, vector<16xi32>
      %gather3A_698 = tpu.vector_load_idx %arg5[%add3A_24, %broadcast_in_dim3A_625, %select_n3A_697] : memref<128x4x50xi32, #tpu.memory_space<vmem>>[vector<16xi32>, vector<16xi32>, vector<16xi32>], vector<16xi32>,
      %gather3A_699 = tpu.vector_load_idx %arg6[%broadcast_in_dim3A_625, %gather3A_698] : memref<4x10000xf32, #tpu.memory_space<vmem>>[vector<16xi32>, vector<16xi32>], vector<16xf32>,
      %add3A_700 = arith.addf %add3A_688, %gather3A_699 : vector<16xf32>
      %add3A_701 = arith.constant 1 : i32
      %add3A_702 = vector.broadcast %add3A_701 : i32 to vector<16xi32>
      %add3A_703 = arith.addi %select_n3A_697, %add3A_702 : vector<16xi32>
      %eq3A_704 = arith.constant 50 : i32
      %eq3A_705 = vector.broadcast %eq3A_704 : i32 to vector<16xi32>
      %eq3A_706 = arith.cmpi eq, %add3A_703, %eq3A_705 : vector<16xi32>
      %jit3A_707 = arith.constant 0 : i32
      %broadcast_in_dim3A_708 = vector.broadcast %jit3A_707 : i32 to vector<16xi32>
      %select_n3A_709 = arith.select %eq3A_706, %broadcast_in_dim3A_708, %add3A_703 : vector<16xi1>, vector<16xi32>
      %gather3A_710 = tpu.vector_load_idx %arg5[%add3A_24, %broadcast_in_dim3A_625, %select_n3A_709] : memref<128x4x50xi32, #tpu.memory_space<vmem>>[vector<16xi32>, vector<16xi32>, vector<16xi32>], vector<16xi32>,
      %gather3A_711 = tpu.vector_load_idx %arg6[%broadcast_in_dim3A_625, %gather3A_710] : memref<4x10000xf32, #tpu.memory_space<vmem>>[vector<16xi32>, vector<16xi32>], vector<16xf32>,
      %add3A_712 = arith.addf %add3A_700, %gather3A_711 : vector<16xf32>
      %add3A_713 = arith.constant 1 : i32
      %add3A_714 = vector.broadcast %add3A_713 : i32 to vector<16xi32>
      %add3A_715 = arith.addi %select_n3A_709, %add3A_714 : vector<16xi32>
      %eq3A_716 = arith.constant 50 : i32
      %eq3A_717 = vector.broadcast %eq3A_716 : i32 to vector<16xi32>
      %eq3A_718 = arith.cmpi eq, %add3A_715, %eq3A_717 : vector<16xi32>
      %jit3A_719 = arith.constant 0 : i32
      %broadcast_in_dim3A_720 = vector.broadcast %jit3A_719 : i32 to vector<16xi32>
      %select_n3A_721 = arith.select %eq3A_718, %broadcast_in_dim3A_720, %add3A_715 : vector<16xi1>, vector<16xi32>
      %gather3A_722 = tpu.vector_load_idx %arg5[%add3A_24, %broadcast_in_dim3A_625, %select_n3A_721] : memref<128x4x50xi32, #tpu.memory_space<vmem>>[vector<16xi32>, vector<16xi32>, vector<16xi32>], vector<16xi32>,
      %gather3A_723 = tpu.vector_load_idx %arg6[%broadcast_in_dim3A_625, %gather3A_722] : memref<4x10000xf32, #tpu.memory_space<vmem>>[vector<16xi32>, vector<16xi32>], vector<16xf32>,
      %add3A_724 = arith.addf %add3A_712, %gather3A_723 : vector<16xf32>
      %add3A_725 = arith.constant 1 : i32
      %add3A_726 = vector.broadcast %add3A_725 : i32 to vector<16xi32>
      %add3A_727 = arith.addi %select_n3A_721, %add3A_726 : vector<16xi32>
      %eq3A_728 = arith.constant 50 : i32
      %eq3A_729 = vector.broadcast %eq3A_728 : i32 to vector<16xi32>
      %eq3A_730 = arith.cmpi eq, %add3A_727, %eq3A_729 : vector<16xi32>
      %jit3A_731 = arith.constant 0 : i32
      %broadcast_in_dim3A_732 = vector.broadcast %jit3A_731 : i32 to vector<16xi32>
      %select_n3A_733 = arith.select %eq3A_730, %broadcast_in_dim3A_732, %add3A_727 : vector<16xi1>, vector<16xi32>
      %gather3A_734 = tpu.vector_load_idx %arg5[%add3A_24, %broadcast_in_dim3A_625, %select_n3A_733] : memref<128x4x50xi32, #tpu.memory_space<vmem>>[vector<16xi32>, vector<16xi32>, vector<16xi32>], vector<16xi32>,
      %gather3A_735 = tpu.vector_load_idx %arg6[%broadcast_in_dim3A_625, %gather3A_734] : memref<4x10000xf32, #tpu.memory_space<vmem>>[vector<16xi32>, vector<16xi32>], vector<16xf32>,
      %add3A_736 = arith.addf %add3A_724, %gather3A_735 : vector<16xf32>
      %add3A_737 = arith.constant 1 : i32
      %add3A_738 = vector.broadcast %add3A_737 : i32 to vector<16xi32>
      %add3A_739 = arith.addi %select_n3A_733, %add3A_738 : vector<16xi32>
      %eq3A_740 = arith.constant 50 : i32
      %eq3A_741 = vector.broadcast %eq3A_740 : i32 to vector<16xi32>
      %eq3A_742 = arith.cmpi eq, %add3A_739, %eq3A_741 : vector<16xi32>
      %jit3A_743 = arith.constant 0 : i32
      %broadcast_in_dim3A_744 = vector.broadcast %jit3A_743 : i32 to vector<16xi32>
      %select_n3A_745 = arith.select %eq3A_742, %broadcast_in_dim3A_744, %add3A_739 : vector<16xi1>, vector<16xi32>
      %gather3A_746 = tpu.vector_load_idx %arg5[%add3A_24, %broadcast_in_dim3A_625, %select_n3A_745] : memref<128x4x50xi32, #tpu.memory_space<vmem>>[vector<16xi32>, vector<16xi32>, vector<16xi32>], vector<16xi32>,
      %gather3A_747 = tpu.vector_load_idx %arg6[%broadcast_in_dim3A_625, %gather3A_746] : memref<4x10000xf32, #tpu.memory_space<vmem>>[vector<16xi32>, vector<16xi32>], vector<16xf32>,
      %add3A_748 = arith.addf %add3A_736, %gather3A_747 : vector<16xf32>
      %add3A_749 = arith.constant 1 : i32
      %add3A_750 = vector.broadcast %add3A_749 : i32 to vector<16xi32>
      %add3A_751 = arith.addi %select_n3A_745, %add3A_750 : vector<16xi32>
      %eq3A_752 = arith.constant 50 : i32
      %eq3A_753 = vector.broadcast %eq3A_752 : i32 to vector<16xi32>
      %eq3A_754 = arith.cmpi eq, %add3A_751, %eq3A_753 : vector<16xi32>
      %jit3A_755 = arith.constant 0 : i32
      %broadcast_in_dim3A_756 = vector.broadcast %jit3A_755 : i32 to vector<16xi32>
      %select_n3A_757 = arith.select %eq3A_754, %broadcast_in_dim3A_756, %add3A_751 : vector<16xi1>, vector<16xi32>
      %gather3A_758 = tpu.vector_load_idx %arg5[%add3A_24, %broadcast_in_dim3A_625, %select_n3A_757] : memref<128x4x50xi32, #tpu.memory_space<vmem>>[vector<16xi32>, vector<16xi32>, vector<16xi32>], vector<16xi32>,
      %gather3A_759 = tpu.vector_load_idx %arg6[%broadcast_in_dim3A_625, %gather3A_758] : memref<4x10000xf32, #tpu.memory_space<vmem>>[vector<16xi32>, vector<16xi32>], vector<16xf32>,
      %add3A_760 = arith.addf %add3A_748, %gather3A_759 : vector<16xf32>
      %add3A_761 = arith.constant 1 : i32
      %add3A_762 = vector.broadcast %add3A_761 : i32 to vector<16xi32>
      %add3A_763 = arith.addi %select_n3A_757, %add3A_762 : vector<16xi32>
      %eq3A_764 = arith.constant 50 : i32
      %eq3A_765 = vector.broadcast %eq3A_764 : i32 to vector<16xi32>
      %eq3A_766 = arith.cmpi eq, %add3A_763, %eq3A_765 : vector<16xi32>
      %jit3A_767 = arith.constant 0 : i32
      %broadcast_in_dim3A_768 = vector.broadcast %jit3A_767 : i32 to vector<16xi32>
      %select_n3A_769 = arith.select %eq3A_766, %broadcast_in_dim3A_768, %add3A_763 : vector<16xi1>, vector<16xi32>
      %gather3A_770 = tpu.vector_load_idx %arg5[%add3A_24, %broadcast_in_dim3A_625, %select_n3A_769] : memref<128x4x50xi32, #tpu.memory_space<vmem>>[vector<16xi32>, vector<16xi32>, vector<16xi32>], vector<16xi32>,
      %gather3A_771 = tpu.vector_load_idx %arg6[%broadcast_in_dim3A_625, %gather3A_770] : memref<4x10000xf32, #tpu.memory_space<vmem>>[vector<16xi32>, vector<16xi32>], vector<16xf32>,
      %add3A_772 = arith.addf %add3A_760, %gather3A_771 : vector<16xf32>
      %add3A_773 = arith.constant 1 : i32
      %add3A_774 = vector.broadcast %add3A_773 : i32 to vector<16xi32>
      %add3A_775 = arith.addi %select_n3A_769, %add3A_774 : vector<16xi32>
      %eq3A_776 = arith.constant 50 : i32
      %eq3A_777 = vector.broadcast %eq3A_776 : i32 to vector<16xi32>
      %eq3A_778 = arith.cmpi eq, %add3A_775, %eq3A_777 : vector<16xi32>
      %jit3A_779 = arith.constant 0 : i32
      %broadcast_in_dim3A_780 = vector.broadcast %jit3A_779 : i32 to vector<16xi32>
      %select_n3A_781 = arith.select %eq3A_778, %broadcast_in_dim3A_780, %add3A_775 : vector<16xi1>, vector<16xi32>
      %gather3A_782 = tpu.vector_load_idx %arg5[%add3A_24, %broadcast_in_dim3A_625, %select_n3A_781] : memref<128x4x50xi32, #tpu.memory_space<vmem>>[vector<16xi32>, vector<16xi32>, vector<16xi32>], vector<16xi32>,
      %gather3A_783 = tpu.vector_load_idx %arg6[%broadcast_in_dim3A_625, %gather3A_782] : memref<4x10000xf32, #tpu.memory_space<vmem>>[vector<16xi32>, vector<16xi32>], vector<16xf32>,
      %add3A_784 = arith.addf %add3A_772, %gather3A_783 : vector<16xf32>
      %add3A_785 = arith.constant 1 : i32
      %add3A_786 = vector.broadcast %add3A_785 : i32 to vector<16xi32>
      %add3A_787 = arith.addi %select_n3A_781, %add3A_786 : vector<16xi32>
      %eq3A_788 = arith.constant 50 : i32
      %eq3A_789 = vector.broadcast %eq3A_788 : i32 to vector<16xi32>
      %eq3A_790 = arith.cmpi eq, %add3A_787, %eq3A_789 : vector<16xi32>
      %jit3A_791 = arith.constant 0 : i32
      %broadcast_in_dim3A_792 = vector.broadcast %jit3A_791 : i32 to vector<16xi32>
      %select_n3A_793 = arith.select %eq3A_790, %broadcast_in_dim3A_792, %add3A_787 : vector<16xi1>, vector<16xi32>
      %gather3A_794 = tpu.vector_load_idx %arg5[%add3A_24, %broadcast_in_dim3A_625, %select_n3A_793] : memref<128x4x50xi32, #tpu.memory_space<vmem>>[vector<16xi32>, vector<16xi32>, vector<16xi32>], vector<16xi32>,
      %gather3A_795 = tpu.vector_load_idx %arg6[%broadcast_in_dim3A_625, %gather3A_794] : memref<4x10000xf32, #tpu.memory_space<vmem>>[vector<16xi32>, vector<16xi32>], vector<16xf32>,
      %add3A_796 = arith.addf %add3A_784, %gather3A_795 : vector<16xf32>
      %add3A_797 = arith.constant 1 : i32
      %add3A_798 = vector.broadcast %add3A_797 : i32 to vector<16xi32>
      %add3A_799 = arith.addi %select_n3A_793, %add3A_798 : vector<16xi32>
      %eq3A_800 = arith.constant 50 : i32
      %eq3A_801 = vector.broadcast %eq3A_800 : i32 to vector<16xi32>
      %eq3A_802 = arith.cmpi eq, %add3A_799, %eq3A_801 : vector<16xi32>
      %jit3A_803 = arith.constant 0 : i32
      %broadcast_in_dim3A_804 = vector.broadcast %jit3A_803 : i32 to vector<16xi32>
      %select_n3A_805 = arith.select %eq3A_802, %broadcast_in_dim3A_804, %add3A_799 : vector<16xi1>, vector<16xi32>
      %gather3A_806 = tpu.vector_load_idx %arg5[%add3A_24, %broadcast_in_dim3A_625, %select_n3A_805] : memref<128x4x50xi32, #tpu.memory_space<vmem>>[vector<16xi32>, vector<16xi32>, vector<16xi32>], vector<16xi32>,
      %gather3A_807 = tpu.vector_load_idx %arg6[%broadcast_in_dim3A_625, %gather3A_806] : memref<4x10000xf32, #tpu.memory_space<vmem>>[vector<16xi32>, vector<16xi32>], vector<16xf32>,
      %add3A_808 = arith.addf %add3A_796, %gather3A_807 : vector<16xf32>
      %add3A_809 = arith.constant 1 : i32
      %add3A_810 = vector.broadcast %add3A_809 : i32 to vector<16xi32>
      %add3A_811 = arith.addi %select_n3A_805, %add3A_810 : vector<16xi32>
      %eq3A_812 = arith.constant 50 : i32
      %eq3A_813 = vector.broadcast %eq3A_812 : i32 to vector<16xi32>
      %eq3A_814 = arith.cmpi eq, %add3A_811, %eq3A_813 : vector<16xi32>
      %jit3A_815 = arith.constant 0 : i32
      %broadcast_in_dim3A_816 = vector.broadcast %jit3A_815 : i32 to vector<16xi32>
      %select_n3A_817 = arith.select %eq3A_814, %broadcast_in_dim3A_816, %add3A_811 : vector<16xi1>, vector<16xi32>
      %gather3A_818 = tpu.vector_load_idx %arg5[%add3A_24, %broadcast_in_dim3A_625, %select_n3A_817] : memref<128x4x50xi32, #tpu.memory_space<vmem>>[vector<16xi32>, vector<16xi32>, vector<16xi32>], vector<16xi32>,
      %gather3A_819 = tpu.vector_load_idx %arg6[%broadcast_in_dim3A_625, %gather3A_818] : memref<4x10000xf32, #tpu.memory_space<vmem>>[vector<16xi32>, vector<16xi32>], vector<16xf32>,
      %add3A_820 = arith.addf %add3A_808, %gather3A_819 : vector<16xf32>
      %add3A_821 = arith.constant 1 : i32
      %add3A_822 = vector.broadcast %add3A_821 : i32 to vector<16xi32>
      %add3A_823 = arith.addi %select_n3A_817, %add3A_822 : vector<16xi32>
      %eq3A_824 = arith.constant 50 : i32
      %eq3A_825 = vector.broadcast %eq3A_824 : i32 to vector<16xi32>
      %eq3A_826 = arith.cmpi eq, %add3A_823, %eq3A_825 : vector<16xi32>
      %jit3A_827 = arith.constant 0 : i32
      %broadcast_in_dim3A_828 = vector.broadcast %jit3A_827 : i32 to vector<16xi32>
      %select_n3A_829 = arith.select %eq3A_826, %broadcast_in_dim3A_828, %add3A_823 : vector<16xi1>, vector<16xi32>
      %gather3A_830 = tpu.vector_load_idx %arg5[%add3A_24, %broadcast_in_dim3A_625, %select_n3A_829] : memref<128x4x50xi32, #tpu.memory_space<vmem>>[vector<16xi32>, vector<16xi32>, vector<16xi32>], vector<16xi32>,
      %gather3A_831 = tpu.vector_load_idx %arg6[%broadcast_in_dim3A_625, %gather3A_830] : memref<4x10000xf32, #tpu.memory_space<vmem>>[vector<16xi32>, vector<16xi32>], vector<16xf32>,
      %add3A_832 = arith.addf %add3A_820, %gather3A_831 : vector<16xf32>
      %add3A_833 = arith.constant 1 : i32
      %add3A_834 = vector.broadcast %add3A_833 : i32 to vector<16xi32>
      %add3A_835 = arith.addi %select_n3A_829, %add3A_834 : vector<16xi32>
      %eq3A_836 = arith.constant 50 : i32
      %eq3A_837 = vector.broadcast %eq3A_836 : i32 to vector<16xi32>
      %eq3A_838 = arith.cmpi eq, %add3A_835, %eq3A_837 : vector<16xi32>
      %jit3A_839 = arith.constant 0 : i32
      %broadcast_in_dim3A_840 = vector.broadcast %jit3A_839 : i32 to vector<16xi32>
      %select_n3A_841 = arith.select %eq3A_838, %broadcast_in_dim3A_840, %add3A_835 : vector<16xi1>, vector<16xi32>
      %gather3A_842 = tpu.vector_load_idx %arg5[%add3A_24, %broadcast_in_dim3A_625, %select_n3A_841] : memref<128x4x50xi32, #tpu.memory_space<vmem>>[vector<16xi32>, vector<16xi32>, vector<16xi32>], vector<16xi32>,
      %gather3A_843 = tpu.vector_load_idx %arg6[%broadcast_in_dim3A_625, %gather3A_842] : memref<4x10000xf32, #tpu.memory_space<vmem>>[vector<16xi32>, vector<16xi32>], vector<16xf32>,
      %add3A_844 = arith.addf %add3A_832, %gather3A_843 : vector<16xf32>
      %add3A_845 = arith.constant 1 : i32
      %add3A_846 = vector.broadcast %add3A_845 : i32 to vector<16xi32>
      %add3A_847 = arith.addi %select_n3A_841, %add3A_846 : vector<16xi32>
      %eq3A_848 = arith.constant 50 : i32
      %eq3A_849 = vector.broadcast %eq3A_848 : i32 to vector<16xi32>
      %eq3A_850 = arith.cmpi eq, %add3A_847, %eq3A_849 : vector<16xi32>
      %jit3A_851 = arith.constant 0 : i32
      %broadcast_in_dim3A_852 = vector.broadcast %jit3A_851 : i32 to vector<16xi32>
      %select_n3A_853 = arith.select %eq3A_850, %broadcast_in_dim3A_852, %add3A_847 : vector<16xi1>, vector<16xi32>
      %gather3A_854 = tpu.vector_load_idx %arg5[%add3A_24, %broadcast_in_dim3A_625, %select_n3A_853] : memref<128x4x50xi32, #tpu.memory_space<vmem>>[vector<16xi32>, vector<16xi32>, vector<16xi32>], vector<16xi32>,
      %gather3A_855 = tpu.vector_load_idx %arg6[%broadcast_in_dim3A_625, %gather3A_854] : memref<4x10000xf32, #tpu.memory_space<vmem>>[vector<16xi32>, vector<16xi32>], vector<16xf32>,
      %add3A_856 = arith.addf %add3A_844, %gather3A_855 : vector<16xf32>
      %add3A_857 = arith.constant 1 : i32
      %add3A_858 = vector.broadcast %add3A_857 : i32 to vector<16xi32>
      %add3A_859 = arith.addi %select_n3A_853, %add3A_858 : vector<16xi32>
      %eq3A_860 = arith.constant 50 : i32
      %eq3A_861 = vector.broadcast %eq3A_860 : i32 to vector<16xi32>
      %eq3A_862 = arith.cmpi eq, %add3A_859, %eq3A_861 : vector<16xi32>
      %jit3A_863 = arith.constant 0 : i32
      %broadcast_in_dim3A_864 = vector.broadcast %jit3A_863 : i32 to vector<16xi32>
      %select_n3A_865 = arith.select %eq3A_862, %broadcast_in_dim3A_864, %add3A_859 : vector<16xi1>, vector<16xi32>
      %gather3A_866 = tpu.vector_load_idx %arg5[%add3A_24, %broadcast_in_dim3A_625, %select_n3A_865] : memref<128x4x50xi32, #tpu.memory_space<vmem>>[vector<16xi32>, vector<16xi32>, vector<16xi32>], vector<16xi32>,
      %gather3A_867 = tpu.vector_load_idx %arg6[%broadcast_in_dim3A_625, %gather3A_866] : memref<4x10000xf32, #tpu.memory_space<vmem>>[vector<16xi32>, vector<16xi32>], vector<16xf32>,
      %add3A_868 = arith.addf %add3A_856, %gather3A_867 : vector<16xf32>
      %add3A_869 = arith.constant 1 : i32
      %add3A_870 = vector.broadcast %add3A_869 : i32 to vector<16xi32>
      %add3A_871 = arith.addi %select_n3A_865, %add3A_870 : vector<16xi32>
      %eq3A_872 = arith.constant 50 : i32
      %eq3A_873 = vector.broadcast %eq3A_872 : i32 to vector<16xi32>
      %eq3A_874 = arith.cmpi eq, %add3A_871, %eq3A_873 : vector<16xi32>
      %jit3A_875 = arith.constant 0 : i32
      %broadcast_in_dim3A_876 = vector.broadcast %jit3A_875 : i32 to vector<16xi32>
      %select_n3A_877 = arith.select %eq3A_874, %broadcast_in_dim3A_876, %add3A_871 : vector<16xi1>, vector<16xi32>
      %gather3A_878 = tpu.vector_load_idx %arg5[%add3A_24, %broadcast_in_dim3A_625, %select_n3A_877] : memref<128x4x50xi32, #tpu.memory_space<vmem>>[vector<16xi32>, vector<16xi32>, vector<16xi32>], vector<16xi32>,
      %gather3A_879 = tpu.vector_load_idx %arg6[%broadcast_in_dim3A_625, %gather3A_878] : memref<4x10000xf32, #tpu.memory_space<vmem>>[vector<16xi32>, vector<16xi32>], vector<16xf32>,
      %add3A_880 = arith.addf %add3A_868, %gather3A_879 : vector<16xf32>
      %add3A_881 = arith.constant 1 : i32
      %add3A_882 = vector.broadcast %add3A_881 : i32 to vector<16xi32>
      %add3A_883 = arith.addi %select_n3A_877, %add3A_882 : vector<16xi32>
      %eq3A_884 = arith.constant 50 : i32
      %eq3A_885 = vector.broadcast %eq3A_884 : i32 to vector<16xi32>
      %eq3A_886 = arith.cmpi eq, %add3A_883, %eq3A_885 : vector<16xi32>
      %jit3A_887 = arith.constant 0 : i32
      %broadcast_in_dim3A_888 = vector.broadcast %jit3A_887 : i32 to vector<16xi32>
      %select_n3A_889 = arith.select %eq3A_886, %broadcast_in_dim3A_888, %add3A_883 : vector<16xi1>, vector<16xi32>
      %gather3A_890 = tpu.vector_load_idx %arg5[%add3A_24, %broadcast_in_dim3A_625, %select_n3A_889] : memref<128x4x50xi32, #tpu.memory_space<vmem>>[vector<16xi32>, vector<16xi32>, vector<16xi32>], vector<16xi32>,
      %gather3A_891 = tpu.vector_load_idx %arg6[%broadcast_in_dim3A_625, %gather3A_890] : memref<4x10000xf32, #tpu.memory_space<vmem>>[vector<16xi32>, vector<16xi32>], vector<16xf32>,
      %add3A_892 = arith.addf %add3A_880, %gather3A_891 : vector<16xf32>
      %add3A_893 = arith.constant 1 : i32
      %add3A_894 = vector.broadcast %add3A_893 : i32 to vector<16xi32>
      %add3A_895 = arith.addi %select_n3A_889, %add3A_894 : vector<16xi32>
      %eq3A_896 = arith.constant 50 : i32
      %eq3A_897 = vector.broadcast %eq3A_896 : i32 to vector<16xi32>
      %eq3A_898 = arith.cmpi eq, %add3A_895, %eq3A_897 : vector<16xi32>
      %jit3A_899 = arith.constant 0 : i32
      %broadcast_in_dim3A_900 = vector.broadcast %jit3A_899 : i32 to vector<16xi32>
      %select_n3A_901 = arith.select %eq3A_898, %broadcast_in_dim3A_900, %add3A_895 : vector<16xi1>, vector<16xi32>
      %gather3A_902 = tpu.vector_load_idx %arg5[%add3A_24, %broadcast_in_dim3A_625, %select_n3A_901] : memref<128x4x50xi32, #tpu.memory_space<vmem>>[vector<16xi32>, vector<16xi32>, vector<16xi32>], vector<16xi32>,
      %gather3A_903 = tpu.vector_load_idx %arg6[%broadcast_in_dim3A_625, %gather3A_902] : memref<4x10000xf32, #tpu.memory_space<vmem>>[vector<16xi32>, vector<16xi32>], vector<16xf32>,
      %add3A_904 = arith.addf %add3A_892, %gather3A_903 : vector<16xf32>
      %add3A_905 = arith.constant 1 : i32
      %add3A_906 = vector.broadcast %add3A_905 : i32 to vector<16xi32>
      %add3A_907 = arith.addi %select_n3A_901, %add3A_906 : vector<16xi32>
      %eq3A_908 = arith.constant 50 : i32
      %eq3A_909 = vector.broadcast %eq3A_908 : i32 to vector<16xi32>
      %eq3A_910 = arith.cmpi eq, %add3A_907, %eq3A_909 : vector<16xi32>
      %jit3A_911 = arith.constant 0 : i32
      %broadcast_in_dim3A_912 = vector.broadcast %jit3A_911 : i32 to vector<16xi32>
      %select_n3A_913 = arith.select %eq3A_910, %broadcast_in_dim3A_912, %add3A_907 : vector<16xi1>, vector<16xi32>
      %gather3A_914 = tpu.vector_load_idx %arg5[%add3A_24, %broadcast_in_dim3A_625, %select_n3A_913] : memref<128x4x50xi32, #tpu.memory_space<vmem>>[vector<16xi32>, vector<16xi32>, vector<16xi32>], vector<16xi32>,
      %gather3A_915 = tpu.vector_load_idx %arg6[%broadcast_in_dim3A_625, %gather3A_914] : memref<4x10000xf32, #tpu.memory_space<vmem>>[vector<16xi32>, vector<16xi32>], vector<16xf32>,
      %add3A_916 = arith.addf %add3A_904, %gather3A_915 : vector<16xf32>
      %add3A_917 = arith.constant 1 : i32
      %add3A_918 = vector.broadcast %add3A_917 : i32 to vector<16xi32>
      %add3A_919 = arith.addi %select_n3A_913, %add3A_918 : vector<16xi32>
      %eq3A_920 = arith.constant 50 : i32
      %eq3A_921 = vector.broadcast %eq3A_920 : i32 to vector<16xi32>
      %eq3A_922 = arith.cmpi eq, %add3A_919, %eq3A_921 : vector<16xi32>
      %jit3A_923 = arith.constant 0 : i32
      %broadcast_in_dim3A_924 = vector.broadcast %jit3A_923 : i32 to vector<16xi32>
      %select_n3A_925 = arith.select %eq3A_922, %broadcast_in_dim3A_924, %add3A_919 : vector<16xi1>, vector<16xi32>
      %gather3A_926 = tpu.vector_load_idx %arg5[%add3A_24, %broadcast_in_dim3A_625, %select_n3A_925] : memref<128x4x50xi32, #tpu.memory_space<vmem>>[vector<16xi32>, vector<16xi32>, vector<16xi32>], vector<16xi32>,
      %gather3A_927 = tpu.vector_load_idx %arg6[%broadcast_in_dim3A_625, %gather3A_926] : memref<4x10000xf32, #tpu.memory_space<vmem>>[vector<16xi32>, vector<16xi32>], vector<16xf32>,
      %add3A_928 = arith.addf %add3A_916, %gather3A_927 : vector<16xf32>
      %add3A_929 = arith.constant 1 : i32
      %add3A_930 = vector.broadcast %add3A_929 : i32 to vector<16xi32>
      %add3A_931 = arith.addi %select_n3A_925, %add3A_930 : vector<16xi32>
      %eq3A_932 = arith.constant 50 : i32
      %eq3A_933 = vector.broadcast %eq3A_932 : i32 to vector<16xi32>
      %eq3A_934 = arith.cmpi eq, %add3A_931, %eq3A_933 : vector<16xi32>
      %jit3A_935 = arith.constant 0 : i32
      %broadcast_in_dim3A_936 = vector.broadcast %jit3A_935 : i32 to vector<16xi32>
      %select_n3A_937 = arith.select %eq3A_934, %broadcast_in_dim3A_936, %add3A_931 : vector<16xi1>, vector<16xi32>
      %gather3A_938 = tpu.vector_load_idx %arg5[%add3A_24, %broadcast_in_dim3A_625, %select_n3A_937] : memref<128x4x50xi32, #tpu.memory_space<vmem>>[vector<16xi32>, vector<16xi32>, vector<16xi32>], vector<16xi32>,
      %gather3A_939 = tpu.vector_load_idx %arg6[%broadcast_in_dim3A_625, %gather3A_938] : memref<4x10000xf32, #tpu.memory_space<vmem>>[vector<16xi32>, vector<16xi32>], vector<16xf32>,
      %add3A_940 = arith.addf %add3A_928, %gather3A_939 : vector<16xf32>
      %add3A_941 = arith.constant 1 : i32
      %add3A_942 = vector.broadcast %add3A_941 : i32 to vector<16xi32>
      %add3A_943 = arith.addi %select_n3A_937, %add3A_942 : vector<16xi32>
      %eq3A_944 = arith.constant 50 : i32
      %eq3A_945 = vector.broadcast %eq3A_944 : i32 to vector<16xi32>
      %eq3A_946 = arith.cmpi eq, %add3A_943, %eq3A_945 : vector<16xi32>
      %jit3A_947 = arith.constant 0 : i32
      %broadcast_in_dim3A_948 = vector.broadcast %jit3A_947 : i32 to vector<16xi32>
      %select_n3A_949 = arith.select %eq3A_946, %broadcast_in_dim3A_948, %add3A_943 : vector<16xi1>, vector<16xi32>
      %gather3A_950 = tpu.vector_load_idx %arg5[%add3A_24, %broadcast_in_dim3A_625, %select_n3A_949] : memref<128x4x50xi32, #tpu.memory_space<vmem>>[vector<16xi32>, vector<16xi32>, vector<16xi32>], vector<16xi32>,
      %gather3A_951 = tpu.vector_load_idx %arg6[%broadcast_in_dim3A_625, %gather3A_950] : memref<4x10000xf32, #tpu.memory_space<vmem>>[vector<16xi32>, vector<16xi32>], vector<16xf32>,
      %add3A_952 = arith.addf %add3A_940, %gather3A_951 : vector<16xf32>
      %add3A_953 = arith.constant 1 : i32
      %add3A_954 = vector.broadcast %add3A_953 : i32 to vector<16xi32>
      %add3A_955 = arith.addi %select_n3A_949, %add3A_954 : vector<16xi32>
      %eq3A_956 = arith.constant 50 : i32
      %eq3A_957 = vector.broadcast %eq3A_956 : i32 to vector<16xi32>
      %eq3A_958 = arith.cmpi eq, %add3A_955, %eq3A_957 : vector<16xi32>
      %jit3A_959 = arith.constant 0 : i32
      %broadcast_in_dim3A_960 = vector.broadcast %jit3A_959 : i32 to vector<16xi32>
      %select_n3A_961 = arith.select %eq3A_958, %broadcast_in_dim3A_960, %add3A_955 : vector<16xi1>, vector<16xi32>
      %gather3A_962 = tpu.vector_load_idx %arg5[%add3A_24, %broadcast_in_dim3A_625, %select_n3A_961] : memref<128x4x50xi32, #tpu.memory_space<vmem>>[vector<16xi32>, vector<16xi32>, vector<16xi32>], vector<16xi32>,
      %gather3A_963 = tpu.vector_load_idx %arg6[%broadcast_in_dim3A_625, %gather3A_962] : memref<4x10000xf32, #tpu.memory_space<vmem>>[vector<16xi32>, vector<16xi32>], vector<16xf32>,
      %add3A_964 = arith.addf %add3A_952, %gather3A_963 : vector<16xf32>
      %add3A_965 = arith.constant 1 : i32
      %add3A_966 = vector.broadcast %add3A_965 : i32 to vector<16xi32>
      %add3A_967 = arith.addi %select_n3A_961, %add3A_966 : vector<16xi32>
      %eq3A_968 = arith.constant 50 : i32
      %eq3A_969 = vector.broadcast %eq3A_968 : i32 to vector<16xi32>
      %eq3A_970 = arith.cmpi eq, %add3A_967, %eq3A_969 : vector<16xi32>
      %jit3A_971 = arith.constant 0 : i32
      %broadcast_in_dim3A_972 = vector.broadcast %jit3A_971 : i32 to vector<16xi32>
      %select_n3A_973 = arith.select %eq3A_970, %broadcast_in_dim3A_972, %add3A_967 : vector<16xi1>, vector<16xi32>
      %gather3A_974 = tpu.vector_load_idx %arg5[%add3A_24, %broadcast_in_dim3A_625, %select_n3A_973] : memref<128x4x50xi32, #tpu.memory_space<vmem>>[vector<16xi32>, vector<16xi32>, vector<16xi32>], vector<16xi32>,
      %gather3A_975 = tpu.vector_load_idx %arg6[%broadcast_in_dim3A_625, %gather3A_974] : memref<4x10000xf32, #tpu.memory_space<vmem>>[vector<16xi32>, vector<16xi32>], vector<16xf32>,
      %add3A_976 = arith.addf %add3A_964, %gather3A_975 : vector<16xf32>
      %add3A_977 = arith.constant 1 : i32
      %add3A_978 = vector.broadcast %add3A_977 : i32 to vector<16xi32>
      %add3A_979 = arith.addi %select_n3A_973, %add3A_978 : vector<16xi32>
      %eq3A_980 = arith.constant 50 : i32
      %eq3A_981 = vector.broadcast %eq3A_980 : i32 to vector<16xi32>
      %eq3A_982 = arith.cmpi eq, %add3A_979, %eq3A_981 : vector<16xi32>
      %jit3A_983 = arith.constant 0 : i32
      %broadcast_in_dim3A_984 = vector.broadcast %jit3A_983 : i32 to vector<16xi32>
      %select_n3A_985 = arith.select %eq3A_982, %broadcast_in_dim3A_984, %add3A_979 : vector<16xi1>, vector<16xi32>
      %gather3A_986 = tpu.vector_load_idx %arg5[%add3A_24, %broadcast_in_dim3A_625, %select_n3A_985] : memref<128x4x50xi32, #tpu.memory_space<vmem>>[vector<16xi32>, vector<16xi32>, vector<16xi32>], vector<16xi32>,
      %gather3A_987 = tpu.vector_load_idx %arg6[%broadcast_in_dim3A_625, %gather3A_986] : memref<4x10000xf32, #tpu.memory_space<vmem>>[vector<16xi32>, vector<16xi32>], vector<16xf32>,
      %add3A_988 = arith.addf %add3A_976, %gather3A_987 : vector<16xf32>
      %add3A_989 = arith.constant 1 : i32
      %add3A_990 = vector.broadcast %add3A_989 : i32 to vector<16xi32>
      %add3A_991 = arith.addi %select_n3A_985, %add3A_990 : vector<16xi32>
      %eq3A_992 = arith.constant 50 : i32
      %eq3A_993 = vector.broadcast %eq3A_992 : i32 to vector<16xi32>
      %eq3A_994 = arith.cmpi eq, %add3A_991, %eq3A_993 : vector<16xi32>
      %jit3A_995 = arith.constant 0 : i32
      %broadcast_in_dim3A_996 = vector.broadcast %jit3A_995 : i32 to vector<16xi32>
      %select_n3A_997 = arith.select %eq3A_994, %broadcast_in_dim3A_996, %add3A_991 : vector<16xi1>, vector<16xi32>
      %gather3A_998 = tpu.vector_load_idx %arg5[%add3A_24, %broadcast_in_dim3A_625, %select_n3A_997] : memref<128x4x50xi32, #tpu.memory_space<vmem>>[vector<16xi32>, vector<16xi32>, vector<16xi32>], vector<16xi32>,
      %gather3A_999 = tpu.vector_load_idx %arg6[%broadcast_in_dim3A_625, %gather3A_998] : memref<4x10000xf32, #tpu.memory_space<vmem>>[vector<16xi32>, vector<16xi32>], vector<16xf32>,
      %add3A_1000 = arith.addf %add3A_988, %gather3A_999 : vector<16xf32>
      %add3A_1001 = arith.constant 1 : i32
      %add3A_1002 = vector.broadcast %add3A_1001 : i32 to vector<16xi32>
      %add3A_1003 = arith.addi %select_n3A_997, %add3A_1002 : vector<16xi32>
      %eq3A_1004 = arith.constant 50 : i32
      %eq3A_1005 = vector.broadcast %eq3A_1004 : i32 to vector<16xi32>
      %eq3A_1006 = arith.cmpi eq, %add3A_1003, %eq3A_1005 : vector<16xi32>
      %jit3A_1007 = arith.constant 0 : i32
      %broadcast_in_dim3A_1008 = vector.broadcast %jit3A_1007 : i32 to vector<16xi32>
      %select_n3A_1009 = arith.select %eq3A_1006, %broadcast_in_dim3A_1008, %add3A_1003 : vector<16xi1>, vector<16xi32>
      %gather3A_1010 = tpu.vector_load_idx %arg5[%add3A_24, %broadcast_in_dim3A_625, %select_n3A_1009] : memref<128x4x50xi32, #tpu.memory_space<vmem>>[vector<16xi32>, vector<16xi32>, vector<16xi32>], vector<16xi32>,
      %gather3A_1011 = tpu.vector_load_idx %arg6[%broadcast_in_dim3A_625, %gather3A_1010] : memref<4x10000xf32, #tpu.memory_space<vmem>>[vector<16xi32>, vector<16xi32>], vector<16xf32>,
      %add3A_1012 = arith.addf %add3A_1000, %gather3A_1011 : vector<16xf32>
      %add3A_1013 = arith.constant 1 : i32
      %add3A_1014 = vector.broadcast %add3A_1013 : i32 to vector<16xi32>
      %add3A_1015 = arith.addi %select_n3A_1009, %add3A_1014 : vector<16xi32>
      %eq3A_1016 = arith.constant 50 : i32
      %eq3A_1017 = vector.broadcast %eq3A_1016 : i32 to vector<16xi32>
      %eq3A_1018 = arith.cmpi eq, %add3A_1015, %eq3A_1017 : vector<16xi32>
      %jit3A_1019 = arith.constant 0 : i32
      %broadcast_in_dim3A_1020 = vector.broadcast %jit3A_1019 : i32 to vector<16xi32>
      %select_n3A_1021 = arith.select %eq3A_1018, %broadcast_in_dim3A_1020, %add3A_1015 : vector<16xi1>, vector<16xi32>
      %gather3A_1022 = tpu.vector_load_idx %arg5[%add3A_24, %broadcast_in_dim3A_625, %select_n3A_1021] : memref<128x4x50xi32, #tpu.memory_space<vmem>>[vector<16xi32>, vector<16xi32>, vector<16xi32>], vector<16xi32>,
      %gather3A_1023 = tpu.vector_load_idx %arg6[%broadcast_in_dim3A_625, %gather3A_1022] : memref<4x10000xf32, #tpu.memory_space<vmem>>[vector<16xi32>, vector<16xi32>], vector<16xf32>,
      %add3A_1024 = arith.addf %add3A_1012, %gather3A_1023 : vector<16xf32>
      %add3A_1025 = arith.constant 1 : i32
      %add3A_1026 = vector.broadcast %add3A_1025 : i32 to vector<16xi32>
      %add3A_1027 = arith.addi %select_n3A_1021, %add3A_1026 : vector<16xi32>
      %eq3A_1028 = arith.constant 50 : i32
      %eq3A_1029 = vector.broadcast %eq3A_1028 : i32 to vector<16xi32>
      %eq3A_1030 = arith.cmpi eq, %add3A_1027, %eq3A_1029 : vector<16xi32>
      %jit3A_1031 = arith.constant 0 : i32
      %broadcast_in_dim3A_1032 = vector.broadcast %jit3A_1031 : i32 to vector<16xi32>
      %select_n3A_1033 = arith.select %eq3A_1030, %broadcast_in_dim3A_1032, %add3A_1027 : vector<16xi1>, vector<16xi32>
      %gather3A_1034 = tpu.vector_load_idx %arg5[%add3A_24, %broadcast_in_dim3A_625, %select_n3A_1033] : memref<128x4x50xi32, #tpu.memory_space<vmem>>[vector<16xi32>, vector<16xi32>, vector<16xi32>], vector<16xi32>,
      %gather3A_1035 = tpu.vector_load_idx %arg6[%broadcast_in_dim3A_625, %gather3A_1034] : memref<4x10000xf32, #tpu.memory_space<vmem>>[vector<16xi32>, vector<16xi32>], vector<16xf32>,
      %add3A_1036 = arith.addf %add3A_1024, %gather3A_1035 : vector<16xf32>
      %add3A_1037 = arith.constant 1 : i32
      %add3A_1038 = vector.broadcast %add3A_1037 : i32 to vector<16xi32>
      %add3A_1039 = arith.addi %select_n3A_1033, %add3A_1038 : vector<16xi32>
      %eq3A_1040 = arith.constant 50 : i32
      %eq3A_1041 = vector.broadcast %eq3A_1040 : i32 to vector<16xi32>
      %eq3A_1042 = arith.cmpi eq, %add3A_1039, %eq3A_1041 : vector<16xi32>
      %jit3A_1043 = arith.constant 0 : i32
      %broadcast_in_dim3A_1044 = vector.broadcast %jit3A_1043 : i32 to vector<16xi32>
      %select_n3A_1045 = arith.select %eq3A_1042, %broadcast_in_dim3A_1044, %add3A_1039 : vector<16xi1>, vector<16xi32>
      %gather3A_1046 = tpu.vector_load_idx %arg5[%add3A_24, %broadcast_in_dim3A_625, %select_n3A_1045] : memref<128x4x50xi32, #tpu.memory_space<vmem>>[vector<16xi32>, vector<16xi32>, vector<16xi32>], vector<16xi32>,
      %gather3A_1047 = tpu.vector_load_idx %arg6[%broadcast_in_dim3A_625, %gather3A_1046] : memref<4x10000xf32, #tpu.memory_space<vmem>>[vector<16xi32>, vector<16xi32>], vector<16xf32>,
      %add3A_1048 = arith.addf %add3A_1036, %gather3A_1047 : vector<16xf32>
      %add3A_1049 = arith.constant 1 : i32
      %add3A_1050 = vector.broadcast %add3A_1049 : i32 to vector<16xi32>
      %add3A_1051 = arith.addi %select_n3A_1045, %add3A_1050 : vector<16xi32>
      %eq3A_1052 = arith.constant 50 : i32
      %eq3A_1053 = vector.broadcast %eq3A_1052 : i32 to vector<16xi32>
      %eq3A_1054 = arith.cmpi eq, %add3A_1051, %eq3A_1053 : vector<16xi32>
      %jit3A_1055 = arith.constant 0 : i32
      %broadcast_in_dim3A_1056 = vector.broadcast %jit3A_1055 : i32 to vector<16xi32>
      %select_n3A_1057 = arith.select %eq3A_1054, %broadcast_in_dim3A_1056, %add3A_1051 : vector<16xi1>, vector<16xi32>
      %gather3A_1058 = tpu.vector_load_idx %arg5[%add3A_24, %broadcast_in_dim3A_625, %select_n3A_1057] : memref<128x4x50xi32, #tpu.memory_space<vmem>>[vector<16xi32>, vector<16xi32>, vector<16xi32>], vector<16xi32>,
      %gather3A_1059 = tpu.vector_load_idx %arg6[%broadcast_in_dim3A_625, %gather3A_1058] : memref<4x10000xf32, #tpu.memory_space<vmem>>[vector<16xi32>, vector<16xi32>], vector<16xf32>,
      %add3A_1060 = arith.addf %add3A_1048, %gather3A_1059 : vector<16xf32>
      %add3A_1061 = arith.constant 1 : i32
      %add3A_1062 = vector.broadcast %add3A_1061 : i32 to vector<16xi32>
      %add3A_1063 = arith.addi %select_n3A_1057, %add3A_1062 : vector<16xi32>
      %eq3A_1064 = arith.constant 50 : i32
      %eq3A_1065 = vector.broadcast %eq3A_1064 : i32 to vector<16xi32>
      %eq3A_1066 = arith.cmpi eq, %add3A_1063, %eq3A_1065 : vector<16xi32>
      %jit3A_1067 = arith.constant 0 : i32
      %broadcast_in_dim3A_1068 = vector.broadcast %jit3A_1067 : i32 to vector<16xi32>
      %select_n3A_1069 = arith.select %eq3A_1066, %broadcast_in_dim3A_1068, %add3A_1063 : vector<16xi1>, vector<16xi32>
      %gather3A_1070 = tpu.vector_load_idx %arg5[%add3A_24, %broadcast_in_dim3A_625, %select_n3A_1069] : memref<128x4x50xi32, #tpu.memory_space<vmem>>[vector<16xi32>, vector<16xi32>, vector<16xi32>], vector<16xi32>,
      %gather3A_1071 = tpu.vector_load_idx %arg6[%broadcast_in_dim3A_625, %gather3A_1070] : memref<4x10000xf32, #tpu.memory_space<vmem>>[vector<16xi32>, vector<16xi32>], vector<16xf32>,
      %add3A_1072 = arith.addf %add3A_1060, %gather3A_1071 : vector<16xf32>
      %add3A_1073 = arith.constant 1 : i32
      %add3A_1074 = vector.broadcast %add3A_1073 : i32 to vector<16xi32>
      %add3A_1075 = arith.addi %select_n3A_1069, %add3A_1074 : vector<16xi32>
      %eq3A_1076 = arith.constant 50 : i32
      %eq3A_1077 = vector.broadcast %eq3A_1076 : i32 to vector<16xi32>
      %eq3A_1078 = arith.cmpi eq, %add3A_1075, %eq3A_1077 : vector<16xi32>
      %jit3A_1079 = arith.constant 0 : i32
      %broadcast_in_dim3A_1080 = vector.broadcast %jit3A_1079 : i32 to vector<16xi32>
      %select_n3A_1081 = arith.select %eq3A_1078, %broadcast_in_dim3A_1080, %add3A_1075 : vector<16xi1>, vector<16xi32>
      %gather3A_1082 = tpu.vector_load_idx %arg5[%add3A_24, %broadcast_in_dim3A_625, %select_n3A_1081] : memref<128x4x50xi32, #tpu.memory_space<vmem>>[vector<16xi32>, vector<16xi32>, vector<16xi32>], vector<16xi32>,
      %gather3A_1083 = tpu.vector_load_idx %arg6[%broadcast_in_dim3A_625, %gather3A_1082] : memref<4x10000xf32, #tpu.memory_space<vmem>>[vector<16xi32>, vector<16xi32>], vector<16xf32>,
      %add3A_1084 = arith.addf %add3A_1072, %gather3A_1083 : vector<16xf32>
      %add3A_1085 = arith.constant 1 : i32
      %add3A_1086 = vector.broadcast %add3A_1085 : i32 to vector<16xi32>
      %add3A_1087 = arith.addi %select_n3A_1081, %add3A_1086 : vector<16xi32>
      %eq3A_1088 = arith.constant 50 : i32
      %eq3A_1089 = vector.broadcast %eq3A_1088 : i32 to vector<16xi32>
      %eq3A_1090 = arith.cmpi eq, %add3A_1087, %eq3A_1089 : vector<16xi32>
      %jit3A_1091 = arith.constant 0 : i32
      %broadcast_in_dim3A_1092 = vector.broadcast %jit3A_1091 : i32 to vector<16xi32>
      %select_n3A_1093 = arith.select %eq3A_1090, %broadcast_in_dim3A_1092, %add3A_1087 : vector<16xi1>, vector<16xi32>
      %gather3A_1094 = tpu.vector_load_idx %arg5[%add3A_24, %broadcast_in_dim3A_625, %select_n3A_1093] : memref<128x4x50xi32, #tpu.memory_space<vmem>>[vector<16xi32>, vector<16xi32>, vector<16xi32>], vector<16xi32>,
      %gather3A_1095 = tpu.vector_load_idx %arg6[%broadcast_in_dim3A_625, %gather3A_1094] : memref<4x10000xf32, #tpu.memory_space<vmem>>[vector<16xi32>, vector<16xi32>], vector<16xf32>,
      %add3A_1096 = arith.addf %add3A_1084, %gather3A_1095 : vector<16xf32>
      %add3A_1097 = arith.constant 1 : i32
      %add3A_1098 = vector.broadcast %add3A_1097 : i32 to vector<16xi32>
      %add3A_1099 = arith.addi %select_n3A_1093, %add3A_1098 : vector<16xi32>
      %eq3A_1100 = arith.constant 50 : i32
      %eq3A_1101 = vector.broadcast %eq3A_1100 : i32 to vector<16xi32>
      %eq3A_1102 = arith.cmpi eq, %add3A_1099, %eq3A_1101 : vector<16xi32>
      %jit3A_1103 = arith.constant 0 : i32
      %broadcast_in_dim3A_1104 = vector.broadcast %jit3A_1103 : i32 to vector<16xi32>
      %select_n3A_1105 = arith.select %eq3A_1102, %broadcast_in_dim3A_1104, %add3A_1099 : vector<16xi1>, vector<16xi32>
      %gather3A_1106 = tpu.vector_load_idx %arg5[%add3A_24, %broadcast_in_dim3A_625, %select_n3A_1105] : memref<128x4x50xi32, #tpu.memory_space<vmem>>[vector<16xi32>, vector<16xi32>, vector<16xi32>], vector<16xi32>,
      %gather3A_1107 = tpu.vector_load_idx %arg6[%broadcast_in_dim3A_625, %gather3A_1106] : memref<4x10000xf32, #tpu.memory_space<vmem>>[vector<16xi32>, vector<16xi32>], vector<16xf32>,
      %add3A_1108 = arith.addf %add3A_1096, %gather3A_1107 : vector<16xf32>
      %add3A_1109 = arith.constant 1 : i32
      %add3A_1110 = vector.broadcast %add3A_1109 : i32 to vector<16xi32>
      %add3A_1111 = arith.addi %select_n3A_1105, %add3A_1110 : vector<16xi32>
      %eq3A_1112 = arith.constant 50 : i32
      %eq3A_1113 = vector.broadcast %eq3A_1112 : i32 to vector<16xi32>
      %eq3A_1114 = arith.cmpi eq, %add3A_1111, %eq3A_1113 : vector<16xi32>
      %jit3A_1115 = arith.constant 0 : i32
      %broadcast_in_dim3A_1116 = vector.broadcast %jit3A_1115 : i32 to vector<16xi32>
      %select_n3A_1117 = arith.select %eq3A_1114, %broadcast_in_dim3A_1116, %add3A_1111 : vector<16xi1>, vector<16xi32>
      %gather3A_1118 = tpu.vector_load_idx %arg5[%add3A_24, %broadcast_in_dim3A_625, %select_n3A_1117] : memref<128x4x50xi32, #tpu.memory_space<vmem>>[vector<16xi32>, vector<16xi32>, vector<16xi32>], vector<16xi32>,
      %gather3A_1119 = tpu.vector_load_idx %arg6[%broadcast_in_dim3A_625, %gather3A_1118] : memref<4x10000xf32, #tpu.memory_space<vmem>>[vector<16xi32>, vector<16xi32>], vector<16xf32>,
      %add3A_1120 = arith.addf %add3A_1108, %gather3A_1119 : vector<16xf32>
      %add3A_1121 = arith.constant 1 : i32
      %add3A_1122 = vector.broadcast %add3A_1121 : i32 to vector<16xi32>
      %add3A_1123 = arith.addi %select_n3A_1117, %add3A_1122 : vector<16xi32>
      %eq3A_1124 = arith.constant 50 : i32
      %eq3A_1125 = vector.broadcast %eq3A_1124 : i32 to vector<16xi32>
      %eq3A_1126 = arith.cmpi eq, %add3A_1123, %eq3A_1125 : vector<16xi32>
      %jit3A_1127 = arith.constant 0 : i32
      %broadcast_in_dim3A_1128 = vector.broadcast %jit3A_1127 : i32 to vector<16xi32>
      %select_n3A_1129 = arith.select %eq3A_1126, %broadcast_in_dim3A_1128, %add3A_1123 : vector<16xi1>, vector<16xi32>
      %gather3A_1130 = tpu.vector_load_idx %arg5[%add3A_24, %broadcast_in_dim3A_625, %select_n3A_1129] : memref<128x4x50xi32, #tpu.memory_space<vmem>>[vector<16xi32>, vector<16xi32>, vector<16xi32>], vector<16xi32>,
      %gather3A_1131 = tpu.vector_load_idx %arg6[%broadcast_in_dim3A_625, %gather3A_1130] : memref<4x10000xf32, #tpu.memory_space<vmem>>[vector<16xi32>, vector<16xi32>], vector<16xf32>,
      %add3A_1132 = arith.addf %add3A_1120, %gather3A_1131 : vector<16xf32>
      %add3A_1133 = arith.constant 1 : i32
      %add3A_1134 = vector.broadcast %add3A_1133 : i32 to vector<16xi32>
      %add3A_1135 = arith.addi %select_n3A_1129, %add3A_1134 : vector<16xi32>
      %eq3A_1136 = arith.constant 50 : i32
      %eq3A_1137 = vector.broadcast %eq3A_1136 : i32 to vector<16xi32>
      %eq3A_1138 = arith.cmpi eq, %add3A_1135, %eq3A_1137 : vector<16xi32>
      %jit3A_1139 = arith.constant 0 : i32
      %broadcast_in_dim3A_1140 = vector.broadcast %jit3A_1139 : i32 to vector<16xi32>
      %select_n3A_1141 = arith.select %eq3A_1138, %broadcast_in_dim3A_1140, %add3A_1135 : vector<16xi1>, vector<16xi32>
      %gather3A_1142 = tpu.vector_load_idx %arg5[%add3A_24, %broadcast_in_dim3A_625, %select_n3A_1141] : memref<128x4x50xi32, #tpu.memory_space<vmem>>[vector<16xi32>, vector<16xi32>, vector<16xi32>], vector<16xi32>,
      %gather3A_1143 = tpu.vector_load_idx %arg6[%broadcast_in_dim3A_625, %gather3A_1142] : memref<4x10000xf32, #tpu.memory_space<vmem>>[vector<16xi32>, vector<16xi32>], vector<16xf32>,
      %add3A_1144 = arith.addf %add3A_1132, %gather3A_1143 : vector<16xf32>
      %add3A_1145 = arith.constant 1 : i32
      %add3A_1146 = vector.broadcast %add3A_1145 : i32 to vector<16xi32>
      %add3A_1147 = arith.addi %select_n3A_1141, %add3A_1146 : vector<16xi32>
      %eq3A_1148 = arith.constant 50 : i32
      %eq3A_1149 = vector.broadcast %eq3A_1148 : i32 to vector<16xi32>
      %eq3A_1150 = arith.cmpi eq, %add3A_1147, %eq3A_1149 : vector<16xi32>
      %jit3A_1151 = arith.constant 0 : i32
      %broadcast_in_dim3A_1152 = vector.broadcast %jit3A_1151 : i32 to vector<16xi32>
      %select_n3A_1153 = arith.select %eq3A_1150, %broadcast_in_dim3A_1152, %add3A_1147 : vector<16xi1>, vector<16xi32>
      %gather3A_1154 = tpu.vector_load_idx %arg5[%add3A_24, %broadcast_in_dim3A_625, %select_n3A_1153] : memref<128x4x50xi32, #tpu.memory_space<vmem>>[vector<16xi32>, vector<16xi32>, vector<16xi32>], vector<16xi32>,
      %gather3A_1155 = tpu.vector_load_idx %arg6[%broadcast_in_dim3A_625, %gather3A_1154] : memref<4x10000xf32, #tpu.memory_space<vmem>>[vector<16xi32>, vector<16xi32>], vector<16xf32>,
      %add3A_1156 = arith.addf %add3A_1144, %gather3A_1155 : vector<16xf32>
      %add3A_1157 = arith.constant 1 : i32
      %add3A_1158 = vector.broadcast %add3A_1157 : i32 to vector<16xi32>
      %add3A_1159 = arith.addi %select_n3A_1153, %add3A_1158 : vector<16xi32>
      %eq3A_1160 = arith.constant 50 : i32
      %eq3A_1161 = vector.broadcast %eq3A_1160 : i32 to vector<16xi32>
      %eq3A_1162 = arith.cmpi eq, %add3A_1159, %eq3A_1161 : vector<16xi32>
      %jit3A_1163 = arith.constant 0 : i32
      %broadcast_in_dim3A_1164 = vector.broadcast %jit3A_1163 : i32 to vector<16xi32>
      %select_n3A_1165 = arith.select %eq3A_1162, %broadcast_in_dim3A_1164, %add3A_1159 : vector<16xi1>, vector<16xi32>
      %gather3A_1166 = tpu.vector_load_idx %arg5[%add3A_24, %broadcast_in_dim3A_625, %select_n3A_1165] : memref<128x4x50xi32, #tpu.memory_space<vmem>>[vector<16xi32>, vector<16xi32>, vector<16xi32>], vector<16xi32>,
      %gather3A_1167 = tpu.vector_load_idx %arg6[%broadcast_in_dim3A_625, %gather3A_1166] : memref<4x10000xf32, #tpu.memory_space<vmem>>[vector<16xi32>, vector<16xi32>], vector<16xf32>,
      %add3A_1168 = arith.addf %add3A_1156, %gather3A_1167 : vector<16xf32>
      %add3A_1169 = arith.constant 1 : i32
      %add3A_1170 = vector.broadcast %add3A_1169 : i32 to vector<16xi32>
      %add3A_1171 = arith.addi %select_n3A_1165, %add3A_1170 : vector<16xi32>
      %eq3A_1172 = arith.constant 50 : i32
      %eq3A_1173 = vector.broadcast %eq3A_1172 : i32 to vector<16xi32>
      %eq3A_1174 = arith.cmpi eq, %add3A_1171, %eq3A_1173 : vector<16xi32>
      %jit3A_1175 = arith.constant 0 : i32
      %broadcast_in_dim3A_1176 = vector.broadcast %jit3A_1175 : i32 to vector<16xi32>
      %select_n3A_1177 = arith.select %eq3A_1174, %broadcast_in_dim3A_1176, %add3A_1171 : vector<16xi1>, vector<16xi32>
      %gather3A_1178 = tpu.vector_load_idx %arg5[%add3A_24, %broadcast_in_dim3A_625, %select_n3A_1177] : memref<128x4x50xi32, #tpu.memory_space<vmem>>[vector<16xi32>, vector<16xi32>, vector<16xi32>], vector<16xi32>,
      %gather3A_1179 = tpu.vector_load_idx %arg6[%broadcast_in_dim3A_625, %gather3A_1178] : memref<4x10000xf32, #tpu.memory_space<vmem>>[vector<16xi32>, vector<16xi32>], vector<16xf32>,
      %add3A_1180 = arith.addf %add3A_1168, %gather3A_1179 : vector<16xf32>
      %add3A_1181 = arith.constant 1 : i32
      %add3A_1182 = vector.broadcast %add3A_1181 : i32 to vector<16xi32>
      %add3A_1183 = arith.addi %select_n3A_1177, %add3A_1182 : vector<16xi32>
      %eq3A_1184 = arith.constant 50 : i32
      %eq3A_1185 = vector.broadcast %eq3A_1184 : i32 to vector<16xi32>
      %eq3A_1186 = arith.cmpi eq, %add3A_1183, %eq3A_1185 : vector<16xi32>
      %jit3A_1187 = arith.constant 0 : i32
      %broadcast_in_dim3A_1188 = vector.broadcast %jit3A_1187 : i32 to vector<16xi32>
      %select_n3A_1189 = arith.select %eq3A_1186, %broadcast_in_dim3A_1188, %add3A_1183 : vector<16xi1>, vector<16xi32>
      %gather3A_1190 = tpu.vector_load_idx %arg5[%add3A_24, %broadcast_in_dim3A_625, %select_n3A_1189] : memref<128x4x50xi32, #tpu.memory_space<vmem>>[vector<16xi32>, vector<16xi32>, vector<16xi32>], vector<16xi32>,
      %gather3A_1191 = tpu.vector_load_idx %arg6[%broadcast_in_dim3A_625, %gather3A_1190] : memref<4x10000xf32, #tpu.memory_space<vmem>>[vector<16xi32>, vector<16xi32>], vector<16xf32>,
      %add3A_1192 = arith.addf %add3A_1180, %gather3A_1191 : vector<16xf32>
      %add3A_1193 = arith.constant 1 : i32
      %add3A_1194 = vector.broadcast %add3A_1193 : i32 to vector<16xi32>
      %add3A_1195 = arith.addi %select_n3A_1189, %add3A_1194 : vector<16xi32>
      %eq3A_1196 = arith.constant 50 : i32
      %eq3A_1197 = vector.broadcast %eq3A_1196 : i32 to vector<16xi32>
      %eq3A_1198 = arith.cmpi eq, %add3A_1195, %eq3A_1197 : vector<16xi32>
      %jit3A_1199 = arith.constant 0 : i32
      %broadcast_in_dim3A_1200 = vector.broadcast %jit3A_1199 : i32 to vector<16xi32>
      %select_n3A_1201 = arith.select %eq3A_1198, %broadcast_in_dim3A_1200, %add3A_1195 : vector<16xi1>, vector<16xi32>
      %gather3A_1202 = tpu.vector_load_idx %arg5[%add3A_24, %broadcast_in_dim3A_625, %select_n3A_1201] : memref<128x4x50xi32, #tpu.memory_space<vmem>>[vector<16xi32>, vector<16xi32>, vector<16xi32>], vector<16xi32>,
      %gather3A_1203 = tpu.vector_load_idx %arg6[%broadcast_in_dim3A_625, %gather3A_1202] : memref<4x10000xf32, #tpu.memory_space<vmem>>[vector<16xi32>, vector<16xi32>], vector<16xf32>,
      %add3A_1204 = arith.addf %add3A_1192, %gather3A_1203 : vector<16xf32>
      %add3A_1205 = arith.constant 1 : i32
      %add3A_1206 = vector.broadcast %add3A_1205 : i32 to vector<16xi32>
      %add3A_1207 = arith.addi %select_n3A_1201, %add3A_1206 : vector<16xi32>
      %eq3A_1208 = arith.constant 50 : i32
      %eq3A_1209 = vector.broadcast %eq3A_1208 : i32 to vector<16xi32>
      %eq3A_1210 = arith.cmpi eq, %add3A_1207, %eq3A_1209 : vector<16xi32>
      %jit3A_1211 = arith.constant 0 : i32
      %broadcast_in_dim3A_1212 = vector.broadcast %jit3A_1211 : i32 to vector<16xi32>
      %select_n3A_1213 = arith.select %eq3A_1210, %broadcast_in_dim3A_1212, %add3A_1207 : vector<16xi1>, vector<16xi32>
      %gather3A_1214 = tpu.vector_load_idx %arg5[%add3A_24, %broadcast_in_dim3A_625, %select_n3A_1213] : memref<128x4x50xi32, #tpu.memory_space<vmem>>[vector<16xi32>, vector<16xi32>, vector<16xi32>], vector<16xi32>,
      %gather3A_1215 = tpu.vector_load_idx %arg6[%broadcast_in_dim3A_625, %gather3A_1214] : memref<4x10000xf32, #tpu.memory_space<vmem>>[vector<16xi32>, vector<16xi32>], vector<16xf32>,
      %add3A_1216 = arith.addf %add3A_1204, %gather3A_1215 : vector<16xf32>
      %add3A_1217 = arith.constant 1 : i32
      %add3A_1218 = vector.broadcast %add3A_1217 : i32 to vector<16xi32>
      %add3A_1219 = arith.addi %select_n3A_1213, %add3A_1218 : vector<16xi32>
      %eq3A_1220 = arith.constant 50 : i32
      %eq3A_1221 = vector.broadcast %eq3A_1220 : i32 to vector<16xi32>
      %eq3A_1222 = arith.cmpi eq, %add3A_1219, %eq3A_1221 : vector<16xi32>
      %jit3A_1223 = arith.constant 0 : i32
      %broadcast_in_dim3A_1224 = vector.broadcast %jit3A_1223 : i32 to vector<16xi32>
      %select_n3A_1225 = arith.select %eq3A_1222, %broadcast_in_dim3A_1224, %add3A_1219 : vector<16xi1>, vector<16xi32>
      %broadcast_in_dim3A_1226 = arith.constant 2 : i32
      %broadcast_in_dim3A_1227 = vector.broadcast %broadcast_in_dim3A_1226 : i32 to vector<16xi32>
      %gather3A_1228 = tpu.vector_load_idx %arg5[%add3A_24, %broadcast_in_dim3A_1227, %iota3A] : memref<128x4x50xi32, #tpu.memory_space<vmem>>[vector<16xi32>, vector<16xi32>, vector<16xi32>], vector<16xi32>,
      %gather3A_1229 = tpu.vector_load_idx %arg6[%broadcast_in_dim3A_1227, %gather3A_1228] : memref<4x10000xf32, #tpu.memory_space<vmem>>[vector<16xi32>, vector<16xi32>], vector<16xf32>,
      %add3A_1230 = arith.addf %add3A_1216, %gather3A_1229 : vector<16xf32>
      %add3A_1231 = arith.constant 1 : i32
      %add3A_1232 = vector.broadcast %add3A_1231 : i32 to vector<16xi32>
      %add3A_1233 = arith.addi %iota3A, %add3A_1232 : vector<16xi32>
      %eq3A_1234 = arith.constant 50 : i32
      %eq3A_1235 = vector.broadcast %eq3A_1234 : i32 to vector<16xi32>
      %eq3A_1236 = arith.cmpi eq, %add3A_1233, %eq3A_1235 : vector<16xi32>
      %jit3A_1237 = arith.constant 0 : i32
      %broadcast_in_dim3A_1238 = vector.broadcast %jit3A_1237 : i32 to vector<16xi32>
      %select_n3A_1239 = arith.select %eq3A_1236, %broadcast_in_dim3A_1238, %add3A_1233 : vector<16xi1>, vector<16xi32>
      %gather3A_1240 = tpu.vector_load_idx %arg5[%add3A_24, %broadcast_in_dim3A_1227, %select_n3A_1239] : memref<128x4x50xi32, #tpu.memory_space<vmem>>[vector<16xi32>, vector<16xi32>, vector<16xi32>], vector<16xi32>,
      %gather3A_1241 = tpu.vector_load_idx %arg6[%broadcast_in_dim3A_1227, %gather3A_1240] : memref<4x10000xf32, #tpu.memory_space<vmem>>[vector<16xi32>, vector<16xi32>], vector<16xf32>,
      %add3A_1242 = arith.addf %add3A_1230, %gather3A_1241 : vector<16xf32>
      %add3A_1243 = arith.constant 1 : i32
      %add3A_1244 = vector.broadcast %add3A_1243 : i32 to vector<16xi32>
      %add3A_1245 = arith.addi %select_n3A_1239, %add3A_1244 : vector<16xi32>
      %eq3A_1246 = arith.constant 50 : i32
      %eq3A_1247 = vector.broadcast %eq3A_1246 : i32 to vector<16xi32>
      %eq3A_1248 = arith.cmpi eq, %add3A_1245, %eq3A_1247 : vector<16xi32>
      %jit3A_1249 = arith.constant 0 : i32
      %broadcast_in_dim3A_1250 = vector.broadcast %jit3A_1249 : i32 to vector<16xi32>
      %select_n3A_1251 = arith.select %eq3A_1248, %broadcast_in_dim3A_1250, %add3A_1245 : vector<16xi1>, vector<16xi32>
      %gather3A_1252 = tpu.vector_load_idx %arg5[%add3A_24, %broadcast_in_dim3A_1227, %select_n3A_1251] : memref<128x4x50xi32, #tpu.memory_space<vmem>>[vector<16xi32>, vector<16xi32>, vector<16xi32>], vector<16xi32>,
      %gather3A_1253 = tpu.vector_load_idx %arg6[%broadcast_in_dim3A_1227, %gather3A_1252] : memref<4x10000xf32, #tpu.memory_space<vmem>>[vector<16xi32>, vector<16xi32>], vector<16xf32>,
      %add3A_1254 = arith.addf %add3A_1242, %gather3A_1253 : vector<16xf32>
      %add3A_1255 = arith.constant 1 : i32
      %add3A_1256 = vector.broadcast %add3A_1255 : i32 to vector<16xi32>
      %add3A_1257 = arith.addi %select_n3A_1251, %add3A_1256 : vector<16xi32>
      %eq3A_1258 = arith.constant 50 : i32
      %eq3A_1259 = vector.broadcast %eq3A_1258 : i32 to vector<16xi32>
      %eq3A_1260 = arith.cmpi eq, %add3A_1257, %eq3A_1259 : vector<16xi32>
      %jit3A_1261 = arith.constant 0 : i32
      %broadcast_in_dim3A_1262 = vector.broadcast %jit3A_1261 : i32 to vector<16xi32>
      %select_n3A_1263 = arith.select %eq3A_1260, %broadcast_in_dim3A_1262, %add3A_1257 : vector<16xi1>, vector<16xi32>
      %gather3A_1264 = tpu.vector_load_idx %arg5[%add3A_24, %broadcast_in_dim3A_1227, %select_n3A_1263] : memref<128x4x50xi32, #tpu.memory_space<vmem>>[vector<16xi32>, vector<16xi32>, vector<16xi32>], vector<16xi32>,
      %gather3A_1265 = tpu.vector_load_idx %arg6[%broadcast_in_dim3A_1227, %gather3A_1264] : memref<4x10000xf32, #tpu.memory_space<vmem>>[vector<16xi32>, vector<16xi32>], vector<16xf32>,
      %add3A_1266 = arith.addf %add3A_1254, %gather3A_1265 : vector<16xf32>
      %add3A_1267 = arith.constant 1 : i32
      %add3A_1268 = vector.broadcast %add3A_1267 : i32 to vector<16xi32>
      %add3A_1269 = arith.addi %select_n3A_1263, %add3A_1268 : vector<16xi32>
      %eq3A_1270 = arith.constant 50 : i32
      %eq3A_1271 = vector.broadcast %eq3A_1270 : i32 to vector<16xi32>
      %eq3A_1272 = arith.cmpi eq, %add3A_1269, %eq3A_1271 : vector<16xi32>
      %jit3A_1273 = arith.constant 0 : i32
      %broadcast_in_dim3A_1274 = vector.broadcast %jit3A_1273 : i32 to vector<16xi32>
      %select_n3A_1275 = arith.select %eq3A_1272, %broadcast_in_dim3A_1274, %add3A_1269 : vector<16xi1>, vector<16xi32>
      %gather3A_1276 = tpu.vector_load_idx %arg5[%add3A_24, %broadcast_in_dim3A_1227, %select_n3A_1275] : memref<128x4x50xi32, #tpu.memory_space<vmem>>[vector<16xi32>, vector<16xi32>, vector<16xi32>], vector<16xi32>,
      %gather3A_1277 = tpu.vector_load_idx %arg6[%broadcast_in_dim3A_1227, %gather3A_1276] : memref<4x10000xf32, #tpu.memory_space<vmem>>[vector<16xi32>, vector<16xi32>], vector<16xf32>,
      %add3A_1278 = arith.addf %add3A_1266, %gather3A_1277 : vector<16xf32>
      %add3A_1279 = arith.constant 1 : i32
      %add3A_1280 = vector.broadcast %add3A_1279 : i32 to vector<16xi32>
      %add3A_1281 = arith.addi %select_n3A_1275, %add3A_1280 : vector<16xi32>
      %eq3A_1282 = arith.constant 50 : i32
      %eq3A_1283 = vector.broadcast %eq3A_1282 : i32 to vector<16xi32>
      %eq3A_1284 = arith.cmpi eq, %add3A_1281, %eq3A_1283 : vector<16xi32>
      %jit3A_1285 = arith.constant 0 : i32
      %broadcast_in_dim3A_1286 = vector.broadcast %jit3A_1285 : i32 to vector<16xi32>
      %select_n3A_1287 = arith.select %eq3A_1284, %broadcast_in_dim3A_1286, %add3A_1281 : vector<16xi1>, vector<16xi32>
      %gather3A_1288 = tpu.vector_load_idx %arg5[%add3A_24, %broadcast_in_dim3A_1227, %select_n3A_1287] : memref<128x4x50xi32, #tpu.memory_space<vmem>>[vector<16xi32>, vector<16xi32>, vector<16xi32>], vector<16xi32>,
      %gather3A_1289 = tpu.vector_load_idx %arg6[%broadcast_in_dim3A_1227, %gather3A_1288] : memref<4x10000xf32, #tpu.memory_space<vmem>>[vector<16xi32>, vector<16xi32>], vector<16xf32>,
      %add3A_1290 = arith.addf %add3A_1278, %gather3A_1289 : vector<16xf32>
      %add3A_1291 = arith.constant 1 : i32
      %add3A_1292 = vector.broadcast %add3A_1291 : i32 to vector<16xi32>
      %add3A_1293 = arith.addi %select_n3A_1287, %add3A_1292 : vector<16xi32>
      %eq3A_1294 = arith.constant 50 : i32
      %eq3A_1295 = vector.broadcast %eq3A_1294 : i32 to vector<16xi32>
      %eq3A_1296 = arith.cmpi eq, %add3A_1293, %eq3A_1295 : vector<16xi32>
      %jit3A_1297 = arith.constant 0 : i32
      %broadcast_in_dim3A_1298 = vector.broadcast %jit3A_1297 : i32 to vector<16xi32>
      %select_n3A_1299 = arith.select %eq3A_1296, %broadcast_in_dim3A_1298, %add3A_1293 : vector<16xi1>, vector<16xi32>
      %gather3A_1300 = tpu.vector_load_idx %arg5[%add3A_24, %broadcast_in_dim3A_1227, %select_n3A_1299] : memref<128x4x50xi32, #tpu.memory_space<vmem>>[vector<16xi32>, vector<16xi32>, vector<16xi32>], vector<16xi32>,
      %gather3A_1301 = tpu.vector_load_idx %arg6[%broadcast_in_dim3A_1227, %gather3A_1300] : memref<4x10000xf32, #tpu.memory_space<vmem>>[vector<16xi32>, vector<16xi32>], vector<16xf32>,
      %add3A_1302 = arith.addf %add3A_1290, %gather3A_1301 : vector<16xf32>
      %add3A_1303 = arith.constant 1 : i32
      %add3A_1304 = vector.broadcast %add3A_1303 : i32 to vector<16xi32>
      %add3A_1305 = arith.addi %select_n3A_1299, %add3A_1304 : vector<16xi32>
      %eq3A_1306 = arith.constant 50 : i32
      %eq3A_1307 = vector.broadcast %eq3A_1306 : i32 to vector<16xi32>
      %eq3A_1308 = arith.cmpi eq, %add3A_1305, %eq3A_1307 : vector<16xi32>
      %jit3A_1309 = arith.constant 0 : i32
      %broadcast_in_dim3A_1310 = vector.broadcast %jit3A_1309 : i32 to vector<16xi32>
      %select_n3A_1311 = arith.select %eq3A_1308, %broadcast_in_dim3A_1310, %add3A_1305 : vector<16xi1>, vector<16xi32>
      %gather3A_1312 = tpu.vector_load_idx %arg5[%add3A_24, %broadcast_in_dim3A_1227, %select_n3A_1311] : memref<128x4x50xi32, #tpu.memory_space<vmem>>[vector<16xi32>, vector<16xi32>, vector<16xi32>], vector<16xi32>,
      %gather3A_1313 = tpu.vector_load_idx %arg6[%broadcast_in_dim3A_1227, %gather3A_1312] : memref<4x10000xf32, #tpu.memory_space<vmem>>[vector<16xi32>, vector<16xi32>], vector<16xf32>,
      %add3A_1314 = arith.addf %add3A_1302, %gather3A_1313 : vector<16xf32>
      %add3A_1315 = arith.constant 1 : i32
      %add3A_1316 = vector.broadcast %add3A_1315 : i32 to vector<16xi32>
      %add3A_1317 = arith.addi %select_n3A_1311, %add3A_1316 : vector<16xi32>
      %eq3A_1318 = arith.constant 50 : i32
      %eq3A_1319 = vector.broadcast %eq3A_1318 : i32 to vector<16xi32>
      %eq3A_1320 = arith.cmpi eq, %add3A_1317, %eq3A_1319 : vector<16xi32>
      %jit3A_1321 = arith.constant 0 : i32
      %broadcast_in_dim3A_1322 = vector.broadcast %jit3A_1321 : i32 to vector<16xi32>
      %select_n3A_1323 = arith.select %eq3A_1320, %broadcast_in_dim3A_1322, %add3A_1317 : vector<16xi1>, vector<16xi32>
      %gather3A_1324 = tpu.vector_load_idx %arg5[%add3A_24, %broadcast_in_dim3A_1227, %select_n3A_1323] : memref<128x4x50xi32, #tpu.memory_space<vmem>>[vector<16xi32>, vector<16xi32>, vector<16xi32>], vector<16xi32>,
      %gather3A_1325 = tpu.vector_load_idx %arg6[%broadcast_in_dim3A_1227, %gather3A_1324] : memref<4x10000xf32, #tpu.memory_space<vmem>>[vector<16xi32>, vector<16xi32>], vector<16xf32>,
      %add3A_1326 = arith.addf %add3A_1314, %gather3A_1325 : vector<16xf32>
      %add3A_1327 = arith.constant 1 : i32
      %add3A_1328 = vector.broadcast %add3A_1327 : i32 to vector<16xi32>
      %add3A_1329 = arith.addi %select_n3A_1323, %add3A_1328 : vector<16xi32>
      %eq3A_1330 = arith.constant 50 : i32
      %eq3A_1331 = vector.broadcast %eq3A_1330 : i32 to vector<16xi32>
      %eq3A_1332 = arith.cmpi eq, %add3A_1329, %eq3A_1331 : vector<16xi32>
      %jit3A_1333 = arith.constant 0 : i32
      %broadcast_in_dim3A_1334 = vector.broadcast %jit3A_1333 : i32 to vector<16xi32>
      %select_n3A_1335 = arith.select %eq3A_1332, %broadcast_in_dim3A_1334, %add3A_1329 : vector<16xi1>, vector<16xi32>
      %gather3A_1336 = tpu.vector_load_idx %arg5[%add3A_24, %broadcast_in_dim3A_1227, %select_n3A_1335] : memref<128x4x50xi32, #tpu.memory_space<vmem>>[vector<16xi32>, vector<16xi32>, vector<16xi32>], vector<16xi32>,
      %gather3A_1337 = tpu.vector_load_idx %arg6[%broadcast_in_dim3A_1227, %gather3A_1336] : memref<4x10000xf32, #tpu.memory_space<vmem>>[vector<16xi32>, vector<16xi32>], vector<16xf32>,
      %add3A_1338 = arith.addf %add3A_1326, %gather3A_1337 : vector<16xf32>
      %add3A_1339 = arith.constant 1 : i32
      %add3A_1340 = vector.broadcast %add3A_1339 : i32 to vector<16xi32>
      %add3A_1341 = arith.addi %select_n3A_1335, %add3A_1340 : vector<16xi32>
      %eq3A_1342 = arith.constant 50 : i32
      %eq3A_1343 = vector.broadcast %eq3A_1342 : i32 to vector<16xi32>
      %eq3A_1344 = arith.cmpi eq, %add3A_1341, %eq3A_1343 : vector<16xi32>
      %jit3A_1345 = arith.constant 0 : i32
      %broadcast_in_dim3A_1346 = vector.broadcast %jit3A_1345 : i32 to vector<16xi32>
      %select_n3A_1347 = arith.select %eq3A_1344, %broadcast_in_dim3A_1346, %add3A_1341 : vector<16xi1>, vector<16xi32>
      %gather3A_1348 = tpu.vector_load_idx %arg5[%add3A_24, %broadcast_in_dim3A_1227, %select_n3A_1347] : memref<128x4x50xi32, #tpu.memory_space<vmem>>[vector<16xi32>, vector<16xi32>, vector<16xi32>], vector<16xi32>,
      %gather3A_1349 = tpu.vector_load_idx %arg6[%broadcast_in_dim3A_1227, %gather3A_1348] : memref<4x10000xf32, #tpu.memory_space<vmem>>[vector<16xi32>, vector<16xi32>], vector<16xf32>,
      %add3A_1350 = arith.addf %add3A_1338, %gather3A_1349 : vector<16xf32>
      %add3A_1351 = arith.constant 1 : i32
      %add3A_1352 = vector.broadcast %add3A_1351 : i32 to vector<16xi32>
      %add3A_1353 = arith.addi %select_n3A_1347, %add3A_1352 : vector<16xi32>
      %eq3A_1354 = arith.constant 50 : i32
      %eq3A_1355 = vector.broadcast %eq3A_1354 : i32 to vector<16xi32>
      %eq3A_1356 = arith.cmpi eq, %add3A_1353, %eq3A_1355 : vector<16xi32>
      %jit3A_1357 = arith.constant 0 : i32
      %broadcast_in_dim3A_1358 = vector.broadcast %jit3A_1357 : i32 to vector<16xi32>
      %select_n3A_1359 = arith.select %eq3A_1356, %broadcast_in_dim3A_1358, %add3A_1353 : vector<16xi1>, vector<16xi32>
      %gather3A_1360 = tpu.vector_load_idx %arg5[%add3A_24, %broadcast_in_dim3A_1227, %select_n3A_1359] : memref<128x4x50xi32, #tpu.memory_space<vmem>>[vector<16xi32>, vector<16xi32>, vector<16xi32>], vector<16xi32>,
      %gather3A_1361 = tpu.vector_load_idx %arg6[%broadcast_in_dim3A_1227, %gather3A_1360] : memref<4x10000xf32, #tpu.memory_space<vmem>>[vector<16xi32>, vector<16xi32>], vector<16xf32>,
      %add3A_1362 = arith.addf %add3A_1350, %gather3A_1361 : vector<16xf32>
      %add3A_1363 = arith.constant 1 : i32
      %add3A_1364 = vector.broadcast %add3A_1363 : i32 to vector<16xi32>
      %add3A_1365 = arith.addi %select_n3A_1359, %add3A_1364 : vector<16xi32>
      %eq3A_1366 = arith.constant 50 : i32
      %eq3A_1367 = vector.broadcast %eq3A_1366 : i32 to vector<16xi32>
      %eq3A_1368 = arith.cmpi eq, %add3A_1365, %eq3A_1367 : vector<16xi32>
      %jit3A_1369 = arith.constant 0 : i32
      %broadcast_in_dim3A_1370 = vector.broadcast %jit3A_1369 : i32 to vector<16xi32>
      %select_n3A_1371 = arith.select %eq3A_1368, %broadcast_in_dim3A_1370, %add3A_1365 : vector<16xi1>, vector<16xi32>
      %gather3A_1372 = tpu.vector_load_idx %arg5[%add3A_24, %broadcast_in_dim3A_1227, %select_n3A_1371] : memref<128x4x50xi32, #tpu.memory_space<vmem>>[vector<16xi32>, vector<16xi32>, vector<16xi32>], vector<16xi32>,
      %gather3A_1373 = tpu.vector_load_idx %arg6[%broadcast_in_dim3A_1227, %gather3A_1372] : memref<4x10000xf32, #tpu.memory_space<vmem>>[vector<16xi32>, vector<16xi32>], vector<16xf32>,
      %add3A_1374 = arith.addf %add3A_1362, %gather3A_1373 : vector<16xf32>
      %add3A_1375 = arith.constant 1 : i32
      %add3A_1376 = vector.broadcast %add3A_1375 : i32 to vector<16xi32>
      %add3A_1377 = arith.addi %select_n3A_1371, %add3A_1376 : vector<16xi32>
      %eq3A_1378 = arith.constant 50 : i32
      %eq3A_1379 = vector.broadcast %eq3A_1378 : i32 to vector<16xi32>
      %eq3A_1380 = arith.cmpi eq, %add3A_1377, %eq3A_1379 : vector<16xi32>
      %jit3A_1381 = arith.constant 0 : i32
      %broadcast_in_dim3A_1382 = vector.broadcast %jit3A_1381 : i32 to vector<16xi32>
      %select_n3A_1383 = arith.select %eq3A_1380, %broadcast_in_dim3A_1382, %add3A_1377 : vector<16xi1>, vector<16xi32>
      %gather3A_1384 = tpu.vector_load_idx %arg5[%add3A_24, %broadcast_in_dim3A_1227, %select_n3A_1383] : memref<128x4x50xi32, #tpu.memory_space<vmem>>[vector<16xi32>, vector<16xi32>, vector<16xi32>], vector<16xi32>,
      %gather3A_1385 = tpu.vector_load_idx %arg6[%broadcast_in_dim3A_1227, %gather3A_1384] : memref<4x10000xf32, #tpu.memory_space<vmem>>[vector<16xi32>, vector<16xi32>], vector<16xf32>,
      %add3A_1386 = arith.addf %add3A_1374, %gather3A_1385 : vector<16xf32>
      %add3A_1387 = arith.constant 1 : i32
      %add3A_1388 = vector.broadcast %add3A_1387 : i32 to vector<16xi32>
      %add3A_1389 = arith.addi %select_n3A_1383, %add3A_1388 : vector<16xi32>
      %eq3A_1390 = arith.constant 50 : i32
      %eq3A_1391 = vector.broadcast %eq3A_1390 : i32 to vector<16xi32>
      %eq3A_1392 = arith.cmpi eq, %add3A_1389, %eq3A_1391 : vector<16xi32>
      %jit3A_1393 = arith.constant 0 : i32
      %broadcast_in_dim3A_1394 = vector.broadcast %jit3A_1393 : i32 to vector<16xi32>
      %select_n3A_1395 = arith.select %eq3A_1392, %broadcast_in_dim3A_1394, %add3A_1389 : vector<16xi1>, vector<16xi32>
      %gather3A_1396 = tpu.vector_load_idx %arg5[%add3A_24, %broadcast_in_dim3A_1227, %select_n3A_1395] : memref<128x4x50xi32, #tpu.memory_space<vmem>>[vector<16xi32>, vector<16xi32>, vector<16xi32>], vector<16xi32>,
      %gather3A_1397 = tpu.vector_load_idx %arg6[%broadcast_in_dim3A_1227, %gather3A_1396] : memref<4x10000xf32, #tpu.memory_space<vmem>>[vector<16xi32>, vector<16xi32>], vector<16xf32>,
      %add3A_1398 = arith.addf %add3A_1386, %gather3A_1397 : vector<16xf32>
      %add3A_1399 = arith.constant 1 : i32
      %add3A_1400 = vector.broadcast %add3A_1399 : i32 to vector<16xi32>
      %add3A_1401 = arith.addi %select_n3A_1395, %add3A_1400 : vector<16xi32>
      %eq3A_1402 = arith.constant 50 : i32
      %eq3A_1403 = vector.broadcast %eq3A_1402 : i32 to vector<16xi32>
      %eq3A_1404 = arith.cmpi eq, %add3A_1401, %eq3A_1403 : vector<16xi32>
      %jit3A_1405 = arith.constant 0 : i32
      %broadcast_in_dim3A_1406 = vector.broadcast %jit3A_1405 : i32 to vector<16xi32>
      %select_n3A_1407 = arith.select %eq3A_1404, %broadcast_in_dim3A_1406, %add3A_1401 : vector<16xi1>, vector<16xi32>
      %gather3A_1408 = tpu.vector_load_idx %arg5[%add3A_24, %broadcast_in_dim3A_1227, %select_n3A_1407] : memref<128x4x50xi32, #tpu.memory_space<vmem>>[vector<16xi32>, vector<16xi32>, vector<16xi32>], vector<16xi32>,
      %gather3A_1409 = tpu.vector_load_idx %arg6[%broadcast_in_dim3A_1227, %gather3A_1408] : memref<4x10000xf32, #tpu.memory_space<vmem>>[vector<16xi32>, vector<16xi32>], vector<16xf32>,
      %add3A_1410 = arith.addf %add3A_1398, %gather3A_1409 : vector<16xf32>
      %add3A_1411 = arith.constant 1 : i32
      %add3A_1412 = vector.broadcast %add3A_1411 : i32 to vector<16xi32>
      %add3A_1413 = arith.addi %select_n3A_1407, %add3A_1412 : vector<16xi32>
      %eq3A_1414 = arith.constant 50 : i32
      %eq3A_1415 = vector.broadcast %eq3A_1414 : i32 to vector<16xi32>
      %eq3A_1416 = arith.cmpi eq, %add3A_1413, %eq3A_1415 : vector<16xi32>
      %jit3A_1417 = arith.constant 0 : i32
      %broadcast_in_dim3A_1418 = vector.broadcast %jit3A_1417 : i32 to vector<16xi32>
      %select_n3A_1419 = arith.select %eq3A_1416, %broadcast_in_dim3A_1418, %add3A_1413 : vector<16xi1>, vector<16xi32>
      %gather3A_1420 = tpu.vector_load_idx %arg5[%add3A_24, %broadcast_in_dim3A_1227, %select_n3A_1419] : memref<128x4x50xi32, #tpu.memory_space<vmem>>[vector<16xi32>, vector<16xi32>, vector<16xi32>], vector<16xi32>,
      %gather3A_1421 = tpu.vector_load_idx %arg6[%broadcast_in_dim3A_1227, %gather3A_1420] : memref<4x10000xf32, #tpu.memory_space<vmem>>[vector<16xi32>, vector<16xi32>], vector<16xf32>,
      %add3A_1422 = arith.addf %add3A_1410, %gather3A_1421 : vector<16xf32>
      %add3A_1423 = arith.constant 1 : i32
      %add3A_1424 = vector.broadcast %add3A_1423 : i32 to vector<16xi32>
      %add3A_1425 = arith.addi %select_n3A_1419, %add3A_1424 : vector<16xi32>
      %eq3A_1426 = arith.constant 50 : i32
      %eq3A_1427 = vector.broadcast %eq3A_1426 : i32 to vector<16xi32>
      %eq3A_1428 = arith.cmpi eq, %add3A_1425, %eq3A_1427 : vector<16xi32>
      %jit3A_1429 = arith.constant 0 : i32
      %broadcast_in_dim3A_1430 = vector.broadcast %jit3A_1429 : i32 to vector<16xi32>
      %select_n3A_1431 = arith.select %eq3A_1428, %broadcast_in_dim3A_1430, %add3A_1425 : vector<16xi1>, vector<16xi32>
      %gather3A_1432 = tpu.vector_load_idx %arg5[%add3A_24, %broadcast_in_dim3A_1227, %select_n3A_1431] : memref<128x4x50xi32, #tpu.memory_space<vmem>>[vector<16xi32>, vector<16xi32>, vector<16xi32>], vector<16xi32>,
      %gather3A_1433 = tpu.vector_load_idx %arg6[%broadcast_in_dim3A_1227, %gather3A_1432] : memref<4x10000xf32, #tpu.memory_space<vmem>>[vector<16xi32>, vector<16xi32>], vector<16xf32>,
      %add3A_1434 = arith.addf %add3A_1422, %gather3A_1433 : vector<16xf32>
      %add3A_1435 = arith.constant 1 : i32
      %add3A_1436 = vector.broadcast %add3A_1435 : i32 to vector<16xi32>
      %add3A_1437 = arith.addi %select_n3A_1431, %add3A_1436 : vector<16xi32>
      %eq3A_1438 = arith.constant 50 : i32
      %eq3A_1439 = vector.broadcast %eq3A_1438 : i32 to vector<16xi32>
      %eq3A_1440 = arith.cmpi eq, %add3A_1437, %eq3A_1439 : vector<16xi32>
      %jit3A_1441 = arith.constant 0 : i32
      %broadcast_in_dim3A_1442 = vector.broadcast %jit3A_1441 : i32 to vector<16xi32>
      %select_n3A_1443 = arith.select %eq3A_1440, %broadcast_in_dim3A_1442, %add3A_1437 : vector<16xi1>, vector<16xi32>
      %gather3A_1444 = tpu.vector_load_idx %arg5[%add3A_24, %broadcast_in_dim3A_1227, %select_n3A_1443] : memref<128x4x50xi32, #tpu.memory_space<vmem>>[vector<16xi32>, vector<16xi32>, vector<16xi32>], vector<16xi32>,
      %gather3A_1445 = tpu.vector_load_idx %arg6[%broadcast_in_dim3A_1227, %gather3A_1444] : memref<4x10000xf32, #tpu.memory_space<vmem>>[vector<16xi32>, vector<16xi32>], vector<16xf32>,
      %add3A_1446 = arith.addf %add3A_1434, %gather3A_1445 : vector<16xf32>
      %add3A_1447 = arith.constant 1 : i32
      %add3A_1448 = vector.broadcast %add3A_1447 : i32 to vector<16xi32>
      %add3A_1449 = arith.addi %select_n3A_1443, %add3A_1448 : vector<16xi32>
      %eq3A_1450 = arith.constant 50 : i32
      %eq3A_1451 = vector.broadcast %eq3A_1450 : i32 to vector<16xi32>
      %eq3A_1452 = arith.cmpi eq, %add3A_1449, %eq3A_1451 : vector<16xi32>
      %jit3A_1453 = arith.constant 0 : i32
      %broadcast_in_dim3A_1454 = vector.broadcast %jit3A_1453 : i32 to vector<16xi32>
      %select_n3A_1455 = arith.select %eq3A_1452, %broadcast_in_dim3A_1454, %add3A_1449 : vector<16xi1>, vector<16xi32>
      %gather3A_1456 = tpu.vector_load_idx %arg5[%add3A_24, %broadcast_in_dim3A_1227, %select_n3A_1455] : memref<128x4x50xi32, #tpu.memory_space<vmem>>[vector<16xi32>, vector<16xi32>, vector<16xi32>], vector<16xi32>,
      %gather3A_1457 = tpu.vector_load_idx %arg6[%broadcast_in_dim3A_1227, %gather3A_1456] : memref<4x10000xf32, #tpu.memory_space<vmem>>[vector<16xi32>, vector<16xi32>], vector<16xf32>,
      %add3A_1458 = arith.addf %add3A_1446, %gather3A_1457 : vector<16xf32>
      %add3A_1459 = arith.constant 1 : i32
      %add3A_1460 = vector.broadcast %add3A_1459 : i32 to vector<16xi32>
      %add3A_1461 = arith.addi %select_n3A_1455, %add3A_1460 : vector<16xi32>
      %eq3A_1462 = arith.constant 50 : i32
      %eq3A_1463 = vector.broadcast %eq3A_1462 : i32 to vector<16xi32>
      %eq3A_1464 = arith.cmpi eq, %add3A_1461, %eq3A_1463 : vector<16xi32>
      %jit3A_1465 = arith.constant 0 : i32
      %broadcast_in_dim3A_1466 = vector.broadcast %jit3A_1465 : i32 to vector<16xi32>
      %select_n3A_1467 = arith.select %eq3A_1464, %broadcast_in_dim3A_1466, %add3A_1461 : vector<16xi1>, vector<16xi32>
      %gather3A_1468 = tpu.vector_load_idx %arg5[%add3A_24, %broadcast_in_dim3A_1227, %select_n3A_1467] : memref<128x4x50xi32, #tpu.memory_space<vmem>>[vector<16xi32>, vector<16xi32>, vector<16xi32>], vector<16xi32>,
      %gather3A_1469 = tpu.vector_load_idx %arg6[%broadcast_in_dim3A_1227, %gather3A_1468] : memref<4x10000xf32, #tpu.memory_space<vmem>>[vector<16xi32>, vector<16xi32>], vector<16xf32>,
      %add3A_1470 = arith.addf %add3A_1458, %gather3A_1469 : vector<16xf32>
      %add3A_1471 = arith.constant 1 : i32
      %add3A_1472 = vector.broadcast %add3A_1471 : i32 to vector<16xi32>
      %add3A_1473 = arith.addi %select_n3A_1467, %add3A_1472 : vector<16xi32>
      %eq3A_1474 = arith.constant 50 : i32
      %eq3A_1475 = vector.broadcast %eq3A_1474 : i32 to vector<16xi32>
      %eq3A_1476 = arith.cmpi eq, %add3A_1473, %eq3A_1475 : vector<16xi32>
      %jit3A_1477 = arith.constant 0 : i32
      %broadcast_in_dim3A_1478 = vector.broadcast %jit3A_1477 : i32 to vector<16xi32>
      %select_n3A_1479 = arith.select %eq3A_1476, %broadcast_in_dim3A_1478, %add3A_1473 : vector<16xi1>, vector<16xi32>
      %gather3A_1480 = tpu.vector_load_idx %arg5[%add3A_24, %broadcast_in_dim3A_1227, %select_n3A_1479] : memref<128x4x50xi32, #tpu.memory_space<vmem>>[vector<16xi32>, vector<16xi32>, vector<16xi32>], vector<16xi32>,
      %gather3A_1481 = tpu.vector_load_idx %arg6[%broadcast_in_dim3A_1227, %gather3A_1480] : memref<4x10000xf32, #tpu.memory_space<vmem>>[vector<16xi32>, vector<16xi32>], vector<16xf32>,
      %add3A_1482 = arith.addf %add3A_1470, %gather3A_1481 : vector<16xf32>
      %add3A_1483 = arith.constant 1 : i32
      %add3A_1484 = vector.broadcast %add3A_1483 : i32 to vector<16xi32>
      %add3A_1485 = arith.addi %select_n3A_1479, %add3A_1484 : vector<16xi32>
      %eq3A_1486 = arith.constant 50 : i32
      %eq3A_1487 = vector.broadcast %eq3A_1486 : i32 to vector<16xi32>
      %eq3A_1488 = arith.cmpi eq, %add3A_1485, %eq3A_1487 : vector<16xi32>
      %jit3A_1489 = arith.constant 0 : i32
      %broadcast_in_dim3A_1490 = vector.broadcast %jit3A_1489 : i32 to vector<16xi32>
      %select_n3A_1491 = arith.select %eq3A_1488, %broadcast_in_dim3A_1490, %add3A_1485 : vector<16xi1>, vector<16xi32>
      %gather3A_1492 = tpu.vector_load_idx %arg5[%add3A_24, %broadcast_in_dim3A_1227, %select_n3A_1491] : memref<128x4x50xi32, #tpu.memory_space<vmem>>[vector<16xi32>, vector<16xi32>, vector<16xi32>], vector<16xi32>,
      %gather3A_1493 = tpu.vector_load_idx %arg6[%broadcast_in_dim3A_1227, %gather3A_1492] : memref<4x10000xf32, #tpu.memory_space<vmem>>[vector<16xi32>, vector<16xi32>], vector<16xf32>,
      %add3A_1494 = arith.addf %add3A_1482, %gather3A_1493 : vector<16xf32>
      %add3A_1495 = arith.constant 1 : i32
      %add3A_1496 = vector.broadcast %add3A_1495 : i32 to vector<16xi32>
      %add3A_1497 = arith.addi %select_n3A_1491, %add3A_1496 : vector<16xi32>
      %eq3A_1498 = arith.constant 50 : i32
      %eq3A_1499 = vector.broadcast %eq3A_1498 : i32 to vector<16xi32>
      %eq3A_1500 = arith.cmpi eq, %add3A_1497, %eq3A_1499 : vector<16xi32>
      %jit3A_1501 = arith.constant 0 : i32
      %broadcast_in_dim3A_1502 = vector.broadcast %jit3A_1501 : i32 to vector<16xi32>
      %select_n3A_1503 = arith.select %eq3A_1500, %broadcast_in_dim3A_1502, %add3A_1497 : vector<16xi1>, vector<16xi32>
      %gather3A_1504 = tpu.vector_load_idx %arg5[%add3A_24, %broadcast_in_dim3A_1227, %select_n3A_1503] : memref<128x4x50xi32, #tpu.memory_space<vmem>>[vector<16xi32>, vector<16xi32>, vector<16xi32>], vector<16xi32>,
      %gather3A_1505 = tpu.vector_load_idx %arg6[%broadcast_in_dim3A_1227, %gather3A_1504] : memref<4x10000xf32, #tpu.memory_space<vmem>>[vector<16xi32>, vector<16xi32>], vector<16xf32>,
      %add3A_1506 = arith.addf %add3A_1494, %gather3A_1505 : vector<16xf32>
      %add3A_1507 = arith.constant 1 : i32
      %add3A_1508 = vector.broadcast %add3A_1507 : i32 to vector<16xi32>
      %add3A_1509 = arith.addi %select_n3A_1503, %add3A_1508 : vector<16xi32>
      %eq3A_1510 = arith.constant 50 : i32
      %eq3A_1511 = vector.broadcast %eq3A_1510 : i32 to vector<16xi32>
      %eq3A_1512 = arith.cmpi eq, %add3A_1509, %eq3A_1511 : vector<16xi32>
      %jit3A_1513 = arith.constant 0 : i32
      %broadcast_in_dim3A_1514 = vector.broadcast %jit3A_1513 : i32 to vector<16xi32>
      %select_n3A_1515 = arith.select %eq3A_1512, %broadcast_in_dim3A_1514, %add3A_1509 : vector<16xi1>, vector<16xi32>
      %gather3A_1516 = tpu.vector_load_idx %arg5[%add3A_24, %broadcast_in_dim3A_1227, %select_n3A_1515] : memref<128x4x50xi32, #tpu.memory_space<vmem>>[vector<16xi32>, vector<16xi32>, vector<16xi32>], vector<16xi32>,
      %gather3A_1517 = tpu.vector_load_idx %arg6[%broadcast_in_dim3A_1227, %gather3A_1516] : memref<4x10000xf32, #tpu.memory_space<vmem>>[vector<16xi32>, vector<16xi32>], vector<16xf32>,
      %add3A_1518 = arith.addf %add3A_1506, %gather3A_1517 : vector<16xf32>
      %add3A_1519 = arith.constant 1 : i32
      %add3A_1520 = vector.broadcast %add3A_1519 : i32 to vector<16xi32>
      %add3A_1521 = arith.addi %select_n3A_1515, %add3A_1520 : vector<16xi32>
      %eq3A_1522 = arith.constant 50 : i32
      %eq3A_1523 = vector.broadcast %eq3A_1522 : i32 to vector<16xi32>
      %eq3A_1524 = arith.cmpi eq, %add3A_1521, %eq3A_1523 : vector<16xi32>
      %jit3A_1525 = arith.constant 0 : i32
      %broadcast_in_dim3A_1526 = vector.broadcast %jit3A_1525 : i32 to vector<16xi32>
      %select_n3A_1527 = arith.select %eq3A_1524, %broadcast_in_dim3A_1526, %add3A_1521 : vector<16xi1>, vector<16xi32>
      %gather3A_1528 = tpu.vector_load_idx %arg5[%add3A_24, %broadcast_in_dim3A_1227, %select_n3A_1527] : memref<128x4x50xi32, #tpu.memory_space<vmem>>[vector<16xi32>, vector<16xi32>, vector<16xi32>], vector<16xi32>,
      %gather3A_1529 = tpu.vector_load_idx %arg6[%broadcast_in_dim3A_1227, %gather3A_1528] : memref<4x10000xf32, #tpu.memory_space<vmem>>[vector<16xi32>, vector<16xi32>], vector<16xf32>,
      %add3A_1530 = arith.addf %add3A_1518, %gather3A_1529 : vector<16xf32>
      %add3A_1531 = arith.constant 1 : i32
      %add3A_1532 = vector.broadcast %add3A_1531 : i32 to vector<16xi32>
      %add3A_1533 = arith.addi %select_n3A_1527, %add3A_1532 : vector<16xi32>
      %eq3A_1534 = arith.constant 50 : i32
      %eq3A_1535 = vector.broadcast %eq3A_1534 : i32 to vector<16xi32>
      %eq3A_1536 = arith.cmpi eq, %add3A_1533, %eq3A_1535 : vector<16xi32>
      %jit3A_1537 = arith.constant 0 : i32
      %broadcast_in_dim3A_1538 = vector.broadcast %jit3A_1537 : i32 to vector<16xi32>
      %select_n3A_1539 = arith.select %eq3A_1536, %broadcast_in_dim3A_1538, %add3A_1533 : vector<16xi1>, vector<16xi32>
      %gather3A_1540 = tpu.vector_load_idx %arg5[%add3A_24, %broadcast_in_dim3A_1227, %select_n3A_1539] : memref<128x4x50xi32, #tpu.memory_space<vmem>>[vector<16xi32>, vector<16xi32>, vector<16xi32>], vector<16xi32>,
      %gather3A_1541 = tpu.vector_load_idx %arg6[%broadcast_in_dim3A_1227, %gather3A_1540] : memref<4x10000xf32, #tpu.memory_space<vmem>>[vector<16xi32>, vector<16xi32>], vector<16xf32>,
      %add3A_1542 = arith.addf %add3A_1530, %gather3A_1541 : vector<16xf32>
      %add3A_1543 = arith.constant 1 : i32
      %add3A_1544 = vector.broadcast %add3A_1543 : i32 to vector<16xi32>
      %add3A_1545 = arith.addi %select_n3A_1539, %add3A_1544 : vector<16xi32>
      %eq3A_1546 = arith.constant 50 : i32
      %eq3A_1547 = vector.broadcast %eq3A_1546 : i32 to vector<16xi32>
      %eq3A_1548 = arith.cmpi eq, %add3A_1545, %eq3A_1547 : vector<16xi32>
      %jit3A_1549 = arith.constant 0 : i32
      %broadcast_in_dim3A_1550 = vector.broadcast %jit3A_1549 : i32 to vector<16xi32>
      %select_n3A_1551 = arith.select %eq3A_1548, %broadcast_in_dim3A_1550, %add3A_1545 : vector<16xi1>, vector<16xi32>
      %gather3A_1552 = tpu.vector_load_idx %arg5[%add3A_24, %broadcast_in_dim3A_1227, %select_n3A_1551] : memref<128x4x50xi32, #tpu.memory_space<vmem>>[vector<16xi32>, vector<16xi32>, vector<16xi32>], vector<16xi32>,
      %gather3A_1553 = tpu.vector_load_idx %arg6[%broadcast_in_dim3A_1227, %gather3A_1552] : memref<4x10000xf32, #tpu.memory_space<vmem>>[vector<16xi32>, vector<16xi32>], vector<16xf32>,
      %add3A_1554 = arith.addf %add3A_1542, %gather3A_1553 : vector<16xf32>
      %add3A_1555 = arith.constant 1 : i32
      %add3A_1556 = vector.broadcast %add3A_1555 : i32 to vector<16xi32>
      %add3A_1557 = arith.addi %select_n3A_1551, %add3A_1556 : vector<16xi32>
      %eq3A_1558 = arith.constant 50 : i32
      %eq3A_1559 = vector.broadcast %eq3A_1558 : i32 to vector<16xi32>
      %eq3A_1560 = arith.cmpi eq, %add3A_1557, %eq3A_1559 : vector<16xi32>
      %jit3A_1561 = arith.constant 0 : i32
      %broadcast_in_dim3A_1562 = vector.broadcast %jit3A_1561 : i32 to vector<16xi32>
      %select_n3A_1563 = arith.select %eq3A_1560, %broadcast_in_dim3A_1562, %add3A_1557 : vector<16xi1>, vector<16xi32>
      %gather3A_1564 = tpu.vector_load_idx %arg5[%add3A_24, %broadcast_in_dim3A_1227, %select_n3A_1563] : memref<128x4x50xi32, #tpu.memory_space<vmem>>[vector<16xi32>, vector<16xi32>, vector<16xi32>], vector<16xi32>,
      %gather3A_1565 = tpu.vector_load_idx %arg6[%broadcast_in_dim3A_1227, %gather3A_1564] : memref<4x10000xf32, #tpu.memory_space<vmem>>[vector<16xi32>, vector<16xi32>], vector<16xf32>,
      %add3A_1566 = arith.addf %add3A_1554, %gather3A_1565 : vector<16xf32>
      %add3A_1567 = arith.constant 1 : i32
      %add3A_1568 = vector.broadcast %add3A_1567 : i32 to vector<16xi32>
      %add3A_1569 = arith.addi %select_n3A_1563, %add3A_1568 : vector<16xi32>
      %eq3A_1570 = arith.constant 50 : i32
      %eq3A_1571 = vector.broadcast %eq3A_1570 : i32 to vector<16xi32>
      %eq3A_1572 = arith.cmpi eq, %add3A_1569, %eq3A_1571 : vector<16xi32>
      %jit3A_1573 = arith.constant 0 : i32
      %broadcast_in_dim3A_1574 = vector.broadcast %jit3A_1573 : i32 to vector<16xi32>
      %select_n3A_1575 = arith.select %eq3A_1572, %broadcast_in_dim3A_1574, %add3A_1569 : vector<16xi1>, vector<16xi32>
      %gather3A_1576 = tpu.vector_load_idx %arg5[%add3A_24, %broadcast_in_dim3A_1227, %select_n3A_1575] : memref<128x4x50xi32, #tpu.memory_space<vmem>>[vector<16xi32>, vector<16xi32>, vector<16xi32>], vector<16xi32>,
      %gather3A_1577 = tpu.vector_load_idx %arg6[%broadcast_in_dim3A_1227, %gather3A_1576] : memref<4x10000xf32, #tpu.memory_space<vmem>>[vector<16xi32>, vector<16xi32>], vector<16xf32>,
      %add3A_1578 = arith.addf %add3A_1566, %gather3A_1577 : vector<16xf32>
      %add3A_1579 = arith.constant 1 : i32
      %add3A_1580 = vector.broadcast %add3A_1579 : i32 to vector<16xi32>
      %add3A_1581 = arith.addi %select_n3A_1575, %add3A_1580 : vector<16xi32>
      %eq3A_1582 = arith.constant 50 : i32
      %eq3A_1583 = vector.broadcast %eq3A_1582 : i32 to vector<16xi32>
      %eq3A_1584 = arith.cmpi eq, %add3A_1581, %eq3A_1583 : vector<16xi32>
      %jit3A_1585 = arith.constant 0 : i32
      %broadcast_in_dim3A_1586 = vector.broadcast %jit3A_1585 : i32 to vector<16xi32>
      %select_n3A_1587 = arith.select %eq3A_1584, %broadcast_in_dim3A_1586, %add3A_1581 : vector<16xi1>, vector<16xi32>
      %gather3A_1588 = tpu.vector_load_idx %arg5[%add3A_24, %broadcast_in_dim3A_1227, %select_n3A_1587] : memref<128x4x50xi32, #tpu.memory_space<vmem>>[vector<16xi32>, vector<16xi32>, vector<16xi32>], vector<16xi32>,
      %gather3A_1589 = tpu.vector_load_idx %arg6[%broadcast_in_dim3A_1227, %gather3A_1588] : memref<4x10000xf32, #tpu.memory_space<vmem>>[vector<16xi32>, vector<16xi32>], vector<16xf32>,
      %add3A_1590 = arith.addf %add3A_1578, %gather3A_1589 : vector<16xf32>
      %add3A_1591 = arith.constant 1 : i32
      %add3A_1592 = vector.broadcast %add3A_1591 : i32 to vector<16xi32>
      %add3A_1593 = arith.addi %select_n3A_1587, %add3A_1592 : vector<16xi32>
      %eq3A_1594 = arith.constant 50 : i32
      %eq3A_1595 = vector.broadcast %eq3A_1594 : i32 to vector<16xi32>
      %eq3A_1596 = arith.cmpi eq, %add3A_1593, %eq3A_1595 : vector<16xi32>
      %jit3A_1597 = arith.constant 0 : i32
      %broadcast_in_dim3A_1598 = vector.broadcast %jit3A_1597 : i32 to vector<16xi32>
      %select_n3A_1599 = arith.select %eq3A_1596, %broadcast_in_dim3A_1598, %add3A_1593 : vector<16xi1>, vector<16xi32>
      %gather3A_1600 = tpu.vector_load_idx %arg5[%add3A_24, %broadcast_in_dim3A_1227, %select_n3A_1599] : memref<128x4x50xi32, #tpu.memory_space<vmem>>[vector<16xi32>, vector<16xi32>, vector<16xi32>], vector<16xi32>,
      %gather3A_1601 = tpu.vector_load_idx %arg6[%broadcast_in_dim3A_1227, %gather3A_1600] : memref<4x10000xf32, #tpu.memory_space<vmem>>[vector<16xi32>, vector<16xi32>], vector<16xf32>,
      %add3A_1602 = arith.addf %add3A_1590, %gather3A_1601 : vector<16xf32>
      %add3A_1603 = arith.constant 1 : i32
      %add3A_1604 = vector.broadcast %add3A_1603 : i32 to vector<16xi32>
      %add3A_1605 = arith.addi %select_n3A_1599, %add3A_1604 : vector<16xi32>
      %eq3A_1606 = arith.constant 50 : i32
      %eq3A_1607 = vector.broadcast %eq3A_1606 : i32 to vector<16xi32>
      %eq3A_1608 = arith.cmpi eq, %add3A_1605, %eq3A_1607 : vector<16xi32>
      %jit3A_1609 = arith.constant 0 : i32
      %broadcast_in_dim3A_1610 = vector.broadcast %jit3A_1609 : i32 to vector<16xi32>
      %select_n3A_1611 = arith.select %eq3A_1608, %broadcast_in_dim3A_1610, %add3A_1605 : vector<16xi1>, vector<16xi32>
      %gather3A_1612 = tpu.vector_load_idx %arg5[%add3A_24, %broadcast_in_dim3A_1227, %select_n3A_1611] : memref<128x4x50xi32, #tpu.memory_space<vmem>>[vector<16xi32>, vector<16xi32>, vector<16xi32>], vector<16xi32>,
      %gather3A_1613 = tpu.vector_load_idx %arg6[%broadcast_in_dim3A_1227, %gather3A_1612] : memref<4x10000xf32, #tpu.memory_space<vmem>>[vector<16xi32>, vector<16xi32>], vector<16xf32>,
      %add3A_1614 = arith.addf %add3A_1602, %gather3A_1613 : vector<16xf32>
      %add3A_1615 = arith.constant 1 : i32
      %add3A_1616 = vector.broadcast %add3A_1615 : i32 to vector<16xi32>
      %add3A_1617 = arith.addi %select_n3A_1611, %add3A_1616 : vector<16xi32>
      %eq3A_1618 = arith.constant 50 : i32
      %eq3A_1619 = vector.broadcast %eq3A_1618 : i32 to vector<16xi32>
      %eq3A_1620 = arith.cmpi eq, %add3A_1617, %eq3A_1619 : vector<16xi32>
      %jit3A_1621 = arith.constant 0 : i32
      %broadcast_in_dim3A_1622 = vector.broadcast %jit3A_1621 : i32 to vector<16xi32>
      %select_n3A_1623 = arith.select %eq3A_1620, %broadcast_in_dim3A_1622, %add3A_1617 : vector<16xi1>, vector<16xi32>
      %gather3A_1624 = tpu.vector_load_idx %arg5[%add3A_24, %broadcast_in_dim3A_1227, %select_n3A_1623] : memref<128x4x50xi32, #tpu.memory_space<vmem>>[vector<16xi32>, vector<16xi32>, vector<16xi32>], vector<16xi32>,
      %gather3A_1625 = tpu.vector_load_idx %arg6[%broadcast_in_dim3A_1227, %gather3A_1624] : memref<4x10000xf32, #tpu.memory_space<vmem>>[vector<16xi32>, vector<16xi32>], vector<16xf32>,
      %add3A_1626 = arith.addf %add3A_1614, %gather3A_1625 : vector<16xf32>
      %add3A_1627 = arith.constant 1 : i32
      %add3A_1628 = vector.broadcast %add3A_1627 : i32 to vector<16xi32>
      %add3A_1629 = arith.addi %select_n3A_1623, %add3A_1628 : vector<16xi32>
      %eq3A_1630 = arith.constant 50 : i32
      %eq3A_1631 = vector.broadcast %eq3A_1630 : i32 to vector<16xi32>
      %eq3A_1632 = arith.cmpi eq, %add3A_1629, %eq3A_1631 : vector<16xi32>
      %jit3A_1633 = arith.constant 0 : i32
      %broadcast_in_dim3A_1634 = vector.broadcast %jit3A_1633 : i32 to vector<16xi32>
      %select_n3A_1635 = arith.select %eq3A_1632, %broadcast_in_dim3A_1634, %add3A_1629 : vector<16xi1>, vector<16xi32>
      %gather3A_1636 = tpu.vector_load_idx %arg5[%add3A_24, %broadcast_in_dim3A_1227, %select_n3A_1635] : memref<128x4x50xi32, #tpu.memory_space<vmem>>[vector<16xi32>, vector<16xi32>, vector<16xi32>], vector<16xi32>,
      %gather3A_1637 = tpu.vector_load_idx %arg6[%broadcast_in_dim3A_1227, %gather3A_1636] : memref<4x10000xf32, #tpu.memory_space<vmem>>[vector<16xi32>, vector<16xi32>], vector<16xf32>,
      %add3A_1638 = arith.addf %add3A_1626, %gather3A_1637 : vector<16xf32>
      %add3A_1639 = arith.constant 1 : i32
      %add3A_1640 = vector.broadcast %add3A_1639 : i32 to vector<16xi32>
      %add3A_1641 = arith.addi %select_n3A_1635, %add3A_1640 : vector<16xi32>
      %eq3A_1642 = arith.constant 50 : i32
      %eq3A_1643 = vector.broadcast %eq3A_1642 : i32 to vector<16xi32>
      %eq3A_1644 = arith.cmpi eq, %add3A_1641, %eq3A_1643 : vector<16xi32>
      %jit3A_1645 = arith.constant 0 : i32
      %broadcast_in_dim3A_1646 = vector.broadcast %jit3A_1645 : i32 to vector<16xi32>
      %select_n3A_1647 = arith.select %eq3A_1644, %broadcast_in_dim3A_1646, %add3A_1641 : vector<16xi1>, vector<16xi32>
      %gather3A_1648 = tpu.vector_load_idx %arg5[%add3A_24, %broadcast_in_dim3A_1227, %select_n3A_1647] : memref<128x4x50xi32, #tpu.memory_space<vmem>>[vector<16xi32>, vector<16xi32>, vector<16xi32>], vector<16xi32>,
      %gather3A_1649 = tpu.vector_load_idx %arg6[%broadcast_in_dim3A_1227, %gather3A_1648] : memref<4x10000xf32, #tpu.memory_space<vmem>>[vector<16xi32>, vector<16xi32>], vector<16xf32>,
      %add3A_1650 = arith.addf %add3A_1638, %gather3A_1649 : vector<16xf32>
      %add3A_1651 = arith.constant 1 : i32
      %add3A_1652 = vector.broadcast %add3A_1651 : i32 to vector<16xi32>
      %add3A_1653 = arith.addi %select_n3A_1647, %add3A_1652 : vector<16xi32>
      %eq3A_1654 = arith.constant 50 : i32
      %eq3A_1655 = vector.broadcast %eq3A_1654 : i32 to vector<16xi32>
      %eq3A_1656 = arith.cmpi eq, %add3A_1653, %eq3A_1655 : vector<16xi32>
      %jit3A_1657 = arith.constant 0 : i32
      %broadcast_in_dim3A_1658 = vector.broadcast %jit3A_1657 : i32 to vector<16xi32>
      %select_n3A_1659 = arith.select %eq3A_1656, %broadcast_in_dim3A_1658, %add3A_1653 : vector<16xi1>, vector<16xi32>
      %gather3A_1660 = tpu.vector_load_idx %arg5[%add3A_24, %broadcast_in_dim3A_1227, %select_n3A_1659] : memref<128x4x50xi32, #tpu.memory_space<vmem>>[vector<16xi32>, vector<16xi32>, vector<16xi32>], vector<16xi32>,
      %gather3A_1661 = tpu.vector_load_idx %arg6[%broadcast_in_dim3A_1227, %gather3A_1660] : memref<4x10000xf32, #tpu.memory_space<vmem>>[vector<16xi32>, vector<16xi32>], vector<16xf32>,
      %add3A_1662 = arith.addf %add3A_1650, %gather3A_1661 : vector<16xf32>
      %add3A_1663 = arith.constant 1 : i32
      %add3A_1664 = vector.broadcast %add3A_1663 : i32 to vector<16xi32>
      %add3A_1665 = arith.addi %select_n3A_1659, %add3A_1664 : vector<16xi32>
      %eq3A_1666 = arith.constant 50 : i32
      %eq3A_1667 = vector.broadcast %eq3A_1666 : i32 to vector<16xi32>
      %eq3A_1668 = arith.cmpi eq, %add3A_1665, %eq3A_1667 : vector<16xi32>
      %jit3A_1669 = arith.constant 0 : i32
      %broadcast_in_dim3A_1670 = vector.broadcast %jit3A_1669 : i32 to vector<16xi32>
      %select_n3A_1671 = arith.select %eq3A_1668, %broadcast_in_dim3A_1670, %add3A_1665 : vector<16xi1>, vector<16xi32>
      %gather3A_1672 = tpu.vector_load_idx %arg5[%add3A_24, %broadcast_in_dim3A_1227, %select_n3A_1671] : memref<128x4x50xi32, #tpu.memory_space<vmem>>[vector<16xi32>, vector<16xi32>, vector<16xi32>], vector<16xi32>,
      %gather3A_1673 = tpu.vector_load_idx %arg6[%broadcast_in_dim3A_1227, %gather3A_1672] : memref<4x10000xf32, #tpu.memory_space<vmem>>[vector<16xi32>, vector<16xi32>], vector<16xf32>,
      %add3A_1674 = arith.addf %add3A_1662, %gather3A_1673 : vector<16xf32>
      %add3A_1675 = arith.constant 1 : i32
      %add3A_1676 = vector.broadcast %add3A_1675 : i32 to vector<16xi32>
      %add3A_1677 = arith.addi %select_n3A_1671, %add3A_1676 : vector<16xi32>
      %eq3A_1678 = arith.constant 50 : i32
      %eq3A_1679 = vector.broadcast %eq3A_1678 : i32 to vector<16xi32>
      %eq3A_1680 = arith.cmpi eq, %add3A_1677, %eq3A_1679 : vector<16xi32>
      %jit3A_1681 = arith.constant 0 : i32
      %broadcast_in_dim3A_1682 = vector.broadcast %jit3A_1681 : i32 to vector<16xi32>
      %select_n3A_1683 = arith.select %eq3A_1680, %broadcast_in_dim3A_1682, %add3A_1677 : vector<16xi1>, vector<16xi32>
      %gather3A_1684 = tpu.vector_load_idx %arg5[%add3A_24, %broadcast_in_dim3A_1227, %select_n3A_1683] : memref<128x4x50xi32, #tpu.memory_space<vmem>>[vector<16xi32>, vector<16xi32>, vector<16xi32>], vector<16xi32>,
      %gather3A_1685 = tpu.vector_load_idx %arg6[%broadcast_in_dim3A_1227, %gather3A_1684] : memref<4x10000xf32, #tpu.memory_space<vmem>>[vector<16xi32>, vector<16xi32>], vector<16xf32>,
      %add3A_1686 = arith.addf %add3A_1674, %gather3A_1685 : vector<16xf32>
      %add3A_1687 = arith.constant 1 : i32
      %add3A_1688 = vector.broadcast %add3A_1687 : i32 to vector<16xi32>
      %add3A_1689 = arith.addi %select_n3A_1683, %add3A_1688 : vector<16xi32>
      %eq3A_1690 = arith.constant 50 : i32
      %eq3A_1691 = vector.broadcast %eq3A_1690 : i32 to vector<16xi32>
      %eq3A_1692 = arith.cmpi eq, %add3A_1689, %eq3A_1691 : vector<16xi32>
      %jit3A_1693 = arith.constant 0 : i32
      %broadcast_in_dim3A_1694 = vector.broadcast %jit3A_1693 : i32 to vector<16xi32>
      %select_n3A_1695 = arith.select %eq3A_1692, %broadcast_in_dim3A_1694, %add3A_1689 : vector<16xi1>, vector<16xi32>
      %gather3A_1696 = tpu.vector_load_idx %arg5[%add3A_24, %broadcast_in_dim3A_1227, %select_n3A_1695] : memref<128x4x50xi32, #tpu.memory_space<vmem>>[vector<16xi32>, vector<16xi32>, vector<16xi32>], vector<16xi32>,
      %gather3A_1697 = tpu.vector_load_idx %arg6[%broadcast_in_dim3A_1227, %gather3A_1696] : memref<4x10000xf32, #tpu.memory_space<vmem>>[vector<16xi32>, vector<16xi32>], vector<16xf32>,
      %add3A_1698 = arith.addf %add3A_1686, %gather3A_1697 : vector<16xf32>
      %add3A_1699 = arith.constant 1 : i32
      %add3A_1700 = vector.broadcast %add3A_1699 : i32 to vector<16xi32>
      %add3A_1701 = arith.addi %select_n3A_1695, %add3A_1700 : vector<16xi32>
      %eq3A_1702 = arith.constant 50 : i32
      %eq3A_1703 = vector.broadcast %eq3A_1702 : i32 to vector<16xi32>
      %eq3A_1704 = arith.cmpi eq, %add3A_1701, %eq3A_1703 : vector<16xi32>
      %jit3A_1705 = arith.constant 0 : i32
      %broadcast_in_dim3A_1706 = vector.broadcast %jit3A_1705 : i32 to vector<16xi32>
      %select_n3A_1707 = arith.select %eq3A_1704, %broadcast_in_dim3A_1706, %add3A_1701 : vector<16xi1>, vector<16xi32>
      %gather3A_1708 = tpu.vector_load_idx %arg5[%add3A_24, %broadcast_in_dim3A_1227, %select_n3A_1707] : memref<128x4x50xi32, #tpu.memory_space<vmem>>[vector<16xi32>, vector<16xi32>, vector<16xi32>], vector<16xi32>,
      %gather3A_1709 = tpu.vector_load_idx %arg6[%broadcast_in_dim3A_1227, %gather3A_1708] : memref<4x10000xf32, #tpu.memory_space<vmem>>[vector<16xi32>, vector<16xi32>], vector<16xf32>,
      %add3A_1710 = arith.addf %add3A_1698, %gather3A_1709 : vector<16xf32>
      %add3A_1711 = arith.constant 1 : i32
      %add3A_1712 = vector.broadcast %add3A_1711 : i32 to vector<16xi32>
      %add3A_1713 = arith.addi %select_n3A_1707, %add3A_1712 : vector<16xi32>
      %eq3A_1714 = arith.constant 50 : i32
      %eq3A_1715 = vector.broadcast %eq3A_1714 : i32 to vector<16xi32>
      %eq3A_1716 = arith.cmpi eq, %add3A_1713, %eq3A_1715 : vector<16xi32>
      %jit3A_1717 = arith.constant 0 : i32
      %broadcast_in_dim3A_1718 = vector.broadcast %jit3A_1717 : i32 to vector<16xi32>
      %select_n3A_1719 = arith.select %eq3A_1716, %broadcast_in_dim3A_1718, %add3A_1713 : vector<16xi1>, vector<16xi32>
      %gather3A_1720 = tpu.vector_load_idx %arg5[%add3A_24, %broadcast_in_dim3A_1227, %select_n3A_1719] : memref<128x4x50xi32, #tpu.memory_space<vmem>>[vector<16xi32>, vector<16xi32>, vector<16xi32>], vector<16xi32>,
      %gather3A_1721 = tpu.vector_load_idx %arg6[%broadcast_in_dim3A_1227, %gather3A_1720] : memref<4x10000xf32, #tpu.memory_space<vmem>>[vector<16xi32>, vector<16xi32>], vector<16xf32>,
      %add3A_1722 = arith.addf %add3A_1710, %gather3A_1721 : vector<16xf32>
      %add3A_1723 = arith.constant 1 : i32
      %add3A_1724 = vector.broadcast %add3A_1723 : i32 to vector<16xi32>
      %add3A_1725 = arith.addi %select_n3A_1719, %add3A_1724 : vector<16xi32>
      %eq3A_1726 = arith.constant 50 : i32
      %eq3A_1727 = vector.broadcast %eq3A_1726 : i32 to vector<16xi32>
      %eq3A_1728 = arith.cmpi eq, %add3A_1725, %eq3A_1727 : vector<16xi32>
      %jit3A_1729 = arith.constant 0 : i32
      %broadcast_in_dim3A_1730 = vector.broadcast %jit3A_1729 : i32 to vector<16xi32>
      %select_n3A_1731 = arith.select %eq3A_1728, %broadcast_in_dim3A_1730, %add3A_1725 : vector<16xi1>, vector<16xi32>
      %gather3A_1732 = tpu.vector_load_idx %arg5[%add3A_24, %broadcast_in_dim3A_1227, %select_n3A_1731] : memref<128x4x50xi32, #tpu.memory_space<vmem>>[vector<16xi32>, vector<16xi32>, vector<16xi32>], vector<16xi32>,
      %gather3A_1733 = tpu.vector_load_idx %arg6[%broadcast_in_dim3A_1227, %gather3A_1732] : memref<4x10000xf32, #tpu.memory_space<vmem>>[vector<16xi32>, vector<16xi32>], vector<16xf32>,
      %add3A_1734 = arith.addf %add3A_1722, %gather3A_1733 : vector<16xf32>
      %add3A_1735 = arith.constant 1 : i32
      %add3A_1736 = vector.broadcast %add3A_1735 : i32 to vector<16xi32>
      %add3A_1737 = arith.addi %select_n3A_1731, %add3A_1736 : vector<16xi32>
      %eq3A_1738 = arith.constant 50 : i32
      %eq3A_1739 = vector.broadcast %eq3A_1738 : i32 to vector<16xi32>
      %eq3A_1740 = arith.cmpi eq, %add3A_1737, %eq3A_1739 : vector<16xi32>
      %jit3A_1741 = arith.constant 0 : i32
      %broadcast_in_dim3A_1742 = vector.broadcast %jit3A_1741 : i32 to vector<16xi32>
      %select_n3A_1743 = arith.select %eq3A_1740, %broadcast_in_dim3A_1742, %add3A_1737 : vector<16xi1>, vector<16xi32>
      %gather3A_1744 = tpu.vector_load_idx %arg5[%add3A_24, %broadcast_in_dim3A_1227, %select_n3A_1743] : memref<128x4x50xi32, #tpu.memory_space<vmem>>[vector<16xi32>, vector<16xi32>, vector<16xi32>], vector<16xi32>,
      %gather3A_1745 = tpu.vector_load_idx %arg6[%broadcast_in_dim3A_1227, %gather3A_1744] : memref<4x10000xf32, #tpu.memory_space<vmem>>[vector<16xi32>, vector<16xi32>], vector<16xf32>,
      %add3A_1746 = arith.addf %add3A_1734, %gather3A_1745 : vector<16xf32>
      %add3A_1747 = arith.constant 1 : i32
      %add3A_1748 = vector.broadcast %add3A_1747 : i32 to vector<16xi32>
      %add3A_1749 = arith.addi %select_n3A_1743, %add3A_1748 : vector<16xi32>
      %eq3A_1750 = arith.constant 50 : i32
      %eq3A_1751 = vector.broadcast %eq3A_1750 : i32 to vector<16xi32>
      %eq3A_1752 = arith.cmpi eq, %add3A_1749, %eq3A_1751 : vector<16xi32>
      %jit3A_1753 = arith.constant 0 : i32
      %broadcast_in_dim3A_1754 = vector.broadcast %jit3A_1753 : i32 to vector<16xi32>
      %select_n3A_1755 = arith.select %eq3A_1752, %broadcast_in_dim3A_1754, %add3A_1749 : vector<16xi1>, vector<16xi32>
      %gather3A_1756 = tpu.vector_load_idx %arg5[%add3A_24, %broadcast_in_dim3A_1227, %select_n3A_1755] : memref<128x4x50xi32, #tpu.memory_space<vmem>>[vector<16xi32>, vector<16xi32>, vector<16xi32>], vector<16xi32>,
      %gather3A_1757 = tpu.vector_load_idx %arg6[%broadcast_in_dim3A_1227, %gather3A_1756] : memref<4x10000xf32, #tpu.memory_space<vmem>>[vector<16xi32>, vector<16xi32>], vector<16xf32>,
      %add3A_1758 = arith.addf %add3A_1746, %gather3A_1757 : vector<16xf32>
      %add3A_1759 = arith.constant 1 : i32
      %add3A_1760 = vector.broadcast %add3A_1759 : i32 to vector<16xi32>
      %add3A_1761 = arith.addi %select_n3A_1755, %add3A_1760 : vector<16xi32>
      %eq3A_1762 = arith.constant 50 : i32
      %eq3A_1763 = vector.broadcast %eq3A_1762 : i32 to vector<16xi32>
      %eq3A_1764 = arith.cmpi eq, %add3A_1761, %eq3A_1763 : vector<16xi32>
      %jit3A_1765 = arith.constant 0 : i32
      %broadcast_in_dim3A_1766 = vector.broadcast %jit3A_1765 : i32 to vector<16xi32>
      %select_n3A_1767 = arith.select %eq3A_1764, %broadcast_in_dim3A_1766, %add3A_1761 : vector<16xi1>, vector<16xi32>
      %gather3A_1768 = tpu.vector_load_idx %arg5[%add3A_24, %broadcast_in_dim3A_1227, %select_n3A_1767] : memref<128x4x50xi32, #tpu.memory_space<vmem>>[vector<16xi32>, vector<16xi32>, vector<16xi32>], vector<16xi32>,
      %gather3A_1769 = tpu.vector_load_idx %arg6[%broadcast_in_dim3A_1227, %gather3A_1768] : memref<4x10000xf32, #tpu.memory_space<vmem>>[vector<16xi32>, vector<16xi32>], vector<16xf32>,
      %add3A_1770 = arith.addf %add3A_1758, %gather3A_1769 : vector<16xf32>
      %add3A_1771 = arith.constant 1 : i32
      %add3A_1772 = vector.broadcast %add3A_1771 : i32 to vector<16xi32>
      %add3A_1773 = arith.addi %select_n3A_1767, %add3A_1772 : vector<16xi32>
      %eq3A_1774 = arith.constant 50 : i32
      %eq3A_1775 = vector.broadcast %eq3A_1774 : i32 to vector<16xi32>
      %eq3A_1776 = arith.cmpi eq, %add3A_1773, %eq3A_1775 : vector<16xi32>
      %jit3A_1777 = arith.constant 0 : i32
      %broadcast_in_dim3A_1778 = vector.broadcast %jit3A_1777 : i32 to vector<16xi32>
      %select_n3A_1779 = arith.select %eq3A_1776, %broadcast_in_dim3A_1778, %add3A_1773 : vector<16xi1>, vector<16xi32>
      %gather3A_1780 = tpu.vector_load_idx %arg5[%add3A_24, %broadcast_in_dim3A_1227, %select_n3A_1779] : memref<128x4x50xi32, #tpu.memory_space<vmem>>[vector<16xi32>, vector<16xi32>, vector<16xi32>], vector<16xi32>,
      %gather3A_1781 = tpu.vector_load_idx %arg6[%broadcast_in_dim3A_1227, %gather3A_1780] : memref<4x10000xf32, #tpu.memory_space<vmem>>[vector<16xi32>, vector<16xi32>], vector<16xf32>,
      %add3A_1782 = arith.addf %add3A_1770, %gather3A_1781 : vector<16xf32>
      %add3A_1783 = arith.constant 1 : i32
      %add3A_1784 = vector.broadcast %add3A_1783 : i32 to vector<16xi32>
      %add3A_1785 = arith.addi %select_n3A_1779, %add3A_1784 : vector<16xi32>
      %eq3A_1786 = arith.constant 50 : i32
      %eq3A_1787 = vector.broadcast %eq3A_1786 : i32 to vector<16xi32>
      %eq3A_1788 = arith.cmpi eq, %add3A_1785, %eq3A_1787 : vector<16xi32>
      %jit3A_1789 = arith.constant 0 : i32
      %broadcast_in_dim3A_1790 = vector.broadcast %jit3A_1789 : i32 to vector<16xi32>
      %select_n3A_1791 = arith.select %eq3A_1788, %broadcast_in_dim3A_1790, %add3A_1785 : vector<16xi1>, vector<16xi32>
      %gather3A_1792 = tpu.vector_load_idx %arg5[%add3A_24, %broadcast_in_dim3A_1227, %select_n3A_1791] : memref<128x4x50xi32, #tpu.memory_space<vmem>>[vector<16xi32>, vector<16xi32>, vector<16xi32>], vector<16xi32>,
      %gather3A_1793 = tpu.vector_load_idx %arg6[%broadcast_in_dim3A_1227, %gather3A_1792] : memref<4x10000xf32, #tpu.memory_space<vmem>>[vector<16xi32>, vector<16xi32>], vector<16xf32>,
      %add3A_1794 = arith.addf %add3A_1782, %gather3A_1793 : vector<16xf32>
      %add3A_1795 = arith.constant 1 : i32
      %add3A_1796 = vector.broadcast %add3A_1795 : i32 to vector<16xi32>
      %add3A_1797 = arith.addi %select_n3A_1791, %add3A_1796 : vector<16xi32>
      %eq3A_1798 = arith.constant 50 : i32
      %eq3A_1799 = vector.broadcast %eq3A_1798 : i32 to vector<16xi32>
      %eq3A_1800 = arith.cmpi eq, %add3A_1797, %eq3A_1799 : vector<16xi32>
      %jit3A_1801 = arith.constant 0 : i32
      %broadcast_in_dim3A_1802 = vector.broadcast %jit3A_1801 : i32 to vector<16xi32>
      %select_n3A_1803 = arith.select %eq3A_1800, %broadcast_in_dim3A_1802, %add3A_1797 : vector<16xi1>, vector<16xi32>
      %gather3A_1804 = tpu.vector_load_idx %arg5[%add3A_24, %broadcast_in_dim3A_1227, %select_n3A_1803] : memref<128x4x50xi32, #tpu.memory_space<vmem>>[vector<16xi32>, vector<16xi32>, vector<16xi32>], vector<16xi32>,
      %gather3A_1805 = tpu.vector_load_idx %arg6[%broadcast_in_dim3A_1227, %gather3A_1804] : memref<4x10000xf32, #tpu.memory_space<vmem>>[vector<16xi32>, vector<16xi32>], vector<16xf32>,
      %add3A_1806 = arith.addf %add3A_1794, %gather3A_1805 : vector<16xf32>
      %add3A_1807 = arith.constant 1 : i32
      %add3A_1808 = vector.broadcast %add3A_1807 : i32 to vector<16xi32>
      %add3A_1809 = arith.addi %select_n3A_1803, %add3A_1808 : vector<16xi32>
      %eq3A_1810 = arith.constant 50 : i32
      %eq3A_1811 = vector.broadcast %eq3A_1810 : i32 to vector<16xi32>
      %eq3A_1812 = arith.cmpi eq, %add3A_1809, %eq3A_1811 : vector<16xi32>
      %jit3A_1813 = arith.constant 0 : i32
      %broadcast_in_dim3A_1814 = vector.broadcast %jit3A_1813 : i32 to vector<16xi32>
      %select_n3A_1815 = arith.select %eq3A_1812, %broadcast_in_dim3A_1814, %add3A_1809 : vector<16xi1>, vector<16xi32>
      %gather3A_1816 = tpu.vector_load_idx %arg5[%add3A_24, %broadcast_in_dim3A_1227, %select_n3A_1815] : memref<128x4x50xi32, #tpu.memory_space<vmem>>[vector<16xi32>, vector<16xi32>, vector<16xi32>], vector<16xi32>,
      %gather3A_1817 = tpu.vector_load_idx %arg6[%broadcast_in_dim3A_1227, %gather3A_1816] : memref<4x10000xf32, #tpu.memory_space<vmem>>[vector<16xi32>, vector<16xi32>], vector<16xf32>,
      %add3A_1818 = arith.addf %add3A_1806, %gather3A_1817 : vector<16xf32>
      %add3A_1819 = arith.constant 1 : i32
      %add3A_1820 = vector.broadcast %add3A_1819 : i32 to vector<16xi32>
      %add3A_1821 = arith.addi %select_n3A_1815, %add3A_1820 : vector<16xi32>
      %eq3A_1822 = arith.constant 50 : i32
      %eq3A_1823 = vector.broadcast %eq3A_1822 : i32 to vector<16xi32>
      %eq3A_1824 = arith.cmpi eq, %add3A_1821, %eq3A_1823 : vector<16xi32>
      %jit3A_1825 = arith.constant 0 : i32
      %broadcast_in_dim3A_1826 = vector.broadcast %jit3A_1825 : i32 to vector<16xi32>
      %select_n3A_1827 = arith.select %eq3A_1824, %broadcast_in_dim3A_1826, %add3A_1821 : vector<16xi1>, vector<16xi32>
      %broadcast_in_dim3A_1828 = arith.constant 3 : i32
      %broadcast_in_dim3A_1829 = vector.broadcast %broadcast_in_dim3A_1828 : i32 to vector<16xi32>
      %gather3A_1830 = tpu.vector_load_idx %arg5[%add3A_24, %broadcast_in_dim3A_1829, %iota3A] : memref<128x4x50xi32, #tpu.memory_space<vmem>>[vector<16xi32>, vector<16xi32>, vector<16xi32>], vector<16xi32>,
      %gather3A_1831 = tpu.vector_load_idx %arg6[%broadcast_in_dim3A_1829, %gather3A_1830] : memref<4x10000xf32, #tpu.memory_space<vmem>>[vector<16xi32>, vector<16xi32>], vector<16xf32>,
      %add3A_1832 = arith.addf %add3A_1818, %gather3A_1831 : vector<16xf32>
      %add3A_1833 = arith.constant 1 : i32
      %add3A_1834 = vector.broadcast %add3A_1833 : i32 to vector<16xi32>
      %add3A_1835 = arith.addi %iota3A, %add3A_1834 : vector<16xi32>
      %eq3A_1836 = arith.constant 50 : i32
      %eq3A_1837 = vector.broadcast %eq3A_1836 : i32 to vector<16xi32>
      %eq3A_1838 = arith.cmpi eq, %add3A_1835, %eq3A_1837 : vector<16xi32>
      %jit3A_1839 = arith.constant 0 : i32
      %broadcast_in_dim3A_1840 = vector.broadcast %jit3A_1839 : i32 to vector<16xi32>
      %select_n3A_1841 = arith.select %eq3A_1838, %broadcast_in_dim3A_1840, %add3A_1835 : vector<16xi1>, vector<16xi32>
      %gather3A_1842 = tpu.vector_load_idx %arg5[%add3A_24, %broadcast_in_dim3A_1829, %select_n3A_1841] : memref<128x4x50xi32, #tpu.memory_space<vmem>>[vector<16xi32>, vector<16xi32>, vector<16xi32>], vector<16xi32>,
      %gather3A_1843 = tpu.vector_load_idx %arg6[%broadcast_in_dim3A_1829, %gather3A_1842] : memref<4x10000xf32, #tpu.memory_space<vmem>>[vector<16xi32>, vector<16xi32>], vector<16xf32>,
      %add3A_1844 = arith.addf %add3A_1832, %gather3A_1843 : vector<16xf32>
      %add3A_1845 = arith.constant 1 : i32
      %add3A_1846 = vector.broadcast %add3A_1845 : i32 to vector<16xi32>
      %add3A_1847 = arith.addi %select_n3A_1841, %add3A_1846 : vector<16xi32>
      %eq3A_1848 = arith.constant 50 : i32
      %eq3A_1849 = vector.broadcast %eq3A_1848 : i32 to vector<16xi32>
      %eq3A_1850 = arith.cmpi eq, %add3A_1847, %eq3A_1849 : vector<16xi32>
      %jit3A_1851 = arith.constant 0 : i32
      %broadcast_in_dim3A_1852 = vector.broadcast %jit3A_1851 : i32 to vector<16xi32>
      %select_n3A_1853 = arith.select %eq3A_1850, %broadcast_in_dim3A_1852, %add3A_1847 : vector<16xi1>, vector<16xi32>
      %gather3A_1854 = tpu.vector_load_idx %arg5[%add3A_24, %broadcast_in_dim3A_1829, %select_n3A_1853] : memref<128x4x50xi32, #tpu.memory_space<vmem>>[vector<16xi32>, vector<16xi32>, vector<16xi32>], vector<16xi32>,
      %gather3A_1855 = tpu.vector_load_idx %arg6[%broadcast_in_dim3A_1829, %gather3A_1854] : memref<4x10000xf32, #tpu.memory_space<vmem>>[vector<16xi32>, vector<16xi32>], vector<16xf32>,
      %add3A_1856 = arith.addf %add3A_1844, %gather3A_1855 : vector<16xf32>
      %add3A_1857 = arith.constant 1 : i32
      %add3A_1858 = vector.broadcast %add3A_1857 : i32 to vector<16xi32>
      %add3A_1859 = arith.addi %select_n3A_1853, %add3A_1858 : vector<16xi32>
      %eq3A_1860 = arith.constant 50 : i32
      %eq3A_1861 = vector.broadcast %eq3A_1860 : i32 to vector<16xi32>
      %eq3A_1862 = arith.cmpi eq, %add3A_1859, %eq3A_1861 : vector<16xi32>
      %jit3A_1863 = arith.constant 0 : i32
      %broadcast_in_dim3A_1864 = vector.broadcast %jit3A_1863 : i32 to vector<16xi32>
      %select_n3A_1865 = arith.select %eq3A_1862, %broadcast_in_dim3A_1864, %add3A_1859 : vector<16xi1>, vector<16xi32>
      %gather3A_1866 = tpu.vector_load_idx %arg5[%add3A_24, %broadcast_in_dim3A_1829, %select_n3A_1865] : memref<128x4x50xi32, #tpu.memory_space<vmem>>[vector<16xi32>, vector<16xi32>, vector<16xi32>], vector<16xi32>,
      %gather3A_1867 = tpu.vector_load_idx %arg6[%broadcast_in_dim3A_1829, %gather3A_1866] : memref<4x10000xf32, #tpu.memory_space<vmem>>[vector<16xi32>, vector<16xi32>], vector<16xf32>,
      %add3A_1868 = arith.addf %add3A_1856, %gather3A_1867 : vector<16xf32>
      %add3A_1869 = arith.constant 1 : i32
      %add3A_1870 = vector.broadcast %add3A_1869 : i32 to vector<16xi32>
      %add3A_1871 = arith.addi %select_n3A_1865, %add3A_1870 : vector<16xi32>
      %eq3A_1872 = arith.constant 50 : i32
      %eq3A_1873 = vector.broadcast %eq3A_1872 : i32 to vector<16xi32>
      %eq3A_1874 = arith.cmpi eq, %add3A_1871, %eq3A_1873 : vector<16xi32>
      %jit3A_1875 = arith.constant 0 : i32
      %broadcast_in_dim3A_1876 = vector.broadcast %jit3A_1875 : i32 to vector<16xi32>
      %select_n3A_1877 = arith.select %eq3A_1874, %broadcast_in_dim3A_1876, %add3A_1871 : vector<16xi1>, vector<16xi32>
      %gather3A_1878 = tpu.vector_load_idx %arg5[%add3A_24, %broadcast_in_dim3A_1829, %select_n3A_1877] : memref<128x4x50xi32, #tpu.memory_space<vmem>>[vector<16xi32>, vector<16xi32>, vector<16xi32>], vector<16xi32>,
      %gather3A_1879 = tpu.vector_load_idx %arg6[%broadcast_in_dim3A_1829, %gather3A_1878] : memref<4x10000xf32, #tpu.memory_space<vmem>>[vector<16xi32>, vector<16xi32>], vector<16xf32>,
      %add3A_1880 = arith.addf %add3A_1868, %gather3A_1879 : vector<16xf32>
      %add3A_1881 = arith.constant 1 : i32
      %add3A_1882 = vector.broadcast %add3A_1881 : i32 to vector<16xi32>
      %add3A_1883 = arith.addi %select_n3A_1877, %add3A_1882 : vector<16xi32>
      %eq3A_1884 = arith.constant 50 : i32
      %eq3A_1885 = vector.broadcast %eq3A_1884 : i32 to vector<16xi32>
      %eq3A_1886 = arith.cmpi eq, %add3A_1883, %eq3A_1885 : vector<16xi32>
      %jit3A_1887 = arith.constant 0 : i32
      %broadcast_in_dim3A_1888 = vector.broadcast %jit3A_1887 : i32 to vector<16xi32>
      %select_n3A_1889 = arith.select %eq3A_1886, %broadcast_in_dim3A_1888, %add3A_1883 : vector<16xi1>, vector<16xi32>
      %gather3A_1890 = tpu.vector_load_idx %arg5[%add3A_24, %broadcast_in_dim3A_1829, %select_n3A_1889] : memref<128x4x50xi32, #tpu.memory_space<vmem>>[vector<16xi32>, vector<16xi32>, vector<16xi32>], vector<16xi32>,
      %gather3A_1891 = tpu.vector_load_idx %arg6[%broadcast_in_dim3A_1829, %gather3A_1890] : memref<4x10000xf32, #tpu.memory_space<vmem>>[vector<16xi32>, vector<16xi32>], vector<16xf32>,
      %add3A_1892 = arith.addf %add3A_1880, %gather3A_1891 : vector<16xf32>
      %add3A_1893 = arith.constant 1 : i32
      %add3A_1894 = vector.broadcast %add3A_1893 : i32 to vector<16xi32>
      %add3A_1895 = arith.addi %select_n3A_1889, %add3A_1894 : vector<16xi32>
      %eq3A_1896 = arith.constant 50 : i32
      %eq3A_1897 = vector.broadcast %eq3A_1896 : i32 to vector<16xi32>
      %eq3A_1898 = arith.cmpi eq, %add3A_1895, %eq3A_1897 : vector<16xi32>
      %jit3A_1899 = arith.constant 0 : i32
      %broadcast_in_dim3A_1900 = vector.broadcast %jit3A_1899 : i32 to vector<16xi32>
      %select_n3A_1901 = arith.select %eq3A_1898, %broadcast_in_dim3A_1900, %add3A_1895 : vector<16xi1>, vector<16xi32>
      %gather3A_1902 = tpu.vector_load_idx %arg5[%add3A_24, %broadcast_in_dim3A_1829, %select_n3A_1901] : memref<128x4x50xi32, #tpu.memory_space<vmem>>[vector<16xi32>, vector<16xi32>, vector<16xi32>], vector<16xi32>,
      %gather3A_1903 = tpu.vector_load_idx %arg6[%broadcast_in_dim3A_1829, %gather3A_1902] : memref<4x10000xf32, #tpu.memory_space<vmem>>[vector<16xi32>, vector<16xi32>], vector<16xf32>,
      %add3A_1904 = arith.addf %add3A_1892, %gather3A_1903 : vector<16xf32>
      %add3A_1905 = arith.constant 1 : i32
      %add3A_1906 = vector.broadcast %add3A_1905 : i32 to vector<16xi32>
      %add3A_1907 = arith.addi %select_n3A_1901, %add3A_1906 : vector<16xi32>
      %eq3A_1908 = arith.constant 50 : i32
      %eq3A_1909 = vector.broadcast %eq3A_1908 : i32 to vector<16xi32>
      %eq3A_1910 = arith.cmpi eq, %add3A_1907, %eq3A_1909 : vector<16xi32>
      %jit3A_1911 = arith.constant 0 : i32
      %broadcast_in_dim3A_1912 = vector.broadcast %jit3A_1911 : i32 to vector<16xi32>
      %select_n3A_1913 = arith.select %eq3A_1910, %broadcast_in_dim3A_1912, %add3A_1907 : vector<16xi1>, vector<16xi32>
      %gather3A_1914 = tpu.vector_load_idx %arg5[%add3A_24, %broadcast_in_dim3A_1829, %select_n3A_1913] : memref<128x4x50xi32, #tpu.memory_space<vmem>>[vector<16xi32>, vector<16xi32>, vector<16xi32>], vector<16xi32>,
      %gather3A_1915 = tpu.vector_load_idx %arg6[%broadcast_in_dim3A_1829, %gather3A_1914] : memref<4x10000xf32, #tpu.memory_space<vmem>>[vector<16xi32>, vector<16xi32>], vector<16xf32>,
      %add3A_1916 = arith.addf %add3A_1904, %gather3A_1915 : vector<16xf32>
      %add3A_1917 = arith.constant 1 : i32
      %add3A_1918 = vector.broadcast %add3A_1917 : i32 to vector<16xi32>
      %add3A_1919 = arith.addi %select_n3A_1913, %add3A_1918 : vector<16xi32>
      %eq3A_1920 = arith.constant 50 : i32
      %eq3A_1921 = vector.broadcast %eq3A_1920 : i32 to vector<16xi32>
      %eq3A_1922 = arith.cmpi eq, %add3A_1919, %eq3A_1921 : vector<16xi32>
      %jit3A_1923 = arith.constant 0 : i32
      %broadcast_in_dim3A_1924 = vector.broadcast %jit3A_1923 : i32 to vector<16xi32>
      %select_n3A_1925 = arith.select %eq3A_1922, %broadcast_in_dim3A_1924, %add3A_1919 : vector<16xi1>, vector<16xi32>
      %gather3A_1926 = tpu.vector_load_idx %arg5[%add3A_24, %broadcast_in_dim3A_1829, %select_n3A_1925] : memref<128x4x50xi32, #tpu.memory_space<vmem>>[vector<16xi32>, vector<16xi32>, vector<16xi32>], vector<16xi32>,
      %gather3A_1927 = tpu.vector_load_idx %arg6[%broadcast_in_dim3A_1829, %gather3A_1926] : memref<4x10000xf32, #tpu.memory_space<vmem>>[vector<16xi32>, vector<16xi32>], vector<16xf32>,
      %add3A_1928 = arith.addf %add3A_1916, %gather3A_1927 : vector<16xf32>
      %add3A_1929 = arith.constant 1 : i32
      %add3A_1930 = vector.broadcast %add3A_1929 : i32 to vector<16xi32>
      %add3A_1931 = arith.addi %select_n3A_1925, %add3A_1930 : vector<16xi32>
      %eq3A_1932 = arith.constant 50 : i32
      %eq3A_1933 = vector.broadcast %eq3A_1932 : i32 to vector<16xi32>
      %eq3A_1934 = arith.cmpi eq, %add3A_1931, %eq3A_1933 : vector<16xi32>
      %jit3A_1935 = arith.constant 0 : i32
      %broadcast_in_dim3A_1936 = vector.broadcast %jit3A_1935 : i32 to vector<16xi32>
      %select_n3A_1937 = arith.select %eq3A_1934, %broadcast_in_dim3A_1936, %add3A_1931 : vector<16xi1>, vector<16xi32>
      %gather3A_1938 = tpu.vector_load_idx %arg5[%add3A_24, %broadcast_in_dim3A_1829, %select_n3A_1937] : memref<128x4x50xi32, #tpu.memory_space<vmem>>[vector<16xi32>, vector<16xi32>, vector<16xi32>], vector<16xi32>,
      %gather3A_1939 = tpu.vector_load_idx %arg6[%broadcast_in_dim3A_1829, %gather3A_1938] : memref<4x10000xf32, #tpu.memory_space<vmem>>[vector<16xi32>, vector<16xi32>], vector<16xf32>,
      %add3A_1940 = arith.addf %add3A_1928, %gather3A_1939 : vector<16xf32>
      %add3A_1941 = arith.constant 1 : i32
      %add3A_1942 = vector.broadcast %add3A_1941 : i32 to vector<16xi32>
      %add3A_1943 = arith.addi %select_n3A_1937, %add3A_1942 : vector<16xi32>
      %eq3A_1944 = arith.constant 50 : i32
      %eq3A_1945 = vector.broadcast %eq3A_1944 : i32 to vector<16xi32>
      %eq3A_1946 = arith.cmpi eq, %add3A_1943, %eq3A_1945 : vector<16xi32>
      %jit3A_1947 = arith.constant 0 : i32
      %broadcast_in_dim3A_1948 = vector.broadcast %jit3A_1947 : i32 to vector<16xi32>
      %select_n3A_1949 = arith.select %eq3A_1946, %broadcast_in_dim3A_1948, %add3A_1943 : vector<16xi1>, vector<16xi32>
      %gather3A_1950 = tpu.vector_load_idx %arg5[%add3A_24, %broadcast_in_dim3A_1829, %select_n3A_1949] : memref<128x4x50xi32, #tpu.memory_space<vmem>>[vector<16xi32>, vector<16xi32>, vector<16xi32>], vector<16xi32>,
      %gather3A_1951 = tpu.vector_load_idx %arg6[%broadcast_in_dim3A_1829, %gather3A_1950] : memref<4x10000xf32, #tpu.memory_space<vmem>>[vector<16xi32>, vector<16xi32>], vector<16xf32>,
      %add3A_1952 = arith.addf %add3A_1940, %gather3A_1951 : vector<16xf32>
      %add3A_1953 = arith.constant 1 : i32
      %add3A_1954 = vector.broadcast %add3A_1953 : i32 to vector<16xi32>
      %add3A_1955 = arith.addi %select_n3A_1949, %add3A_1954 : vector<16xi32>
      %eq3A_1956 = arith.constant 50 : i32
      %eq3A_1957 = vector.broadcast %eq3A_1956 : i32 to vector<16xi32>
      %eq3A_1958 = arith.cmpi eq, %add3A_1955, %eq3A_1957 : vector<16xi32>
      %jit3A_1959 = arith.constant 0 : i32
      %broadcast_in_dim3A_1960 = vector.broadcast %jit3A_1959 : i32 to vector<16xi32>
      %select_n3A_1961 = arith.select %eq3A_1958, %broadcast_in_dim3A_1960, %add3A_1955 : vector<16xi1>, vector<16xi32>
      %gather3A_1962 = tpu.vector_load_idx %arg5[%add3A_24, %broadcast_in_dim3A_1829, %select_n3A_1961] : memref<128x4x50xi32, #tpu.memory_space<vmem>>[vector<16xi32>, vector<16xi32>, vector<16xi32>], vector<16xi32>,
      %gather3A_1963 = tpu.vector_load_idx %arg6[%broadcast_in_dim3A_1829, %gather3A_1962] : memref<4x10000xf32, #tpu.memory_space<vmem>>[vector<16xi32>, vector<16xi32>], vector<16xf32>,
      %add3A_1964 = arith.addf %add3A_1952, %gather3A_1963 : vector<16xf32>
      %add3A_1965 = arith.constant 1 : i32
      %add3A_1966 = vector.broadcast %add3A_1965 : i32 to vector<16xi32>
      %add3A_1967 = arith.addi %select_n3A_1961, %add3A_1966 : vector<16xi32>
      %eq3A_1968 = arith.constant 50 : i32
      %eq3A_1969 = vector.broadcast %eq3A_1968 : i32 to vector<16xi32>
      %eq3A_1970 = arith.cmpi eq, %add3A_1967, %eq3A_1969 : vector<16xi32>
      %jit3A_1971 = arith.constant 0 : i32
      %broadcast_in_dim3A_1972 = vector.broadcast %jit3A_1971 : i32 to vector<16xi32>
      %select_n3A_1973 = arith.select %eq3A_1970, %broadcast_in_dim3A_1972, %add3A_1967 : vector<16xi1>, vector<16xi32>
      %gather3A_1974 = tpu.vector_load_idx %arg5[%add3A_24, %broadcast_in_dim3A_1829, %select_n3A_1973] : memref<128x4x50xi32, #tpu.memory_space<vmem>>[vector<16xi32>, vector<16xi32>, vector<16xi32>], vector<16xi32>,
      %gather3A_1975 = tpu.vector_load_idx %arg6[%broadcast_in_dim3A_1829, %gather3A_1974] : memref<4x10000xf32, #tpu.memory_space<vmem>>[vector<16xi32>, vector<16xi32>], vector<16xf32>,
      %add3A_1976 = arith.addf %add3A_1964, %gather3A_1975 : vector<16xf32>
      %add3A_1977 = arith.constant 1 : i32
      %add3A_1978 = vector.broadcast %add3A_1977 : i32 to vector<16xi32>
      %add3A_1979 = arith.addi %select_n3A_1973, %add3A_1978 : vector<16xi32>
      %eq3A_1980 = arith.constant 50 : i32
      %eq3A_1981 = vector.broadcast %eq3A_1980 : i32 to vector<16xi32>
      %eq3A_1982 = arith.cmpi eq, %add3A_1979, %eq3A_1981 : vector<16xi32>
      %jit3A_1983 = arith.constant 0 : i32
      %broadcast_in_dim3A_1984 = vector.broadcast %jit3A_1983 : i32 to vector<16xi32>
      %select_n3A_1985 = arith.select %eq3A_1982, %broadcast_in_dim3A_1984, %add3A_1979 : vector<16xi1>, vector<16xi32>
      %gather3A_1986 = tpu.vector_load_idx %arg5[%add3A_24, %broadcast_in_dim3A_1829, %select_n3A_1985] : memref<128x4x50xi32, #tpu.memory_space<vmem>>[vector<16xi32>, vector<16xi32>, vector<16xi32>], vector<16xi32>,
      %gather3A_1987 = tpu.vector_load_idx %arg6[%broadcast_in_dim3A_1829, %gather3A_1986] : memref<4x10000xf32, #tpu.memory_space<vmem>>[vector<16xi32>, vector<16xi32>], vector<16xf32>,
      %add3A_1988 = arith.addf %add3A_1976, %gather3A_1987 : vector<16xf32>
      %add3A_1989 = arith.constant 1 : i32
      %add3A_1990 = vector.broadcast %add3A_1989 : i32 to vector<16xi32>
      %add3A_1991 = arith.addi %select_n3A_1985, %add3A_1990 : vector<16xi32>
      %eq3A_1992 = arith.constant 50 : i32
      %eq3A_1993 = vector.broadcast %eq3A_1992 : i32 to vector<16xi32>
      %eq3A_1994 = arith.cmpi eq, %add3A_1991, %eq3A_1993 : vector<16xi32>
      %jit3A_1995 = arith.constant 0 : i32
      %broadcast_in_dim3A_1996 = vector.broadcast %jit3A_1995 : i32 to vector<16xi32>
      %select_n3A_1997 = arith.select %eq3A_1994, %broadcast_in_dim3A_1996, %add3A_1991 : vector<16xi1>, vector<16xi32>
      %gather3A_1998 = tpu.vector_load_idx %arg5[%add3A_24, %broadcast_in_dim3A_1829, %select_n3A_1997] : memref<128x4x50xi32, #tpu.memory_space<vmem>>[vector<16xi32>, vector<16xi32>, vector<16xi32>], vector<16xi32>,
      %gather3A_1999 = tpu.vector_load_idx %arg6[%broadcast_in_dim3A_1829, %gather3A_1998] : memref<4x10000xf32, #tpu.memory_space<vmem>>[vector<16xi32>, vector<16xi32>], vector<16xf32>,
      %add3A_2000 = arith.addf %add3A_1988, %gather3A_1999 : vector<16xf32>
      %add3A_2001 = arith.constant 1 : i32
      %add3A_2002 = vector.broadcast %add3A_2001 : i32 to vector<16xi32>
      %add3A_2003 = arith.addi %select_n3A_1997, %add3A_2002 : vector<16xi32>
      %eq3A_2004 = arith.constant 50 : i32
      %eq3A_2005 = vector.broadcast %eq3A_2004 : i32 to vector<16xi32>
      %eq3A_2006 = arith.cmpi eq, %add3A_2003, %eq3A_2005 : vector<16xi32>
      %jit3A_2007 = arith.constant 0 : i32
      %broadcast_in_dim3A_2008 = vector.broadcast %jit3A_2007 : i32 to vector<16xi32>
      %select_n3A_2009 = arith.select %eq3A_2006, %broadcast_in_dim3A_2008, %add3A_2003 : vector<16xi1>, vector<16xi32>
      %gather3A_2010 = tpu.vector_load_idx %arg5[%add3A_24, %broadcast_in_dim3A_1829, %select_n3A_2009] : memref<128x4x50xi32, #tpu.memory_space<vmem>>[vector<16xi32>, vector<16xi32>, vector<16xi32>], vector<16xi32>,
      %gather3A_2011 = tpu.vector_load_idx %arg6[%broadcast_in_dim3A_1829, %gather3A_2010] : memref<4x10000xf32, #tpu.memory_space<vmem>>[vector<16xi32>, vector<16xi32>], vector<16xf32>,
      %add3A_2012 = arith.addf %add3A_2000, %gather3A_2011 : vector<16xf32>
      %add3A_2013 = arith.constant 1 : i32
      %add3A_2014 = vector.broadcast %add3A_2013 : i32 to vector<16xi32>
      %add3A_2015 = arith.addi %select_n3A_2009, %add3A_2014 : vector<16xi32>
      %eq3A_2016 = arith.constant 50 : i32
      %eq3A_2017 = vector.broadcast %eq3A_2016 : i32 to vector<16xi32>
      %eq3A_2018 = arith.cmpi eq, %add3A_2015, %eq3A_2017 : vector<16xi32>
      %jit3A_2019 = arith.constant 0 : i32
      %broadcast_in_dim3A_2020 = vector.broadcast %jit3A_2019 : i32 to vector<16xi32>
      %select_n3A_2021 = arith.select %eq3A_2018, %broadcast_in_dim3A_2020, %add3A_2015 : vector<16xi1>, vector<16xi32>
      %gather3A_2022 = tpu.vector_load_idx %arg5[%add3A_24, %broadcast_in_dim3A_1829, %select_n3A_2021] : memref<128x4x50xi32, #tpu.memory_space<vmem>>[vector<16xi32>, vector<16xi32>, vector<16xi32>], vector<16xi32>,
      %gather3A_2023 = tpu.vector_load_idx %arg6[%broadcast_in_dim3A_1829, %gather3A_2022] : memref<4x10000xf32, #tpu.memory_space<vmem>>[vector<16xi32>, vector<16xi32>], vector<16xf32>,
      %add3A_2024 = arith.addf %add3A_2012, %gather3A_2023 : vector<16xf32>
      %add3A_2025 = arith.constant 1 : i32
      %add3A_2026 = vector.broadcast %add3A_2025 : i32 to vector<16xi32>
      %add3A_2027 = arith.addi %select_n3A_2021, %add3A_2026 : vector<16xi32>
      %eq3A_2028 = arith.constant 50 : i32
      %eq3A_2029 = vector.broadcast %eq3A_2028 : i32 to vector<16xi32>
      %eq3A_2030 = arith.cmpi eq, %add3A_2027, %eq3A_2029 : vector<16xi32>
      %jit3A_2031 = arith.constant 0 : i32
      %broadcast_in_dim3A_2032 = vector.broadcast %jit3A_2031 : i32 to vector<16xi32>
      %select_n3A_2033 = arith.select %eq3A_2030, %broadcast_in_dim3A_2032, %add3A_2027 : vector<16xi1>, vector<16xi32>
      %gather3A_2034 = tpu.vector_load_idx %arg5[%add3A_24, %broadcast_in_dim3A_1829, %select_n3A_2033] : memref<128x4x50xi32, #tpu.memory_space<vmem>>[vector<16xi32>, vector<16xi32>, vector<16xi32>], vector<16xi32>,
      %gather3A_2035 = tpu.vector_load_idx %arg6[%broadcast_in_dim3A_1829, %gather3A_2034] : memref<4x10000xf32, #tpu.memory_space<vmem>>[vector<16xi32>, vector<16xi32>], vector<16xf32>,
      %add3A_2036 = arith.addf %add3A_2024, %gather3A_2035 : vector<16xf32>
      %add3A_2037 = arith.constant 1 : i32
      %add3A_2038 = vector.broadcast %add3A_2037 : i32 to vector<16xi32>
      %add3A_2039 = arith.addi %select_n3A_2033, %add3A_2038 : vector<16xi32>
      %eq3A_2040 = arith.constant 50 : i32
      %eq3A_2041 = vector.broadcast %eq3A_2040 : i32 to vector<16xi32>
      %eq3A_2042 = arith.cmpi eq, %add3A_2039, %eq3A_2041 : vector<16xi32>
      %jit3A_2043 = arith.constant 0 : i32
      %broadcast_in_dim3A_2044 = vector.broadcast %jit3A_2043 : i32 to vector<16xi32>
      %select_n3A_2045 = arith.select %eq3A_2042, %broadcast_in_dim3A_2044, %add3A_2039 : vector<16xi1>, vector<16xi32>
      %gather3A_2046 = tpu.vector_load_idx %arg5[%add3A_24, %broadcast_in_dim3A_1829, %select_n3A_2045] : memref<128x4x50xi32, #tpu.memory_space<vmem>>[vector<16xi32>, vector<16xi32>, vector<16xi32>], vector<16xi32>,
      %gather3A_2047 = tpu.vector_load_idx %arg6[%broadcast_in_dim3A_1829, %gather3A_2046] : memref<4x10000xf32, #tpu.memory_space<vmem>>[vector<16xi32>, vector<16xi32>], vector<16xf32>,
      %add3A_2048 = arith.addf %add3A_2036, %gather3A_2047 : vector<16xf32>
      %add3A_2049 = arith.constant 1 : i32
      %add3A_2050 = vector.broadcast %add3A_2049 : i32 to vector<16xi32>
      %add3A_2051 = arith.addi %select_n3A_2045, %add3A_2050 : vector<16xi32>
      %eq3A_2052 = arith.constant 50 : i32
      %eq3A_2053 = vector.broadcast %eq3A_2052 : i32 to vector<16xi32>
      %eq3A_2054 = arith.cmpi eq, %add3A_2051, %eq3A_2053 : vector<16xi32>
      %jit3A_2055 = arith.constant 0 : i32
      %broadcast_in_dim3A_2056 = vector.broadcast %jit3A_2055 : i32 to vector<16xi32>
      %select_n3A_2057 = arith.select %eq3A_2054, %broadcast_in_dim3A_2056, %add3A_2051 : vector<16xi1>, vector<16xi32>
      %gather3A_2058 = tpu.vector_load_idx %arg5[%add3A_24, %broadcast_in_dim3A_1829, %select_n3A_2057] : memref<128x4x50xi32, #tpu.memory_space<vmem>>[vector<16xi32>, vector<16xi32>, vector<16xi32>], vector<16xi32>,
      %gather3A_2059 = tpu.vector_load_idx %arg6[%broadcast_in_dim3A_1829, %gather3A_2058] : memref<4x10000xf32, #tpu.memory_space<vmem>>[vector<16xi32>, vector<16xi32>], vector<16xf32>,
      %add3A_2060 = arith.addf %add3A_2048, %gather3A_2059 : vector<16xf32>
      %add3A_2061 = arith.constant 1 : i32
      %add3A_2062 = vector.broadcast %add3A_2061 : i32 to vector<16xi32>
      %add3A_2063 = arith.addi %select_n3A_2057, %add3A_2062 : vector<16xi32>
      %eq3A_2064 = arith.constant 50 : i32
      %eq3A_2065 = vector.broadcast %eq3A_2064 : i32 to vector<16xi32>
      %eq3A_2066 = arith.cmpi eq, %add3A_2063, %eq3A_2065 : vector<16xi32>
      %jit3A_2067 = arith.constant 0 : i32
      %broadcast_in_dim3A_2068 = vector.broadcast %jit3A_2067 : i32 to vector<16xi32>
      %select_n3A_2069 = arith.select %eq3A_2066, %broadcast_in_dim3A_2068, %add3A_2063 : vector<16xi1>, vector<16xi32>
      %gather3A_2070 = tpu.vector_load_idx %arg5[%add3A_24, %broadcast_in_dim3A_1829, %select_n3A_2069] : memref<128x4x50xi32, #tpu.memory_space<vmem>>[vector<16xi32>, vector<16xi32>, vector<16xi32>], vector<16xi32>,
      %gather3A_2071 = tpu.vector_load_idx %arg6[%broadcast_in_dim3A_1829, %gather3A_2070] : memref<4x10000xf32, #tpu.memory_space<vmem>>[vector<16xi32>, vector<16xi32>], vector<16xf32>,
      %add3A_2072 = arith.addf %add3A_2060, %gather3A_2071 : vector<16xf32>
      %add3A_2073 = arith.constant 1 : i32
      %add3A_2074 = vector.broadcast %add3A_2073 : i32 to vector<16xi32>
      %add3A_2075 = arith.addi %select_n3A_2069, %add3A_2074 : vector<16xi32>
      %eq3A_2076 = arith.constant 50 : i32
      %eq3A_2077 = vector.broadcast %eq3A_2076 : i32 to vector<16xi32>
      %eq3A_2078 = arith.cmpi eq, %add3A_2075, %eq3A_2077 : vector<16xi32>
      %jit3A_2079 = arith.constant 0 : i32
      %broadcast_in_dim3A_2080 = vector.broadcast %jit3A_2079 : i32 to vector<16xi32>
      %select_n3A_2081 = arith.select %eq3A_2078, %broadcast_in_dim3A_2080, %add3A_2075 : vector<16xi1>, vector<16xi32>
      %gather3A_2082 = tpu.vector_load_idx %arg5[%add3A_24, %broadcast_in_dim3A_1829, %select_n3A_2081] : memref<128x4x50xi32, #tpu.memory_space<vmem>>[vector<16xi32>, vector<16xi32>, vector<16xi32>], vector<16xi32>,
      %gather3A_2083 = tpu.vector_load_idx %arg6[%broadcast_in_dim3A_1829, %gather3A_2082] : memref<4x10000xf32, #tpu.memory_space<vmem>>[vector<16xi32>, vector<16xi32>], vector<16xf32>,
      %add3A_2084 = arith.addf %add3A_2072, %gather3A_2083 : vector<16xf32>
      %add3A_2085 = arith.constant 1 : i32
      %add3A_2086 = vector.broadcast %add3A_2085 : i32 to vector<16xi32>
      %add3A_2087 = arith.addi %select_n3A_2081, %add3A_2086 : vector<16xi32>
      %eq3A_2088 = arith.constant 50 : i32
      %eq3A_2089 = vector.broadcast %eq3A_2088 : i32 to vector<16xi32>
      %eq3A_2090 = arith.cmpi eq, %add3A_2087, %eq3A_2089 : vector<16xi32>
      %jit3A_2091 = arith.constant 0 : i32
      %broadcast_in_dim3A_2092 = vector.broadcast %jit3A_2091 : i32 to vector<16xi32>
      %select_n3A_2093 = arith.select %eq3A_2090, %broadcast_in_dim3A_2092, %add3A_2087 : vector<16xi1>, vector<16xi32>
      %gather3A_2094 = tpu.vector_load_idx %arg5[%add3A_24, %broadcast_in_dim3A_1829, %select_n3A_2093] : memref<128x4x50xi32, #tpu.memory_space<vmem>>[vector<16xi32>, vector<16xi32>, vector<16xi32>], vector<16xi32>,
      %gather3A_2095 = tpu.vector_load_idx %arg6[%broadcast_in_dim3A_1829, %gather3A_2094] : memref<4x10000xf32, #tpu.memory_space<vmem>>[vector<16xi32>, vector<16xi32>], vector<16xf32>,
      %add3A_2096 = arith.addf %add3A_2084, %gather3A_2095 : vector<16xf32>
      %add3A_2097 = arith.constant 1 : i32
      %add3A_2098 = vector.broadcast %add3A_2097 : i32 to vector<16xi32>
      %add3A_2099 = arith.addi %select_n3A_2093, %add3A_2098 : vector<16xi32>
      %eq3A_2100 = arith.constant 50 : i32
      %eq3A_2101 = vector.broadcast %eq3A_2100 : i32 to vector<16xi32>
      %eq3A_2102 = arith.cmpi eq, %add3A_2099, %eq3A_2101 : vector<16xi32>
      %jit3A_2103 = arith.constant 0 : i32
      %broadcast_in_dim3A_2104 = vector.broadcast %jit3A_2103 : i32 to vector<16xi32>
      %select_n3A_2105 = arith.select %eq3A_2102, %broadcast_in_dim3A_2104, %add3A_2099 : vector<16xi1>, vector<16xi32>
      %gather3A_2106 = tpu.vector_load_idx %arg5[%add3A_24, %broadcast_in_dim3A_1829, %select_n3A_2105] : memref<128x4x50xi32, #tpu.memory_space<vmem>>[vector<16xi32>, vector<16xi32>, vector<16xi32>], vector<16xi32>,
      %gather3A_2107 = tpu.vector_load_idx %arg6[%broadcast_in_dim3A_1829, %gather3A_2106] : memref<4x10000xf32, #tpu.memory_space<vmem>>[vector<16xi32>, vector<16xi32>], vector<16xf32>,
      %add3A_2108 = arith.addf %add3A_2096, %gather3A_2107 : vector<16xf32>
      %add3A_2109 = arith.constant 1 : i32
      %add3A_2110 = vector.broadcast %add3A_2109 : i32 to vector<16xi32>
      %add3A_2111 = arith.addi %select_n3A_2105, %add3A_2110 : vector<16xi32>
      %eq3A_2112 = arith.constant 50 : i32
      %eq3A_2113 = vector.broadcast %eq3A_2112 : i32 to vector<16xi32>
      %eq3A_2114 = arith.cmpi eq, %add3A_2111, %eq3A_2113 : vector<16xi32>
      %jit3A_2115 = arith.constant 0 : i32
      %broadcast_in_dim3A_2116 = vector.broadcast %jit3A_2115 : i32 to vector<16xi32>
      %select_n3A_2117 = arith.select %eq3A_2114, %broadcast_in_dim3A_2116, %add3A_2111 : vector<16xi1>, vector<16xi32>
      %gather3A_2118 = tpu.vector_load_idx %arg5[%add3A_24, %broadcast_in_dim3A_1829, %select_n3A_2117] : memref<128x4x50xi32, #tpu.memory_space<vmem>>[vector<16xi32>, vector<16xi32>, vector<16xi32>], vector<16xi32>,
      %gather3A_2119 = tpu.vector_load_idx %arg6[%broadcast_in_dim3A_1829, %gather3A_2118] : memref<4x10000xf32, #tpu.memory_space<vmem>>[vector<16xi32>, vector<16xi32>], vector<16xf32>,
      %add3A_2120 = arith.addf %add3A_2108, %gather3A_2119 : vector<16xf32>
      %add3A_2121 = arith.constant 1 : i32
      %add3A_2122 = vector.broadcast %add3A_2121 : i32 to vector<16xi32>
      %add3A_2123 = arith.addi %select_n3A_2117, %add3A_2122 : vector<16xi32>
      %eq3A_2124 = arith.constant 50 : i32
      %eq3A_2125 = vector.broadcast %eq3A_2124 : i32 to vector<16xi32>
      %eq3A_2126 = arith.cmpi eq, %add3A_2123, %eq3A_2125 : vector<16xi32>
      %jit3A_2127 = arith.constant 0 : i32
      %broadcast_in_dim3A_2128 = vector.broadcast %jit3A_2127 : i32 to vector<16xi32>
      %select_n3A_2129 = arith.select %eq3A_2126, %broadcast_in_dim3A_2128, %add3A_2123 : vector<16xi1>, vector<16xi32>
      %gather3A_2130 = tpu.vector_load_idx %arg5[%add3A_24, %broadcast_in_dim3A_1829, %select_n3A_2129] : memref<128x4x50xi32, #tpu.memory_space<vmem>>[vector<16xi32>, vector<16xi32>, vector<16xi32>], vector<16xi32>,
      %gather3A_2131 = tpu.vector_load_idx %arg6[%broadcast_in_dim3A_1829, %gather3A_2130] : memref<4x10000xf32, #tpu.memory_space<vmem>>[vector<16xi32>, vector<16xi32>], vector<16xf32>,
      %add3A_2132 = arith.addf %add3A_2120, %gather3A_2131 : vector<16xf32>
      %add3A_2133 = arith.constant 1 : i32
      %add3A_2134 = vector.broadcast %add3A_2133 : i32 to vector<16xi32>
      %add3A_2135 = arith.addi %select_n3A_2129, %add3A_2134 : vector<16xi32>
      %eq3A_2136 = arith.constant 50 : i32
      %eq3A_2137 = vector.broadcast %eq3A_2136 : i32 to vector<16xi32>
      %eq3A_2138 = arith.cmpi eq, %add3A_2135, %eq3A_2137 : vector<16xi32>
      %jit3A_2139 = arith.constant 0 : i32
      %broadcast_in_dim3A_2140 = vector.broadcast %jit3A_2139 : i32 to vector<16xi32>
      %select_n3A_2141 = arith.select %eq3A_2138, %broadcast_in_dim3A_2140, %add3A_2135 : vector<16xi1>, vector<16xi32>
      %gather3A_2142 = tpu.vector_load_idx %arg5[%add3A_24, %broadcast_in_dim3A_1829, %select_n3A_2141] : memref<128x4x50xi32, #tpu.memory_space<vmem>>[vector<16xi32>, vector<16xi32>, vector<16xi32>], vector<16xi32>,
      %gather3A_2143 = tpu.vector_load_idx %arg6[%broadcast_in_dim3A_1829, %gather3A_2142] : memref<4x10000xf32, #tpu.memory_space<vmem>>[vector<16xi32>, vector<16xi32>], vector<16xf32>,
      %add3A_2144 = arith.addf %add3A_2132, %gather3A_2143 : vector<16xf32>
      %add3A_2145 = arith.constant 1 : i32
      %add3A_2146 = vector.broadcast %add3A_2145 : i32 to vector<16xi32>
      %add3A_2147 = arith.addi %select_n3A_2141, %add3A_2146 : vector<16xi32>
      %eq3A_2148 = arith.constant 50 : i32
      %eq3A_2149 = vector.broadcast %eq3A_2148 : i32 to vector<16xi32>
      %eq3A_2150 = arith.cmpi eq, %add3A_2147, %eq3A_2149 : vector<16xi32>
      %jit3A_2151 = arith.constant 0 : i32
      %broadcast_in_dim3A_2152 = vector.broadcast %jit3A_2151 : i32 to vector<16xi32>
      %select_n3A_2153 = arith.select %eq3A_2150, %broadcast_in_dim3A_2152, %add3A_2147 : vector<16xi1>, vector<16xi32>
      %gather3A_2154 = tpu.vector_load_idx %arg5[%add3A_24, %broadcast_in_dim3A_1829, %select_n3A_2153] : memref<128x4x50xi32, #tpu.memory_space<vmem>>[vector<16xi32>, vector<16xi32>, vector<16xi32>], vector<16xi32>,
      %gather3A_2155 = tpu.vector_load_idx %arg6[%broadcast_in_dim3A_1829, %gather3A_2154] : memref<4x10000xf32, #tpu.memory_space<vmem>>[vector<16xi32>, vector<16xi32>], vector<16xf32>,
      %add3A_2156 = arith.addf %add3A_2144, %gather3A_2155 : vector<16xf32>
      %add3A_2157 = arith.constant 1 : i32
      %add3A_2158 = vector.broadcast %add3A_2157 : i32 to vector<16xi32>
      %add3A_2159 = arith.addi %select_n3A_2153, %add3A_2158 : vector<16xi32>
      %eq3A_2160 = arith.constant 50 : i32
      %eq3A_2161 = vector.broadcast %eq3A_2160 : i32 to vector<16xi32>
      %eq3A_2162 = arith.cmpi eq, %add3A_2159, %eq3A_2161 : vector<16xi32>
      %jit3A_2163 = arith.constant 0 : i32
      %broadcast_in_dim3A_2164 = vector.broadcast %jit3A_2163 : i32 to vector<16xi32>
      %select_n3A_2165 = arith.select %eq3A_2162, %broadcast_in_dim3A_2164, %add3A_2159 : vector<16xi1>, vector<16xi32>
      %gather3A_2166 = tpu.vector_load_idx %arg5[%add3A_24, %broadcast_in_dim3A_1829, %select_n3A_2165] : memref<128x4x50xi32, #tpu.memory_space<vmem>>[vector<16xi32>, vector<16xi32>, vector<16xi32>], vector<16xi32>,
      %gather3A_2167 = tpu.vector_load_idx %arg6[%broadcast_in_dim3A_1829, %gather3A_2166] : memref<4x10000xf32, #tpu.memory_space<vmem>>[vector<16xi32>, vector<16xi32>], vector<16xf32>,
      %add3A_2168 = arith.addf %add3A_2156, %gather3A_2167 : vector<16xf32>
      %add3A_2169 = arith.constant 1 : i32
      %add3A_2170 = vector.broadcast %add3A_2169 : i32 to vector<16xi32>
      %add3A_2171 = arith.addi %select_n3A_2165, %add3A_2170 : vector<16xi32>
      %eq3A_2172 = arith.constant 50 : i32
      %eq3A_2173 = vector.broadcast %eq3A_2172 : i32 to vector<16xi32>
      %eq3A_2174 = arith.cmpi eq, %add3A_2171, %eq3A_2173 : vector<16xi32>
      %jit3A_2175 = arith.constant 0 : i32
      %broadcast_in_dim3A_2176 = vector.broadcast %jit3A_2175 : i32 to vector<16xi32>
      %select_n3A_2177 = arith.select %eq3A_2174, %broadcast_in_dim3A_2176, %add3A_2171 : vector<16xi1>, vector<16xi32>
      %gather3A_2178 = tpu.vector_load_idx %arg5[%add3A_24, %broadcast_in_dim3A_1829, %select_n3A_2177] : memref<128x4x50xi32, #tpu.memory_space<vmem>>[vector<16xi32>, vector<16xi32>, vector<16xi32>], vector<16xi32>,
      %gather3A_2179 = tpu.vector_load_idx %arg6[%broadcast_in_dim3A_1829, %gather3A_2178] : memref<4x10000xf32, #tpu.memory_space<vmem>>[vector<16xi32>, vector<16xi32>], vector<16xf32>,
      %add3A_2180 = arith.addf %add3A_2168, %gather3A_2179 : vector<16xf32>
      %add3A_2181 = arith.constant 1 : i32
      %add3A_2182 = vector.broadcast %add3A_2181 : i32 to vector<16xi32>
      %add3A_2183 = arith.addi %select_n3A_2177, %add3A_2182 : vector<16xi32>
      %eq3A_2184 = arith.constant 50 : i32
      %eq3A_2185 = vector.broadcast %eq3A_2184 : i32 to vector<16xi32>
      %eq3A_2186 = arith.cmpi eq, %add3A_2183, %eq3A_2185 : vector<16xi32>
      %jit3A_2187 = arith.constant 0 : i32
      %broadcast_in_dim3A_2188 = vector.broadcast %jit3A_2187 : i32 to vector<16xi32>
      %select_n3A_2189 = arith.select %eq3A_2186, %broadcast_in_dim3A_2188, %add3A_2183 : vector<16xi1>, vector<16xi32>
      %gather3A_2190 = tpu.vector_load_idx %arg5[%add3A_24, %broadcast_in_dim3A_1829, %select_n3A_2189] : memref<128x4x50xi32, #tpu.memory_space<vmem>>[vector<16xi32>, vector<16xi32>, vector<16xi32>], vector<16xi32>,
      %gather3A_2191 = tpu.vector_load_idx %arg6[%broadcast_in_dim3A_1829, %gather3A_2190] : memref<4x10000xf32, #tpu.memory_space<vmem>>[vector<16xi32>, vector<16xi32>], vector<16xf32>,
      %add3A_2192 = arith.addf %add3A_2180, %gather3A_2191 : vector<16xf32>
      %add3A_2193 = arith.constant 1 : i32
      %add3A_2194 = vector.broadcast %add3A_2193 : i32 to vector<16xi32>
      %add3A_2195 = arith.addi %select_n3A_2189, %add3A_2194 : vector<16xi32>
      %eq3A_2196 = arith.constant 50 : i32
      %eq3A_2197 = vector.broadcast %eq3A_2196 : i32 to vector<16xi32>
      %eq3A_2198 = arith.cmpi eq, %add3A_2195, %eq3A_2197 : vector<16xi32>
      %jit3A_2199 = arith.constant 0 : i32
      %broadcast_in_dim3A_2200 = vector.broadcast %jit3A_2199 : i32 to vector<16xi32>
      %select_n3A_2201 = arith.select %eq3A_2198, %broadcast_in_dim3A_2200, %add3A_2195 : vector<16xi1>, vector<16xi32>
      %gather3A_2202 = tpu.vector_load_idx %arg5[%add3A_24, %broadcast_in_dim3A_1829, %select_n3A_2201] : memref<128x4x50xi32, #tpu.memory_space<vmem>>[vector<16xi32>, vector<16xi32>, vector<16xi32>], vector<16xi32>,
      %gather3A_2203 = tpu.vector_load_idx %arg6[%broadcast_in_dim3A_1829, %gather3A_2202] : memref<4x10000xf32, #tpu.memory_space<vmem>>[vector<16xi32>, vector<16xi32>], vector<16xf32>,
      %add3A_2204 = arith.addf %add3A_2192, %gather3A_2203 : vector<16xf32>
      %add3A_2205 = arith.constant 1 : i32
      %add3A_2206 = vector.broadcast %add3A_2205 : i32 to vector<16xi32>
      %add3A_2207 = arith.addi %select_n3A_2201, %add3A_2206 : vector<16xi32>
      %eq3A_2208 = arith.constant 50 : i32
      %eq3A_2209 = vector.broadcast %eq3A_2208 : i32 to vector<16xi32>
      %eq3A_2210 = arith.cmpi eq, %add3A_2207, %eq3A_2209 : vector<16xi32>
      %jit3A_2211 = arith.constant 0 : i32
      %broadcast_in_dim3A_2212 = vector.broadcast %jit3A_2211 : i32 to vector<16xi32>
      %select_n3A_2213 = arith.select %eq3A_2210, %broadcast_in_dim3A_2212, %add3A_2207 : vector<16xi1>, vector<16xi32>
      %gather3A_2214 = tpu.vector_load_idx %arg5[%add3A_24, %broadcast_in_dim3A_1829, %select_n3A_2213] : memref<128x4x50xi32, #tpu.memory_space<vmem>>[vector<16xi32>, vector<16xi32>, vector<16xi32>], vector<16xi32>,
      %gather3A_2215 = tpu.vector_load_idx %arg6[%broadcast_in_dim3A_1829, %gather3A_2214] : memref<4x10000xf32, #tpu.memory_space<vmem>>[vector<16xi32>, vector<16xi32>], vector<16xf32>,
      %add3A_2216 = arith.addf %add3A_2204, %gather3A_2215 : vector<16xf32>
      %add3A_2217 = arith.constant 1 : i32
      %add3A_2218 = vector.broadcast %add3A_2217 : i32 to vector<16xi32>
      %add3A_2219 = arith.addi %select_n3A_2213, %add3A_2218 : vector<16xi32>
      %eq3A_2220 = arith.constant 50 : i32
      %eq3A_2221 = vector.broadcast %eq3A_2220 : i32 to vector<16xi32>
      %eq3A_2222 = arith.cmpi eq, %add3A_2219, %eq3A_2221 : vector<16xi32>
      %jit3A_2223 = arith.constant 0 : i32
      %broadcast_in_dim3A_2224 = vector.broadcast %jit3A_2223 : i32 to vector<16xi32>
      %select_n3A_2225 = arith.select %eq3A_2222, %broadcast_in_dim3A_2224, %add3A_2219 : vector<16xi1>, vector<16xi32>
      %gather3A_2226 = tpu.vector_load_idx %arg5[%add3A_24, %broadcast_in_dim3A_1829, %select_n3A_2225] : memref<128x4x50xi32, #tpu.memory_space<vmem>>[vector<16xi32>, vector<16xi32>, vector<16xi32>], vector<16xi32>,
      %gather3A_2227 = tpu.vector_load_idx %arg6[%broadcast_in_dim3A_1829, %gather3A_2226] : memref<4x10000xf32, #tpu.memory_space<vmem>>[vector<16xi32>, vector<16xi32>], vector<16xf32>,
      %add3A_2228 = arith.addf %add3A_2216, %gather3A_2227 : vector<16xf32>
      %add3A_2229 = arith.constant 1 : i32
      %add3A_2230 = vector.broadcast %add3A_2229 : i32 to vector<16xi32>
      %add3A_2231 = arith.addi %select_n3A_2225, %add3A_2230 : vector<16xi32>
      %eq3A_2232 = arith.constant 50 : i32
      %eq3A_2233 = vector.broadcast %eq3A_2232 : i32 to vector<16xi32>
      %eq3A_2234 = arith.cmpi eq, %add3A_2231, %eq3A_2233 : vector<16xi32>
      %jit3A_2235 = arith.constant 0 : i32
      %broadcast_in_dim3A_2236 = vector.broadcast %jit3A_2235 : i32 to vector<16xi32>
      %select_n3A_2237 = arith.select %eq3A_2234, %broadcast_in_dim3A_2236, %add3A_2231 : vector<16xi1>, vector<16xi32>
      %gather3A_2238 = tpu.vector_load_idx %arg5[%add3A_24, %broadcast_in_dim3A_1829, %select_n3A_2237] : memref<128x4x50xi32, #tpu.memory_space<vmem>>[vector<16xi32>, vector<16xi32>, vector<16xi32>], vector<16xi32>,
      %gather3A_2239 = tpu.vector_load_idx %arg6[%broadcast_in_dim3A_1829, %gather3A_2238] : memref<4x10000xf32, #tpu.memory_space<vmem>>[vector<16xi32>, vector<16xi32>], vector<16xf32>,
      %add3A_2240 = arith.addf %add3A_2228, %gather3A_2239 : vector<16xf32>
      %add3A_2241 = arith.constant 1 : i32
      %add3A_2242 = vector.broadcast %add3A_2241 : i32 to vector<16xi32>
      %add3A_2243 = arith.addi %select_n3A_2237, %add3A_2242 : vector<16xi32>
      %eq3A_2244 = arith.constant 50 : i32
      %eq3A_2245 = vector.broadcast %eq3A_2244 : i32 to vector<16xi32>
      %eq3A_2246 = arith.cmpi eq, %add3A_2243, %eq3A_2245 : vector<16xi32>
      %jit3A_2247 = arith.constant 0 : i32
      %broadcast_in_dim3A_2248 = vector.broadcast %jit3A_2247 : i32 to vector<16xi32>
      %select_n3A_2249 = arith.select %eq3A_2246, %broadcast_in_dim3A_2248, %add3A_2243 : vector<16xi1>, vector<16xi32>
      %gather3A_2250 = tpu.vector_load_idx %arg5[%add3A_24, %broadcast_in_dim3A_1829, %select_n3A_2249] : memref<128x4x50xi32, #tpu.memory_space<vmem>>[vector<16xi32>, vector<16xi32>, vector<16xi32>], vector<16xi32>,
      %gather3A_2251 = tpu.vector_load_idx %arg6[%broadcast_in_dim3A_1829, %gather3A_2250] : memref<4x10000xf32, #tpu.memory_space<vmem>>[vector<16xi32>, vector<16xi32>], vector<16xf32>,
      %add3A_2252 = arith.addf %add3A_2240, %gather3A_2251 : vector<16xf32>
      %add3A_2253 = arith.constant 1 : i32
      %add3A_2254 = vector.broadcast %add3A_2253 : i32 to vector<16xi32>
      %add3A_2255 = arith.addi %select_n3A_2249, %add3A_2254 : vector<16xi32>
      %eq3A_2256 = arith.constant 50 : i32
      %eq3A_2257 = vector.broadcast %eq3A_2256 : i32 to vector<16xi32>
      %eq3A_2258 = arith.cmpi eq, %add3A_2255, %eq3A_2257 : vector<16xi32>
      %jit3A_2259 = arith.constant 0 : i32
      %broadcast_in_dim3A_2260 = vector.broadcast %jit3A_2259 : i32 to vector<16xi32>
      %select_n3A_2261 = arith.select %eq3A_2258, %broadcast_in_dim3A_2260, %add3A_2255 : vector<16xi1>, vector<16xi32>
      %gather3A_2262 = tpu.vector_load_idx %arg5[%add3A_24, %broadcast_in_dim3A_1829, %select_n3A_2261] : memref<128x4x50xi32, #tpu.memory_space<vmem>>[vector<16xi32>, vector<16xi32>, vector<16xi32>], vector<16xi32>,
      %gather3A_2263 = tpu.vector_load_idx %arg6[%broadcast_in_dim3A_1829, %gather3A_2262] : memref<4x10000xf32, #tpu.memory_space<vmem>>[vector<16xi32>, vector<16xi32>], vector<16xf32>,
      %add3A_2264 = arith.addf %add3A_2252, %gather3A_2263 : vector<16xf32>
      %add3A_2265 = arith.constant 1 : i32
      %add3A_2266 = vector.broadcast %add3A_2265 : i32 to vector<16xi32>
      %add3A_2267 = arith.addi %select_n3A_2261, %add3A_2266 : vector<16xi32>
      %eq3A_2268 = arith.constant 50 : i32
      %eq3A_2269 = vector.broadcast %eq3A_2268 : i32 to vector<16xi32>
      %eq3A_2270 = arith.cmpi eq, %add3A_2267, %eq3A_2269 : vector<16xi32>
      %jit3A_2271 = arith.constant 0 : i32
      %broadcast_in_dim3A_2272 = vector.broadcast %jit3A_2271 : i32 to vector<16xi32>
      %select_n3A_2273 = arith.select %eq3A_2270, %broadcast_in_dim3A_2272, %add3A_2267 : vector<16xi1>, vector<16xi32>
      %gather3A_2274 = tpu.vector_load_idx %arg5[%add3A_24, %broadcast_in_dim3A_1829, %select_n3A_2273] : memref<128x4x50xi32, #tpu.memory_space<vmem>>[vector<16xi32>, vector<16xi32>, vector<16xi32>], vector<16xi32>,
      %gather3A_2275 = tpu.vector_load_idx %arg6[%broadcast_in_dim3A_1829, %gather3A_2274] : memref<4x10000xf32, #tpu.memory_space<vmem>>[vector<16xi32>, vector<16xi32>], vector<16xf32>,
      %add3A_2276 = arith.addf %add3A_2264, %gather3A_2275 : vector<16xf32>
      %add3A_2277 = arith.constant 1 : i32
      %add3A_2278 = vector.broadcast %add3A_2277 : i32 to vector<16xi32>
      %add3A_2279 = arith.addi %select_n3A_2273, %add3A_2278 : vector<16xi32>
      %eq3A_2280 = arith.constant 50 : i32
      %eq3A_2281 = vector.broadcast %eq3A_2280 : i32 to vector<16xi32>
      %eq3A_2282 = arith.cmpi eq, %add3A_2279, %eq3A_2281 : vector<16xi32>
      %jit3A_2283 = arith.constant 0 : i32
      %broadcast_in_dim3A_2284 = vector.broadcast %jit3A_2283 : i32 to vector<16xi32>
      %select_n3A_2285 = arith.select %eq3A_2282, %broadcast_in_dim3A_2284, %add3A_2279 : vector<16xi1>, vector<16xi32>
      %gather3A_2286 = tpu.vector_load_idx %arg5[%add3A_24, %broadcast_in_dim3A_1829, %select_n3A_2285] : memref<128x4x50xi32, #tpu.memory_space<vmem>>[vector<16xi32>, vector<16xi32>, vector<16xi32>], vector<16xi32>,
      %gather3A_2287 = tpu.vector_load_idx %arg6[%broadcast_in_dim3A_1829, %gather3A_2286] : memref<4x10000xf32, #tpu.memory_space<vmem>>[vector<16xi32>, vector<16xi32>], vector<16xf32>,
      %add3A_2288 = arith.addf %add3A_2276, %gather3A_2287 : vector<16xf32>
      %add3A_2289 = arith.constant 1 : i32
      %add3A_2290 = vector.broadcast %add3A_2289 : i32 to vector<16xi32>
      %add3A_2291 = arith.addi %select_n3A_2285, %add3A_2290 : vector<16xi32>
      %eq3A_2292 = arith.constant 50 : i32
      %eq3A_2293 = vector.broadcast %eq3A_2292 : i32 to vector<16xi32>
      %eq3A_2294 = arith.cmpi eq, %add3A_2291, %eq3A_2293 : vector<16xi32>
      %jit3A_2295 = arith.constant 0 : i32
      %broadcast_in_dim3A_2296 = vector.broadcast %jit3A_2295 : i32 to vector<16xi32>
      %select_n3A_2297 = arith.select %eq3A_2294, %broadcast_in_dim3A_2296, %add3A_2291 : vector<16xi1>, vector<16xi32>
      %gather3A_2298 = tpu.vector_load_idx %arg5[%add3A_24, %broadcast_in_dim3A_1829, %select_n3A_2297] : memref<128x4x50xi32, #tpu.memory_space<vmem>>[vector<16xi32>, vector<16xi32>, vector<16xi32>], vector<16xi32>,
      %gather3A_2299 = tpu.vector_load_idx %arg6[%broadcast_in_dim3A_1829, %gather3A_2298] : memref<4x10000xf32, #tpu.memory_space<vmem>>[vector<16xi32>, vector<16xi32>], vector<16xf32>,
      %add3A_2300 = arith.addf %add3A_2288, %gather3A_2299 : vector<16xf32>
      %add3A_2301 = arith.constant 1 : i32
      %add3A_2302 = vector.broadcast %add3A_2301 : i32 to vector<16xi32>
      %add3A_2303 = arith.addi %select_n3A_2297, %add3A_2302 : vector<16xi32>
      %eq3A_2304 = arith.constant 50 : i32
      %eq3A_2305 = vector.broadcast %eq3A_2304 : i32 to vector<16xi32>
      %eq3A_2306 = arith.cmpi eq, %add3A_2303, %eq3A_2305 : vector<16xi32>
      %jit3A_2307 = arith.constant 0 : i32
      %broadcast_in_dim3A_2308 = vector.broadcast %jit3A_2307 : i32 to vector<16xi32>
      %select_n3A_2309 = arith.select %eq3A_2306, %broadcast_in_dim3A_2308, %add3A_2303 : vector<16xi1>, vector<16xi32>
      %gather3A_2310 = tpu.vector_load_idx %arg5[%add3A_24, %broadcast_in_dim3A_1829, %select_n3A_2309] : memref<128x4x50xi32, #tpu.memory_space<vmem>>[vector<16xi32>, vector<16xi32>, vector<16xi32>], vector<16xi32>,
      %gather3A_2311 = tpu.vector_load_idx %arg6[%broadcast_in_dim3A_1829, %gather3A_2310] : memref<4x10000xf32, #tpu.memory_space<vmem>>[vector<16xi32>, vector<16xi32>], vector<16xf32>,
      %add3A_2312 = arith.addf %add3A_2300, %gather3A_2311 : vector<16xf32>
      %add3A_2313 = arith.constant 1 : i32
      %add3A_2314 = vector.broadcast %add3A_2313 : i32 to vector<16xi32>
      %add3A_2315 = arith.addi %select_n3A_2309, %add3A_2314 : vector<16xi32>
      %eq3A_2316 = arith.constant 50 : i32
      %eq3A_2317 = vector.broadcast %eq3A_2316 : i32 to vector<16xi32>
      %eq3A_2318 = arith.cmpi eq, %add3A_2315, %eq3A_2317 : vector<16xi32>
      %jit3A_2319 = arith.constant 0 : i32
      %broadcast_in_dim3A_2320 = vector.broadcast %jit3A_2319 : i32 to vector<16xi32>
      %select_n3A_2321 = arith.select %eq3A_2318, %broadcast_in_dim3A_2320, %add3A_2315 : vector<16xi1>, vector<16xi32>
      %gather3A_2322 = tpu.vector_load_idx %arg5[%add3A_24, %broadcast_in_dim3A_1829, %select_n3A_2321] : memref<128x4x50xi32, #tpu.memory_space<vmem>>[vector<16xi32>, vector<16xi32>, vector<16xi32>], vector<16xi32>,
      %gather3A_2323 = tpu.vector_load_idx %arg6[%broadcast_in_dim3A_1829, %gather3A_2322] : memref<4x10000xf32, #tpu.memory_space<vmem>>[vector<16xi32>, vector<16xi32>], vector<16xf32>,
      %add3A_2324 = arith.addf %add3A_2312, %gather3A_2323 : vector<16xf32>
      %add3A_2325 = arith.constant 1 : i32
      %add3A_2326 = vector.broadcast %add3A_2325 : i32 to vector<16xi32>
      %add3A_2327 = arith.addi %select_n3A_2321, %add3A_2326 : vector<16xi32>
      %eq3A_2328 = arith.constant 50 : i32
      %eq3A_2329 = vector.broadcast %eq3A_2328 : i32 to vector<16xi32>
      %eq3A_2330 = arith.cmpi eq, %add3A_2327, %eq3A_2329 : vector<16xi32>
      %jit3A_2331 = arith.constant 0 : i32
      %broadcast_in_dim3A_2332 = vector.broadcast %jit3A_2331 : i32 to vector<16xi32>
      %select_n3A_2333 = arith.select %eq3A_2330, %broadcast_in_dim3A_2332, %add3A_2327 : vector<16xi1>, vector<16xi32>
      %gather3A_2334 = tpu.vector_load_idx %arg5[%add3A_24, %broadcast_in_dim3A_1829, %select_n3A_2333] : memref<128x4x50xi32, #tpu.memory_space<vmem>>[vector<16xi32>, vector<16xi32>, vector<16xi32>], vector<16xi32>,
      %gather3A_2335 = tpu.vector_load_idx %arg6[%broadcast_in_dim3A_1829, %gather3A_2334] : memref<4x10000xf32, #tpu.memory_space<vmem>>[vector<16xi32>, vector<16xi32>], vector<16xf32>,
      %add3A_2336 = arith.addf %add3A_2324, %gather3A_2335 : vector<16xf32>
      %add3A_2337 = arith.constant 1 : i32
      %add3A_2338 = vector.broadcast %add3A_2337 : i32 to vector<16xi32>
      %add3A_2339 = arith.addi %select_n3A_2333, %add3A_2338 : vector<16xi32>
      %eq3A_2340 = arith.constant 50 : i32
      %eq3A_2341 = vector.broadcast %eq3A_2340 : i32 to vector<16xi32>
      %eq3A_2342 = arith.cmpi eq, %add3A_2339, %eq3A_2341 : vector<16xi32>
      %jit3A_2343 = arith.constant 0 : i32
      %broadcast_in_dim3A_2344 = vector.broadcast %jit3A_2343 : i32 to vector<16xi32>
      %select_n3A_2345 = arith.select %eq3A_2342, %broadcast_in_dim3A_2344, %add3A_2339 : vector<16xi1>, vector<16xi32>
      %gather3A_2346 = tpu.vector_load_idx %arg5[%add3A_24, %broadcast_in_dim3A_1829, %select_n3A_2345] : memref<128x4x50xi32, #tpu.memory_space<vmem>>[vector<16xi32>, vector<16xi32>, vector<16xi32>], vector<16xi32>,
      %gather3A_2347 = tpu.vector_load_idx %arg6[%broadcast_in_dim3A_1829, %gather3A_2346] : memref<4x10000xf32, #tpu.memory_space<vmem>>[vector<16xi32>, vector<16xi32>], vector<16xf32>,
      %add3A_2348 = arith.addf %add3A_2336, %gather3A_2347 : vector<16xf32>
      %add3A_2349 = arith.constant 1 : i32
      %add3A_2350 = vector.broadcast %add3A_2349 : i32 to vector<16xi32>
      %add3A_2351 = arith.addi %select_n3A_2345, %add3A_2350 : vector<16xi32>
      %eq3A_2352 = arith.constant 50 : i32
      %eq3A_2353 = vector.broadcast %eq3A_2352 : i32 to vector<16xi32>
      %eq3A_2354 = arith.cmpi eq, %add3A_2351, %eq3A_2353 : vector<16xi32>
      %jit3A_2355 = arith.constant 0 : i32
      %broadcast_in_dim3A_2356 = vector.broadcast %jit3A_2355 : i32 to vector<16xi32>
      %select_n3A_2357 = arith.select %eq3A_2354, %broadcast_in_dim3A_2356, %add3A_2351 : vector<16xi1>, vector<16xi32>
      %gather3A_2358 = tpu.vector_load_idx %arg5[%add3A_24, %broadcast_in_dim3A_1829, %select_n3A_2357] : memref<128x4x50xi32, #tpu.memory_space<vmem>>[vector<16xi32>, vector<16xi32>, vector<16xi32>], vector<16xi32>,
      %gather3A_2359 = tpu.vector_load_idx %arg6[%broadcast_in_dim3A_1829, %gather3A_2358] : memref<4x10000xf32, #tpu.memory_space<vmem>>[vector<16xi32>, vector<16xi32>], vector<16xf32>,
      %add3A_2360 = arith.addf %add3A_2348, %gather3A_2359 : vector<16xf32>
      %add3A_2361 = arith.constant 1 : i32
      %add3A_2362 = vector.broadcast %add3A_2361 : i32 to vector<16xi32>
      %add3A_2363 = arith.addi %select_n3A_2357, %add3A_2362 : vector<16xi32>
      %eq3A_2364 = arith.constant 50 : i32
      %eq3A_2365 = vector.broadcast %eq3A_2364 : i32 to vector<16xi32>
      %eq3A_2366 = arith.cmpi eq, %add3A_2363, %eq3A_2365 : vector<16xi32>
      %jit3A_2367 = arith.constant 0 : i32
      %broadcast_in_dim3A_2368 = vector.broadcast %jit3A_2367 : i32 to vector<16xi32>
      %select_n3A_2369 = arith.select %eq3A_2366, %broadcast_in_dim3A_2368, %add3A_2363 : vector<16xi1>, vector<16xi32>
      %gather3A_2370 = tpu.vector_load_idx %arg5[%add3A_24, %broadcast_in_dim3A_1829, %select_n3A_2369] : memref<128x4x50xi32, #tpu.memory_space<vmem>>[vector<16xi32>, vector<16xi32>, vector<16xi32>], vector<16xi32>,
      %gather3A_2371 = tpu.vector_load_idx %arg6[%broadcast_in_dim3A_1829, %gather3A_2370] : memref<4x10000xf32, #tpu.memory_space<vmem>>[vector<16xi32>, vector<16xi32>], vector<16xf32>,
      %add3A_2372 = arith.addf %add3A_2360, %gather3A_2371 : vector<16xf32>
      %add3A_2373 = arith.constant 1 : i32
      %add3A_2374 = vector.broadcast %add3A_2373 : i32 to vector<16xi32>
      %add3A_2375 = arith.addi %select_n3A_2369, %add3A_2374 : vector<16xi32>
      %eq3A_2376 = arith.constant 50 : i32
      %eq3A_2377 = vector.broadcast %eq3A_2376 : i32 to vector<16xi32>
      %eq3A_2378 = arith.cmpi eq, %add3A_2375, %eq3A_2377 : vector<16xi32>
      %jit3A_2379 = arith.constant 0 : i32
      %broadcast_in_dim3A_2380 = vector.broadcast %jit3A_2379 : i32 to vector<16xi32>
      %select_n3A_2381 = arith.select %eq3A_2378, %broadcast_in_dim3A_2380, %add3A_2375 : vector<16xi1>, vector<16xi32>
      %gather3A_2382 = tpu.vector_load_idx %arg5[%add3A_24, %broadcast_in_dim3A_1829, %select_n3A_2381] : memref<128x4x50xi32, #tpu.memory_space<vmem>>[vector<16xi32>, vector<16xi32>, vector<16xi32>], vector<16xi32>,
      %gather3A_2383 = tpu.vector_load_idx %arg6[%broadcast_in_dim3A_1829, %gather3A_2382] : memref<4x10000xf32, #tpu.memory_space<vmem>>[vector<16xi32>, vector<16xi32>], vector<16xf32>,
      %add3A_2384 = arith.addf %add3A_2372, %gather3A_2383 : vector<16xf32>
      %add3A_2385 = arith.constant 1 : i32
      %add3A_2386 = vector.broadcast %add3A_2385 : i32 to vector<16xi32>
      %add3A_2387 = arith.addi %select_n3A_2381, %add3A_2386 : vector<16xi32>
      %eq3A_2388 = arith.constant 50 : i32
      %eq3A_2389 = vector.broadcast %eq3A_2388 : i32 to vector<16xi32>
      %eq3A_2390 = arith.cmpi eq, %add3A_2387, %eq3A_2389 : vector<16xi32>
      %jit3A_2391 = arith.constant 0 : i32
      %broadcast_in_dim3A_2392 = vector.broadcast %jit3A_2391 : i32 to vector<16xi32>
      %select_n3A_2393 = arith.select %eq3A_2390, %broadcast_in_dim3A_2392, %add3A_2387 : vector<16xi1>, vector<16xi32>
      %gather3A_2394 = tpu.vector_load_idx %arg5[%add3A_24, %broadcast_in_dim3A_1829, %select_n3A_2393] : memref<128x4x50xi32, #tpu.memory_space<vmem>>[vector<16xi32>, vector<16xi32>, vector<16xi32>], vector<16xi32>,
      %gather3A_2395 = tpu.vector_load_idx %arg6[%broadcast_in_dim3A_1829, %gather3A_2394] : memref<4x10000xf32, #tpu.memory_space<vmem>>[vector<16xi32>, vector<16xi32>], vector<16xf32>,
      %add3A_2396 = arith.addf %add3A_2384, %gather3A_2395 : vector<16xf32>
      %add3A_2397 = arith.constant 1 : i32
      %add3A_2398 = vector.broadcast %add3A_2397 : i32 to vector<16xi32>
      %add3A_2399 = arith.addi %select_n3A_2393, %add3A_2398 : vector<16xi32>
      %eq3A_2400 = arith.constant 50 : i32
      %eq3A_2401 = vector.broadcast %eq3A_2400 : i32 to vector<16xi32>
      %eq3A_2402 = arith.cmpi eq, %add3A_2399, %eq3A_2401 : vector<16xi32>
      %jit3A_2403 = arith.constant 0 : i32
      %broadcast_in_dim3A_2404 = vector.broadcast %jit3A_2403 : i32 to vector<16xi32>
      %select_n3A_2405 = arith.select %eq3A_2402, %broadcast_in_dim3A_2404, %add3A_2399 : vector<16xi1>, vector<16xi32>
      %gather3A_2406 = tpu.vector_load_idx %arg5[%add3A_24, %broadcast_in_dim3A_1829, %select_n3A_2405] : memref<128x4x50xi32, #tpu.memory_space<vmem>>[vector<16xi32>, vector<16xi32>, vector<16xi32>], vector<16xi32>,
      %gather3A_2407 = tpu.vector_load_idx %arg6[%broadcast_in_dim3A_1829, %gather3A_2406] : memref<4x10000xf32, #tpu.memory_space<vmem>>[vector<16xi32>, vector<16xi32>], vector<16xf32>,
      %add3A_2408 = arith.addf %add3A_2396, %gather3A_2407 : vector<16xf32>
      %add3A_2409 = arith.constant 1 : i32
      %add3A_2410 = vector.broadcast %add3A_2409 : i32 to vector<16xi32>
      %add3A_2411 = arith.addi %select_n3A_2405, %add3A_2410 : vector<16xi32>
      %eq3A_2412 = arith.constant 50 : i32
      %eq3A_2413 = vector.broadcast %eq3A_2412 : i32 to vector<16xi32>
      %eq3A_2414 = arith.cmpi eq, %add3A_2411, %eq3A_2413 : vector<16xi32>
      %jit3A_2415 = arith.constant 0 : i32
      %broadcast_in_dim3A_2416 = vector.broadcast %jit3A_2415 : i32 to vector<16xi32>
      %select_n3A_2417 = arith.select %eq3A_2414, %broadcast_in_dim3A_2416, %add3A_2411 : vector<16xi1>, vector<16xi32>
      %gather3A_2418 = tpu.vector_load_idx %arg5[%add3A_24, %broadcast_in_dim3A_1829, %select_n3A_2417] : memref<128x4x50xi32, #tpu.memory_space<vmem>>[vector<16xi32>, vector<16xi32>, vector<16xi32>], vector<16xi32>,
      %gather3A_2419 = tpu.vector_load_idx %arg6[%broadcast_in_dim3A_1829, %gather3A_2418] : memref<4x10000xf32, #tpu.memory_space<vmem>>[vector<16xi32>, vector<16xi32>], vector<16xf32>,
      %add3A_2420 = arith.addf %add3A_2408, %gather3A_2419 : vector<16xf32>
      %add3A_2421 = arith.constant 1 : i32
      %add3A_2422 = vector.broadcast %add3A_2421 : i32 to vector<16xi32>
      %add3A_2423 = arith.addi %select_n3A_2417, %add3A_2422 : vector<16xi32>
      %eq3A_2424 = arith.constant 50 : i32
      %eq3A_2425 = vector.broadcast %eq3A_2424 : i32 to vector<16xi32>
      %eq3A_2426 = arith.cmpi eq, %add3A_2423, %eq3A_2425 : vector<16xi32>
      %jit3A_2427 = arith.constant 0 : i32
      %broadcast_in_dim3A_2428 = vector.broadcast %jit3A_2427 : i32 to vector<16xi32>
      %select_n3A_2429 = arith.select %eq3A_2426, %broadcast_in_dim3A_2428, %add3A_2423 : vector<16xi1>, vector<16xi32>
      %mul3A_2430 = arith.constant 16 : i32
      %mul3A_2431 = arith.muli %scan3A_19, %mul3A_2430 : i32
      %swap3A = arith.index_cast %mul3A_2431 : i32 to index
      %swap3A_2432 = tpu.vector_load %arg7[%swap3A] {strides = array<i32>} : memref<128xf32, #tpu.memory_space<vmem>>, vector<16xf32>,
      tpu.vector_store %arg7[%swap3A], %add3A_2420 {strides = array<i32>} : memref<128xf32, #tpu.memory_space<vmem>>, vector<16xf32>,
      %scan3A_2433 = arith.constant 0 : i32
      scf.yield %scan3A_2433 : i32
    }
    %scan3A_18 = arith.constant 8 : i32
    "tpu.region"() ({
      %run_scoped3A = tpu.sem_alloc : memref<!tpu.dma_semaphore, #tpu.memory_space<semaphore_mem>>
      %dma_start3A_19 = tpu.memref_slice %arg4[%mul3A_2] : memref<4096xf32, #tpu.memory_space<hbm>> -> memref<128xf32, #tpu.memory_space<hbm>>
      %dma_start3A_20 = tpu.memref_slice %arg4[%mul3A_2] : memref<4096xf32, #tpu.memory_space<hbm>> -> memref<128xf32, #tpu.memory_space<hbm>>
      tpu.enqueue_dma source(%arg7 : memref<128xf32, #tpu.memory_space<vmem>>) target(%dma_start3A_20 : memref<128xf32, #tpu.memory_space<hbm>>) target_semaphore(%run_scoped3A : memref<!tpu.dma_semaphore, #tpu.memory_space<semaphore_mem>>)
      %dma_wait3A_21 = tpu.memref_slice %arg4[%mul3A_2] : memref<4096xf32, #tpu.memory_space<hbm>> -> memref<128xf32, #tpu.memory_space<hbm>>
      %dma_wait3A_22 = tpu.memref_slice %arg4[%mul3A_2] : memref<4096xf32, #tpu.memory_space<hbm>> -> memref<128xf32, #tpu.memory_space<hbm>>
      tpu.wait_dma2 semaphore(%run_scoped3A : memref<!tpu.dma_semaphore, #tpu.memory_space<semaphore_mem>>) src(%arg7 : memref<128xf32, #tpu.memory_space<vmem>>) dst(%dma_wait3A_22 : memref<128xf32, #tpu.memory_space<hbm>>)
      tpu.yield
    }) : () -> ()
    return
  }
}

module attributes {stable_mosaic.version = 14 : i64} {
  func.func @_tc_project(%arg0: memref<1xf32, #tpu.memory_space<smem>>, %arg1: memref<4x128xf32, #tpu.memory_space<vmem>>, %arg2: memref<10000x128xf32, #tpu.memory_space<vmem>>, %arg3: memref<4x10000xf32, #tpu.memory_space<vmem>>) attributes {dimension_semantics = [], scalar_prefetch = 0 : i64, scratch_operands = 0 : i64, tpu.core_type = #tpu.core_type<tc>} {
    %get3A = arith.constant 0 : index
    %get3A_0 = arith.constant 0 : index
    %get3A_1 = vector.load %arg1[%get3A, %get3A_0] : memref<4x128xf32, #tpu.memory_space<vmem>>, vector<4x128xf32>
    %get3A_2 = arith.constant 0 : index
    %get3A_3 = arith.constant 0 : index
    %get3A_4 = vector.load %arg2[%get3A_2, %get3A_3] : memref<10000x128xf32, #tpu.memory_space<vmem>>, vector<10000x128xf32>
    %dot_general3A = arith.constant dense<0.000000e+00> : vector<4x10000xf32>
    %dot_general3A_5 = tpu.matmul %get3A_1, %get3A_4, %dot_general3A {dimension_numbers = #tpu.dot_dimension_numbers<[1], [1], [0], [0], [0, 0, 1, 0], [], []>, transpose_lhs_hint = false} : vector<4x128xf32>, vector<10000x128xf32>, vector<4x10000xf32> -> vector<4x10000xf32>
    %mul3A = arith.constant 2.000000e-02 : f32
    %mul3A_6 = vector.broadcast %mul3A : f32 to vector<4x10000xf32>
    %mul3A_7 = arith.mulf %dot_general3A_5, %mul3A_6 : vector<4x10000xf32>
    %get3A_8 = arith.constant 0 : index
    %get3A_9 = memref.load %arg0[%get3A_8] : memref<1xf32, #tpu.memory_space<smem>>
    %mul3A_10 = arith.constant 5.000000e-03 : f32
    %mul3A_11 = arith.mulf %get3A_9, %mul3A_10 : f32
    %add3A = vector.broadcast %mul3A_11 : f32 to vector<4x10000xf32>
    %add3A_12 = arith.addf %mul3A_7, %add3A : vector<4x10000xf32>
    %swap3A = arith.constant 0 : index
    %swap3A_13 = arith.constant 0 : index
    %swap3A_14 = vector.load %arg3[%swap3A, %swap3A_13] : memref<4x10000xf32, #tpu.memory_space<vmem>>, vector<4x10000xf32>
    tpu.vector_store %arg3[%swap3A, %swap3A_13], %add3A_12 {strides = array<i32>} : memref<4x10000xf32, #tpu.memory_space<vmem>>, vector<4x10000xf32>,
    return
  }
}

</mosaic_0001>

<sc_bundles>
// kernel: kernel.4.cloned.1.call-start
scs
__scs_entry_jumppad:
0x0: {  	(pc) =	sbr.rel $0x88, $3  }
0x1: {  	(tag) =	ssettag $0x0;
	lr =	simm.s32 $0x1  }
0x2: {  	[smem:$0x3F9D] =	sst lr;
	_ =	strace $0xD0000000  }
0x3: {  	_ = 	snop  }
0x4: {  	_ = 	snop  }
0x5: {  	_ = 	snop  }
0x6: {  	_ = 	snop  }
0x7: {  	_ = 	snop  }
__scs_overlays_trampoline_lowered:
0x8: {  	[smem:$0x3FAC] =	sst s0  }
0x9: {  	[smem:$0x3FAD] =	sst s1  }
0xa: {  	[smem:$0x3FAE] =	sst s2  }
0xb: {  	[smem:$0x3FAF] =	sst s3  }
0xc: {  	[smem:$0x3FB0] =	sst s4  }
0xd: {  	[smem:$0x3FB1] =	sst s5  }
0xe: {  	[smem:$0x3FB2] =	sst s6  }
0xf: {  	[smem:$0x3FB3] =	sst s7  }
0x10: {  	[smem:$0x3FB4] =	sst s8  }
0x11: {  	[smem:$0x3FB5] =	sst s9;
	s0 =	simm.s32 @!p0 $0x0  }
0x12: {  	s1 =	sld [smem:$0x3F9B];
	s0 =	simm.s32 @p0 $0x1  }
0x13: {  	[smem:$0x3FB6] =	sst s0;
	s0 =	simm.s32 @!p1 $0x0  }
0x14: {  	s2 =	sld [smem:$0x3F9A];
	s0 =	simm.s32 @p1 $0x1  }
0x15: {  	[smem:$0x3FB7] =	sst s0;
	s0 =	simm.s32 @!p2 $0x0  }
0x16: {  	s3 =	sld [smem:$0x3FDB];
	s0 =	simm.s32 @p2 $0x1  }
0x17: {  	s4 =	simm.s32 $0x1BF5;
	[smem:$0x3FB9] =	sst s0  }
0x18: {  	s0 =	sld [smem:$0x3F9C];
	_ =	swait.ge [sflag:s4], $0x0  }
0x19: {  	s7 =	sld [smem:$0x3F9D]  }
0x1a: {  	s8 =	sadd.s32 $0xFFFFE003, lr  }
0x1b: {  	s9 =	sadd.s32 $0xFFFFFEF7, lr;
	s5 =	simm.s32 $0xFFFFFFFF;
	p2 =	slt.u32 s8, $0xFFFFF086  }
0x1c: {  	p1 =	slt.u32 s9, $0xF7A;
	s5 =	simm.s32 @!p2 $0x0  }
0x1d: {  	s5 =	simm.s32 @p1 $0x1;
	p0 =	seq.s32 s7, s2  }
0x1e: {  	s7 =	smul.u32 @!p0 $0xF7A, s2;
	p2 =	seq.s32 @!p0 s5, $0x0  }
0x1f: {  	s9 =	smul.u32 $0xF7A, s1;
	s8 =	simm.s32 @!p0 $0x1BF5;
	p2 =	por !p2, p0  }
0x20: {  	[sflag:s8] =	ssyncset.s32 @!p0 $0xFFFFF086;
	s6 =	sadd.s32 @!p0 s3, s7;
	s7 =	simm.s32 @!p0 $0x108  }
0x21: {  	s3 =	sadd.s32 s3, s9;
	s6 =	sadd.s32 @!p0 $0x88, s6;
	s7 =	simm.s32 @p2 $0x1082  }
0x22: {  	[simem:s7], [sflag:s8] =	dma.local @!p0 [hbm:s6], $0xF7A  }
0x23: {  	s9 =	sor.u32 $0xD0000000, s2;
	s6 =	simm.s32 $0x108;
	_ =	swait.ge @!p0 [sflag:s8], $0x0  }
0x24: {  	s3 =	sadd.s32 $0x88, s3;
	s6 =	simm.s32 @!p1 $0x1082;
	[sflag:s4] =	ssyncset.s32 $0xFFFFF086  }
0x25: {  	[simem:s6], [sflag:s4] =	dma.local [hbm:s3], $0xF7A  }
0x26: {  	[smem:$0x3F9D] =	sst s1;
	(tag) =	ssettag s2;
	_ =	strace s9  }
0x27: {  	s1 =	sld [smem:$0x3FAD]  }
0x28: {  	s2 =	sld [smem:$0x3FAE]  }
0x29: {  	s4 =	sld [smem:$0x3FB0]  }
0x2a: {  	p0 =	seq.s32 s5, $0x0;
	s5 =	sld [smem:$0x3FB1]  }
0x2b: {  	s6 =	sld [smem:$0x3FB2]  }
0x2c: {  	s7 =	sld [smem:$0x3FB3]  }
0x2d: {  	s3 =	simm.s32 $0x108;
	s8 =	sld [smem:$0x3FB4]  }
0x2e: {  	s3 =	simm.s32 @!p0 $0x1082;
	s9 =	sld [smem:$0x3FB5]  }
0x2f: {  	lr =	sadd.s32 s0, s3;
	s0 =	sld [smem:$0x3FAC]  }
0x30: {  	s3 =	sld [smem:$0x3FAF]  }
0x31: {  	[smem:$0x3FB8] =	sst s10  }
0x32: {  	s10 =	sld [smem:$0x3FB6];
	_ =	sdelay $0x3  }
0x33: {  	p0 =	seq.s32 s10, $0x1;
	s10 =	sld [smem:$0x3FB8];
	_ =	sdelay $0x3  }
0x34: {  	[smem:$0x3FB8] =	sst s10  }
0x35: {  	s10 =	sld [smem:$0x3FB7];
	_ =	sdelay $0x3  }
0x36: {  	p1 =	seq.s32 s10, $0x1;
	s10 =	sld [smem:$0x3FB8];
	_ =	sdelay $0x3  }
0x37: {  	[smem:$0x3FB8] =	sst s10  }
0x38: {  	s10 =	sld [smem:$0x3FB9]  }
0x39: {  	_ = 	snop;
	(pc) =	sbr.ind lr, $3  }
0x3a: {  	_ = 	snop  }
0x3b: {  	_ = 	snop  }
0x3c: {  	p2 =	seq.s32 s10, $0x1;
	s10 =	sld [smem:$0x3FB8]  }
0x3d: {  	_ =	shalt  }
0x3e: {  	_ =	shalt  }
0x3f: {  	_ =	shalt  }
0x40: {  	_ =	shalt  }
0x41: {  	_ =	shalt  }
0x42: {  	_ =	shalt  }
0x43: {  	_ =	shalt  }
0x44: {  	_ =	shalt  }
0x45: {  	_ =	shalt  }
0x46: {  	_ =	shalt  }
0x47: {  	_ =	shalt  }
0x48: {  	_ =	shalt  }
0x49: {  	_ =	shalt  }
0x4a: {  	_ =	shalt  }
0x4b: {  	_ =	shalt  }
0x4c: {  	_ =	shalt  }
0x4d: {  	_ =	shalt  }
0x4e: {  	_ =	shalt  }
0x4f: {  	_ =	shalt  }
0x50: {  	_ =	shalt  }
0x51: {  	_ =	shalt  }
0x52: {  	_ =	shalt  }
0x53: {  	_ =	shalt  }
0x54: {  	_ =	shalt  }
0x55: {  	_ =	shalt  }
0x56: {  	_ =	shalt  }
0x57: {  	_ =	shalt  }
0x58: {  	_ =	shalt  }
0x59: {  	_ =	shalt  }
0x5a: {  	_ =	shalt  }
0x5b: {  	_ =	shalt  }
0x5c: {  	_ =	shalt  }
0x5d: {  	_ =	shalt  }
0x5e: {  	_ =	shalt  }
0x5f: {  	_ =	shalt  }
0x60: {  	_ =	shalt  }
0x61: {  	_ =	shalt  }
0x62: {  	_ =	shalt  }
0x63: {  	_ =	shalt  }
0x64: {  	_ =	shalt  }
0x65: {  	_ =	shalt  }
0x66: {  	_ =	shalt  }
0x67: {  	_ =	shalt  }
0x68: {  	_ =	shalt  }
0x69: {  	_ =	shalt  }
0x6a: {  	_ =	shalt  }
0x6b: {  	_ =	shalt  }
0x6c: {  	_ =	shalt  }
0x6d: {  	_ =	shalt  }
0x6e: {  	_ =	shalt  }
0x6f: {  	_ =	shalt  }
0x70: {  	_ =	shalt  }
0x71: {  	_ =	shalt  }
0x72: {  	_ =	shalt  }
0x73: {  	_ =	shalt  }
0x74: {  	_ =	shalt  }
0x75: {  	_ =	shalt  }
0x76: {  	_ =	shalt  }
0x77: {  	_ =	shalt  }
0x78: {  	_ =	shalt  }
0x79: {  	_ =	shalt  }
0x7a: {  	_ =	shalt  }
0x7b: {  	_ =	shalt  }
0x7c: {  	_ =	shalt  }
0x7d: {  	_ =	shalt  }
0x7e: {  	_ =	shalt  }
0x7f: {  	_ =	shalt  }
0x80: {  	_ =	shalt  }
0x81: {  	_ =	shalt  }
0x82: {  	_ =	shalt  }
0x83: {  	_ =	shalt  }
0x84: {  	_ =	shalt  }
0x85: {  	_ =	shalt  }
0x86: {  	_ =	shalt  }
0x87: {  	_ =	shalt  }
.Lfunc_end0:
.L_simem_size_0:
called_computation_lowered:
.L_overlay_start_0:
0x88: {  	s2 =	sld [smem:$0x3FD9]  }
0x89: {  	s3 =	sld [smem:$0x3FFE];
	_ =	sdelay $0x1  }
0x8a: {  	s1 =	srdreg.scid  }
0x8b: {  	s0 =	sand.u32 $0x1, s1  }
0x8c: {  	s17 =	sshll.u32 s0, $0xA;
	s2 =	sadd.s32 s3, s2  }
0x8d: {  	s2 =	sadd.s32 s2, s17  }
0x8e: {  	[smem:$0x3FC4] =	sst s2  }
0x8f: {  	_ = 	snop  }
0x90: {  	s2 =	sld [smem:$0x3FD0];
	(tm) =	ssettm $0x1  }
0x91: {  	s18 =	sld [smem:$0x3FFB];
	_ =	sdelay $0x3  }
0x92: {  	_ =	strace s18  }
0x93: {  	s3 =	sld [smem:$0x3FFC];
	_ =	sdelay $0x3  }
0x94: {  	_ =	strace s3  }
0x95: {  	s3 =	sld [smem:$0x3FFD];
	_ =	sdelay $0x3  }
0x96: {  	_ =	strace s3  }
0x97: {  	_ =	strace $0x8FFFFFFF  }
0x98: {  	s19 =	sld [smem:$0x3FDB];
	_ =	sdelay $0x1  }
0x99: {  	s4 =	simm.s32 $_scs_section_size  }
0x9a: {  	s5 =	simm.s32 $_size__tile_overlayer_lowered;
	s6 =	simm.s32 $_tile_overlayer_lowered  }
0x9b: {  	s22 =	simm.s32 $0x1BFF;
	s21 =	sshll.u32 s6, $0x1;
	s3 =	sadd.s32 s4, s19  }
0x9c: {  	s7 =	simm.s32 $0x0;
	s20 =	sshll.u32 s5, $0x1;
	s5 =	sadd.s32 s21, s3  }
0x9d: {  	[timem:s7], [sflag:s22] =	dma.local [hbm:s5], s20  }
0x9e: {  	_ =	swait.ge [sflag:s22], s20  }
0x9f: {  	s4 =	ssub.s32 $0x0, s20;
	[sflag:s22] =	ssyncset.done $0x0  }
0xa0: {  	[sflag:s22] =	ssyncadd.s32 s4;
	_ =	sdelay $0x1  }
0xa1: {  	s23 =	simm.s32 $0x1B8B  }
0xa2: {  	_ =	swait.ge [sflag:s23], $0x1  }
0xa3: {  	[sflag:s23] =	ssyncset.done $0x0  }
0xa4: {  	s25 =	simm.s32 $0x1B8E;
	s24 =	sld [smem:$0x3FFE];
	[sflag:s23] =	ssyncadd.s32 $0xFFFFFFFF  }
0xa5: {  	s26 =	simm.s32 $execute0_lowered;
	[smem:$0x3FD2] =	sst s25  }
0xa6: {  	s5 =	sshll.u32 s26, $0x1;
	_ =	strace $0x80000046;
	[dreg:$0x1] =	wrdreg $0xFFFFFFFF  }
0xa7: {  	s28 =	simm.s32 $_size_execute0_lowered;
	s3 =	sadd.s32 s3, s5;
	[dreg:$0x0] =	wrdreg $0x0  }
0xa8: {  	s5 =	sshll.u32 s28, $0x1;
	[dreg:$0x2] =	wrdreg s3  }
0xa9: {  	[dreg:$0x3] =	wrdreg s5  }
0xaa: {  	[dreg:$0x4] =	wrdreg $0xC0  }
0xab: {  	_ =	task [dreg:s7], $0x5FFFF  }
0xac: {  	[dreg:$0x1] =	wrdreg $0xFFFFFFFF  }
0xad: {  	[dreg:$0x0] =	wrdreg $0x60  }
0xae: {  	[dreg:$0x2] =	wrdreg s24  }
0xaf: {  	[dreg:$0x3] =	wrdreg s2  }
0xb0: {  	[dreg:$0x4] =	wrdreg $0x9  }
0xb1: {  	_ =	task.clear_ibuf [dreg:s7], $0x5FFFF;
	_ =	strace $0x90000046  }
0xb2: {  	s29 =	simm.s32 $0x9;
	_ =	strace $0x80000048  }
0xb3: {  	_ =	swait.ge [sflag:s29], $0x1  }
0xb4: {  	[sflag:s29] =	ssyncadd.s32 $0xFFFFFFFF  }
0xb5: {  	_ =	strace $0x90000048  }
0xb6: {  	_ =	sfence  }
0xb7: {  	s30 =	sld [smem:$0x0];
	_ =	sdelay $0x2  }
0xb8: {  	s31 =	sshll.u32 s1, $0xD;
	s1 =	sshrl.u32 s1, $0x2  }
0xb9: {  	s3 =	sand.u32 $0x4000, s31;
	s1 =	sadd.s32 s1, s30  }
0xba: {  	s0 =	sor.u32 s3, s0;
	s1 =	sshll.u32 s1, $0x11  }
0xbb: {  	s0 =	sor.u32 s1, s0  }
0xbc: {  	s0 =	sadd.s32 $0x8F2B, s0  }
0xbd: {  	[sflag:s0] =	ssyncadd.remote.s32 $0x1  }
0xbe: {  	_ =	sfence.sel $0xFFFF  }
0xbf: {  	[dreg:$0x0] =	wrdreg $0xFFFFFFFF;
	(pc) =	sbr.abs _section_cstart, $3  }
0xc0: {  	[dreg:$0x1] =	wrdreg $0xFFFFFFFF  }
0xc1: {  	_ =	task.clear_ibuf [dreg:s7], $0x2FFFF;
	_ =	strace $0x9FFFFFFF  }
0xc2: {  	(tm) =	ssettm $0x7FFFFFFF  }
0xc3: {  	_ =	shalt  }
tec
execute0_lowered:
.L_overlay_start_1:
0x0: {  	(tag) =	ssettag $0x1  }
0x1: {  	v0 =	vimm.s32 $0x26252423  }
0x2: {  	v1 =	vimm.s32 $0x2A292827;
	vm0 =	vcmask $0x1F10;
	v2 =	vimm.s32 $0x2E2D2C2B  }
0x3: {  	v3 =	vimm.s32 $0x31302F;
	v4 =	vimm.s32 $0x27262524;
	v5 =	vimm.s32 $0x2B2A2928  }
0x4: {  	v6 =	vimm.s32 $0x2F2E2D2C;
	v7 =	vimm.s32 $0x1003130;
	v9 =	vimm.s32 $0x28272625  }
0x5: {  	v11 =	vimm.s32 $0x2C2B2A29;
	v12 =	vimm.s32 $0x302F2E2D;
	v0 =	vunpack.c.0.s8.s32 v0  }
0x6: {  	v1 =	vunpack.c.0.s8.s32 v1;
	v2 =	vunpack.c.0.s8.s32 v2;
	v3 =	vunpack.c.0.s8.s32 v3  }
0x7: {  	v4 =	vunpack.c.0.s8.s32 v4;
	v5 =	vunpack.c.0.s8.s32 v5;
	v6 =	vunpack.c.0.s8.s32 v6  }
0x8: {  	v7 =	vunpack.c.0.s8.s32 v7;
	v0 =	vsel vm0, v1, v0;
	v8 =	vsel vm0, v3, v2  }
0x9: {  	v13 =	vimm.s32 $0x2010031;
	v9 =	vunpack.c.0.s8.s32 v9;
	v0 =	vcombine.low v0, v8  }
0xa: {  	v11 =	vunpack.c.0.s8.s32 v11;
	v4 =	vsel vm0, v5, v4;
	v10 =	vsel vm0, v7, v6  }
0xb: {  	v12 =	vunpack.c.0.s8.s32 v12;
	v13 =	vunpack.c.0.s8.s32 v13;
	[tilespmem:$0x1FC10] =	vst v0;
	v0 =	vcombine.low v4, v10;
	_ =	sdelay $0x1  }
0xc: {  	v4 =	vsel vm0, v13, v12;
	[tilespmem:$0x1FC20] =	vst v0;
	v0 =	vsel vm0, v11, v9  }
0xd: {  	v0 =	vcombine.low v0, v4  }
0xe: {  	v14 =	vimm.s32 $0x29282726;
	v9 =	vimm.s32 $0x3020100  }
0xf: {  	v15 =	vimm.s32 $0x2D2C2B2A;
	[tilespmem:$0x1FC30] =	vst v0;
	v0 =	vunpack.c.0.s8.s32 v9;
	v9 =	vimm.s32 $0x31302F2E  }
0x10: {  	v14 =	vunpack.c.0.s8.s32 v14;
	v15 =	vunpack.c.0.s8.s32 v15;
	v9 =	vunpack.c.0.s8.s32 v9  }
0x11: {  	v16 =	vimm.s32 $0x4030201  }
0x12: {  	v16 =	vunpack.c.0.s8.s32 v16;
	v14 =	vsel vm0, v15, v14;
	v0 =	vsel vm0, v0, v9  }
0x13: {  	v0 =	vcombine.low v14, v0  }
0x14: {  	v17 =	vimm.s32 $0x5040302;
	v16 =	vsel vm0, v16, v3;
	v1 =	vsel vm0, v2, v1  }
0x15: {  	v18 =	vimm.s32 $0x6050403;
	v17 =	vunpack.c.0.s8.s32 v17;
	[tilespmem:$0x1FC40] =	vst v0;
	v0 =	vcombine.low v1, v16  }
0x16: {  	vm1 =	vcmask $0x2F10;
	vm2 =	vcmask $0x3F30;
	vm3 =	vcmask $0xB08  }
0x17: {  	v2 =	vunpack.c.0.s8.s32 v18;
	v1 =	vsel vm0, v6, v5;
	[tilespmem:$0x1FC50] =	vst v0;
	v0 =	vsel vm0, v17, v7  }
0x18: {  	vm4 =	vcmask $0xF0C;
	vm5 =	vcmask $0x1310;
	v0 =	vcombine.low v1, v0  }
0x19: {  	vm6 =	vcmask $0x1714;
	v2 =	vsel vm0, v2, v13;
	v6 =	vsel vm0, v12, v11  }
0x1a: {  	vm7 =	vcmask $0x1B18;
	v5 =	vimm.s32 $0x87654321;
	[tilespmem:$0x1FC60] =	vst v0;
	v0 =	vcombine.low v6, v2  }
0x1b: {  	vm8 =	vcmask $0x1F1C;
	v11 =	vimm.s32 $0x76543210;
	v5 =	vunpack.c.l.s4.s8 v5  }
0x1c: {  	vm9 =	vcmask $0x2320;
	vm10 =	vcmask $0x2724;
	[tilespmem:$0x1FC70] =	vst v0;
	v0 =	vunpack.c.l.s4.s8 v11  }
0x1d: {  	vm11 =	vcmask $0x2B28;
	v1 =	vunpack.c.0.s8.s32 v5;
	v5 =	vimm.s32 $0xA9876543  }
0x1e: {  	v5 =	vunpack.c.l.s4.s8 v5;
	v2 =	vimm.s32 $0x98765432;
	v0 =	vunpack.c.0.s8.s32 v0  }
0x1f: {  	vm12 =	vcmask $0x2F2C;
	v6 =	vsel vm0, v9, v15;
	v2 =	vunpack.c.l.s4.s8 v2  }
0x20: {  	vm13 =	vcmask $0x3330;
	v5 =	vunpack.c.0.s8.s32 v5;
	v0 =	vcombine.low v6, v0  }
0x21: {  	v1 =	vand.u32 $0xF, v1;
	v11 =	vimm.s32 $0x32107654;
	v2 =	vunpack.c.0.s8.s32 v2  }
0x22: {  	v11 =	vunpack.c.l.s4.s8 v11;
	[tilespmem:$0x1FC80] =	vst v0;
	v0 =	vcombine.low v8, v1;
	v1 =	vand.u32 $0xF, v5  }
0x23: {  	vm14 =	vcmask $0x3734;
	v24 =	vcombine.low v4, v1;
	v1 =	vimm.s32 $0x43218765  }
0x24: {  	v4 =	vimm.s32 $0x54329876;
	[tilespmem:$0x1FC90] =	vst v0;
	v0 =	vand.u32 $0xF, v2;
	v2 =	vunpack.c.0.s8.s32 v11  }
0x25: {  	vm15 =	vcmask $0x3B38;
	v1 =	vunpack.c.l.s4.s8 v1;
	v4 =	vunpack.c.l.s4.s8 v4  }
0x26: {  	v10 =	vcombine.low v10, v0;
	v0 =	vand.u32 $0xF, v2;
	v2 =	vimm.s32 $0xB0A0908  }
0x27: {  	v6 =	vimm.s32 $0xC0B0A09;
	v1 =	vunpack.c.0.s8.s32 v1;
	v2 =	vunpack.c.0.s8.s32 v2  }
0x28: {  	v5 =	vimm.s32 $0x6543A987;
	v4 =	vunpack.c.0.s8.s32 v4;
	v0 =	vsel vm1, v0, v9  }
0x29: {  	v5 =	vunpack.c.l.s4.s8 v5;
	v9 =	vsel vm2, v2, v0;
	v0 =	vand.u32 $0xF, v1  }
0x2a: {  	v1 =	vunpack.c.0.s8.s32 v6;
	v2 =	vand.u32 $0xF, v4;
	v4 =	vimm.s32 $0xA6A5A4A3  }
0x2b: {  	v6 =	vimm.s32 $0x18D;
	v0 =	vsel vm1, v0, v3;
	v3 =	vunpack.c.0.s8.s32 v5  }
0x2c: {  	v5 =	vimm.s32 $0xAAA9A8A7;
	v4 =	vunpack.c.0.s8.s32 v4;
	v25 =	vsel vm2, v1, v0  }
0x2d: {  	v0 =	vsel vm1, v2, v7;
	v1 =	vimm.s32 $0xD0C0B0A;
	v28 =	vunpack.c.0.s8.s32 v5  }
0x2e: {  	v5 =	vimm.s32 $0x18C;
	v2 =	vand.u32 $0xF, v3;
	v3 =	vimm.s32 $0xE0D0C0B  }
0x2f: {  	v7 =	vimm.s32 $0x18E;
	v1 =	vunpack.c.0.s8.s32 v1;
	v3 =	vunpack.c.0.s8.s32 v3  }
0x30: {  	v2 =	vsel vm1, v2, v13;
	v36 =	vsel vm0, v28, v4;
	vm1 =	vcmask $0x300  }
0x31: {  	v4 =	vimm.s32 $0x18B;
	v34 =	vsel vm2, v1, v0;
	v0 =	vimm.s32 $0xAEADACAB  }
0x32: {  	v1 =	vimm.s32 $0x80B1B0AF;
	v4 =	vsel vm1, $0x1AE, v4;
	v5 =	vsel vm1, $0x1AF, v5  }
0x33: {  	v6 =	vsel vm1, $0x1B0, v6;
	v7 =	vsel vm1, $0x1B1, v7;
	v35 =	vsel vm2, v3, v2  }
0x34: {  	v44 =	vunpack.c.0.s8.s32 v0;
	v0 =	vimm.s32 $0xA7A6A5A4;
	v2 =	vimm.s32 $0xABAAA9A8  }
0x35: {  	v3 =	vimm.s32 $0xACABAAA9;
	v19 =	vunpack.c.0.s8.s32 v1;
	vm2 =	vcmask $0x704  }
0x36: {  	v0 =	vunpack.c.0.s8.s32 v0;
	v37 =	vunpack.c.0.s8.s32 v2;
	v2 =	vimm.s32 $0xA8A7A6A5  }
0x37: {  	v38 =	vunpack.c.0.s8.s32 v3;
	v3 =	vimm.s32 $0x828180B1;
	v4 =	vsel vm2, $0x1AF, v4  }
0x38: {  	v5 =	vsel vm2, $0x1B0, v5;
	v6 =	vsel vm2, $0x1B1, v6;
	v7 =	vsel vm2, $0x180, v7  }
0x39: {  	v1 =	vunpack.c.0.s8.s32 v2;
	v2 =	vimm.s32 $0x8180B1B0;
	v27 =	vunpack.c.0.s8.s32 v3  }
0x3a: {  	v3 =	vimm.s32 $0x18A;
	v4 =	vsel vm3, $0x1B0, v4;
	v5 =	vsel vm3, $0x1B1, v5  }
0x3b: {  	v6 =	vsel vm3, $0x180, v6;
	v7 =	vsel vm3, $0x181, v7;
	v39 =	vsel vm0, v37, v0  }
0x3c: {  	v0 =	vimm.s32 $0xAFAEADAC;
	v23 =	vunpack.c.0.s8.s32 v2;
	v2 =	vimm.s32 $0xADACABAA  }
0x3d: {  	v3 =	vsel vm1, $0x1AD, v3;
	v4 =	vsel vm4, $0x1B1, v4;
	v5 =	vsel vm4, $0x180, v5  }
0x3e: {  	v6 =	vsel vm4, $0x181, v6;
	v7 =	vsel vm4, $0x182, v7;
	v22 =	vunpack.c.0.s8.s32 v0  }
0x3f: {  	v40 =	vsel vm0, v38, v1;
	v0 =	vimm.s32 $0xB0AFAEAD;
	v1 =	vimm.s32 $0xA9A8A7A6  }
0x40: {  	v2 =	vunpack.c.0.s8.s32 v2;
	v3 =	vsel vm2, $0x1AE, v3;
	v4 =	vsel vm5, $0x180, v4  }
0x41: {  	v5 =	vsel vm5, $0x181, v5;
	v6 =	vsel vm5, $0x182, v6;
	v7 =	vsel vm5, $0x183, v7  }
0x42: {  	v1 =	vunpack.c.0.s8.s32 v1;
	v26 =	vunpack.c.0.s8.s32 v0;
	v0 =	vimm.s32 $0xB1B0AFAE  }
0x43: {  	v3 =	vsel vm3, $0x1AF, v3;
	v4 =	vsel vm6, $0x181, v4;
	v5 =	vsel vm6, $0x182, v5  }
0x44: {  	v6 =	vsel vm6, $0x183, v6;
	v7 =	vsel vm6, $0x184, v7;
	v29 =	vunpack.c.0.s8.s32 v0  }
0x45: {  	v0 =	vimm.s32 $0x83828180;
	v3 =	vsel vm4, $0x1B0, v3;
	v4 =	vsel vm7, $0x182, v4  }
0x46: {  	v5 =	vsel vm7, $0x183, v5;
	v6 =	vsel vm7, $0x184, v6;
	v7 =	vsel vm7, $0x185, v7  }
0x47: {  	v41 =	vsel vm0, v2, v1;
	v45 =	vunpack.c.0.s8.s32 v0;
	v0 =	vimm.s32 $0x84838281  }
0x48: {  	[tilespmem:$0x1FCA0] =	vst v2;
	v1 =	vimm.s32 $0x85848382;
	v2 =	vimm.s32 $0x100;
	v3 =	vsel vm5, $0x1B1, v3  }
0x49: {  	v4 =	vsel vm8, $0x183, v4;
	v5 =	vsel vm8, $0x184, v5;
	v6 =	vsel vm8, $0x185, v6  }
0x4a: {  	v17 =	vunpack.c.0.s8.s32 v0;
	v30 =	vunpack.c.0.s8.s32 v1;
	v0 =	vimm.s32 $0x86858483  }
0x4b: {  	v1 =	vimm.s32 $0x88878685;
	v31 =	vunpack.c.0.s8.s32 v0;
	v0 =	vimm.s32 $0x87868584  }
0x4c: {  	v63 =	vunpack.c.0.s8.s32 v1;
	v42 =	vunpack.c.0.s8.s32 v0;
	v0 =	vimm.s32 $0x89888786  }
0x4d: {  	v1 =	vimm.s32 $0x8B8A8988;
	v46 =	vunpack.c.0.s8.s32 v0;
	v0 =	vimm.s32 $0x8A898887  }
0x4e: {  	v47 =	vunpack.c.0.s8.s32 v0;
	v0 =	vunpack.c.0.s8.s32 v1;
	v1 =	vimm.s32 $0x8C8B8A89  }
0x4f: {  	v7 =	vsel vm8, $0x186, v7;
	v3 =	vsel vm6, $0x180, v3;
	v1 =	vunpack.c.0.s8.s32 v1  }
0x50: {  	v4 =	vsel vm9, $0x184, v4;
	v5 =	vsel vm9, $0x185, v5;
	v6 =	vsel vm9, $0x186, v6  }
0x51: {  	v48 =	vsel vm0, v0, v42;
	v49 =	vsel vm0, v1, v63;
	v1 =	vimm.s32 $0x8D8C8B8A  }
0x52: {  	v0 =	vsel vm1, $0x123, v2;
	v2 =	vimm.s32 $0x8E8D8C8B;
	v1 =	vunpack.c.0.s8.s32 v1  }
0x53: {  	v7 =	vsel vm9, $0x187, v7;
	v3 =	vsel vm7, $0x181, v3;
	v2 =	vunpack.c.0.s8.s32 v2  }
0x54: {  	v0 =	vsel vm2, $0x124, v0;
	v50 =	vsel vm0, v1, v46;
	v1 =	vimm.s32 $0x101  }
0x55: {  	v51 =	vsel vm0, v2, v47;
	v2 =	vimm.s32 $0x102;
	v1 =	vsel vm1, $0x124, v1  }
0x56: {  	v0 =	vsel vm3, $0x125, v0;
	v2 =	vsel vm1, $0x125, v2;
	v1 =	vsel vm2, $0x125, v1  }
0x57: {  	v0 =	vsel vm4, $0x126, v0;
	v2 =	vsel vm2, $0x126, v2;
	v1 =	vsel vm3, $0x126, v1  }
0x58: {  	v0 =	vsel vm5, $0x127, v0;
	v2 =	vsel vm3, $0x127, v2;
	v1 =	vsel vm4, $0x127, v1  }
0x59: {  	v0 =	vsel vm6, $0x128, v0;
	v2 =	vsel vm4, $0x128, v2;
	v1 =	vsel vm5, $0x128, v1  }
0x5a: {  	v0 =	vsel vm7, $0x129, v0;
	v2 =	vsel vm5, $0x129, v2;
	v1 =	vsel vm6, $0x129, v1  }
0x5b: {  	v0 =	vsel vm8, $0x12A, v0;
	v2 =	vsel vm6, $0x12A, v2;
	v1 =	vsel vm7, $0x12A, v1  }
0x5c: {  	v0 =	vsel vm9, $0x12B, v0;
	v2 =	vsel vm7, $0x12B, v2;
	v1 =	vsel vm8, $0x12B, v1  }
0x5d: {  	v0 =	vsel vm10, $0x12C, v0;
	v2 =	vsel vm8, $0x12C, v2;
	v1 =	vsel vm9, $0x12C, v1  }
0x5e: {  	v0 =	vsel vm11, $0x12D, v0;
	v2 =	vsel vm9, $0x12D, v2;
	v1 =	vsel vm10, $0x12D, v1  }
0x5f: {  	v0 =	vsel vm12, $0x12E, v0;
	v2 =	vsel vm10, $0x12E, v2;
	v1 =	vsel vm11, $0x12E, v1  }
0x60: {  	v0 =	vsel vm13, $0x12F, v0;
	v2 =	vsel vm11, $0x12F, v2;
	v1 =	vsel vm12, $0x12F, v1  }
0x61: {  	v0 =	vsel vm14, $0x130, v0;
	v2 =	vsel vm12, $0x130, v2;
	v1 =	vsel vm13, $0x130, v1  }
0x62: {  	v52 =	vsel vm15, $0x131, v0;
	v0 =	vsel vm14, $0x131, v1;
	v1 =	vsel vm13, $0x131, v2  }
0x63: {  	v53 =	vsel vm15, $0x100, v0;
	v0 =	vsel vm14, $0x100, v1;
	v1 =	vimm.s32 $0x103  }
0x64: {  	v54 =	vsel vm15, $0x101, v0;
	v0 =	vsel vm1, $0x126, v1;
	v1 =	vimm.s32 $0x104  }
0x65: {  	v2 =	vimm.s32 $0x105;
	v0 =	vsel vm2, $0x127, v0;
	v1 =	vsel vm1, $0x127, v1  }
0x66: {  	v2 =	vsel vm1, $0x128, v2;
	v0 =	vsel vm3, $0x128, v0;
	v1 =	vsel vm2, $0x128, v1  }
0x67: {  	v2 =	vsel vm2, $0x129, v2;
	v0 =	vsel vm4, $0x129, v0;
	v1 =	vsel vm3, $0x129, v1  }
0x68: {  	v2 =	vsel vm3, $0x12A, v2;
	v0 =	vsel vm5, $0x12A, v0;
	v1 =	vsel vm4, $0x12A, v1  }
0x69: {  	v2 =	vsel vm4, $0x12B, v2;
	v0 =	vsel vm6, $0x12B, v0;
	v1 =	vsel vm5, $0x12B, v1  }
0x6a: {  	v2 =	vsel vm5, $0x12C, v2;
	v0 =	vsel vm7, $0x12C, v0;
	v1 =	vsel vm6, $0x12C, v1  }
0x6b: {  	v2 =	vsel vm6, $0x12D, v2;
	v0 =	vsel vm8, $0x12D, v0;
	v1 =	vsel vm7, $0x12D, v1  }
0x6c: {  	v2 =	vsel vm7, $0x12E, v2;
	v0 =	vsel vm9, $0x12E, v0;
	v1 =	vsel vm8, $0x12E, v1  }
0x6d: {  	v2 =	vsel vm8, $0x12F, v2;
	v0 =	vsel vm10, $0x12F, v0;
	v1 =	vsel vm9, $0x12F, v1  }
0x6e: {  	v2 =	vsel vm9, $0x130, v2;
	v0 =	vsel vm11, $0x130, v0;
	v1 =	vsel vm10, $0x130, v1  }
0x6f: {  	v2 =	vsel vm10, $0x131, v2;
	v0 =	vsel vm12, $0x131, v0;
	v1 =	vsel vm11, $0x131, v1  }
0x70: {  	v2 =	vsel vm11, $0x100, v2;
	v0 =	vsel vm13, $0x100, v0;
	v1 =	vsel vm12, $0x100, v1  }
0x71: {  	v2 =	vsel vm12, $0x101, v2;
	v0 =	vsel vm14, $0x101, v0;
	v1 =	vsel vm13, $0x101, v1  }
0x72: {  	v11 =	vsel vm15, $0x102, v0;
	v0 =	vsel vm14, $0x102, v1;
	v1 =	vsel vm13, $0x102, v2  }
0x73: {  	v12 =	vsel vm15, $0x103, v0;
	v0 =	vsel vm14, $0x103, v1;
	v1 =	vimm.s32 $0x106  }
0x74: {  	v14 =	vsel vm15, $0x104, v0;
	v0 =	vsel vm1, $0x129, v1;
	v1 =	vimm.s32 $0x107  }
0x75: {  	v2 =	vimm.s32 $0x108;
	v0 =	vsel vm2, $0x12A, v0;
	v1 =	vsel vm1, $0x12A, v1  }
0x76: {  	v2 =	vsel vm1, $0x12B, v2;
	v0 =	vsel vm3, $0x12B, v0;
	v1 =	vsel vm2, $0x12B, v1  }
0x77: {  	v2 =	vsel vm2, $0x12C, v2;
	v0 =	vsel vm4, $0x12C, v0;
	v1 =	vsel vm3, $0x12C, v1  }
0x78: {  	v2 =	vsel vm3, $0x12D, v2;
	v0 =	vsel vm5, $0x12D, v0;
	v1 =	vsel vm4, $0x12D, v1  }
0x79: {  	v2 =	vsel vm4, $0x12E, v2;
	v0 =	vsel vm6, $0x12E, v0;
	v1 =	vsel vm5, $0x12E, v1  }
0x7a: {  	v2 =	vsel vm5, $0x12F, v2;
	v0 =	vsel vm7, $0x12F, v0;
	v1 =	vsel vm6, $0x12F, v1  }
0x7b: {  	v2 =	vsel vm6, $0x130, v2;
	v0 =	vsel vm8, $0x130, v0;
	v1 =	vsel vm7, $0x130, v1  }
0x7c: {  	v2 =	vsel vm7, $0x131, v2;
	v0 =	vsel vm9, $0x131, v0;
	v1 =	vsel vm8, $0x131, v1  }
0x7d: {  	v2 =	vsel vm8, $0x100, v2;
	v0 =	vsel vm10, $0x100, v0;
	v1 =	vsel vm9, $0x100, v1  }
0x7e: {  	v2 =	vsel vm9, $0x101, v2;
	v0 =	vsel vm11, $0x101, v0;
	v1 =	vsel vm10, $0x101, v1  }
0x7f: {  	v2 =	vsel vm10, $0x102, v2;
	v0 =	vsel vm12, $0x102, v0;
	v1 =	vsel vm11, $0x102, v1  }
0x80: {  	v2 =	vsel vm11, $0x103, v2;
	v0 =	vsel vm13, $0x103, v0;
	v1 =	vsel vm12, $0x103, v1  }
0x81: {  	v2 =	vsel vm12, $0x104, v2;
	v0 =	vsel vm14, $0x104, v0;
	v1 =	vsel vm13, $0x104, v1  }
0x82: {  	v15 =	vsel vm15, $0x105, v0;
	v0 =	vsel vm14, $0x105, v1;
	v1 =	vsel vm13, $0x105, v2  }
0x83: {  	v13 =	vsel vm15, $0x106, v0;
	v0 =	vsel vm14, $0x106, v1;
	v1 =	vimm.s32 $0x109  }
0x84: {  	v16 =	vsel vm15, $0x107, v0;
	v0 =	vsel vm1, $0x12C, v1;
	v1 =	vimm.s32 $0x10A  }
0x85: {  	v2 =	vimm.s32 $0x10B;
	v0 =	vsel vm2, $0x12D, v0;
	v1 =	vsel vm1, $0x12D, v1  }
0x86: {  	v2 =	vsel vm1, $0x12E, v2;
	v0 =	vsel vm3, $0x12E, v0;
	v1 =	vsel vm2, $0x12E, v1  }
0x87: {  	v2 =	vsel vm2, $0x12F, v2;
	v0 =	vsel vm4, $0x12F, v0;
	v1 =	vsel vm3, $0x12F, v1  }
0x88: {  	v2 =	vsel vm3, $0x130, v2;
	v0 =	vsel vm5, $0x130, v0;
	v1 =	vsel vm4, $0x130, v1  }
0x89: {  	v2 =	vsel vm4, $0x131, v2;
	v0 =	vsel vm6, $0x131, v0;
	v1 =	vsel vm5, $0x131, v1  }
0x8a: {  	v2 =	vsel vm5, $0x100, v2;
	v0 =	vsel vm7, $0x100, v0;
	v1 =	vsel vm6, $0x100, v1  }
0x8b: {  	v2 =	vsel vm6, $0x101, v2;
	v0 =	vsel vm8, $0x101, v0;
	v1 =	vsel vm7, $0x101, v1  }
0x8c: {  	v2 =	vsel vm7, $0x102, v2;
	v0 =	vsel vm9, $0x102, v0;
	v1 =	vsel vm8, $0x102, v1  }
0x8d: {  	v2 =	vsel vm8, $0x103, v2;
	v0 =	vsel vm10, $0x103, v0;
	v1 =	vsel vm9, $0x103, v1  }
0x8e: {  	v2 =	vsel vm9, $0x104, v2;
	v0 =	vsel vm11, $0x104, v0;
	v1 =	vsel vm10, $0x104, v1  }
0x8f: {  	v2 =	vsel vm10, $0x105, v2;
	v0 =	vsel vm12, $0x105, v0;
	v1 =	vsel vm11, $0x105, v1  }
0x90: {  	v2 =	vsel vm11, $0x106, v2;
	v0 =	vsel vm13, $0x106, v0;
	v1 =	vsel vm12, $0x106, v1  }
0x91: {  	v2 =	vsel vm12, $0x107, v2;
	v0 =	vsel vm14, $0x107, v0;
	v1 =	vsel vm13, $0x107, v1  }
0x92: {  	v18 =	vsel vm15, $0x108, v0;
	v0 =	vsel vm14, $0x108, v1;
	v1 =	vsel vm13, $0x108, v2  }
0x93: {  	v21 =	vsel vm15, $0x109, v0;
	v0 =	vsel vm14, $0x109, v1;
	v1 =	vimm.s32 $0x10C  }
0x94: {  	v20 =	vsel vm15, $0x10A, v0;
	v0 =	vsel vm1, $0x12F, v1;
	v1 =	vimm.s32 $0x10D  }
0x95: {  	v2 =	vimm.s32 $0x10E;
	v0 =	vsel vm2, $0x130, v0;
	v1 =	vsel vm1, $0x130, v1  }
0x96: {  	v2 =	vsel vm1, $0x131, v2;
	v0 =	vsel vm3, $0x131, v0;
	v1 =	vsel vm2, $0x131, v1  }
0x97: {  	v2 =	vsel vm2, $0x100, v2;
	v0 =	vsel vm4, $0x100, v0;
	v1 =	vsel vm3, $0x100, v1  }
0x98: {  	v2 =	vsel vm3, $0x101, v2;
	v0 =	vsel vm5, $0x101, v0;
	v1 =	vsel vm4, $0x101, v1  }
0x99: {  	v2 =	vsel vm4, $0x102, v2;
	v0 =	vsel vm6, $0x102, v0;
	v1 =	vsel vm5, $0x102, v1  }
0x9a: {  	v2 =	vsel vm5, $0x103, v2;
	v0 =	vsel vm7, $0x103, v0;
	v1 =	vsel vm6, $0x103, v1  }
0x9b: {  	v2 =	vsel vm6, $0x104, v2;
	v0 =	vsel vm8, $0x104, v0;
	v1 =	vsel vm7, $0x104, v1  }
0x9c: {  	v2 =	vsel vm7, $0x105, v2;
	v0 =	vsel vm9, $0x105, v0;
	v1 =	vsel vm8, $0x105, v1  }
0x9d: {  	v2 =	vsel vm8, $0x106, v2;
	v0 =	vsel vm10, $0x106, v0;
	v1 =	vsel vm9, $0x106, v1  }
0x9e: {  	v2 =	vsel vm9, $0x107, v2;
	v0 =	vsel vm11, $0x107, v0;
	v1 =	vsel vm10, $0x107, v1  }
0x9f: {  	v2 =	vsel vm10, $0x108, v2;
	v0 =	vsel vm12, $0x108, v0;
	v1 =	vsel vm11, $0x108, v1  }
0xa0: {  	v2 =	vsel vm11, $0x109, v2;
	v0 =	vsel vm13, $0x109, v0;
	v1 =	vsel vm12, $0x109, v1  }
0xa1: {  	v2 =	vsel vm12, $0x10A, v2;
	v0 =	vsel vm14, $0x10A, v0;
	v1 =	vsel vm13, $0x10A, v1  }
0xa2: {  	v43 =	vsel vm15, $0x10B, v0;
	v0 =	vsel vm14, $0x10B, v1;
	v1 =	vsel vm13, $0x10B, v2  }
0xa3: {  	v32 =	vsel vm15, $0x10C, v0;
	v0 =	vsel vm14, $0x10C, v1;
	v1 =	vimm.s32 $0x180  }
0xa4: {  	v33 =	vsel vm15, $0x10D, v0;
	v0 =	vsel vm1, $0x1A3, v1;
	v1 =	vimm.s32 $0x181  }
0xa5: {  	v2 =	vimm.s32 $0x182;
	v0 =	vsel vm2, $0x1A4, v0;
	v1 =	vsel vm1, $0x1A4, v1  }
0xa6: {  	v2 =	vsel vm1, $0x1A5, v2;
	v0 =	vsel vm3, $0x1A5, v0;
	v1 =	vsel vm2, $0x1A5, v1  }
0xa7: {  	v2 =	vsel vm2, $0x1A6, v2;
	v0 =	vsel vm4, $0x1A6, v0;
	v1 =	vsel vm3, $0x1A6, v1  }
0xa8: {  	v2 =	vsel vm3, $0x1A7, v2;
	v0 =	vsel vm5, $0x1A7, v0;
	v1 =	vsel vm4, $0x1A7, v1  }
0xa9: {  	v2 =	vsel vm4, $0x1A8, v2;
	v0 =	vsel vm6, $0x1A8, v0;
	v1 =	vsel vm5, $0x1A8, v1  }
0xaa: {  	v2 =	vsel vm5, $0x1A9, v2;
	v0 =	vsel vm7, $0x1A9, v0;
	v1 =	vsel vm6, $0x1A9, v1  }
0xab: {  	v2 =	vsel vm6, $0x1AA, v2;
	v0 =	vsel vm8, $0x1AA, v0;
	v1 =	vsel vm7, $0x1AA, v1  }
0xac: {  	v2 =	vsel vm7, $0x1AB, v2;
	v0 =	vsel vm9, $0x1AB, v0;
	v1 =	vsel vm8, $0x1AB, v1  }
0xad: {  	v2 =	vsel vm8, $0x1AC, v2;
	v0 =	vsel vm10, $0x1AC, v0;
	v1 =	vsel vm9, $0x1AC, v1  }
0xae: {  	v2 =	vsel vm9, $0x1AD, v2;
	v0 =	vsel vm11, $0x1AD, v0;
	v1 =	vsel vm10, $0x1AD, v1  }
0xaf: {  	v2 =	vsel vm10, $0x1AE, v2;
	v0 =	vsel vm12, $0x1AE, v0;
	v1 =	vsel vm11, $0x1AE, v1  }
0xb0: {  	v2 =	vsel vm11, $0x1AF, v2;
	v0 =	vsel vm13, $0x1AF, v0;
	v1 =	vsel vm12, $0x1AF, v1  }
0xb1: {  	v2 =	vsel vm12, $0x1B0, v2;
	v0 =	vsel vm14, $0x1B0, v0;
	v1 =	vsel vm13, $0x1B0, v1  }
0xb2: {  	v59 =	vsel vm15, $0x1B1, v0;
	v0 =	vsel vm14, $0x1B1, v1;
	v1 =	vsel vm13, $0x1B1, v2  }
0xb3: {  	v60 =	vsel vm15, $0x180, v0;
	v0 =	vsel vm14, $0x180, v1;
	v1 =	vimm.s32 $0x183  }
0xb4: {  	v61 =	vsel vm15, $0x181, v0;
	v0 =	vsel vm1, $0x1A6, v1;
	v1 =	vimm.s32 $0x184  }
0xb5: {  	v7 =	vsel vm10, $0x188, v7;
	v0 =	vsel vm2, $0x1A7, v0;
	v1 =	vsel vm1, $0x1A7, v1  }
0xb6: {  	v2 =	vimm.s32 $0x185;
	v0 =	vsel vm3, $0x1A8, v0;
	v1 =	vsel vm2, $0x1A8, v1  }
0xb7: {  	v2 =	vsel vm1, $0x1A8, v2;
	v0 =	vsel vm4, $0x1A9, v0;
	v1 =	vsel vm3, $0x1A9, v1  }
0xb8: {  	v2 =	vsel vm2, $0x1A9, v2;
	v0 =	vsel vm5, $0x1AA, v0;
	v1 =	vsel vm4, $0x1AA, v1  }
0xb9: {  	v2 =	vsel vm3, $0x1AA, v2;
	v0 =	vsel vm6, $0x1AB, v0;
	v1 =	vsel vm5, $0x1AB, v1  }
0xba: {  	v2 =	vsel vm4, $0x1AB, v2;
	v0 =	vsel vm7, $0x1AC, v0;
	v1 =	vsel vm6, $0x1AC, v1  }
0xbb: {  	v2 =	vsel vm5, $0x1AC, v2;
	v0 =	vsel vm8, $0x1AD, v0;
	v1 =	vsel vm7, $0x1AD, v1  }
0xbc: {  	v2 =	vsel vm6, $0x1AD, v2;
	v0 =	vsel vm9, $0x1AE, v0;
	v1 =	vsel vm8, $0x1AE, v1  }
0xbd: {  	v2 =	vsel vm7, $0x1AE, v2;
	v0 =	vsel vm10, $0x1AF, v0;
	v1 =	vsel vm9, $0x1AF, v1  }
0xbe: {  	v2 =	vsel vm8, $0x1AF, v2;
	v0 =	vsel vm11, $0x1B0, v0;
	v1 =	vsel vm10, $0x1B0, v1  }
0xbf: {  	v2 =	vsel vm9, $0x1B0, v2;
	v0 =	vsel vm12, $0x1B1, v0;
	v1 =	vsel vm11, $0x1B1, v1  }
0xc0: {  	v2 =	vsel vm10, $0x1B1, v2;
	v0 =	vsel vm13, $0x180, v0;
	v1 =	vsel vm12, $0x180, v1  }
0xc1: {  	v2 =	vsel vm11, $0x180, v2;
	v0 =	vsel vm14, $0x181, v0;
	v1 =	vsel vm13, $0x181, v1  }
0xc2: {  	v2 =	vsel vm12, $0x181, v2;
	v62 =	vsel vm15, $0x182, v0;
	v0 =	vsel vm14, $0x182, v1  }
0xc3: {  	v7 =	vsel vm11, $0x189, v7;
	v1 =	vsel vm13, $0x182, v2;
	v0 =	vsel vm15, $0x183, v0  }
0xc4: {  	v4 =	vsel vm10, $0x185, v4;
	v7 =	vsel vm12, $0x18A, v7;
	[tilespmem:$0x1FCB0] =	vst v0;
	v0 =	vsel vm14, $0x183, v1  }
0xc5: {  	v7 =	vsel vm13, $0x18B, v7;
	v1 =	vimm.s32 $0x186;
	v0 =	vsel vm15, $0x184, v0  }
0xc6: {  	v5 =	vsel vm10, $0x186, v5;
	v8 =	vsel vm14, $0x18C, v7;
	[tilespmem:$0x1FCC0] =	vst v0;
	v0 =	vsel vm1, $0x1A9, v1  }
0xc7: {  	v7 =	vlaneseq.u32;
	v1 =	vimm.s32 $0x187;
	v0 =	vsel vm2, $0x1AA, v0  }
0xc8: {  	v2 =	vimm.s32 $0x188;
	v1 =	vsel vm1, $0x1AA, v1;
	v0 =	vsel vm3, $0x1AB, v0  }
0xc9: {  	v2 =	vsel vm1, $0x1AB, v2;
	v1 =	vsel vm2, $0x1AB, v1;
	v0 =	vsel vm4, $0x1AC, v0  }
0xca: {  	v2 =	vsel vm2, $0x1AC, v2;
	v1 =	vsel vm3, $0x1AC, v1;
	v0 =	vsel vm5, $0x1AD, v0  }
0xcb: {  	v2 =	vsel vm3, $0x1AD, v2;
	v1 =	vsel vm4, $0x1AD, v1;
	v0 =	vsel vm6, $0x1AE, v0  }
0xcc: {  	v2 =	vsel vm4, $0x1AE, v2;
	v1 =	vsel vm5, $0x1AE, v1;
	v0 =	vsel vm7, $0x1AF, v0  }
0xcd: {  	v2 =	vsel vm5, $0x1AF, v2;
	v1 =	vsel vm6, $0x1AF, v1;
	v0 =	vsel vm8, $0x1B0, v0  }
0xce: {  	v2 =	vsel vm6, $0x1B0, v2;
	v1 =	vsel vm7, $0x1B0, v1;
	v0 =	vsel vm9, $0x1B1, v0  }
0xcf: {  	v2 =	vsel vm7, $0x1B1, v2;
	v1 =	vsel vm8, $0x1B1, v1;
	v0 =	vsel vm10, $0x180, v0  }
0xd0: {  	v2 =	vsel vm8, $0x180, v2;
	v1 =	vsel vm9, $0x180, v1;
	v0 =	vsel vm11, $0x181, v0  }
0xd1: {  	v2 =	vsel vm9, $0x181, v2;
	v1 =	vsel vm10, $0x181, v1;
	v0 =	vsel vm12, $0x182, v0  }
0xd2: {  	v2 =	vsel vm10, $0x182, v2;
	v1 =	vsel vm11, $0x182, v1;
	v0 =	vsel vm13, $0x183, v0  }
0xd3: {  	v2 =	vsel vm11, $0x183, v2;
	v1 =	vsel vm12, $0x183, v1;
	v0 =	vsel vm14, $0x184, v0  }
0xd4: {  	v2 =	vsel vm12, $0x184, v2;
	v1 =	vsel vm13, $0x184, v1;
	v0 =	vsel vm15, $0x185, v0  }
0xd5: {  	[tilespmem:$0x1FCD0] =	vst v0;
	v0 =	vsel vm14, $0x185, v1;
	v1 =	vsel vm13, $0x185, v2;
	v2 =	vimm.s32 $0x189  }
0xd6: {  	v6 =	vsel vm10, $0x187, v6;
	v55 =	vadd.s32 $0x8, v7;
	v2 =	vsel vm1, $0x1AC, v2  }
0xd7: {  	v3 =	vsel vm8, $0x182, v3;
	v57 =	vadd.s32 $0x9, v7;
	[tilespmem:$0x1FD60] =	vst v55;
	v2 =	vsel vm2, $0x1AD, v2  }
0xd8: {  	v4 =	vsel vm11, $0x186, v4;
	v58 =	vadd.s32 $0xA, v7;
	[tilespmem:$0x1FD70] =	vst v57;
	v2 =	vsel vm3, $0x1AE, v2  }
0xd9: {  	v5 =	vsel vm11, $0x187, v5;
	[tilespmem:$0x1FD80] =	vst v58;
	v57 =	vadd.s32 $0xB, v7;
	v2 =	vsel vm4, $0x1AF, v2  }
0xda: {  	v6 =	vsel vm11, $0x188, v6;
	v58 =	vadd.s32 $0xC, v7;
	[tilespmem:$0x1FD90] =	vst v57;
	v2 =	vsel vm5, $0x1B0, v2  }
0xdb: {  	v3 =	vsel vm9, $0x183, v3;
	[tilespmem:$0x1FDA0] =	vst v58;
	v57 =	vadd.s32 $0xD, v7;
	v2 =	vsel vm6, $0x1B1, v2  }
0xdc: {  	v4 =	vsel vm12, $0x187, v4;
	v58 =	vadd.s32 $0xE, v7;
	[tilespmem:$0x1FDB0] =	vst v57;
	v2 =	vsel vm7, $0x180, v2  }
0xdd: {  	v5 =	vsel vm12, $0x188, v5;
	[tilespmem:$0x1FDC0] =	vst v58;
	v57 =	vadd.s32 $0xF, v7;
	v2 =	vsel vm8, $0x181, v2  }
0xde: {  	v6 =	vsel vm12, $0x189, v6;
	v58 =	vor.u32 $0x10, v7;
	[tilespmem:$0x1FDD0] =	vst v57;
	v2 =	vsel vm9, $0x182, v2  }
0xdf: {  	v3 =	vsel vm10, $0x184, v3;
	[tilespmem:$0x1FDE0] =	vst v58;
	v57 =	vadd.s32 $0x11, v7;
	v2 =	vsel vm10, $0x183, v2  }
0xe0: {  	v3 =	vsel vm11, $0x185, v3;
	v58 =	vadd.s32 $0x12, v7;
	[tilespmem:$0x1FDF0] =	vst v57;
	v2 =	vsel vm11, $0x184, v2  }
0xe1: {  	v3 =	vsel vm12, $0x186, v3;
	[tilespmem:$0x1FE00] =	vst v58;
	v57 =	vadd.s32 $0x13, v7;
	v2 =	vsel vm12, $0x185, v2  }
0xe2: {  	[tilespmem:$0x1FE10] =	vst v57;
	v0 =	vsel vm15, $0x186, v0;
	v1 =	vsel vm14, $0x186, v1;
	v2 =	vsel vm13, $0x186, v2  }
0xe3: {  	v3 =	vsel vm13, $0x187, v3;
	[tilespmem:$0x1FCE0] =	vst v0;
	v0 =	vsel vm15, $0x187, v1;
	v2 =	vsel vm14, $0x187, v2  }
0xe4: {  	v4 =	vsel vm13, $0x188, v4;
	v3 =	vsel vm14, $0x188, v3;
	[tilespmem:$0x1FCF0] =	vst v0;
	v0 =	vsel vm15, $0x188, v2  }
0xe5: {  	v5 =	vsel vm13, $0x189, v5;
	v4 =	vsel vm14, $0x189, v4;
	[tilespmem:$0x1FD00] =	vst v0;
	v0 =	vsel vm15, $0x189, v3  }
0xe6: {  	v6 =	vsel vm13, $0x18A, v6;
	v5 =	vsel vm14, $0x18A, v5;
	[tilespmem:$0x1FD10] =	vst v0;
	v0 =	vsel vm15, $0x18A, v4  }
0xe7: {  	v6 =	vsel vm14, $0x18B, v6;
	[tilespmem:$0x1FD20] =	vst v0;
	v0 =	vsel vm15, $0x18B, v5  }
0xe8: {  	s3 =	rddreg [dreg:$0x0];
	[tilespmem:$0x1FD30] =	vst v0;
	v0 =	vsel vm15, $0x18C, v6  }
0xe9: {  	s5 =	rddreg [dreg:$0x1];
	s2 =	simm.s32 $0x0;
	[tilespmem:$0x1FD40] =	vst v0;
	v0 =	vsel vm15, $0x18D, v8  }
0xea: {  	s1 =	srdreg.scid;
	[smem:$0x7FF] =	sst s2;
	v58 =	vadd.s32 $0x14, v7;
	[tilespmem:$0x1FD50] =	vst v0  }
0xeb: {  	s4 =	sand.u32 $0x1, s1;
	s1 =	rddreg [dreg:$0x2];
	v57 =	vadd.s32 $0x15, v7;
	_ =	strace $0x80000047;
	[tilespmem:$0x1FE20] =	vst v58  }
0xec: {  	[tilespmem:$0x1FE30] =	vst v57  }
0xed: {  	[tilespmem:$0x1FF10] =	vst v27  }
0xee: {  	[tilespmem:$0x1FF20] =	vst v42  }
0xef: {  	[tilespmem:$0x1FF30] =	vst v33  }
0xf0: {  	[tilespmem:$0x1FF40] =	vst v59  }
0xf1: {  	[tilespmem:$0x1FF50] =	vst v60  }
0xf2: {  	[tilespmem:$0x1FF60] =	vst v61  }
0xf3: {  	v1 =	vadd.s32 $0x1, v7;
	[tilespmem:$0x1FF70] =	vst v62  }
0xf4: {  	v2 =	vadd.s32 $0x2, v7;
	[tilespmem:$0x1FF90] =	vst v1  }
0xf5: {  	v3 =	vadd.s32 $0x3, v7;
	[tilespmem:$0x1FFA0] =	vst v2  }
0xf6: {  	v4 =	vadd.s32 $0x4, v7;
	[tilespmem:$0x1FFB0] =	vst v3  }
0xf7: {  	v5 =	vadd.s32 $0x5, v7;
	[tilespmem:$0x1FFC0] =	vst v4  }
0xf8: {  	v6 =	vadd.s32 $0x6, v7;
	[tilespmem:$0x1FFD0] =	vst v5  }
0xf9: {  	v8 =	vadd.s32 $0x7, v7;
	[tilespmem:$0x1FFE0] =	vst v6  }
0xfa: {  	v58 =	vadd.s32 $0x16, v7;
	[tilespmem:$0x1FFF0] =	vst v8  }
0xfb: {  	v0 =	vmul.u32 $0x200, v7;
	v57 =	vadd.s32 $0x17, v7;
	[tilespmem:$0x1FE40] =	vst v58  }
0xfc: {  	[tilespmem:$0x1FE50] =	vst v57  }
0xfd: {  	v58 =	vadd.s32 $0x18, v7;
	[tilespmem:$0x1FF80] =	vst v0  }
0xfe: {  	v57 =	vadd.s32 $0x19, v7;
	[tilespmem:$0x1FE60] =	vst v58  }
0xff: {  	[tilespmem:$0x1FE70] =	vst v57;
	v58 =	vadd.s32 $0x1A, v7  }
0x100: {  	v57 =	vadd.s32 $0x1B, v7;
	[tilespmem:$0x1FE80] =	vst v58  }
0x101: {  	[tilespmem:$0x1FE90] =	vst v57;
	v58 =	vadd.s32 $0x1C, v7  }
0x102: {  	s0 =	stileid.u32;
	s9 =	simm.s32 $0x2;
	v57 =	vadd.s32 $0x1D, v7;
	[tilespmem:$0x1FEA0] =	vst v58  }
0x103: {  	s10 =	simm.s32 $0x19E00;
	s6 =	sshll.u32 s0, $0x8;
	s7 =	sshll.u32 s4, $0x7;
	[tilespmem:$0x1FEB0] =	vst v57;
	v58 =	vadd.s32 $0x1E, v7  }
0x104: {  	s11 =	simm.s32 $0x3;
	s4 =	ssub.s32 $0x2, s4;
	s6 =	sor.u32 s7, s6;
	v57 =	vadd.s32 $0x1F, v7;
	[tilespmem:$0x1FEC0] =	vst v58  }
0x105: {  	s12 =	simm.s32 $0x0;
	s8 =	sshrl.u32 s4, $0x1;
	s7 =	sshll.u32 s6, $0x6;
	[tilespmem:$0x1FED0] =	vst v57;
	v58 =	vor.u32 $0x20, v7  }
0x106: {  	s8 =	ssub.s32 s4, s8;
	s6 =	sshrl.u32 s6, $0x3;
	s7 =	sadd.s32 s7, s3;
	v57 =	vadd.s32 $0x21, v7;
	[tilespmem:$0x1FEE0] =	vst v58  }
0x107: {  	s3 =	sadd.s32 $0x40A00, s3;
	s5 =	sadd.s32 s5, s6;
	s6 =	smax.u32 s8, $0x1;
	[tilespmem:$0x1FEF0] =	vst v57;
	v58 =	vadd.s32 $0x22, v7  }
0x108: {  	s8 =	simm.s32 $0x1;
	s4 =	sadd.s32 $0xA00, s7;
	s7 =	simm.s32 $0x10000;
	[tilespmem:$0x1FF00] =	vst v58  }
.LBB2_1:
0x109: {  	[tilespmem:s2], [sflag:$0x1] =	stream.linear.gather [hbm4b:s4+s2], $0x10000, $0x38;
	[tilespmem:$0x19E80] =	vst v63  }
0x10a: {  	_ = 	snop  }
0x10b: {  	[tilespmem:s7], [sflag:$0x2] =	stream.linear.gather [hbm4b:s3+s2], $0x9E00, $0x38;
	[tilespmem:$0x19E80] =	vst v63  }
0x10c: {  	_ =	swait.ge [sflag:s8], $0x10000  }
0x10d: {  	[sflag:s8] =	ssyncset.done $0x0  }
0x10e: {  	[sflag:s8] =	ssyncadd.s32 $0xFFFF0000  }
0x10f: {  	_ =	swait.ge [sflag:s9], $0x9E00  }
0x110: {  	[sflag:s9] =	ssyncset.done $0x0  }
0x111: {  	s13 =	simm.s32 $0x19E00;
	s14 =	simm.s32 $0x0;
	[sflag:s9] =	ssyncadd.s32 $0xFFFF6200  }
.LBB2_2:
0x112: {  	_ =	sdelay $0x1  }
0x113: {  	v55 =	vmov s14  }
0x114: {  	v55 =	vshll.u32 v55, $0x9  }
0x115: {  	v55 =	vor.u32 v0, v55  }
0x116: {  	v57 =	vor.u32 v1, v55  }
0x117: {  	v56 =	vor.u32 v7, v55;
	_ =	sdelay $0x3  }
0x118: {  	v57 =	vld.idx.msk [tilespmem:v57+s2+$0x0], $0xffff  }
0x119: {  	v56 =	vld.idx.msk [tilespmem:v56+s2+$0x0], $0xffff;
	_ =	sdelay $0x3  }
0x11a: {  	v33 =	vshll.u32 v57, $0x2  }
0x11b: {  	v58 =	vor.u32 v2, v55;
	v59 =	vor.u32 v3, v55;
	v61 =	vshll.u32 v56, $0x2  }
0x11c: {  	v60 =	vor.u32 v4, v55;
	v56 =	vand.u32 $0x7F, v56;
	v61 =	vand.u32 $0xFFFFFE00, v61  }
0x11d: {  	v62 =	vor.u32 v5, v55;
	v56 =	vor.u32 v56, v61;
	v61 =	vand.u32 $0xFFFFFE00, v33;
	v33 =	vmovc v32;
	v32 =	vmovc v43  }
0x11e: {  	v43 =	vmovc v20;
	v20 =	vmovc v21;
	v21 =	vmov v18;
	v18 =	vmov v16;
	v16 =	vmov v13  }
0x11f: {  	v2 =	vld [tilespmem:$0x1FD60];
	v13 =	vmovc v15;
	v15 =	vmovc v14;
	v14 =	vmov v12;
	v12 =	vmov v11;
	v11 =	vmov v54  }
0x120: {  	v58 =	vld.idx.msk [tilespmem:v58+s2+$0x0], $0xffff;
	v54 =	vmovc v53;
	v53 =	vmovc v52;
	v52 =	vmov v51;
	v51 =	vmov v50;
	v50 =	vmov v49  }
0x121: {  	v60 =	vld.idx.msk [tilespmem:v60+s2+$0x0], $0xffff;
	v49 =	vmovc v48;
	v48 =	vmovc v47;
	v47 =	vmov v46;
	v46 =	vmov v63;
	v63 =	vor.u32 v6, v55  }
0x122: {  	v57 =	vand.u32 $0x7F, v57  }
0x123: {  	v59 =	vld.idx.msk [tilespmem:v59+s2+$0x0], $0xffff;
	v57 =	vor.u32 v57, v61  }
0x124: {  	v62 =	vld.idx.msk [tilespmem:v62+s2+$0x0], $0xffff  }
0x125: {  	v0 =	vor.u32 v8, v55;
	v2 =	vor.u32 v2, v55;
	v56 =	vld.idx.msk [tilespmem:v56+s7+$0x0], $0xffff  }
0x126: {  	v1 =	vshll.u32 v60, $0x2;
	v60 =	vand.u32 $0x7F, v60;
	v61 =	vshll.u32 v58, $0x2;
	v63 =	vld.idx.msk [tilespmem:v63+s2+$0x0], $0xffff  }
0x127: {  	v4 =	vld [tilespmem:$0x1FD90];
	v1 =	vand.u32 $0xFFFFFE00, v1;
	v58 =	vand.u32 $0x7F, v58;
	v61 =	vand.u32 $0xFFFFFE00, v61  }
0x128: {  	v58 =	vor.u32 v58, v61;
	v61 =	vand.u32 $0x7F, v59;
	v59 =	vshll.u32 v59, $0x2;
	v57 =	vld.idx.msk [tilespmem:v57+s7+$0x0], $0xffff  }
0x129: {  	v1 =	vor.u32 v60, v1;
	v60 =	vshll.u32 v62, $0x2;
	v59 =	vand.u32 $0xFFFFFE00, v59  }
0x12a: {  	v60 =	vand.u32 $0xFFFFFE00, v60;
	v59 =	vor.u32 v61, v59;
	v61 =	vand.u32 $0x7F, v62  }
0x12b: {  	v0 =	vld.idx.msk [tilespmem:v0+s2+$0x0], $0xffff;
	v60 =	vor.u32 v61, v60;
	v56 =	vadd.f32 $0.0e+00, v56;
	v61 =	vshll.u32 v63, $0x2  }
0x12c: {  	v63 =	vand.u32 $0x7F, v63;
	v61 =	vand.u32 $0xFFFFFE00, v61  }
0x12d: {  	v56 =	vadd.f32 v57, v56;
	v57 =	vor.u32 v63, v61;
	v63 =	vor.u32 v4, v55;
	v4 =	vld [tilespmem:$0x1FDA0]  }
0x12e: {  	v3 =	vld [tilespmem:$0x1FD70]  }
0x12f: {  	v2 =	vld.idx.msk [tilespmem:v2+s2+$0x0], $0xffff  }
0x130: {  	v58 =	vld.idx.msk [tilespmem:v58+s7+$0x0], $0xffff;
	v61 =	vshll.u32 v0, $0x2  }
0x131: {  	v0 =	vand.u32 $0x7F, v0;
	v61 =	vand.u32 $0xFFFFFE00, v61  }
0x132: {  	v0 =	vor.u32 v0, v61;
	v61 =	vor.u32 v4, v55;
	v4 =	vld [tilespmem:$0x1FDB0];
	_ =	sdelay $0x1  }
0x133: {  	v62 =	vor.u32 v3, v55;
	v3 =	vld [tilespmem:$0x1FD80]  }
0x134: {  	v56 =	vadd.f32 v58, v56;
	v58 =	vld.idx.msk [tilespmem:v60+s7+$0x0], $0xffff;
	v60 =	vshll.u32 v2, $0x2  }
0x135: {  	v59 =	vld.idx.msk [tilespmem:v59+s7+$0x0], $0xffff;
	v2 =	vand.u32 $0x7F, v2;
	v60 =	vand.u32 $0xFFFFFE00, v60  }
0x136: {  	v2 =	vor.u32 v2, v60;
	v60 =	vor.u32 v4, v55;
	v4 =	vld [tilespmem:$0x1FDC0];
	_ =	sdelay $0x1  }
0x137: {  	v1 =	vld.idx.msk [tilespmem:v1+s7+$0x0], $0xffff;
	v3 =	vor.u32 v3, v55  }
0x138: {  	v62 =	vld.idx.msk [tilespmem:v62+s2+$0x0], $0xffff  }
0x139: {  	v56 =	vadd.f32 v59, v56;
	v59 =	vld.idx.msk [tilespmem:v63+s2+$0x0], $0xffff  }
0x13a: {  	v63 =	vor.u32 v4, v55;
	v4 =	vld [tilespmem:$0x1FDD0];
	_ =	sdelay $0x1  }
0x13b: {  	v3 =	vld.idx.msk [tilespmem:v3+s2+$0x0], $0xffff  }
0x13c: {  	v1 =	vadd.f32 v1, v56;
	v56 =	vshll.u32 v62, $0x2  }
0x13d: {  	v62 =	vand.u32 $0x7F, v62;
	v56 =	vand.u32 $0xFFFFFE00, v56  }
0x13e: {  	v56 =	vor.u32 v62, v56;
	v62 =	vor.u32 v4, v55;
	v4 =	vld [tilespmem:$0x1FDE0]  }
0x13f: {  	v57 =	vld.idx.msk [tilespmem:v57+s7+$0x0], $0xffff  }
0x140: {  	v0 =	vld.idx.msk [tilespmem:v0+s7+$0x0], $0xffff;
	v1 =	vadd.f32 v58, v1;
	v58 =	vshll.u32 v3, $0x2  }
0x141: {  	v3 =	vand.u32 $0x7F, v3;
	v58 =	vand.u32 $0xFFFFFE00, v58;
	v61 =	vld.idx.msk [tilespmem:v61+s2+$0x0], $0xffff  }
0x142: {  	v3 =	vor.u32 v3, v58;
	v58 =	vld.idx.msk [tilespmem:v60+s2+$0x0], $0xffff  }
0x143: {  	v60 =	vor.u32 v4, v55;
	v4 =	vld [tilespmem:$0x1FDF0];
	_ =	sdelay $0x1  }
0x144: {  	v5 =	vld [tilespmem:$0x1FE10];
	v1 =	vadd.f32 v57, v1;
	v57 =	vshll.u32 v59, $0x2  }
0x145: {  	v2 =	vld.idx.msk [tilespmem:v2+s7+$0x0], $0xffff;
	v59 =	vand.u32 $0x7F, v59;
	v57 =	vand.u32 $0xFFFFFE00, v57  }
0x146: {  	v0 =	vadd.f32 v0, v1;
	v1 =	vld.idx.msk [tilespmem:v56+s7+$0x0], $0xffff;
	v56 =	vor.u32 v59, v57  }
0x147: {  	v57 =	vshll.u32 v61, $0x2;
	v59 =	vand.u32 $0x7F, v61;
	v61 =	vld.idx.msk [tilespmem:v62+s2+$0x0], $0xffff;
	v62 =	vor.u32 v4, v55  }
0x148: {  	v63 =	vld.idx.msk [tilespmem:v63+s2+$0x0], $0xffff  }
0x149: {  	v4 =	vld [tilespmem:$0x1FE00]  }
0x14a: {  	v0 =	vadd.f32 v2, v0;
	v2 =	vshll.u32 v58, $0x2  }
0x14b: {  	v3 =	vld.idx.msk [tilespmem:v3+s7+$0x0], $0xffff;
	v58 =	vand.u32 $0x7F, v58;
	v2 =	vand.u32 $0xFFFFFE00, v2  }
0x14c: {  	v2 =	vor.u32 v58, v2;
	v58 =	vld.idx.msk [tilespmem:v62+s2+$0x0], $0xffff  }
0x14d: {  	v57 =	vand.u32 $0xFFFFFE00, v57;
	v62 =	vor.u32 v5, v55;
	v5 =	vld [tilespmem:$0x1FE20]  }
0x14e: {  	v57 =	vor.u32 v59, v57;
	v59 =	vld.idx.msk [tilespmem:v60+s2+$0x0], $0xffff;
	v60 =	vor.u32 v4, v55;
	v4 =	vshll.u32 v63, $0x2  }
0x14f: {  	v63 =	vand.u32 $0x7F, v63;
	v4 =	vand.u32 $0xFFFFFE00, v4  }
0x150: {  	v0 =	vadd.f32 v1, v0;
	v1 =	vor.u32 v63, v4;
	v4 =	vshll.u32 v61, $0x2  }
0x151: {  	v61 =	vand.u32 $0x7F, v61;
	v4 =	vand.u32 $0xFFFFFE00, v4  }
0x152: {  	v0 =	vadd.f32 v3, v0;
	v3 =	vor.u32 v61, v4;
	v61 =	vor.u32 v5, v55;
	v5 =	vld [tilespmem:$0x1FE30];
	_ =	sdelay $0x2  }
0x153: {  	v56 =	vld.idx.msk [tilespmem:v56+s7+$0x0], $0xffff;
	v4 =	vshll.u32 v59, $0x2  }
0x154: {  	v59 =	vand.u32 $0x7F, v59;
	v60 =	vld.idx.msk [tilespmem:v60+s2+$0x0], $0xffff;
	v4 =	vand.u32 $0xFFFFFE00, v4  }
0x155: {  	v4 =	vor.u32 v59, v4;
	v59 =	vor.u32 v5, v55;
	v5 =	vld [tilespmem:$0x1FE40];
	_ =	sdelay $0x1  }
0x156: {  	v57 =	vld.idx.msk [tilespmem:v57+s7+$0x0], $0xffff;
	v63 =	vshll.u32 v58, $0x2  }
0x157: {  	v0 =	vadd.f32 v56, v0;
	v2 =	vld.idx.msk [tilespmem:v2+s7+$0x0], $0xffff;
	v58 =	vand.u32 $0x7F, v58;
	v56 =	vand.u32 $0xFFFFFE00, v63  }
0x158: {  	v56 =	vor.u32 v58, v56;
	v63 =	vshll.u32 v60, $0x2;
	v58 =	vand.u32 $0x7F, v60;
	v60 =	vld.idx.msk [tilespmem:v61+s2+$0x0], $0xffff  }
0x159: {  	v61 =	vor.u32 v5, v55;
	v5 =	vld [tilespmem:$0x1FE50];
	_ =	sdelay $0x1  }
0x15a: {  	v0 =	vadd.f32 v57, v0;
	_ =	sdelay $0x1  }
0x15b: {  	v0 =	vadd.f32 v2, v0;
	v57 =	vand.u32 $0xFFFFFE00, v63;
	v2 =	vld.idx.msk [tilespmem:v4+s7+$0x0], $0xffff  }
0x15c: {  	v4 =	vor.u32 v58, v57;
	v58 =	vor.u32 v5, v55;
	v5 =	vld [tilespmem:$0x1FE60];
	_ =	sdelay $0x1  }
0x15d: {  	v62 =	vld.idx.msk [tilespmem:v62+s2+$0x0], $0xffff  }
0x15e: {  	v1 =	vld.idx.msk [tilespmem:v1+s7+$0x0], $0xffff  }
0x15f: {  	v57 =	vld.idx.msk [tilespmem:v59+s2+$0x0], $0xffff  }
0x160: {  	v59 =	vor.u32 v5, v55;
	v5 =	vld [tilespmem:$0x1FE70];
	_ =	sdelay $0x2  }
0x161: {  	v3 =	vld.idx.msk [tilespmem:v3+s7+$0x0], $0xffff;
	v0 =	vadd.f32 v1, v0;
	v1 =	vshll.u32 v62, $0x2  }
0x162: {  	v62 =	vand.u32 $0x7F, v62;
	v1 =	vand.u32 $0xFFFFFE00, v1  }
0x163: {  	v1 =	vor.u32 v62, v1;
	v62 =	vor.u32 v5, v55;
	v5 =	vld [tilespmem:$0x1FE80];
	_ =	sdelay $0x2  }
0x164: {  	v0 =	vadd.f32 v3, v0;
	v3 =	vshll.u32 v60, $0x2  }
0x165: {  	v60 =	vand.u32 $0x7F, v60;
	v3 =	vand.u32 $0xFFFFFE00, v3  }
0x166: {  	v0 =	vadd.f32 v2, v0;
	v2 =	vor.u32 v60, v3;
	v60 =	vor.u32 v5, v55;
	v5 =	vld [tilespmem:$0x1FE90];
	_ =	sdelay $0x2  }
0x167: {  	v56 =	vld.idx.msk [tilespmem:v56+s7+$0x0], $0xffff;
	v3 =	vshll.u32 v57, $0x2  }
0x168: {  	v61 =	vld.idx.msk [tilespmem:v61+s2+$0x0], $0xffff;
	v57 =	vand.u32 $0x7F, v57;
	v3 =	vand.u32 $0xFFFFFE00, v3  }
0x169: {  	v3 =	vor.u32 v57, v3;
	v57 =	vor.u32 v5, v55;
	v5 =	vld [tilespmem:$0x1FEA0]  }
0x16a: {  	v4 =	vld.idx.msk [tilespmem:v4+s7+$0x0], $0xffff  }
0x16b: {  	v58 =	vld.idx.msk [tilespmem:v58+s2+$0x0], $0xffff;
	_ =	sdelay $0x1  }
0x16c: {  	v0 =	vadd.f32 v56, v0;
	v63 =	vshll.u32 v61, $0x2;
	v59 =	vld.idx.msk [tilespmem:v59+s2+$0x0], $0xffff  }
0x16d: {  	v56 =	vand.u32 $0xFFFFFE00, v63;
	v63 =	vor.u32 v5, v55;
	v5 =	vld [tilespmem:$0x1FEB0]  }
0x16e: {  	v0 =	vadd.f32 v4, v0;
	v4 =	vand.u32 $0x7F, v61  }
0x16f: {  	v4 =	vor.u32 v4, v56;
	v56 =	vand.u32 $0x7F, v58;
	v58 =	vshll.u32 v58, $0x2  }
0x170: {  	v1 =	vld.idx.msk [tilespmem:v1+s7+$0x0], $0xffff;
	v58 =	vand.u32 $0xFFFFFE00, v58  }
0x171: {  	v56 =	vor.u32 v56, v58;
	v61 =	vld.idx.msk [tilespmem:v62+s2+$0x0], $0xffff  }
0x172: {  	v62 =	vshll.u32 v59, $0x2;
	v58 =	vand.u32 $0x7F, v59;
	v59 =	vor.u32 v5, v55;
	v5 =	vld [tilespmem:$0x1FEC0]  }
0x173: {  	v2 =	vld.idx.msk [tilespmem:v2+s7+$0x0], $0xffff  }
0x174: {  	v60 =	vld.idx.msk [tilespmem:v60+s2+$0x0], $0xffff  }
0x175: {  	v3 =	vld.idx.msk [tilespmem:v3+s7+$0x0], $0xffff;
	v62 =	vand.u32 $0xFFFFFE00, v62  }
0x176: {  	v58 =	vor.u32 v58, v62;
	v57 =	vld.idx.msk [tilespmem:v57+s2+$0x0], $0xffff  }
0x177: {  	v0 =	vadd.f32 v1, v0;
	v62 =	vor.u32 v5, v55;
	v5 =	vld [tilespmem:$0x1FED0];
	_ =	sdelay $0x1  }
0x178: {  	v0 =	vadd.f32 v2, v0;
	v2 =	vshll.u32 v60, $0x2  }
0x179: {  	v4 =	vld.idx.msk [tilespmem:v4+s7+$0x0], $0xffff;
	v60 =	vand.u32 $0x7F, v60;
	v2 =	vand.u32 $0xFFFFFE00, v2  }
0x17a: {  	v0 =	vadd.f32 v3, v0;
	v3 =	vld.idx.msk [tilespmem:v58+s7+$0x0], $0xffff;
	v2 =	vor.u32 v60, v2;
	v60 =	vshll.u32 v57, $0x2  }
0x17b: {  	v1 =	vshll.u32 v61, $0x2;
	v58 =	vand.u32 $0xFFFFFE00, v60;
	v60 =	vor.u32 v5, v55;
	v5 =	vld [tilespmem:$0x1FEE0]  }
0x17c: {  	v61 =	vand.u32 $0x7F, v61;
	v1 =	vand.u32 $0xFFFFFE00, v1  }
0x17d: {  	v1 =	vor.u32 v61, v1;
	v61 =	vld.idx.msk [tilespmem:v63+s2+$0x0], $0xffff  }
0x17e: {  	v56 =	vld.idx.msk [tilespmem:v56+s7+$0x0], $0xffff  }
0x17f: {  	v57 =	vand.u32 $0x7F, v57  }
0x180: {  	v0 =	vadd.f32 v4, v0;
	v4 =	vor.u32 v57, v58;
	v58 =	vor.u32 v5, v55;
	v5 =	vld [tilespmem:$0x1FEF0];
	_ =	sdelay $0x1  }
0x181: {  	v63 =	vshll.u32 v61, $0x2  }
0x182: {  	v0 =	vadd.f32 v56, v0;
	v56 =	vand.u32 $0x7F, v61;
	v57 =	vand.u32 $0xFFFFFE00, v63  }
0x183: {  	v56 =	vor.u32 v56, v57;
	v57 =	vld.idx.msk [tilespmem:v60+s2+$0x0], $0xffff  }
0x184: {  	v60 =	vor.u32 v5, v55;
	v5 =	vld [tilespmem:$0x1FF00];
	_ =	sdelay $0x2  }
0x185: {  	v59 =	vld.idx.msk [tilespmem:v59+s2+$0x0], $0xffff  }
0x186: {  	v61 =	vld.idx.msk [tilespmem:v62+s2+$0x0], $0xffff  }
0x187: {  	v62 =	vor.u32 v5, v55;
	v5 =	vld [tilespmem:$0x1FC10];
	_ =	sdelay $0x1  }
0x188: {  	v1 =	vld.idx.msk [tilespmem:v1+s7+$0x0], $0xffff  }
0x189: {  	v0 =	vadd.f32 v3, v0;
	v3 =	vshll.u32 v59, $0x2  }
0x18a: {  	v59 =	vand.u32 $0x7F, v59;
	v3 =	vand.u32 $0xFFFFFE00, v3  }
0x18b: {  	v3 =	vor.u32 v59, v3;
	v59 =	vor.u32 v5, v55;
	v5 =	vld [tilespmem:$0x1FC20]  }
0x18c: {  	v2 =	vld.idx.msk [tilespmem:v2+s7+$0x0], $0xffff  }
0x18d: {  	v0 =	vadd.f32 v1, v0;
	v4 =	vld.idx.msk [tilespmem:v4+s7+$0x0], $0xffff;
	v1 =	vshll.u32 v61, $0x2  }
0x18e: {  	v61 =	vand.u32 $0x7F, v61;
	v1 =	vand.u32 $0xFFFFFE00, v1;
	v58 =	vld.idx.msk [tilespmem:v58+s2+$0x0], $0xffff  }
0x18f: {  	v1 =	vor.u32 v61, v1;
	v61 =	vld.idx.msk [tilespmem:v62+s2+$0x0], $0xffff  }
0x190: {  	v62 =	vor.u32 v5, v55;
	v5 =	vld [tilespmem:$0x1FC30];
	_ =	sdelay $0x1  }
0x191: {  	v0 =	vadd.f32 v2, v0;
	_ =	sdelay $0x1  }
0x192: {  	v0 =	vadd.f32 v4, v0;
	v4 =	vshll.u32 v58, $0x2;
	v63 =	vand.u32 $0x7F, v58;
	v58 =	vld.idx.msk [tilespmem:v59+s2+$0x0], $0xffff  }
0x193: {  	v59 =	vor.u32 v5, v55;
	v5 =	vld [tilespmem:$0x1FC40]  }
0x194: {  	v56 =	vld.idx.msk [tilespmem:v56+s7+$0x0], $0xffff  }
0x195: {  	v60 =	vld.idx.msk [tilespmem:v60+s2+$0x0], $0xffff  }
0x196: {  	v2 =	vshll.u32 v57, $0x2  }
0x197: {  	v3 =	vld.idx.msk [tilespmem:v3+s7+$0x0], $0xffff;
	v57 =	vand.u32 $0x7F, v57;
	v2 =	vand.u32 $0xFFFFFE00, v2  }
0x198: {  	v2 =	vor.u32 v57, v2;
	v57 =	vor.u32 v5, v55;
	v5 =	vld [tilespmem:$0x1FC50]  }
0x199: {  	v4 =	vand.u32 $0xFFFFFE00, v4  }
0x19a: {  	v0 =	vadd.f32 v56, v0;
	v4 =	vor.u32 v63, v4;
	v56 =	vshll.u32 v60, $0x2  }
0x19b: {  	v60 =	vand.u32 $0x7F, v60;
	v56 =	vand.u32 $0xFFFFFE00, v56;
	v63 =	vshll.u32 v61, $0x2  }
0x19c: {  	v56 =	vor.u32 v60, v56;
	v60 =	vand.u32 $0x7F, v61;
	v61 =	vand.u32 $0xFFFFFE00, v63  }
0x19d: {  	v0 =	vadd.f32 v3, v0;
	v3 =	vor.u32 v60, v61;
	v61 =	vor.u32 v5, v55;
	v5 =	vld [tilespmem:$0x1FC60]  }
0x19e: {  	v1 =	vld.idx.msk [tilespmem:v1+s7+$0x0], $0xffff  }
0x19f: {  	v2 =	vld.idx.msk [tilespmem:v2+s7+$0x0], $0xffff  }
0x1a0: {  	v60 =	vshll.u32 v58, $0x2;
	v59 =	vld.idx.msk [tilespmem:v59+s2+$0x0], $0xffff  }
0x1a1: {  	v4 =	vld.idx.msk [tilespmem:v4+s7+$0x0], $0xffff;
	v58 =	vand.u32 $0x7F, v58;
	v60 =	vand.u32 $0xFFFFFE00, v60  }
0x1a2: {  	v56 =	vld.idx.msk [tilespmem:v56+s7+$0x0], $0xffff;
	v58 =	vor.u32 v58, v60;
	v60 =	vor.u32 v5, v55  }
0x1a3: {  	v0 =	vadd.f32 v1, v0;
	v5 =	vld [tilespmem:$0x1FC70]  }
0x1a4: {  	v62 =	vld.idx.msk [tilespmem:v62+s2+$0x0], $0xffff  }
0x1a5: {  	v0 =	vadd.f32 v2, v0;
	v2 =	vld.idx.msk [tilespmem:v3+s7+$0x0], $0xffff;
	v3 =	vshll.u32 v59, $0x2  }
0x1a6: {  	v57 =	vld.idx.msk [tilespmem:v57+s2+$0x0], $0xffff;
	v59 =	vand.u32 $0x7F, v59;
	v3 =	vand.u32 $0xFFFFFE00, v3  }
0x1a7: {  	v3 =	vor.u32 v59, v3;
	v59 =	vld.idx.msk [tilespmem:v60+s2+$0x0], $0xffff  }
0x1a8: {  	v60 =	vor.u32 v5, v55;
	v5 =	vld [tilespmem:$0x1FC80]  }
0x1a9: {  	v1 =	vshll.u32 v62, $0x2  }
0x1aa: {  	v62 =	vand.u32 $0x7F, v62;
	v1 =	vand.u32 $0xFFFFFE00, v1  }
0x1ab: {  	v0 =	vadd.f32 v4, v0;
	v1 =	vor.u32 v62, v1;
	v4 =	vld.idx.msk [tilespmem:v58+s7+$0x0], $0xffff;
	v62 =	vshll.u32 v57, $0x2  }
0x1ac: {  	v61 =	vld.idx.msk [tilespmem:v61+s2+$0x0], $0xffff;
	v57 =	vand.u32 $0x7F, v57;
	v58 =	vand.u32 $0xFFFFFE00, v62  }
0x1ad: {  	v0 =	vadd.f32 v56, v0;
	v56 =	vor.u32 v57, v58;
	v57 =	vor.u32 v5, v55;
	v5 =	vld [tilespmem:$0x1FC90];
	_ =	sdelay $0x3  }
0x1ae: {  	v1 =	vld.idx.msk [tilespmem:v1+s7+$0x0], $0xffff  }
0x1af: {  	v0 =	vadd.f32 v2, v0;
	v2 =	vshll.u32 v61, $0x2;
	v58 =	vor.u32 v5, v55  }
0x1b0: {  	v3 =	vld.idx.msk [tilespmem:v3+s7+$0x0], $0xffff;
	v61 =	vand.u32 $0x7F, v61;
	v2 =	vand.u32 $0xFFFFFE00, v2  }
0x1b1: {  	v0 =	vadd.f32 v4, v0;
	v2 =	vor.u32 v61, v2;
	v4 =	vshll.u32 v59, $0x2;
	v60 =	vld.idx.msk [tilespmem:v60+s2+$0x0], $0xffff  }
0x1b2: {  	v56 =	vld.idx.msk [tilespmem:v56+s7+$0x0], $0xffff;
	v61 =	vor.u32 v10, v55;
	v59 =	vand.u32 $0x7F, v59;
	v4 =	vand.u32 $0xFFFFFE00, v4  }
0x1b3: {  	v0 =	vadd.f32 v1, v0;
	v1 =	vor.u32 v59, v4;
	v4 =	vld.idx.msk [tilespmem:v57+s2+$0x0], $0xffff  }
0x1b4: {  	v57 =	vld.idx.msk [tilespmem:v58+s2+$0x0], $0xffff;
	v58 =	vor.u32 v24, v55  }
0x1b5: {  	v0 =	vadd.f32 v3, v0;
	v3 =	vor.u32 v9, v55  }
0x1b6: {  	v2 =	vld.idx.msk [tilespmem:v2+s7+$0x0], $0xffff;
	v63 =	vshll.u32 v60, $0x2  }
0x1b7: {  	v0 =	vadd.f32 v56, v0;
	v56 =	vand.u32 $0x7F, v60;
	v60 =	vld.idx.msk [tilespmem:v61+s2+$0x0], $0xffff;
	v59 =	vand.u32 $0xFFFFFE00, v63  }
0x1b8: {  	v1 =	vld.idx.msk [tilespmem:v1+s7+$0x0], $0xffff;
	v56 =	vor.u32 v56, v59;
	v59 =	vand.u32 $0x7F, v4;
	v4 =	vshll.u32 v4, $0x2  }
0x1b9: {  	v62 =	vor.u32 v25, v55;
	v4 =	vand.u32 $0xFFFFFE00, v4;
	v61 =	vshll.u32 v57, $0x2;
	v58 =	vld.idx.msk [tilespmem:v58+s2+$0x0], $0xffff  }
0x1ba: {  	v3 =	vld.idx.msk [tilespmem:v3+s2+$0x0], $0xffff;
	v4 =	vor.u32 v59, v4;
	v57 =	vand.u32 $0x7F, v57;
	v61 =	vand.u32 $0xFFFFFE00, v61  }
0x1bb: {  	v0 =	vadd.f32 v2, v0;
	v2 =	vor.u32 v57, v61  }
0x1bc: {  	v63 =	vshll.u32 v60, $0x2;
	v59 =	vor.u32 v34, v55  }
0x1bd: {  	v0 =	vadd.f32 v1, v0;
	v1 =	vld.idx.msk [tilespmem:v56+s7+$0x0], $0xffff;
	v61 =	vand.u32 $0x7F, v60;
	v57 =	vand.u32 $0xFFFFFE00, v63  }
0x1be: {  	v60 =	vld.idx.msk [tilespmem:v62+s2+$0x0], $0xffff;
	v56 =	vor.u32 v61, v57;
	v57 =	vand.u32 $0x7F, v58;
	v58 =	vshll.u32 v58, $0x2  }
0x1bf: {  	v4 =	vld.idx.msk [tilespmem:v4+s7+$0x0], $0xffff;
	v62 =	vor.u32 v35, v55;
	v61 =	vshll.u32 v3, $0x2;
	v58 =	vand.u32 $0xFFFFFE00, v58  }
0x1c0: {  	v3 =	vand.u32 $0x7F, v3;
	v63 =	vand.u32 $0xFFFFFE00, v61;
	v2 =	vld.idx.msk [tilespmem:v2+s7+$0x0], $0xffff;
	v57 =	vor.u32 v57, v58  }
0x1c1: {  	v61 =	vor.u32 $0x80, v7;
	v3 =	vor.u32 v3, v63;
	v58 =	vld.idx.msk [tilespmem:v59+s2+$0x0], $0xffff  }
0x1c2: {  	v0 =	vadd.f32 v1, v0;
	v1 =	vor.u32 v61, v55;
	v59 =	vadd.s32 $0x81, v7  }
0x1c3: {  	v61 =	vshll.u32 v60, $0x2;
	v56 =	vld.idx.msk [tilespmem:v56+s7+$0x0], $0xffff;
	v59 =	vor.u32 v59, v55  }
0x1c4: {  	v0 =	vadd.f32 v4, v0;
	v4 =	vand.u32 $0x7F, v60;
	v60 =	vand.u32 $0xFFFFFE00, v61;
	v61 =	vld.idx.msk [tilespmem:v62+s2+$0x0], $0xffff  }
0x1c5: {  	v4 =	vor.u32 v4, v60;
	v60 =	vadd.s32 $0x82, v7;
	v57 =	vld.idx.msk [tilespmem:v57+s7+$0x0], $0xffff  }
0x1c6: {  	v60 =	vor.u32 v60, v55;
	v0 =	vadd.f32 v2, v0;
	v2 =	vld.idx.msk [tilespmem:v3+s7+$0x0], $0xffff;
	v3 =	vshll.u32 v58, $0x2  }
0x1c7: {  	v1 =	vld.idx.msk [tilespmem:v1+s2+$0x0], $0xffff;
	v58 =	vand.u32 $0x7F, v58;
	v3 =	vand.u32 $0xFFFFFE00, v3  }
0x1c8: {  	v62 =	vadd.s32 $0x83, v7;
	v0 =	vadd.f32 v56, v0;
	v3 =	vor.u32 v58, v3;
	v56 =	vld.idx.msk [tilespmem:v59+s2+$0x0], $0xffff  }
0x1c9: {  	v63 =	vshll.u32 v61, $0x2;
	v58 =	vor.u32 v62, v55  }
0x1ca: {  	v4 =	vld.idx.msk [tilespmem:v4+s7+$0x0], $0xffff;
	v62 =	vand.u32 $0x7F, v61;
	v59 =	vand.u32 $0xFFFFFE00, v63;
	v0 =	vadd.f32 v57, v0  }
0x1cb: {  	v57 =	vor.u32 v62, v59;
	v59 =	vld.idx.msk [tilespmem:v60+s2+$0x0], $0xffff;
	v60 =	vadd.s32 $0x84, v7  }
0x1cc: {  	v60 =	vor.u32 v60, v55;
	v0 =	vadd.f32 v2, v0;
	v2 =	vshll.u32 v1, $0x2  }
0x1cd: {  	v3 =	vld.idx.msk [tilespmem:v3+s7+$0x0], $0xffff;
	v1 =	vand.u32 $0x7F, v1;
	v61 =	vshll.u32 v56, $0x2;
	v2 =	vand.u32 $0xFFFFFE00, v2  }
0x1ce: {  	v58 =	vld.idx.msk [tilespmem:v58+s2+$0x0], $0xffff;
	v63 =	vand.u32 $0xFFFFFE00, v61;
	v1 =	vor.u32 v2, v1;
	v2 =	vand.u32 $0x7F, v56  }
0x1cf: {  	v0 =	vadd.f32 v4, v0;
	v1 =	vor.u32 $0x80, v1;
	v2 =	vor.u32 v63, v2  }
0x1d0: {  	v4 =	vld.idx.msk [tilespmem:v57+s7+$0x0], $0xffff;
	v61 =	vshll.u32 v59, $0x2;
	v57 =	vadd.s32 $0x85, v7;
	v2 =	vor.u32 $0x80, v2  }
0x1d1: {  	v59 =	vand.u32 $0x7F, v59;
	v56 =	vand.u32 $0xFFFFFE00, v61;
	v60 =	vld.idx.msk [tilespmem:v60+s2+$0x0], $0xffff;
	v57 =	vor.u32 v57, v55  }
0x1d2: {  	v0 =	vadd.f32 v3, v0;
	v3 =	vor.u32 v56, v59  }
0x1d3: {  	v63 =	vadd.s32 $0x86, v7;
	v62 =	vshll.u32 v58, $0x2;
	v3 =	vor.u32 $0x80, v3  }
0x1d4: {  	v58 =	vand.u32 $0x7F, v58;
	v59 =	vor.u32 v63, v55;
	v56 =	vand.u32 $0xFFFFFE00, v62;
	v1 =	vld.idx.msk [tilespmem:v1+s7+$0x0], $0xffff  }
0x1d5: {  	v0 =	vadd.f32 v4, v0;
	v4 =	vor.u32 v56, v58;
	v2 =	vld.idx.msk [tilespmem:v2+s7+$0x0], $0xffff  }
0x1d6: {  	v58 =	vadd.s32 $0x87, v7;
	v4 =	vor.u32 $0x80, v4;
	v56 =	vshll.u32 v60, $0x2;
	v57 =	vld.idx.msk [tilespmem:v57+s2+$0x0], $0xffff  }
0x1d7: {  	v60 =	vand.u32 $0x7F, v60;
	v58 =	vor.u32 v58, v55;
	v56 =	vand.u32 $0xFFFFFE00, v56  }
0x1d8: {  	v3 =	vld.idx.msk [tilespmem:v3+s7+$0x0], $0xffff;
	v56 =	vor.u32 v56, v60  }
0x1d9: {  	v60 =	vadd.s32 $0x88, v7;
	v0 =	vadd.f32 v1, v0;
	v1 =	vor.u32 $0x80, v56;
	v56 =	vld.idx.msk [tilespmem:v59+s2+$0x0], $0xffff  }
0x1da: {  	v59 =	vor.u32 v60, v55  }
0x1db: {  	v60 =	vadd.s32 $0x89, v7;
	v0 =	vadd.f32 v2, v0;
	v2 =	vld.idx.msk [tilespmem:v4+s7+$0x0], $0xffff;
	v4 =	vshll.u32 v57, $0x2  }
0x1dc: {  	v58 =	vld.idx.msk [tilespmem:v58+s2+$0x0], $0xffff;
	v60 =	vor.u32 v60, v55;
	v57 =	vand.u32 $0x7F, v57;
	v4 =	vand.u32 $0xFFFFFE00, v4  }
0x1dd: {  	v0 =	vadd.f32 v3, v0;
	v3 =	vor.u32 v4, v57  }
0x1de: {  	v61 =	vadd.s32 $0x8A, v7;
	v1 =	vld.idx.msk [tilespmem:v1+s7+$0x0], $0xffff;
	v3 =	vor.u32 $0x80, v3;
	v4 =	vshll.u32 v56, $0x2  }
0x1df: {  	v57 =	vor.u32 v61, v55;
	v56 =	vand.u32 $0x7F, v56;
	v59 =	vld.idx.msk [tilespmem:v59+s2+$0x0], $0xffff;
	v4 =	vand.u32 $0xFFFFFE00, v4  }
0x1e0: {  	v0 =	vadd.f32 v2, v0;
	v2 =	vor.u32 v4, v56  }
0x1e1: {  	v4 =	vshll.u32 v58, $0x2;
	v56 =	vld.idx.msk [tilespmem:v60+s2+$0x0], $0xffff;
	v60 =	vadd.s32 $0x8B, v7;
	v2 =	vor.u32 $0x80, v2  }
0x1e2: {  	v58 =	vand.u32 $0x7F, v58;
	v4 =	vand.u32 $0xFFFFFE00, v4;
	v60 =	vor.u32 v60, v55  }
0x1e3: {  	v4 =	vor.u32 v4, v58;
	v3 =	vld.idx.msk [tilespmem:v3+s7+$0x0], $0xffff  }
0x1e4: {  	v57 =	vld.idx.msk [tilespmem:v57+s2+$0x0], $0xffff;
	v0 =	vadd.f32 v1, v0;
	v1 =	vor.u32 $0x80, v4;
	v4 =	vshll.u32 v59, $0x2  }
0x1e5: {  	v63 =	vadd.s32 $0x8C, v7;
	v62 =	vand.u32 $0x7F, v59;
	v4 =	vand.u32 $0xFFFFFE00, v4  }
0x1e6: {  	v59 =	vor.u32 v63, v55;
	v4 =	vor.u32 v4, v62;
	v61 =	vshll.u32 v56, $0x2;
	v2 =	vld.idx.msk [tilespmem:v2+s7+$0x0], $0xffff  }
0x1e7: {  	v56 =	vand.u32 $0x7F, v56;
	v4 =	vor.u32 $0x80, v4;
	v58 =	vand.u32 $0xFFFFFE00, v61;
	v60 =	vld.idx.msk [tilespmem:v60+s2+$0x0], $0xffff  }
0x1e8: {  	v0 =	vadd.f32 v3, v0;
	v3 =	vor.u32 v58, v56  }
0x1e9: {  	v63 =	vadd.s32 $0x8D, v7;
	v62 =	vshll.u32 v57, $0x2;
	v3 =	vor.u32 $0x80, v3  }
0x1ea: {  	v57 =	vand.u32 $0x7F, v57;
	v1 =	vld.idx.msk [tilespmem:v1+s7+$0x0], $0xffff;
	v56 =	vand.u32 $0xFFFFFE00, v62;
	v58 =	vor.u32 v63, v55  }
0x1eb: {  	v0 =	vadd.f32 v2, v0;
	v2 =	vor.u32 v56, v57;
	v56 =	vld.idx.msk [tilespmem:v59+s2+$0x0], $0xffff  }
0x1ec: {  	v4 =	vld.idx.msk [tilespmem:v4+s7+$0x0], $0xffff;
	v57 =	vshll.u32 v60, $0x2;
	v59 =	vadd.s32 $0x8E, v7;
	v2 =	vor.u32 $0x80, v2  }
0x1ed: {  	v60 =	vand.u32 $0x7F, v60;
	v57 =	vand.u32 $0xFFFFFE00, v57;
	v59 =	vor.u32 v59, v55  }
0x1ee: {  	v57 =	vor.u32 v57, v60;
	v3 =	vld.idx.msk [tilespmem:v3+s7+$0x0], $0xffff  }
0x1ef: {  	v0 =	vadd.f32 v1, v0;
	v1 =	vor.u32 $0x80, v57;
	v57 =	vld.idx.msk [tilespmem:v58+s2+$0x0], $0xffff;
	v58 =	vadd.s32 $0x8F, v7  }
0x1f0: {  	v58 =	vor.u32 v58, v55;
	v60 =	vshll.u32 v56, $0x2  }
0x1f1: {  	v0 =	vadd.f32 v4, v0;
	v4 =	vand.u32 $0x7F, v56;
	v2 =	vld.idx.msk [tilespmem:v2+s7+$0x0], $0xffff;
	v61 =	vand.u32 $0xFFFFFE00, v60  }
0x1f2: {  	v56 =	vld.idx.msk [tilespmem:v59+s2+$0x0], $0xffff;
	v4 =	vor.u32 v61, v4  }
0x1f3: {  	v0 =	vadd.f32 v3, v0;
	v3 =	vor.u32 $0x80, v4;
	v4 =	vor.u32 $0x90, v7  }
0x1f4: {  	v60 =	vadd.s32 $0x91, v7;
	v1 =	vld.idx.msk [tilespmem:v1+s7+$0x0], $0xffff;
	v4 =	vor.u32 v4, v55  }
0x1f5: {  	v60 =	vor.u32 v60, v55;
	v59 =	vshll.u32 v57, $0x2;
	v58 =	vld.idx.msk [tilespmem:v58+s2+$0x0], $0xffff  }
0x1f6: {  	v63 =	vadd.s32 $0x92, v7;
	v57 =	vand.u32 $0x7F, v57;
	v59 =	vand.u32 $0xFFFFFE00, v59  }
0x1f7: {  	v57 =	vor.u32 v59, v57;
	v0 =	vadd.f32 v2, v0;
	v62 =	vshll.u32 v56, $0x2  }
0x1f8: {  	v2 =	vor.u32 $0x80, v57;
	v56 =	vand.u32 $0x7F, v56;
	v57 =	vand.u32 $0xFFFFFE00, v62;
	v3 =	vld.idx.msk [tilespmem:v3+s7+$0x0], $0xffff  }
0x1f9: {  	v56 =	vor.u32 v57, v56;
	v57 =	vor.u32 v63, v55;
	v4 =	vld.idx.msk [tilespmem:v4+s2+$0x0], $0xffff  }
0x1fa: {  	v59 =	vld.idx.msk [tilespmem:v60+s2+$0x0], $0xffff;
	v60 =	vadd.s32 $0x93, v7;
	v0 =	vadd.f32 v1, v0;
	v61 =	vshll.u32 v58, $0x2  }
0x1fb: {  	v1 =	vor.u32 $0x80, v56;
	v58 =	vand.u32 $0x7F, v58;
	v56 =	vand.u32 $0xFFFFFE00, v61  }
0x1fc: {  	v56 =	vor.u32 v56, v58;
	v58 =	vor.u32 v60, v55  }
0x1fd: {  	v2 =	vld.idx.msk [tilespmem:v2+s7+$0x0], $0xffff;
	v60 =	vadd.s32 $0x94, v7;
	v0 =	vadd.f32 v3, v0  }
0x1fe: {  	v3 =	vor.u32 $0x80, v56;
	v57 =	vld.idx.msk [tilespmem:v57+s2+$0x0], $0xffff;
	v56 =	vand.u32 $0x7F, v4;
	v4 =	vshll.u32 v4, $0x2  }
0x1ff: {  	v61 =	vshll.u32 v59, $0x2;
	v60 =	vor.u32 v60, v55;
	v4 =	vand.u32 $0xFFFFFE00, v4  }
0x200: {  	v62 =	vand.u32 $0x7F, v59;
	v63 =	vand.u32 $0xFFFFFE00, v61;
	v1 =	vld.idx.msk [tilespmem:v1+s7+$0x0], $0xffff;
	v4 =	vor.u32 v4, v56  }
0x201: {  	v56 =	vor.u32 v63, v62;
	v58 =	vld.idx.msk [tilespmem:v58+s2+$0x0], $0xffff;
	v4 =	vor.u32 $0x80, v4  }
0x202: {  	v61 =	vadd.s32 $0x95, v7;
	v0 =	vadd.f32 v2, v0;
	v2 =	vor.u32 $0x80, v56  }
0x203: {  	v56 =	vor.u32 v61, v55;
	v61 =	vadd.s32 $0x96, v7;
	v3 =	vld.idx.msk [tilespmem:v3+s7+$0x0], $0xffff;
	v59 =	vshll.u32 v57, $0x2  }
0x204: {  	v60 =	vld.idx.msk [tilespmem:v60+s2+$0x0], $0xffff;
	v57 =	vand.u32 $0x7F, v57;
	v61 =	vor.u32 v61, v55;
	v59 =	vand.u32 $0xFFFFFE00, v59  }
0x205: {  	v0 =	vadd.f32 v1, v0;
	v1 =	vor.u32 v59, v57  }
0x206: {  	v63 =	vadd.s32 $0x97, v7;
	v1 =	vor.u32 $0x80, v1;
	v62 =	vshll.u32 v58, $0x2;
	v4 =	vld.idx.msk [tilespmem:v4+s7+$0x0], $0xffff  }
0x207: {  	v59 =	vor.u32 v63, v55;
	v58 =	vand.u32 $0x7F, v58;
	v2 =	vld.idx.msk [tilespmem:v2+s7+$0x0], $0xffff;
	v57 =	vand.u32 $0xFFFFFE00, v62  }
0x208: {  	v56 =	vld.idx.msk [tilespmem:v56+s2+$0x0], $0xffff;
	v0 =	vadd.f32 v3, v0;
	v3 =	vor.u32 v57, v58  }
0x209: {  	v57 =	vshll.u32 v60, $0x2;
	v58 =	vld.idx.msk [tilespmem:v61+s2+$0x0], $0xffff;
	v61 =	vadd.s32 $0x98, v7;
	v3 =	vor.u32 $0x80, v3  }
0x20a: {  	v60 =	vand.u32 $0x7F, v60;
	v57 =	vand.u32 $0xFFFFFE00, v57;
	v61 =	vor.u32 v61, v55  }
0x20b: {  	v1 =	vld.idx.msk [tilespmem:v1+s7+$0x0], $0xffff;
	v0 =	vadd.f32 v4, v0;
	v4 =	vor.u32 v57, v60  }
0x20c: {  	v57 =	vld.idx.msk [tilespmem:v59+s2+$0x0], $0xffff;
	v60 =	vadd.s32 $0x99, v7;
	v4 =	vor.u32 $0x80, v4  }
0x20d: {  	v59 =	vor.u32 v60, v55;
	v0 =	vadd.f32 v2, v0;
	v2 =	vshll.u32 v56, $0x2  }
0x20e: {  	v60 =	vshll.u32 v58, $0x2;
	v3 =	vld.idx.msk [tilespmem:v3+s7+$0x0], $0xffff;
	v56 =	vand.u32 $0x7F, v56;
	v2 =	vand.u32 $0xFFFFFE00, v2  }
0x20f: {  	v2 =	vor.u32 v2, v56;
	v56 =	vand.u32 $0x7F, v58;
	v58 =	vand.u32 $0xFFFFFE00, v60;
	v60 =	vld.idx.msk [tilespmem:v61+s2+$0x0], $0xffff  }
0x210: {  	v63 =	vadd.s32 $0x9A, v7;
	v0 =	vadd.f32 v1, v0;
	v1 =	vor.u32 $0x80, v2  }
0x211: {  	v2 =	vor.u32 v58, v56;
	v62 =	vshll.u32 v57, $0x2;
	v58 =	vor.u32 v63, v55;
	v4 =	vld.idx.msk [tilespmem:v4+s7+$0x0], $0xffff  }
0x212: {  	v57 =	vand.u32 $0x7F, v57;
	v2 =	vor.u32 $0x80, v2;
	v56 =	vand.u32 $0xFFFFFE00, v62;
	v59 =	vld.idx.msk [tilespmem:v59+s2+$0x0], $0xffff  }
0x213: {  	v0 =	vadd.f32 v3, v0;
	v3 =	vor.u32 v56, v57  }
0x214: {  	v57 =	vadd.s32 $0x9B, v7;
	v3 =	vor.u32 $0x80, v3;
	v56 =	vshll.u32 v60, $0x2  }
0x215: {  	v57 =	vor.u32 v57, v55;
	v60 =	vand.u32 $0x7F, v60;
	v1 =	vld.idx.msk [tilespmem:v1+s7+$0x0], $0xffff;
	v56 =	vand.u32 $0xFFFFFE00, v56  }
0x216: {  	v58 =	vld.idx.msk [tilespmem:v58+s2+$0x0], $0xffff;
	v0 =	vadd.f32 v4, v0;
	v4 =	vor.u32 v56, v60  }
0x217: {  	v2 =	vld.idx.msk [tilespmem:v2+s7+$0x0], $0xffff;
	v56 =	vshll.u32 v59, $0x2;
	v60 =	vadd.s32 $0x9C, v7;
	v4 =	vor.u32 $0x80, v4  }
0x218: {  	v59 =	vand.u32 $0x7F, v59;
	v56 =	vand.u32 $0xFFFFFE00, v56;
	v60 =	vor.u32 v60, v55  }
0x219: {  	v3 =	vld.idx.msk [tilespmem:v3+s7+$0x0], $0xffff;
	v56 =	vor.u32 v56, v59  }
0x21a: {  	v61 =	vadd.s32 $0x9D, v7;
	v0 =	vadd.f32 v1, v0;
	v1 =	vor.u32 $0x80, v56;
	v56 =	vld.idx.msk [tilespmem:v57+s2+$0x0], $0xffff  }
0x21b: {  	v62 =	vadd.s32 $0x9E, v7;
	v57 =	vor.u32 v61, v55  }
0x21c: {  	v59 =	vor.u32 v62, v55;
	v0 =	vadd.f32 v2, v0;
	v2 =	vld.idx.msk [tilespmem:v4+s7+$0x0], $0xffff;
	v4 =	vshll.u32 v58, $0x2  }
0x21d: {  	v58 =	vand.u32 $0x7F, v58;
	v60 =	vld.idx.msk [tilespmem:v60+s2+$0x0], $0xffff;
	v4 =	vand.u32 $0xFFFFFE00, v4  }
0x21e: {  	v0 =	vadd.f32 v3, v0;
	v3 =	vor.u32 v4, v58  }
0x21f: {  	v63 =	vadd.s32 $0x9F, v7;
	v1 =	vld.idx.msk [tilespmem:v1+s7+$0x0], $0xffff;
	v3 =	vor.u32 $0x80, v3;
	v4 =	vshll.u32 v56, $0x2  }
0x220: {  	v58 =	vor.u32 v63, v55;
	v56 =	vand.u32 $0x7F, v56;
	v57 =	vld.idx.msk [tilespmem:v57+s2+$0x0], $0xffff;
	v4 =	vand.u32 $0xFFFFFE00, v4  }
0x221: {  	v0 =	vadd.f32 v2, v0;
	v2 =	vor.u32 v4, v56;
	v4 =	vld.idx.msk [tilespmem:v59+s2+$0x0], $0xffff  }
0x222: {  	v56 =	vshll.u32 v60, $0x2;
	v59 =	vor.u32 $0xA0, v7  }
0x223: {  	v60 =	vand.u32 $0x7F, v60;
	v2 =	vor.u32 $0x80, v2;
	v56 =	vand.u32 $0xFFFFFE00, v56  }
0x224: {  	v59 =	vor.u32 v59, v55;
	v56 =	vor.u32 v56, v60;
	v3 =	vld.idx.msk [tilespmem:v3+s7+$0x0], $0xffff  }
0x225: {  	v58 =	vld.idx.msk [tilespmem:v58+s2+$0x0], $0xffff;
	v0 =	vadd.f32 v1, v0;
	v1 =	vor.u32 $0x80, v56;
	v61 =	vshll.u32 v57, $0x2  }
0x226: {  	v57 =	vand.u32 $0x7F, v57;
	v56 =	vand.u32 $0xFFFFFE00, v61;
	v60 =	vshll.u32 v4, $0x2  }
0x227: {  	v56 =	vor.u32 v56, v57;
	v4 =	vand.u32 $0x7F, v4;
	v62 =	vand.u32 $0xFFFFFE00, v60  }
0x228: {  	v2 =	vld.idx.msk [tilespmem:v2+s7+$0x0], $0xffff;
	v56 =	vor.u32 $0x80, v56;
	v4 =	vor.u32 v62, v4  }
0x229: {  	v0 =	vadd.f32 v3, v0;
	v3 =	vor.u32 $0x80, v4;
	v4 =	vadd.s32 $0xA1, v7  }
0x22a: {  	v57 =	vld.idx.msk [tilespmem:v59+s2+$0x0], $0xffff;
	v59 =	vand.u32 $0x7F, v58;
	v58 =	vshll.u32 v58, $0x2;
	v4 =	vor.u32 v4, v55  }
0x22b: {  	v61 =	vsel vm0, v19, v44;
	v1 =	vld.idx.msk [tilespmem:v1+s7+$0x0], $0xffff;
	v58 =	vand.u32 $0xFFFFFE00, v58  }
0x22c: {  	v60 =	vadd.s32 $0xA2, v7;
	v62 =	vsel vm0, v23, v22;
	v58 =	vor.u32 v58, v59  }
0x22d: {  	v59 =	vor.u32 v60, v55;
	v60 =	vcombine.low v36, v61;
	v0 =	vadd.f32 v2, v0;
	v2 =	vld.idx.msk [tilespmem:v56+s7+$0x0], $0xffff  }
0x22e: {  	v63 =	vcombine.low v39, v62;
	v56 =	vor.u32 $0x80, v58;
	v3 =	vld.idx.msk [tilespmem:v3+s7+$0x0], $0xffff  }
0x22f: {  	v58 =	vand.u32 $0x7F, v57;
	v57 =	vshll.u32 v57, $0x2;
	v60 =	vand.u32 $0xFF, v60;
	v4 =	vld.idx.msk [tilespmem:v4+s2+$0x0], $0xffff  }
0x230: {  	v57 =	vand.u32 $0xFFFFFE00, v57;
	v60 =	vor.u32 v60, v55;
	v0 =	vadd.f32 v1, v0  }
0x231: {  	v1 =	vor.u32 v57, v58  }
0x232: {  	v63 =	vand.u32 $0xFF, v63;
	v1 =	vor.u32 $0x80, v1;
	v57 =	vld.idx.msk [tilespmem:v59+s2+$0x0], $0xffff;
	v0 =	vadd.f32 v2, v0  }
0x233: {  	v2 =	vor.u32 v63, v55  }
0x234: {  	v56 =	vld.idx.msk [tilespmem:v56+s7+$0x0], $0xffff;
	v0 =	vadd.f32 v3, v0;
	v3 =	vshll.u32 v4, $0x2  }
0x235: {  	v59 =	vsel vm0, v27, v26;
	v58 =	vld.idx.msk [tilespmem:v60+s2+$0x0], $0xffff;
	v4 =	vand.u32 $0x7F, v4;
	v3 =	vand.u32 $0xFFFFFE00, v3  }
0x236: {  	v60 =	vcombine.low v40, v59;
	v3 =	vor.u32 v3, v4  }
0x237: {  	v8 =	vsel vm0, v31, v27;
	v1 =	vld.idx.msk [tilespmem:v1+s7+$0x0], $0xffff;
	v4 =	vshll.u32 v57, $0x2;
	v3 =	vor.u32 $0x80, v3  }
0x238: {  	v63 =	vand.u32 $0xFF, v60;
	v57 =	vand.u32 $0x7F, v57;
	v2 =	vld.idx.msk [tilespmem:v2+s2+$0x0], $0xffff;
	v4 =	vand.u32 $0xFFFFFE00, v4  }
0x239: {  	v0 =	vadd.f32 v56, v0;
	v56 =	vor.u32 v63, v55;
	v4 =	vor.u32 v4, v57  }
0x23a: {  	v6 =	vsel vm0, v30, v23;
	v60 =	vshll.u32 v58, $0x2;
	v4 =	vor.u32 $0x80, v4  }
0x23b: {  	v5 =	vsel vm0, v17, v19;
	v57 =	vand.u32 $0xFFFFFE00, v60;
	v60 =	vsel vm0, v45, v29  }
0x23c: {  	v58 =	vand.u32 $0x7F, v58;
	v0 =	vadd.f32 v1, v0;
	v63 =	vcombine.low v41, v60;
	v3 =	vld.idx.msk [tilespmem:v3+s7+$0x0], $0xffff  }
0x23d: {  	v1 =	vor.u32 v57, v58;
	v58 =	vand.u32 $0x7F, v2;
	v2 =	vshll.u32 v2, $0x2  }
0x23e: {  	v57 =	vand.u32 $0xFF, v63;
	v63 =	vsel vm0, v44, v28;
	v56 =	vld.idx.msk [tilespmem:v56+s2+$0x0], $0xffff;
	v2 =	vand.u32 $0xFFFFFE00, v2  }
0x23f: {  	v1 =	vor.u32 $0x80, v1;
	v63 =	vcombine.low v63, v5;
	v2 =	vor.u32 v2, v58;
	v4 =	vld.idx.msk [tilespmem:v4+s7+$0x0], $0xffff  }
0x240: {  	v57 =	vor.u32 v57, v55;
	v58 =	vsel vm0, v22, v37;
	v2 =	vor.u32 $0x80, v2  }
0x241: {  	v27 =	vmovc v26;
	v63 =	vand.u32 $0xFF, v63;
	v58 =	vcombine.low v58, v6;
	v0 =	vadd.f32 v3, v0  }
0x242: {  	v3 =	vor.u32 v63, v55;
	v63 =	vsel vm0, v26, v38;
	v26 =	vmovc v23;
	v23 =	vmovc v22;
	v22 =	vmov v19  }
0x243: {  	v19 =	vmovc v44;
	v44 =	vmovc v41;
	v41 =	vmov v39;
	v39 =	vmov v37;
	v63 =	vcombine.low v63, v8  }
0x244: {  	v37 =	vmovc v35;
	v35 =	vmovc v28;
	v28 =	vmov v9;
	v9 =	vshll.u32 v56, $0x2;
	v0 =	vadd.f32 v4, v0  }
0x245: {  	v4 =	vand.u32 $0x7F, v56;
	v56 =	vand.u32 $0xFF, v63;
	v63 =	vsel vm0, v42, v45;
	v42 =	vmovc v40;
	v40 =	vmovc v38  }
0x246: {  	v38 =	vmovc v36;
	v36 =	vmovc v34;
	v34 =	vmov v25;
	v25 =	vmov v24;
	v24 =	vmov v10;
	v10 =	vld [tilespmem:$0x1FCA0]  }
0x247: {  	v1 =	vld.idx.msk [tilespmem:v1+s7+$0x0], $0xffff;
	v58 =	vand.u32 $0xFF, v58  }
0x248: {  	v57 =	vld.idx.msk [tilespmem:v57+s2+$0x0], $0xffff;
	v58 =	vor.u32 v58, v55;
	_ =	sdelay $0x1  }
0x249: {  	v9 =	vand.u32 $0xFFFFFE00, v9;
	v2 =	vld.idx.msk [tilespmem:v2+s7+$0x0], $0xffff  }
0x24a: {  	v4 =	vor.u32 v9, v4;
	v9 =	vor.u32 v56, v55;
	v3 =	vld.idx.msk [tilespmem:v3+s2+$0x0], $0xffff;
	v10 =	vsel vm0, v29, v10  }
0x24b: {  	v0 =	vadd.f32 v1, v0;
	v10 =	vcombine.low v10, v63  }
0x24c: {  	v1 =	vor.u32 $0x80, v4;
	v4 =	vand.u32 $0x7F, v57;
	v56 =	vshll.u32 v57, $0x2;
	v57 =	vld.idx.msk [tilespmem:v58+s2+$0x0], $0xffff  }
0x24d: {  	v56 =	vand.u32 $0xFFFFFE00, v56;
	v10 =	vand.u32 $0xFF, v10  }
0x24e: {  	v4 =	vor.u32 v56, v4;
	v0 =	vadd.f32 v2, v0;
	v63 =	vmovc v46;
	v10 =	vor.u32 v10, v55  }
0x24f: {  	v2 =	vor.u32 $0x80, v4;
	v9 =	vld.idx.msk [tilespmem:v9+s2+$0x0], $0xffff;
	v58 =	vsel vm0, v63, v17;
	v4 =	vshll.u32 v3, $0x2  }
0x250: {  	v3 =	vand.u32 $0x7F, v3;
	v61 =	vcombine.low v61, v58;
	v4 =	vand.u32 $0xFFFFFE00, v4  }
0x251: {  	v3 =	vor.u32 v4, v3;
	v4 =	vshll.u32 v57, $0x2;
	v57 =	vand.u32 $0x7F, v57  }
0x252: {  	v46 =	vmovc v47;
	v1 =	vld.idx.msk [tilespmem:v1+s7+$0x0], $0xffff;
	v56 =	vand.u32 $0xFF, v61;
	v4 =	vand.u32 $0xFFFFFE00, v4;
	v3 =	vor.u32 $0x80, v3  }
0x253: {  	v61 =	vsel vm0, v46, v30;
	v56 =	vor.u32 v56, v55;
	v4 =	vor.u32 v4, v57;
	v10 =	vld.idx.msk [tilespmem:v10+s2+$0x0], $0xffff  }
0x254: {  	v47 =	vmovc v48;
	v2 =	vld.idx.msk [tilespmem:v2+s7+$0x0], $0xffff;
	v57 =	vcombine.low v62, v61;
	v58 =	vand.u32 $0x7F, v9;
	v9 =	vshll.u32 v9, $0x2  }
0x255: {  	v61 =	vsel vm0, v47, v31;
	v4 =	vor.u32 $0x80, v4;
	v9 =	vand.u32 $0xFFFFFE00, v9  }
0x256: {  	v57 =	vand.u32 $0xFF, v57;
	v9 =	vor.u32 v9, v58;
	v58 =	vcombine.low v59, v61  }
0x257: {  	v0 =	vadd.f32 v1, v0;
	v57 =	vor.u32 v57, v55;
	v3 =	vld.idx.msk [tilespmem:v3+s7+$0x0], $0xffff  }
0x258: {  	v1 =	vor.u32 $0x80, v9;
	v58 =	vand.u32 $0xFF, v58;
	v56 =	vld.idx.msk [tilespmem:v56+s2+$0x0], $0xffff;
	v9 =	vshll.u32 v10, $0x2  }
0x259: {  	v48 =	vmovc v49;
	v49 =	vmovc v50;
	v0 =	vadd.f32 v2, v0;
	v10 =	vand.u32 $0x7F, v10;
	v9 =	vand.u32 $0xFFFFFE00, v9  }
0x25a: {  	v2 =	vld.idx.msk [tilespmem:v4+s7+$0x0], $0xffff;
	v9 =	vor.u32 v9, v10;
	v10 =	vor.u32 v58, v55;
	v58 =	vcombine.low v60, v48  }
0x25b: {  	v5 =	vcombine.low v5, v49  }
0x25c: {  	v57 =	vld.idx.msk [tilespmem:v57+s2+$0x0], $0xffff;
	v0 =	vadd.f32 v3, v0;
	v4 =	vor.u32 $0x80, v9;
	v58 =	vand.u32 $0xFF, v58  }
0x25d: {  	v50 =	vmovc v51;
	v9 =	vand.u32 $0x7F, v56;
	v56 =	vshll.u32 v56, $0x2;
	v58 =	vor.u32 v58, v55  }
0x25e: {  	v6 =	vcombine.low v6, v50;
	v5 =	vand.u32 $0xFF, v5;
	v1 =	vld.idx.msk [tilespmem:v1+s7+$0x0], $0xffff;
	v56 =	vand.u32 $0xFFFFFE00, v56  }
0x25f: {  	v0 =	vadd.f32 v2, v0;
	v2 =	vor.u32 v5, v55;
	v3 =	vor.u32 v56, v9;
	v9 =	vld.idx.msk [tilespmem:v10+s2+$0x0], $0xffff  }
0x260: {  	v51 =	vmov v52;
	v3 =	vor.u32 $0x80, v3  }
0x261: {  	v8 =	vcombine.low v8, v51;
	v6 =	vand.u32 $0xFF, v6;
	v10 =	vshll.u32 v57, $0x2;
	v4 =	vld.idx.msk [tilespmem:v4+s7+$0x0], $0xffff  }
0x262: {  	v6 =	vor.u32 v6, v55;
	v5 =	vand.u32 $0x7F, v57;
	v10 =	vand.u32 $0xFFFFFE00, v10;
	v56 =	vld.idx.msk [tilespmem:v58+s2+$0x0], $0xffff  }
0x263: {  	v0 =	vadd.f32 v1, v0;
	v1 =	vor.u32 v10, v5  }
0x264: {  	v8 =	vand.u32 $0xFF, v8;
	v2 =	vld.idx.msk [tilespmem:v2+s2+$0x0], $0xffff;
	v1 =	vor.u32 $0x80, v1;
	v5 =	vshll.u32 v9, $0x2  }
0x265: {  	v8 =	vor.u32 v8, v55;
	v3 =	vld.idx.msk [tilespmem:v3+s7+$0x0], $0xffff;
	v9 =	vand.u32 $0x7F, v9;
	v5 =	vand.u32 $0xFFFFFE00, v5  }
0x266: {  	v0 =	vadd.f32 v4, v0;
	v4 =	vor.u32 v5, v9  }
0x267: {  	v6 =	vld.idx.msk [tilespmem:v6+s2+$0x0], $0xffff;
	v9 =	vor.u32 $0x100, v7;
	v4 =	vor.u32 $0x80, v4;
	v5 =	vshll.u32 v56, $0x2  }
0x268: {  	v10 =	vand.u32 $0x7F, v56;
	v9 =	vor.u32 v9, v55;
	v5 =	vand.u32 $0xFFFFFE00, v5  }
0x269: {  	v1 =	vld.idx.msk [tilespmem:v1+s7+$0x0], $0xffff;
	v5 =	vor.u32 v5, v10  }
0x26a: {  	v8 =	vld.idx.msk [tilespmem:v8+s2+$0x0], $0xffff;
	v0 =	vadd.f32 v3, v0;
	v3 =	vor.u32 $0x80, v5;
	v5 =	vshll.u32 v2, $0x2  }
0x26b: {  	v10 =	vadd.s32 $0x101, v7;
	v2 =	vand.u32 $0x7F, v2;
	v5 =	vand.u32 $0xFFFFFE00, v5  }
0x26c: {  	v10 =	vor.u32 v10, v55;
	v4 =	vld.idx.msk [tilespmem:v4+s7+$0x0], $0xffff;
	v2 =	vor.u32 v5, v2;
	v5 =	vshll.u32 v6, $0x2  }
0x26d: {  	v6 =	vand.u32 $0x7F, v6;
	v9 =	vld.idx.msk [tilespmem:v9+s2+$0x0], $0xffff;
	v2 =	vor.u32 $0x80, v2;
	v5 =	vand.u32 $0xFFFFFE00, v5  }
0x26e: {  	v0 =	vadd.f32 v1, v0;
	v1 =	vor.u32 v5, v6  }
0x26f: {  	v5 =	vshll.u32 v8, $0x2;
	v6 =	vadd.s32 $0x102, v7;
	v1 =	vor.u32 $0x80, v1  }
0x270: {  	v8 =	vand.u32 $0x7F, v8;
	v3 =	vld.idx.msk [tilespmem:v3+s7+$0x0], $0xffff;
	v5 =	vand.u32 $0xFFFFFE00, v5;
	v6 =	vor.u32 v6, v55  }
0x271: {  	v0 =	vadd.f32 v4, v0;
	v4 =	vor.u32 v5, v8;
	v5 =	vld.idx.msk [tilespmem:v10+s2+$0x0], $0xffff  }
0x272: {  	v8 =	vshll.u32 v9, $0x2;
	v10 =	vadd.s32 $0x103, v7;
	v2 =	vld.idx.msk [tilespmem:v2+s7+$0x0], $0xffff;
	v4 =	vor.u32 $0x80, v4  }
0x273: {  	v9 =	vand.u32 $0x7F, v9;
	v8 =	vand.u32 $0xFFFFFE00, v8;
	v10 =	vor.u32 v10, v55  }
0x274: {  	v8 =	vor.u32 v8, v9;
	v1 =	vld.idx.msk [tilespmem:v1+s7+$0x0], $0xffff  }
0x275: {  	v0 =	vadd.f32 v3, v0;
	v3 =	vor.u32 $0x100, v8;
	v6 =	vld.idx.msk [tilespmem:v6+s2+$0x0], $0xffff;
	v8 =	vadd.s32 $0x104, v7  }
0x276: {  	v8 =	vor.u32 v8, v55;
	v9 =	vshll.u32 v5, $0x2  }
0x277: {  	v0 =	vadd.f32 v2, v0;
	v2 =	vld.idx.msk [tilespmem:v4+s7+$0x0], $0xffff;
	v4 =	vand.u32 $0x7F, v5;
	v5 =	vand.u32 $0xFFFFFE00, v9  }
0x278: {  	v4 =	vor.u32 v5, v4;
	v5 =	vld.idx.msk [tilespmem:v10+s2+$0x0], $0xffff  }
0x279: {  	v0 =	vadd.f32 v1, v0;
	v1 =	vor.u32 $0x100, v4;
	v4 =	vadd.s32 $0x105, v7  }
0x27a: {  	v10 =	vadd.s32 $0x106, v7;
	v3 =	vld.idx.msk [tilespmem:v3+s7+$0x0], $0xffff;
	v9 =	vshll.u32 v6, $0x2;
	v4 =	vor.u32 v4, v55  }
0x27b: {  	v6 =	vand.u32 $0x7F, v6;
	v10 =	vor.u32 v10, v55;
	v9 =	vand.u32 $0xFFFFFE00, v9;
	v8 =	vld.idx.msk [tilespmem:v8+s2+$0x0], $0xffff  }
0x27c: {  	v6 =	vor.u32 v9, v6  }
0x27d: {  	v0 =	vadd.f32 v2, v0;
	v2 =	vor.u32 $0x100, v6;
	v6 =	vshll.u32 v5, $0x2  }
0x27e: {  	v9 =	vadd.s32 $0x107, v7;
	v5 =	vand.u32 $0x7F, v5;
	v1 =	vld.idx.msk [tilespmem:v1+s7+$0x0], $0xffff;
	v6 =	vand.u32 $0xFFFFFE00, v6  }
0x27f: {  	v5 =	vor.u32 v6, v5;
	v4 =	vld.idx.msk [tilespmem:v4+s2+$0x0], $0xffff;
	v6 =	vor.u32 v9, v55  }
0x280: {  	v0 =	vadd.f32 v3, v0;
	v9 =	vld.idx.msk [tilespmem:v10+s2+$0x0], $0xffff;
	v3 =	vor.u32 $0x100, v5;
	v5 =	vshll.u32 v8, $0x2  }
0x281: {  	v10 =	vadd.s32 $0x108, v7;
	v8 =	vand.u32 $0x7F, v8;
	v5 =	vand.u32 $0xFFFFFE00, v5  }
0x282: {  	v5 =	vor.u32 v5, v8;
	v8 =	vor.u32 v10, v55  }
0x283: {  	v10 =	vadd.s32 $0x109, v7;
	v0 =	vadd.f32 v1, v0;
	v1 =	vld.idx.msk [tilespmem:v2+s7+$0x0], $0xffff  }
0x284: {  	v2 =	vor.u32 $0x100, v5;
	v5 =	vand.u32 $0x7F, v4;
	v4 =	vshll.u32 v4, $0x2;
	v6 =	vld.idx.msk [tilespmem:v6+s2+$0x0], $0xffff  }
0x285: {  	v10 =	vor.u32 v10, v55;
	v56 =	vshll.u32 v9, $0x2;
	v4 =	vand.u32 $0xFFFFFE00, v4  }
0x286: {  	v3 =	vld.idx.msk [tilespmem:v3+s7+$0x0], $0xffff;
	v4 =	vor.u32 v4, v5;
	v5 =	vand.u32 $0x7F, v9;
	v9 =	vand.u32 $0xFFFFFE00, v56  }
0x287: {  	v4 =	vor.u32 $0x100, v4;
	v5 =	vor.u32 v9, v5;
	v8 =	vld.idx.msk [tilespmem:v8+s2+$0x0], $0xffff  }
0x288: {  	v0 =	vadd.f32 v1, v0;
	v1 =	vor.u32 $0x100, v5;
	v5 =	vadd.s32 $0x10A, v7  }
0x289: {  	v56 =	vadd.s32 $0x10B, v7;
	v2 =	vld.idx.msk [tilespmem:v2+s7+$0x0], $0xffff;
	v9 =	vshll.u32 v6, $0x2;
	v5 =	vor.u32 v5, v55  }
0x28a: {  	v56 =	vor.u32 v56, v55;
	v10 =	vld.idx.msk [tilespmem:v10+s2+$0x0], $0xffff;
	v6 =	vand.u32 $0x7F, v6;
	v9 =	vand.u32 $0xFFFFFE00, v9  }
0x28b: {  	v0 =	vadd.f32 v3, v0;
	v3 =	vor.u32 v9, v6  }
0x28c: {  	v9 =	vadd.s32 $0x10C, v7;
	v4 =	vld.idx.msk [tilespmem:v4+s7+$0x0], $0xffff;
	v3 =	vor.u32 $0x100, v3;
	v6 =	vshll.u32 v8, $0x2  }
0x28d: {  	v8 =	vand.u32 $0x7F, v8;
	v9 =	vor.u32 v9, v55;
	v1 =	vld.idx.msk [tilespmem:v1+s7+$0x0], $0xffff;
	v6 =	vand.u32 $0xFFFFFE00, v6  }
0x28e: {  	v0 =	vadd.f32 v2, v0;
	v2 =	vor.u32 v6, v8;
	v5 =	vld.idx.msk [tilespmem:v5+s2+$0x0], $0xffff  }
0x28f: {  	v6 =	vshll.u32 v10, $0x2;
	v8 =	vld.idx.msk [tilespmem:v56+s2+$0x0], $0xffff;
	v56 =	vadd.s32 $0x10D, v7;
	v2 =	vor.u32 $0x100, v2  }
0x290: {  	v10 =	vand.u32 $0x7F, v10;
	v6 =	vand.u32 $0xFFFFFE00, v6;
	v56 =	vor.u32 v56, v55  }
0x291: {  	v0 =	vadd.f32 v4, v0;
	v3 =	vld.idx.msk [tilespmem:v3+s7+$0x0], $0xffff;
	v4 =	vor.u32 v6, v10  }
0x292: {  	v6 =	vld.idx.msk [tilespmem:v9+s2+$0x0], $0xffff;
	v9 =	vadd.s32 $0x10E, v7;
	v4 =	vor.u32 $0x100, v4  }
0x293: {  	v9 =	vor.u32 v9, v55;
	v0 =	vadd.f32 v1, v0;
	v1 =	vshll.u32 v5, $0x2  }
0x294: {  	v5 =	vand.u32 $0x7F, v5;
	v10 =	vshll.u32 v8, $0x2;
	v2 =	vld.idx.msk [tilespmem:v2+s7+$0x0], $0xffff;
	v1 =	vand.u32 $0xFFFFFE00, v1  }
0x295: {  	v1 =	vor.u32 v1, v5;
	v5 =	vand.u32 $0x7F, v8;
	v8 =	vand.u32 $0xFFFFFE00, v10;
	v10 =	vld.idx.msk [tilespmem:v56+s2+$0x0], $0xffff  }
0x296: {  	v0 =	vadd.f32 v3, v0;
	v1 =	vor.u32 $0x100, v1;
	v3 =	vor.u32 v8, v5  }
0x297: {  	v5 =	vshll.u32 v6, $0x2;
	v8 =	vadd.s32 $0x10F, v7;
	v4 =	vld.idx.msk [tilespmem:v4+s7+$0x0], $0xffff;
	v3 =	vor.u32 $0x100, v3  }
0x298: {  	v6 =	vand.u32 $0x7F, v6;
	v5 =	vand.u32 $0xFFFFFE00, v5;
	v9 =	vld.idx.msk [tilespmem:v9+s2+$0x0], $0xffff;
	v8 =	vor.u32 v8, v55  }
0x299: {  	v0 =	vadd.f32 v2, v0;
	v2 =	vor.u32 v5, v6  }
0x29a: {  	v6 =	vor.u32 $0x110, v7;
	v2 =	vor.u32 $0x100, v2;
	v5 =	vshll.u32 v10, $0x2  }
0x29b: {  	v10 =	vand.u32 $0x7F, v10;
	v6 =	vor.u32 v6, v55;
	v1 =	vld.idx.msk [tilespmem:v1+s7+$0x0], $0xffff;
	v5 =	vand.u32 $0xFFFFFE00, v5  }
0x29c: {  	v0 =	vadd.f32 v4, v0;
	v3 =	vld.idx.msk [tilespmem:v3+s7+$0x0], $0xffff;
	v4 =	vor.u32 v5, v10  }
0x29d: {  	v5 =	vshll.u32 v9, $0x2;
	v8 =	vld.idx.msk [tilespmem:v8+s2+$0x0], $0xffff;
	v10 =	vadd.s32 $0x111, v7;
	v4 =	vor.u32 $0x100, v4  }
0x29e: {  	v9 =	vand.u32 $0x7F, v9;
	v5 =	vand.u32 $0xFFFFFE00, v5;
	v10 =	vor.u32 v10, v55  }
0x29f: {  	v5 =	vor.u32 v5, v9;
	v2 =	vld.idx.msk [tilespmem:v2+s7+$0x0], $0xffff  }
0x2a0: {  	v0 =	vadd.f32 v1, v0;
	v1 =	vor.u32 $0x100, v5;
	v5 =	vld.idx.msk [tilespmem:v6+s2+$0x0], $0xffff;
	v6 =	vadd.s32 $0x112, v7  }
0x2a1: {  	v6 =	vor.u32 v6, v55  }
0x2a2: {  	v9 =	vadd.s32 $0x113, v7;
	v0 =	vadd.f32 v3, v0;
	v3 =	vld.idx.msk [tilespmem:v4+s7+$0x0], $0xffff;
	v4 =	vshll.u32 v8, $0x2  }
0x2a3: {  	v9 =	vor.u32 v9, v55;
	v8 =	vand.u32 $0x7F, v8;
	v10 =	vld.idx.msk [tilespmem:v10+s2+$0x0], $0xffff;
	v4 =	vand.u32 $0xFFFFFE00, v4  }
0x2a4: {  	v0 =	vadd.f32 v2, v0;
	v2 =	vor.u32 v4, v8  }
0x2a5: {  	v8 =	vadd.s32 $0x114, v7;
	v1 =	vld.idx.msk [tilespmem:v1+s7+$0x0], $0xffff;
	v2 =	vor.u32 $0x100, v2;
	v4 =	vshll.u32 v5, $0x2  }
0x2a6: {  	v5 =	vand.u32 $0x7F, v5;
	v8 =	vor.u32 v8, v55;
	v4 =	vand.u32 $0xFFFFFE00, v4;
	v6 =	vld.idx.msk [tilespmem:v6+s2+$0x0], $0xffff  }
0x2a7: {  	v0 =	vadd.f32 v3, v0;
	v3 =	vor.u32 v4, v5  }
0x2a8: {  	v4 =	vshll.u32 v10, $0x2;
	v5 =	vld.idx.msk [tilespmem:v9+s2+$0x0], $0xffff;
	v9 =	vadd.s32 $0x115, v7;
	v3 =	vor.u32 $0x100, v3  }
0x2a9: {  	v10 =	vand.u32 $0x7F, v10;
	v4 =	vand.u32 $0xFFFFFE00, v4;
	v9 =	vor.u32 v9, v55  }
0x2aa: {  	v4 =	vor.u32 v4, v10;
	v2 =	vld.idx.msk [tilespmem:v2+s7+$0x0], $0xffff  }
0x2ab: {  	v0 =	vadd.f32 v1, v0;
	v1 =	vor.u32 $0x100, v4;
	v8 =	vld.idx.msk [tilespmem:v8+s2+$0x0], $0xffff;
	v4 =	vshll.u32 v6, $0x2  }
0x2ac: {  	v10 =	vadd.s32 $0x116, v7;
	v6 =	vand.u32 $0x7F, v6;
	v4 =	vand.u32 $0xFFFFFE00, v4  }
0x2ad: {  	v10 =	vor.u32 v10, v55;
	v3 =	vld.idx.msk [tilespmem:v3+s7+$0x0], $0xffff;
	v4 =	vor.u32 v4, v6;
	v6 =	vshll.u32 v5, $0x2  }
0x2ae: {  	v5 =	vand.u32 $0x7F, v5;
	v9 =	vld.idx.msk [tilespmem:v9+s2+$0x0], $0xffff;
	v4 =	vor.u32 $0x100, v4;
	v6 =	vand.u32 $0xFFFFFE00, v6  }
0x2af: {  	v0 =	vadd.f32 v2, v0;
	v2 =	vor.u32 v6, v5  }
0x2b0: {  	v5 =	vshll.u32 v8, $0x2;
	v6 =	vadd.s32 $0x117, v7;
	v2 =	vor.u32 $0x100, v2  }
0x2b1: {  	v1 =	vld.idx.msk [tilespmem:v1+s7+$0x0], $0xffff;
	v8 =	vand.u32 $0x7F, v8;
	v5 =	vand.u32 $0xFFFFFE00, v5;
	v6 =	vor.u32 v6, v55  }
0x2b2: {  	v0 =	vadd.f32 v3, v0;
	v3 =	vor.u32 v5, v8;
	v5 =	vld.idx.msk [tilespmem:v10+s2+$0x0], $0xffff  }
0x2b3: {  	v8 =	vshll.u32 v9, $0x2;
	v10 =	vadd.s32 $0x118, v7;
	v4 =	vld.idx.msk [tilespmem:v4+s7+$0x0], $0xffff;
	v3 =	vor.u32 $0x100, v3  }
0x2b4: {  	v9 =	vand.u32 $0x7F, v9;
	v8 =	vand.u32 $0xFFFFFE00, v8;
	v10 =	vor.u32 v10, v55  }
0x2b5: {  	v8 =	vor.u32 v8, v9;
	v2 =	vld.idx.msk [tilespmem:v2+s7+$0x0], $0xffff  }
0x2b6: {  	v0 =	vadd.f32 v1, v0;
	v1 =	vor.u32 $0x100, v8;
	v6 =	vld.idx.msk [tilespmem:v6+s2+$0x0], $0xffff;
	v8 =	vadd.s32 $0x119, v7  }
0x2b7: {  	v8 =	vor.u32 v8, v55;
	v9 =	vshll.u32 v5, $0x2  }
0x2b8: {  	v0 =	vadd.f32 v4, v0;
	v3 =	vld.idx.msk [tilespmem:v3+s7+$0x0], $0xffff;
	v4 =	vand.u32 $0x7F, v5;
	v5 =	vand.u32 $0xFFFFFE00, v9  }
0x2b9: {  	v4 =	vor.u32 v5, v4;
	v5 =	vld.idx.msk [tilespmem:v10+s2+$0x0], $0xffff  }
0x2ba: {  	v0 =	vadd.f32 v2, v0;
	v2 =	vor.u32 $0x100, v4;
	v4 =	vadd.s32 $0x11A, v7  }
0x2bb: {  	v10 =	vadd.s32 $0x11B, v7;
	v1 =	vld.idx.msk [tilespmem:v1+s7+$0x0], $0xffff;
	v9 =	vshll.u32 v6, $0x2;
	v4 =	vor.u32 v4, v55  }
0x2bc: {  	v6 =	vand.u32 $0x7F, v6;
	v10 =	vor.u32 v10, v55;
	v9 =	vand.u32 $0xFFFFFE00, v9;
	v8 =	vld.idx.msk [tilespmem:v8+s2+$0x0], $0xffff  }
0x2bd: {  	v0 =	vadd.f32 v3, v0;
	v3 =	vor.u32 v9, v6  }
0x2be: {  	v9 =	vadd.s32 $0x11C, v7;
	v3 =	vor.u32 $0x100, v3;
	v6 =	vshll.u32 v5, $0x2  }
0x2bf: {  	v5 =	vand.u32 $0x7F, v5;
	v9 =	vor.u32 v9, v55;
	v2 =	vld.idx.msk [tilespmem:v2+s7+$0x0], $0xffff;
	v6 =	vand.u32 $0xFFFFFE00, v6  }
0x2c0: {  	v0 =	vadd.f32 v1, v0;
	v1 =	vor.u32 v6, v5;
	v4 =	vld.idx.msk [tilespmem:v4+s2+$0x0], $0xffff  }
0x2c1: {  	v5 =	vshll.u32 v8, $0x2;
	v6 =	vld.idx.msk [tilespmem:v10+s2+$0x0], $0xffff;
	v10 =	vadd.s32 $0x11D, v7;
	v1 =	vor.u32 $0x100, v1  }
0x2c2: {  	v8 =	vand.u32 $0x7F, v8;
	v5 =	vand.u32 $0xFFFFFE00, v5;
	v10 =	vor.u32 v10, v55  }
0x2c3: {  	v5 =	vor.u32 v5, v8;
	v3 =	vld.idx.msk [tilespmem:v3+s7+$0x0], $0xffff  }
0x2c4: {  	v0 =	vadd.f32 v2, v0;
	v2 =	vor.u32 $0x100, v5;
	v5 =	vld.idx.msk [tilespmem:v9+s2+$0x0], $0xffff  }
0x2c5: {  	v9 =	vadd.s32 $0x11E, v7;
	v8 =	vand.u32 $0x7F, v4;
	v4 =	vshll.u32 v4, $0x2  }
0x2c6: {  	v56 =	vshll.u32 v6, $0x2;
	v9 =	vor.u32 v9, v55;
	v1 =	vld.idx.msk [tilespmem:v1+s7+$0x0], $0xffff;
	v4 =	vand.u32 $0xFFFFFE00, v4  }
0x2c7: {  	v6 =	vand.u32 $0x7F, v6;
	v10 =	vld.idx.msk [tilespmem:v10+s2+$0x0], $0xffff;
	v4 =	vor.u32 v4, v8;
	v8 =	vand.u32 $0xFFFFFE00, v56  }
0x2c8: {  	v0 =	vadd.f32 v3, v0;
	v3 =	vor.u32 $0x100, v4;
	v4 =	vor.u32 v8, v6  }
0x2c9: {  	v8 =	vadd.s32 $0x11F, v7;
	v4 =	vor.u32 $0x100, v4;
	v6 =	vshll.u32 v5, $0x2  }
0x2ca: {  	v2 =	vld.idx.msk [tilespmem:v2+s7+$0x0], $0xffff;
	v5 =	vand.u32 $0x7F, v5;
	v8 =	vor.u32 v8, v55;
	v6 =	vand.u32 $0xFFFFFE00, v6  }
0x2cb: {  	v0 =	vadd.f32 v1, v0;
	v1 =	vor.u32 v6, v5;
	v5 =	vld.idx.msk [tilespmem:v9+s2+$0x0], $0xffff  }
0x2cc: {  	v6 =	vshll.u32 v10, $0x2;
	v9 =	vor.u32 $0x120, v7;
	v1 =	vor.u32 $0x100, v1  }
0x2cd: {  	v10 =	vand.u32 $0x7F, v10;
	v6 =	vand.u32 $0xFFFFFE00, v6;
	v9 =	vor.u32 v9, v55;
	v3 =	vld.idx.msk [tilespmem:v3+s7+$0x0], $0xffff  }
0x2ce: {  	v6 =	vor.u32 v6, v10;
	v4 =	vld.idx.msk [tilespmem:v4+s7+$0x0], $0xffff  }
0x2cf: {  	v0 =	vadd.f32 v2, v0;
	v2 =	vor.u32 $0x100, v6;
	v6 =	vld.idx.msk [tilespmem:v8+s2+$0x0], $0xffff;
	v8 =	vadd.s32 $0x121, v7  }
0x2d0: {  	v56 =	vadd.s32 $0x122, v7;
	v8 =	vor.u32 v8, v55;
	v10 =	vshll.u32 v5, $0x2  }
0x2d1: {  	v56 =	vor.u32 v56, v55;
	v5 =	vand.u32 $0x7F, v5;
	v1 =	vld.idx.msk [tilespmem:v1+s7+$0x0], $0xffff;
	v10 =	vand.u32 $0xFFFFFE00, v10  }
0x2d2: {  	v0 =	vadd.f32 v3, v0;
	v3 =	vor.u32 v10, v5;
	v5 =	vld.idx.msk [tilespmem:v9+s2+$0x0], $0xffff  }
0x2d3: {  	v52 =	vmov v53;
	v3 =	vor.u32 $0x100, v3  }
0x2d4: {  	v53 =	vmovc v54;
	v9 =	vor.u32 v52, v55;
	v2 =	vld.idx.msk [tilespmem:v2+s7+$0x0], $0xffff;
	v0 =	vadd.f32 v4, v0;
	v4 =	vshll.u32 v6, $0x2  }
0x2d5: {  	v10 =	vor.u32 v53, v55;
	v6 =	vand.u32 $0x7F, v6;
	v8 =	vld.idx.msk [tilespmem:v8+s2+$0x0], $0xffff;
	v4 =	vand.u32 $0xFFFFFE00, v4  }
0x2d6: {  	v4 =	vor.u32 v4, v6;
	v6 =	vld.idx.msk [tilespmem:v56+s2+$0x0], $0xffff  }
0x2d7: {  	v54 =	vmovc v11;
	v0 =	vadd.f32 v1, v0;
	v1 =	vor.u32 $0x100, v4;
	v4 =	vshll.u32 v5, $0x2  }
0x2d8: {  	v56 =	vor.u32 v54, v55;
	v5 =	vand.u32 $0x7F, v5;
	v3 =	vld.idx.msk [tilespmem:v3+s7+$0x0], $0xffff;
	v4 =	vand.u32 $0xFFFFFE00, v4  }
0x2d9: {  	v0 =	vadd.f32 v2, v0;
	v2 =	vor.u32 v4, v5;
	v4 =	vld.idx.msk [tilespmem:v9+s2+$0x0], $0xffff  }
0x2da: {  	v11 =	vmovc v12;
	v5 =	vand.u32 $0x7F, v8;
	v8 =	vshll.u32 v8, $0x2;
	v9 =	vld.idx.msk [tilespmem:v10+s2+$0x0], $0xffff;
	v2 =	vor.u32 $0x100, v2  }
0x2db: {  	v57 =	vor.u32 v11, v55;
	v8 =	vand.u32 $0xFFFFFE00, v8;
	v10 =	vshll.u32 v6, $0x2  }
0x2dc: {  	v5 =	vor.u32 v8, v5;
	v6 =	vand.u32 $0x7F, v6;
	v1 =	vld.idx.msk [tilespmem:v1+s7+$0x0], $0xffff;
	v8 =	vand.u32 $0xFFFFFE00, v10  }
0x2dd: {  	v0 =	vadd.f32 v3, v0;
	v3 =	vor.u32 $0x100, v5;
	v5 =	vor.u32 v8, v6;
	v6 =	vld.idx.msk [tilespmem:v56+s2+$0x0], $0xffff  }
0x2de: {  	v12 =	vmovc v14;
	v5 =	vor.u32 $0x100, v5;
	v8 =	vand.u32 $0x7F, v4;
	v4 =	vshll.u32 v4, $0x2  }
0x2df: {  	v56 =	vor.u32 v12, v55;
	v10 =	vshll.u32 v9, $0x2;
	v2 =	vld.idx.msk [tilespmem:v2+s7+$0x0], $0xffff;
	v4 =	vand.u32 $0xFFFFFE00, v4  }
0x2e0: {  	v4 =	vor.u32 v4, v8;
	v8 =	vand.u32 $0x7F, v9;
	v9 =	vand.u32 $0xFFFFFE00, v10;
	v10 =	vld.idx.msk [tilespmem:v57+s2+$0x0], $0xffff  }
0x2e1: {  	v4 =	vor.u32 $0x100, v4;
	v8 =	vor.u32 v9, v8  }
0x2e2: {  	v14 =	vmovc v15;
	v0 =	vadd.f32 v1, v0;
	v1 =	vld.idx.msk [tilespmem:v3+s7+$0x0], $0xffff;
	v3 =	vor.u32 $0x100, v8;
	v8 =	vshll.u32 v6, $0x2  }
0x2e3: {  	v9 =	vor.u32 v14, v55;
	v6 =	vand.u32 $0x7F, v6;
	v5 =	vld.idx.msk [tilespmem:v5+s7+$0x0], $0xffff;
	v8 =	vand.u32 $0xFFFFFE00, v8  }
0x2e4: {  	v6 =	vor.u32 v8, v6;
	v8 =	vld.idx.msk [tilespmem:v56+s2+$0x0], $0xffff  }
0x2e5: {  	v15 =	vmovc v13;
	v0 =	vadd.f32 v2, v0;
	v2 =	vor.u32 $0x100, v6;
	v6 =	vshll.u32 v10, $0x2  }
0x2e6: {  	v56 =	vor.u32 v15, v55;
	v10 =	vand.u32 $0x7F, v10;
	v4 =	vld.idx.msk [tilespmem:v4+s7+$0x0], $0xffff;
	v6 =	vand.u32 $0xFFFFFE00, v6  }
0x2e7: {  	v0 =	vadd.f32 v1, v0;
	v1 =	vld.idx.msk [tilespmem:v3+s7+$0x0], $0xffff;
	v3 =	vor.u32 v6, v10  }
0x2e8: {  	v13 =	vmov v16;
	v6 =	vld.idx.msk [tilespmem:v9+s2+$0x0], $0xffff;
	v3 =	vor.u32 $0x100, v3  }
0x2e9: {  	v16 =	vmovc v18;
	v9 =	vor.u32 v13, v55;
	v0 =	vadd.f32 v5, v0;
	v5 =	vshll.u32 v8, $0x2  }
0x2ea: {  	v10 =	vor.u32 v16, v55;
	v8 =	vand.u32 $0x7F, v8;
	v2 =	vld.idx.msk [tilespmem:v2+s7+$0x0], $0xffff;
	v5 =	vand.u32 $0xFFFFFE00, v5  }
0x2eb: {  	v0 =	vadd.f32 v4, v0;
	v4 =	vor.u32 v5, v8;
	v5 =	vld.idx.msk [tilespmem:v56+s2+$0x0], $0xffff  }
0x2ec: {  	v18 =	vmov v21;
	v4 =	vor.u32 $0x100, v4  }
0x2ed: {  	v21 =	vmovc v20;
	v8 =	vor.u32 v18, v55;
	v0 =	vadd.f32 v1, v0;
	v1 =	vld.idx.msk [tilespmem:v3+s7+$0x0], $0xffff;
	v3 =	vshll.u32 v6, $0x2  }
0x2ee: {  	v56 =	vor.u32 v21, v55;
	v9 =	vld.idx.msk [tilespmem:v9+s2+$0x0], $0xffff;
	v6 =	vand.u32 $0x7F, v6;
	v3 =	vand.u32 $0xFFFFFE00, v3  }
0x2ef: {  	v3 =	vor.u32 v3, v6;
	v6 =	vld.idx.msk [tilespmem:v10+s2+$0x0], $0xffff  }
0x2f0: {  	v20 =	vmovc v43;
	v0 =	vadd.f32 v2, v0;
	v2 =	vor.u32 $0x100, v3;
	v3 =	vshll.u32 v5, $0x2  }
0x2f1: {  	v10 =	vor.u32 v20, v55;
	v5 =	vand.u32 $0x7F, v5;
	v4 =	vld.idx.msk [tilespmem:v4+s7+$0x0], $0xffff;
	v3 =	vand.u32 $0xFFFFFE00, v3  }
0x2f2: {  	v0 =	vadd.f32 v1, v0;
	v1 =	vor.u32 v3, v5;
	v3 =	vld.idx.msk [tilespmem:v8+s2+$0x0], $0xffff  }
0x2f3: {  	v43 =	vmovc v32;
	v5 =	vand.u32 $0x7F, v9;
	v8 =	vshll.u32 v9, $0x2;
	v9 =	vld.idx.msk [tilespmem:v56+s2+$0x0], $0xffff;
	v1 =	vor.u32 $0x100, v1  }
0x2f4: {  	v57 =	vor.u32 v43, v55;
	v8 =	vand.u32 $0xFFFFFE00, v8;
	v56 =	vshll.u32 v6, $0x2  }
0x2f5: {  	v5 =	vor.u32 v8, v5;
	v6 =	vand.u32 $0x7F, v6;
	v2 =	vld.idx.msk [tilespmem:v2+s7+$0x0], $0xffff;
	v8 =	vand.u32 $0xFFFFFE00, v56  }
0x2f6: {  	v0 =	vadd.f32 v4, v0;
	v4 =	vor.u32 $0x100, v5;
	v5 =	vor.u32 v8, v6;
	v6 =	vld.idx.msk [tilespmem:v10+s2+$0x0], $0xffff  }
0x2f7: {  	v32 =	vmovc v33;
	v33 =	vld [tilespmem:$0x1FF30];
	v5 =	vor.u32 $0x100, v5;
	v8 =	vand.u32 $0x7F, v3;
	v3 =	vshll.u32 v3, $0x2  }
0x2f8: {  	v56 =	vor.u32 v32, v55;
	v10 =	vshll.u32 v9, $0x2;
	v1 =	vld.idx.msk [tilespmem:v1+s7+$0x0], $0xffff;
	v3 =	vand.u32 $0xFFFFFE00, v3  }
0x2f9: {  	v3 =	vor.u32 v3, v8;
	v8 =	vand.u32 $0x7F, v9;
	v9 =	vand.u32 $0xFFFFFE00, v10;
	v10 =	vld.idx.msk [tilespmem:v57+s2+$0x0], $0xffff  }
0x2fa: {  	v3 =	vor.u32 $0x100, v3;
	v8 =	vor.u32 v9, v8  }
0x2fb: {  	v0 =	vadd.f32 v2, v0;
	v2 =	vld.idx.msk [tilespmem:v4+s7+$0x0], $0xffff;
	v4 =	vor.u32 $0x100, v8;
	v8 =	vshll.u32 v6, $0x2  }
0x2fc: {  	v9 =	vor.u32 v33, v55;
	v6 =	vand.u32 $0x7F, v6;
	v5 =	vld.idx.msk [tilespmem:v5+s7+$0x0], $0xffff;
	v8 =	vand.u32 $0xFFFFFE00, v8  }
0x2fd: {  	v0 =	vadd.f32 v1, v0;
	v1 =	vor.u32 v8, v6;
	v6 =	vld.idx.msk [tilespmem:v56+s2+$0x0], $0xffff  }
0x2fe: {  	v33 =	vor.u32 $0x180, v7;
	v1 =	vor.u32 $0x100, v1;
	v8 =	vshll.u32 v10, $0x2  }
0x2ff: {  	v56 =	vor.u32 v33, v55;
	v10 =	vand.u32 $0x7F, v10;
	v3 =	vld.idx.msk [tilespmem:v3+s7+$0x0], $0xffff;
	v8 =	vand.u32 $0xFFFFFE00, v8  }
0x300: {  	v0 =	vadd.f32 v2, v0;
	v2 =	vld.idx.msk [tilespmem:v4+s7+$0x0], $0xffff;
	v4 =	vor.u32 v8, v10  }
0x301: {  	v8 =	vld.idx.msk [tilespmem:v9+s2+$0x0], $0xffff;
	v9 =	vadd.s32 $0x181, v7;
	v4 =	vor.u32 $0x100, v4  }
0x302: {  	v9 =	vor.u32 v9, v55;
	v0 =	vadd.f32 v5, v0;
	v5 =	vshll.u32 v6, $0x2  }
0x303: {  	v6 =	vand.u32 $0x7F, v6;
	v1 =	vld.idx.msk [tilespmem:v1+s7+$0x0], $0xffff;
	v5 =	vand.u32 $0xFFFFFE00, v5  }
0x304: {  	v0 =	vadd.f32 v3, v0;
	v3 =	vor.u32 v5, v6;
	v5 =	vld.idx.msk [tilespmem:v56+s2+$0x0], $0xffff  }
0x305: {  	v6 =	vadd.s32 $0x182, v7;
	v3 =	vor.u32 $0x100, v3  }
0x306: {  	v6 =	vor.u32 v6, v55;
	v0 =	vadd.f32 v2, v0;
	v2 =	vld.idx.msk [tilespmem:v4+s7+$0x0], $0xffff;
	v4 =	vshll.u32 v8, $0x2  }
0x307: {  	v8 =	vand.u32 $0x7F, v8;
	v9 =	vld.idx.msk [tilespmem:v9+s2+$0x0], $0xffff;
	v4 =	vand.u32 $0xFFFFFE00, v4  }
0x308: {  	v0 =	vadd.f32 v1, v0;
	v1 =	vor.u32 v4, v8  }
0x309: {  	v8 =	vadd.s32 $0x183, v7;
	v1 =	vor.u32 $0x100, v1;
	v4 =	vshll.u32 v5, $0x2  }
0x30a: {  	v5 =	vand.u32 $0x7F, v5;
	v8 =	vor.u32 v8, v55;
	v3 =	vld.idx.msk [tilespmem:v3+s7+$0x0], $0xffff;
	v4 =	vand.u32 $0xFFFFFE00, v4  }
0x30b: {  	v0 =	vadd.f32 v2, v0;
	v2 =	vor.u32 v4, v5;
	v4 =	vld.idx.msk [tilespmem:v6+s2+$0x0], $0xffff  }
0x30c: {  	v5 =	vshll.u32 v9, $0x2;
	v6 =	vadd.s32 $0x184, v7;
	v2 =	vor.u32 $0x180, v2  }
0x30d: {  	v9 =	vand.u32 $0x7F, v9;
	v5 =	vand.u32 $0xFFFFFE00, v5;
	v6 =	vor.u32 v6, v55  }
0x30e: {  	v5 =	vor.u32 v5, v9;
	v1 =	vld.idx.msk [tilespmem:v1+s7+$0x0], $0xffff  }
0x30f: {  	v0 =	vadd.f32 v3, v0;
	v3 =	vor.u32 $0x180, v5;
	v5 =	vld.idx.msk [tilespmem:v8+s2+$0x0], $0xffff;
	v8 =	vadd.s32 $0x185, v7  }
0x310: {  	v10 =	vadd.s32 $0x186, v7;
	v9 =	vshll.u32 v4, $0x2;
	v8 =	vor.u32 v8, v55  }
0x311: {  	v10 =	vor.u32 v10, v55;
	v4 =	vand.u32 $0x7F, v4;
	v2 =	vld.idx.msk [tilespmem:v2+s7+$0x0], $0xffff;
	v9 =	vand.u32 $0xFFFFFE00, v9  }
0x312: {  	v6 =	vld.idx.msk [tilespmem:v6+s2+$0x0], $0xffff;
	v4 =	vor.u32 v9, v4  }
0x313: {  	v9 =	vadd.s32 $0x187, v7;
	v0 =	vadd.f32 v1, v0;
	v1 =	vor.u32 $0x180, v4  }
0x314: {  	v9 =	vor.u32 v9, v55;
	v3 =	vld.idx.msk [tilespmem:v3+s7+$0x0], $0xffff;
	v4 =	vand.u32 $0x7F, v5;
	v5 =	vshll.u32 v5, $0x2  }
0x315: {  	v33 =	vadd.s32 $0x188, v7;
	v5 =	vand.u32 $0xFFFFFE00, v5;
	v8 =	vld.idx.msk [tilespmem:v8+s2+$0x0], $0xffff  }
0x316: {  	v4 =	vor.u32 v5, v4;
	v5 =	vld.idx.msk [tilespmem:v10+s2+$0x0], $0xffff;
	v10 =	vor.u32 v33, v55  }
0x317: {  	v0 =	vadd.f32 v2, v0;
	v2 =	vor.u32 $0x180, v4;
	v4 =	vshll.u32 v6, $0x2  }
0x318: {  	v33 =	vadd.s32 $0x189, v7;
	v6 =	vand.u32 $0x7F, v6;
	v4 =	vand.u32 $0xFFFFFE00, v4;
	v1 =	vld.idx.msk [tilespmem:v1+s7+$0x0], $0xffff  }
0x319: {  	v9 =	vld.idx.msk [tilespmem:v9+s2+$0x0], $0xffff;
	v0 =	vadd.f32 v3, v0;
	v3 =	vor.u32 v4, v6;
	v4 =	vor.u32 v33, v55  }
0x31a: {  	v33 =	vadd.s32 $0x18A, v7;
	v3 =	vor.u32 $0x180, v3;
	v6 =	vand.u32 $0x7F, v8  }
0x31b: {  	v8 =	vshll.u32 v8, $0x2;
	v57 =	vor.u32 v33, v55;
	v56 =	vshll.u32 v5, $0x2;
	v10 =	vld.idx.msk [tilespmem:v10+s2+$0x0], $0xffff  }
0x31c: {  	v8 =	vand.u32 $0xFFFFFE00, v8;
	v5 =	vand.u32 $0x7F, v5;
	v56 =	vand.u32 $0xFFFFFE00, v56  }
0x31d: {  	v2 =	vld.idx.msk [tilespmem:v2+s7+$0x0], $0xffff;
	v6 =	vor.u32 v8, v6;
	v5 =	vor.u32 v56, v5  }
0x31e: {  	v0 =	vadd.f32 v1, v0;
	v1 =	vor.u32 $0x180, v6;
	v6 =	vand.u32 $0x7F, v9;
	v4 =	vld.idx.msk [tilespmem:v4+s2+$0x0], $0xffff  }
0x31f: {  	v8 =	vshll.u32 v9, $0x2;
	v9 =	vadd.s32 $0x18B, v7;
	v5 =	vor.u32 $0x180, v5  }
0x320: {  	v8 =	vand.u32 $0xFFFFFE00, v8;
	v9 =	vor.u32 v9, v55;
	v3 =	vld.idx.msk [tilespmem:v3+s7+$0x0], $0xffff;
	v33 =	vshll.u32 v10, $0x2  }
0x321: {  	v6 =	vor.u32 v8, v6;
	v8 =	vand.u32 $0x7F, v10;
	v10 =	vand.u32 $0xFFFFFE00, v33;
	v33 =	vld.idx.msk [tilespmem:v57+s2+$0x0], $0xffff  }
0x322: {  	v0 =	vadd.f32 v2, v0;
	v2 =	vor.u32 $0x180, v6;
	v6 =	vor.u32 v10, v8  }
0x323: {  	v1 =	vld.idx.msk [tilespmem:v1+s7+$0x0], $0xffff;
	v10 =	vadd.s32 $0x18C, v7;
	v6 =	vor.u32 $0x180, v6;
	v8 =	vshll.u32 v4, $0x2  }
0x324: {  	v5 =	vld.idx.msk [tilespmem:v5+s7+$0x0], $0xffff;
	v4 =	vand.u32 $0x7F, v4;
	v10 =	vor.u32 v10, v55;
	v8 =	vand.u32 $0xFFFFFE00, v8  }
0x325: {  	v0 =	vadd.f32 v3, v0;
	v3 =	vor.u32 v8, v4;
	v4 =	vld.idx.msk [tilespmem:v9+s2+$0x0], $0xffff  }
0x326: {  	v9 =	vadd.s32 $0x18D, v7;
	v3 =	vor.u32 $0x180, v3;
	v8 =	vshll.u32 v33, $0x2  }
0x327: {  	v2 =	vld.idx.msk [tilespmem:v2+s7+$0x0], $0xffff;
	v56 =	vand.u32 $0x7F, v33;
	v9 =	vor.u32 v9, v55;
	v8 =	vand.u32 $0xFFFFFE00, v8  }
0x328: {  	v0 =	vadd.f32 v1, v0;
	v1 =	vld.idx.msk [tilespmem:v6+s7+$0x0], $0xffff;
	v6 =	vor.u32 v8, v56  }
0x329: {  	v8 =	vld.idx.msk [tilespmem:v10+s2+$0x0], $0xffff;
	v10 =	vadd.s32 $0x18E, v7;
	v6 =	vor.u32 $0x180, v6  }
0x32a: {  	v0 =	vadd.f32 v5, v0;
	v10 =	vor.u32 v10, v55;
	v5 =	vshll.u32 v4, $0x2  }
0x32b: {  	v4 =	vand.u32 $0x7F, v4;
	v3 =	vld.idx.msk [tilespmem:v3+s7+$0x0], $0xffff;
	v5 =	vand.u32 $0xFFFFFE00, v5  }
0x32c: {  	v0 =	vadd.f32 v2, v0;
	v2 =	vor.u32 v5, v4;
	v4 =	vld.idx.msk [tilespmem:v9+s2+$0x0], $0xffff  }
0x32d: {  	v5 =	vadd.s32 $0x18F, v7;
	v2 =	vor.u32 $0x180, v2  }
0x32e: {  	v0 =	vadd.f32 v1, v0;
	v5 =	vor.u32 v5, v55;
	v1 =	vld.idx.msk [tilespmem:v6+s7+$0x0], $0xffff;
	v6 =	vshll.u32 v8, $0x2  }
0x32f: {  	v8 =	vand.u32 $0x7F, v8;
	v9 =	vld.idx.msk [tilespmem:v10+s2+$0x0], $0xffff;
	v6 =	vand.u32 $0xFFFFFE00, v6  }
0x330: {  	v0 =	vadd.f32 v3, v0;
	v3 =	vor.u32 v6, v8  }
0x331: {  	v8 =	vor.u32 $0x190, v7;
	v3 =	vor.u32 $0x180, v3;
	v6 =	vshll.u32 v4, $0x2  }
0x332: {  	v4 =	vand.u32 $0x7F, v4;
	v8 =	vor.u32 v8, v55;
	v2 =	vld.idx.msk [tilespmem:v2+s7+$0x0], $0xffff;
	v6 =	vand.u32 $0xFFFFFE00, v6  }
0x333: {  	v0 =	vadd.f32 v1, v0;
	v1 =	vor.u32 v6, v4;
	v4 =	vld.idx.msk [tilespmem:v5+s2+$0x0], $0xffff  }
0x334: {  	v5 =	vshll.u32 v9, $0x2;
	v6 =	vadd.s32 $0x191, v7;
	v1 =	vor.u32 $0x180, v1  }
0x335: {  	v9 =	vand.u32 $0x7F, v9;
	v5 =	vand.u32 $0xFFFFFE00, v5;
	v6 =	vor.u32 v6, v55  }
0x336: {  	v5 =	vor.u32 v5, v9;
	v3 =	vld.idx.msk [tilespmem:v3+s7+$0x0], $0xffff  }
0x337: {  	v0 =	vadd.f32 v2, v0;
	v2 =	vor.u32 $0x180, v5;
	v5 =	vld.idx.msk [tilespmem:v8+s2+$0x0], $0xffff;
	v8 =	vadd.s32 $0x192, v7  }
0x338: {  	v10 =	vadd.s32 $0x193, v7;
	v9 =	vshll.u32 v4, $0x2;
	v8 =	vor.u32 v8, v55  }
0x339: {  	v10 =	vor.u32 v10, v55;
	v4 =	vand.u32 $0x7F, v4;
	v1 =	vld.idx.msk [tilespmem:v1+s7+$0x0], $0xffff;
	v9 =	vand.u32 $0xFFFFFE00, v9  }
0x33a: {  	v6 =	vld.idx.msk [tilespmem:v6+s2+$0x0], $0xffff;
	v4 =	vor.u32 v9, v4;
	v9 =	vadd.s32 $0x194, v7  }
0x33b: {  	v0 =	vadd.f32 v3, v0;
	v9 =	vor.u32 v9, v55  }
0x33c: {  	v3 =	vor.u32 $0x180, v4;
	v2 =	vld.idx.msk [tilespmem:v2+s7+$0x0], $0xffff;
	v4 =	vand.u32 $0x7F, v5;
	v5 =	vshll.u32 v5, $0x2  }
0x33d: {  	v33 =	vadd.s32 $0x195, v7;
	v5 =	vand.u32 $0xFFFFFE00, v5;
	v8 =	vld.idx.msk [tilespmem:v8+s2+$0x0], $0xffff  }
0x33e: {  	v4 =	vor.u32 v5, v4;
	v5 =	vld.idx.msk [tilespmem:v10+s2+$0x0], $0xffff;
	v10 =	vor.u32 v33, v55  }
0x33f: {  	v0 =	vadd.f32 v1, v0;
	v1 =	vor.u32 $0x180, v4;
	v4 =	vshll.u32 v6, $0x2  }
0x340: {  	v33 =	vadd.s32 $0x196, v7;
	v6 =	vand.u32 $0x7F, v6;
	v4 =	vand.u32 $0xFFFFFE00, v4;
	v9 =	vld.idx.msk [tilespmem:v9+s2+$0x0], $0xffff  }
0x341: {  	v0 =	vadd.f32 v2, v0;
	v2 =	vld.idx.msk [tilespmem:v3+s7+$0x0], $0xffff;
	v3 =	vor.u32 v4, v6;
	v4 =	vor.u32 v33, v55  }
0x342: {  	v33 =	vadd.s32 $0x197, v7;
	v3 =	vor.u32 $0x180, v3;
	v6 =	vand.u32 $0x7F, v8  }
0x343: {  	v8 =	vshll.u32 v8, $0x2;
	v57 =	vor.u32 v33, v55;
	v56 =	vshll.u32 v5, $0x2;
	v10 =	vld.idx.msk [tilespmem:v10+s2+$0x0], $0xffff  }
0x344: {  	v8 =	vand.u32 $0xFFFFFE00, v8;
	v5 =	vand.u32 $0x7F, v5;
	v56 =	vand.u32 $0xFFFFFE00, v56  }
0x345: {  	v1 =	vld.idx.msk [tilespmem:v1+s7+$0x0], $0xffff;
	v6 =	vor.u32 v8, v6;
	v5 =	vor.u32 v56, v5  }
0x346: {  	v8 =	vshll.u32 v9, $0x2;
	v0 =	vadd.f32 v2, v0;
	v2 =	vor.u32 $0x180, v6;
	v4 =	vld.idx.msk [tilespmem:v4+s2+$0x0], $0xffff  }
0x347: {  	v5 =	vor.u32 $0x180, v5;
	v6 =	vand.u32 $0x7F, v9;
	v9 =	vadd.s32 $0x198, v7  }
0x348: {  	v8 =	vand.u32 $0xFFFFFE00, v8;
	v3 =	vld.idx.msk [tilespmem:v3+s7+$0x0], $0xffff;
	v9 =	vor.u32 v9, v55;
	v33 =	vshll.u32 v10, $0x2  }
0x349: {  	v6 =	vor.u32 v8, v6;
	v8 =	vand.u32 $0x7F, v10;
	v10 =	vand.u32 $0xFFFFFE00, v33;
	v33 =	vld.idx.msk [tilespmem:v57+s2+$0x0], $0xffff  }
0x34a: {  	v0 =	vadd.f32 v1, v0;
	v1 =	vor.u32 $0x180, v6;
	v6 =	vor.u32 v10, v8  }
0x34b: {  	v10 =	vadd.s32 $0x199, v7;
	v2 =	vld.idx.msk [tilespmem:v2+s7+$0x0], $0xffff;
	v6 =	vor.u32 $0x180, v6;
	v8 =	vshll.u32 v4, $0x2  }
0x34c: {  	v5 =	vld.idx.msk [tilespmem:v5+s7+$0x0], $0xffff;
	v4 =	vand.u32 $0x7F, v4;
	v10 =	vor.u32 v10, v55;
	v8 =	vand.u32 $0xFFFFFE00, v8  }
0x34d: {  	v0 =	vadd.f32 v3, v0;
	v3 =	vor.u32 v8, v4;
	v4 =	vld.idx.msk [tilespmem:v9+s2+$0x0], $0xffff  }
0x34e: {  	v9 =	vadd.s32 $0x19A, v7;
	v3 =	vor.u32 $0x180, v3;
	v8 =	vshll.u32 v33, $0x2  }
0x34f: {  	v1 =	vld.idx.msk [tilespmem:v1+s7+$0x0], $0xffff;
	v56 =	vand.u32 $0x7F, v33;
	v9 =	vor.u32 v9, v55;
	v8 =	vand.u32 $0xFFFFFE00, v8  }
0x350: {  	v0 =	vadd.f32 v2, v0;
	v2 =	vld.idx.msk [tilespmem:v6+s7+$0x0], $0xffff;
	v6 =	vor.u32 v8, v56  }
0x351: {  	v8 =	vld.idx.msk [tilespmem:v10+s2+$0x0], $0xffff;
	v10 =	vadd.s32 $0x19B, v7;
	v6 =	vor.u32 $0x180, v6  }
0x352: {  	v10 =	vor.u32 v10, v55;
	v0 =	vadd.f32 v5, v0;
	v5 =	vshll.u32 v4, $0x2  }
0x353: {  	v4 =	vand.u32 $0x7F, v4;
	v3 =	vld.idx.msk [tilespmem:v3+s7+$0x0], $0xffff;
	v5 =	vand.u32 $0xFFFFFE00, v5  }
0x354: {  	v0 =	vadd.f32 v1, v0;
	v1 =	vor.u32 v5, v4;
	v4 =	vld.idx.msk [tilespmem:v9+s2+$0x0], $0xffff  }
0x355: {  	v1 =	vor.u32 $0x180, v1  }
0x356: {  	v5 =	vadd.s32 $0x19C, v7;
	v0 =	vadd.f32 v2, v0;
	v2 =	vld.idx.msk [tilespmem:v6+s7+$0x0], $0xffff;
	v6 =	vshll.u32 v8, $0x2  }
0x357: {  	v5 =	vor.u32 v5, v55;
	v8 =	vand.u32 $0x7F, v8;
	v9 =	vld.idx.msk [tilespmem:v10+s2+$0x0], $0xffff;
	v6 =	vand.u32 $0xFFFFFE00, v6  }
0x358: {  	v0 =	vadd.f32 v3, v0;
	v3 =	vor.u32 v6, v8  }
0x359: {  	v8 =	vadd.s32 $0x19D, v7;
	v3 =	vor.u32 $0x180, v3;
	v6 =	vshll.u32 v4, $0x2  }
0x35a: {  	v4 =	vand.u32 $0x7F, v4;
	v8 =	vor.u32 v8, v55;
	v1 =	vld.idx.msk [tilespmem:v1+s7+$0x0], $0xffff;
	v6 =	vand.u32 $0xFFFFFE00, v6  }
0x35b: {  	v0 =	vadd.f32 v2, v0;
	v2 =	vor.u32 v6, v4  }
0x35c: {  	v4 =	vld.idx.msk [tilespmem:v5+s2+$0x0], $0xffff;
	v5 =	vshll.u32 v9, $0x2;
	v6 =	vadd.s32 $0x19E, v7;
	v2 =	vor.u32 $0x180, v2  }
0x35d: {  	v9 =	vand.u32 $0x7F, v9;
	v5 =	vand.u32 $0xFFFFFE00, v5;
	v6 =	vor.u32 v6, v55  }
0x35e: {  	v5 =	vor.u32 v5, v9;
	v3 =	vld.idx.msk [tilespmem:v3+s7+$0x0], $0xffff  }
0x35f: {  	v0 =	vadd.f32 v1, v0;
	v1 =	vor.u32 $0x180, v5;
	v5 =	vld.idx.msk [tilespmem:v8+s2+$0x0], $0xffff;
	v8 =	vadd.s32 $0x19F, v7  }
0x360: {  	v8 =	vor.u32 v8, v55  }
0x361: {  	v33 =	vadd.s32 $0x1A2, v7;
	v10 =	vor.u32 $0x1A0, v7;
	v9 =	vshll.u32 v4, $0x2;
	v2 =	vld.idx.msk [tilespmem:v2+s7+$0x0], $0xffff  }
0x362: {  	v10 =	vor.u32 v10, v55;
	v4 =	vand.u32 $0x7F, v4;
	v9 =	vand.u32 $0xFFFFFE00, v9;
	v6 =	vld.idx.msk [tilespmem:v6+s2+$0x0], $0xffff  }
0x363: {  	v59 =	vld [tilespmem:$0x1FF40];
	v56 =	vor.u32 v33, v55;
	v4 =	vor.u32 v9, v4  }
0x364: {  	v0 =	vadd.f32 v3, v0;
	v3 =	vor.u32 $0x180, v4;
	v1 =	vld.idx.msk [tilespmem:v1+s7+$0x0], $0xffff;
	v9 =	vshll.u32 v5, $0x2  }
0x365: {  	v4 =	vadd.s32 $0x1A1, v7;
	v5 =	vand.u32 $0x7F, v5;
	v9 =	vand.u32 $0xFFFFFE00, v9;
	v8 =	vld.idx.msk [tilespmem:v8+s2+$0x0], $0xffff  }
0x366: {  	v60 =	vld [tilespmem:$0x1FF50];
	v4 =	vor.u32 v4, v55;
	v5 =	vor.u32 v9, v5  }
0x367: {  	v9 =	vld.idx.msk [tilespmem:v10+s2+$0x0], $0xffff;
	v0 =	vadd.f32 v2, v0;
	v2 =	vor.u32 $0x180, v5;
	v5 =	vshll.u32 v6, $0x2  }
0x368: {  	v6 =	vand.u32 $0x7F, v6;
	v5 =	vand.u32 $0xFFFFFE00, v5  }
0x369: {  	v56 =	vld.idx.msk [tilespmem:v56+s2+$0x0], $0xffff;
	v10 =	vor.u32 v59, v55;
	v5 =	vor.u32 v5, v6  }
0x36a: {  	v3 =	vld.idx.msk [tilespmem:v3+s7+$0x0], $0xffff;
	v0 =	vadd.f32 v1, v0;
	v1 =	vor.u32 $0x180, v5;
	v5 =	vshll.u32 v8, $0x2  }
0x36b: {  	v4 =	vld.idx.msk [tilespmem:v4+s2+$0x0], $0xffff;
	v8 =	vand.u32 $0x7F, v8;
	v5 =	vand.u32 $0xFFFFFE00, v5  }
0x36c: {  	v6 =	vor.u32 v60, v55;
	v60 =	vshll.u32 v9, $0x2;
	v5 =	vor.u32 v5, v8  }
0x36d: {  	v2 =	vld.idx.msk [tilespmem:v2+s7+$0x0], $0xffff;
	v8 =	vand.u32 $0x7F, v9;
	v9 =	vand.u32 $0xFFFFFE00, v60;
	v5 =	vor.u32 $0x180, v5  }
0x36e: {  	v8 =	vor.u32 v9, v8  }
0x36f: {  	v9 =	vld.idx.msk [tilespmem:v10+s2+$0x0], $0xffff;
	v0 =	vadd.f32 v3, v0;
	v3 =	vor.u32 $0x180, v8  }
0x370: {  	v10 =	vshll.u32 v56, $0x2;
	v8 =	vshll.u32 v4, $0x2;
	v1 =	vld.idx.msk [tilespmem:v1+s7+$0x0], $0xffff  }
0x371: {  	v6 =	vld.idx.msk [tilespmem:v6+s2+$0x0], $0xffff;
	v4 =	vand.u32 $0x7F, v4;
	v10 =	vand.u32 $0xFFFFFE00, v10;
	v8 =	vand.u32 $0xFFFFFE00, v8  }
0x372: {  	v4 =	vor.u32 v8, v4;
	v8 =	vand.u32 $0x7F, v56;
	v0 =	vadd.f32 v2, v0;
	v2 =	vld.idx.msk [tilespmem:v5+s7+$0x0], $0xffff  }
0x373: {  	v4 =	vor.u32 $0x180, v4;
	v8 =	vor.u32 v10, v8  }
0x374: {  	v5 =	vor.u32 $0x180, v8;
	v3 =	vld.idx.msk [tilespmem:v3+s7+$0x0], $0xffff  }
0x375: {  	v8 =	vshll.u32 v9, $0x2;
	v9 =	vand.u32 $0x7F, v9;
	v0 =	vadd.f32 v1, v0  }
0x376: {  	v61 =	vld [tilespmem:$0x1FF60];
	v8 =	vand.u32 $0xFFFFFE00, v8;
	v10 =	vshll.u32 v6, $0x2;
	v6 =	vand.u32 $0x7F, v6  }
0x377: {  	v62 =	vld [tilespmem:$0x1FF70];
	v8 =	vor.u32 v8, v9;
	v9 =	vand.u32 $0xFFFFFE00, v10;
	v0 =	vadd.f32 v2, v0  }
0x378: {  	v1 =	vor.u32 $0x180, v8;
	v6 =	vor.u32 v9, v6;
	v4 =	vld.idx.msk [tilespmem:v4+s7+$0x0], $0xffff  }
0x379: {  	v6 =	vor.u32 $0x180, v6;
	v0 =	vadd.f32 v3, v0;
	v3 =	vld [tilespmem:$0x1FCB0];
	_ =	sdelay $0x1  }
0x37a: {  	v2 =	vor.u32 v61, v55  }
0x37b: {  	v8 =	vor.u32 v62, v55;
	v5 =	vld.idx.msk [tilespmem:v5+s7+$0x0], $0xffff  }
0x37c: {  	v1 =	vld.idx.msk [tilespmem:v1+s7+$0x0], $0xffff  }
0x37d: {  	v0 =	vadd.f32 v4, v0;
	v4 =	vld.idx.msk [tilespmem:v6+s7+$0x0], $0xffff;
	v3 =	vor.u32 v3, v55  }
0x37e: {  	v6 =	vld [tilespmem:$0x1FCC0]  }
0x37f: {  	v2 =	vld.idx.msk [tilespmem:v2+s2+$0x0], $0xffff  }
0x380: {  	v0 =	vadd.f32 v5, v0;
	v5 =	vld.idx.msk [tilespmem:v8+s2+$0x0], $0xffff  }
0x381: {  	v8 =	vld [tilespmem:$0x1FCD0]  }
0x382: {  	v0 =	vadd.f32 v1, v0;
	v1 =	vld.idx.msk [tilespmem:v3+s2+$0x0], $0xffff  }
0x383: {  	v6 =	vor.u32 v6, v55;
	v3 =	vld [tilespmem:$0x1FCE0]  }
0x384: {  	v10 =	vld [tilespmem:$0x1FCF0];
	_ =	sdelay $0x1  }
0x385: {  	v8 =	vor.u32 v8, v55  }
0x386: {  	v0 =	vadd.f32 v4, v0  }
0x387: {  	v4 =	vand.u32 $0x7F, v2;
	v2 =	vshll.u32 v2, $0x2;
	v6 =	vld.idx.msk [tilespmem:v6+s2+$0x0], $0xffff;
	v3 =	vor.u32 v3, v55  }
0x388: {  	v10 =	vor.u32 v10, v55;
	v2 =	vand.u32 $0xFFFFFE00, v2;
	v9 =	vshll.u32 v5, $0x2  }
0x389: {  	v2 =	vor.u32 v2, v4;
	v4 =	vand.u32 $0x7F, v5;
	v5 =	vand.u32 $0xFFFFFE00, v9  }
0x38a: {  	v2 =	vor.u32 $0x180, v2;
	v4 =	vor.u32 v5, v4;
	v8 =	vld.idx.msk [tilespmem:v8+s2+$0x0], $0xffff;
	v5 =	vshll.u32 v1, $0x2  }
0x38b: {  	v9 =	vld [tilespmem:$0x1FD00];
	v1 =	vand.u32 $0x7F, v1;
	v5 =	vand.u32 $0xFFFFFE00, v5  }
0x38c: {  	v1 =	vor.u32 v5, v1;
	v5 =	vshll.u32 v6, $0x2;
	v3 =	vld.idx.msk [tilespmem:v3+s2+$0x0], $0xffff  }
0x38d: {  	v62 =	vld [tilespmem:$0x1FD10];
	v6 =	vand.u32 $0x7F, v6;
	v5 =	vand.u32 $0xFFFFFE00, v5  }
0x38e: {  	v10 =	vld.idx.msk [tilespmem:v10+s2+$0x0], $0xffff;
	v4 =	vor.u32 $0x180, v4;
	v5 =	vor.u32 v5, v6  }
0x38f: {  	v2 =	vld.idx.msk [tilespmem:v2+s7+$0x0], $0xffff;
	v6 =	vshll.u32 v8, $0x2;
	v5 =	vor.u32 $0x180, v5  }
0x390: {  	v33 =	vld [tilespmem:$0x1FD20];
	v8 =	vand.u32 $0x7F, v8;
	v6 =	vand.u32 $0xFFFFFE00, v6  }
0x391: {  	v60 =	vld [tilespmem:$0x1FD30];
	v9 =	vor.u32 v9, v55;
	v6 =	vor.u32 v6, v8;
	v8 =	vshll.u32 v3, $0x2  }
0x392: {  	v61 =	vld [tilespmem:$0x1FD50];
	v1 =	vor.u32 $0x180, v1;
	v3 =	vand.u32 $0x7F, v3;
	v8 =	vand.u32 $0xFFFFFE00, v8  }
0x393: {  	v56 =	vor.u32 v62, v55;
	v4 =	vld.idx.msk [tilespmem:v4+s7+$0x0], $0xffff;
	v3 =	vor.u32 v8, v3;
	v8 =	vshll.u32 v10, $0x2  }
0x394: {  	v0 =	vadd.f32 v2, v0;
	v2 =	vld.idx.msk [tilespmem:v5+s7+$0x0], $0xffff;
	v10 =	vand.u32 $0x7F, v10;
	v8 =	vand.u32 $0xFFFFFE00, v8  }
0x395: {  	v6 =	vor.u32 $0x180, v6;
	v5 =	vor.u32 v8, v10;
	v8 =	vld [tilespmem:$0x1FD40]  }
0x396: {  	v57 =	vor.u32 v33, v55;
	v9 =	vld.idx.msk [tilespmem:v9+s2+$0x0], $0xffff  }
0x397: {  	v1 =	vld.idx.msk [tilespmem:v1+s7+$0x0], $0xffff  }
0x398: {  	v58 =	vor.u32 v60, v55  }
0x399: {  	v56 =	vld.idx.msk [tilespmem:v56+s2+$0x0], $0xffff;
	v3 =	vor.u32 $0x180, v3  }
0x39a: {  	v0 =	vadd.f32 v4, v0;
	v4 =	vld.idx.msk [tilespmem:v6+s7+$0x0], $0xffff;
	v8 =	vor.u32 v8, v55  }
0x39b: {  	v10 =	vld.idx.msk [tilespmem:v57+s2+$0x0], $0xffff;
	v5 =	vor.u32 $0x180, v5  }
0x39c: {  	v6 =	vshll.u32 v9, $0x2;
	v0 =	vadd.f32 v1, v0;
	v55 =	vor.u32 v61, v55  }
0x39d: {  	v62 =	vld.idx.msk [tilespmem:v58+s2+$0x0], $0xffff;
	v9 =	vand.u32 $0x7F, v9;
	v6 =	vand.u32 $0xFFFFFE00, v6  }
0x39e: {  	v0 =	vadd.f32 v2, v0;
	v1 =	vld.idx.msk [tilespmem:v3+s7+$0x0], $0xffff;
	v3 =	vor.u32 v6, v9;
	v6 =	vshll.u32 v56, $0x2  }
0x39f: {  	v9 =	vand.u32 $0x7F, v56;
	v3 =	vor.u32 $0x180, v3;
	v6 =	vand.u32 $0xFFFFFE00, v6;
	v8 =	vld.idx.msk [tilespmem:v8+s2+$0x0], $0xffff  }
0x3a0: {  	v0 =	vadd.f32 v4, v0;
	v2 =	vld.idx.msk [tilespmem:v5+s7+$0x0], $0xffff;
	v5 =	vor.u32 v6, v9;
	v6 =	vshll.u32 v10, $0x2  }
0x3a1: {  	v9 =	vand.u32 $0x7F, v10;
	v5 =	vor.u32 $0x180, v5;
	v6 =	vand.u32 $0xFFFFFE00, v6;
	v10 =	vld.idx.msk [tilespmem:v55+s2+$0x0], $0xffff  }
0x3a2: {  	v4 =	vor.u32 v6, v9;
	v6 =	vshll.u32 v62, $0x2;
	v9 =	vand.u32 $0x7F, v62  }
0x3a3: {  	v4 =	vor.u32 $0x180, v4;
	v6 =	vand.u32 $0xFFFFFE00, v6  }
0x3a4: {  	v0 =	vadd.f32 v1, v0;
	v1 =	vld.idx.msk [tilespmem:v3+s7+$0x0], $0xffff;
	v3 =	vor.u32 v6, v9;
	v6 =	vshll.u32 v8, $0x2  }
0x3a5: {  	v9 =	vmovc v28;
	v3 =	vor.u32 $0x180, v3;
	v8 =	vand.u32 $0x7F, v8;
	v6 =	vand.u32 $0xFFFFFE00, v6  }
0x3a6: {  	v28 =	vmovc v35;
	v0 =	vadd.f32 v2, v0;
	v2 =	vld.idx.msk [tilespmem:v5+s7+$0x0], $0xffff;
	v5 =	vor.u32 v6, v8;
	v6 =	vshll.u32 v10, $0x2  }
0x3a7: {  	v35 =	vmovc v37;
	v37 =	vmovc v39;
	v8 =	vand.u32 $0x7F, v10;
	v5 =	vor.u32 $0x180, v5;
	v6 =	vand.u32 $0xFFFFFE00, v6  }
0x3a8: {  	v39 =	vmovc v41;
	v41 =	vmovc v44;
	v44 =	vmov v19;
	v19 =	vmov v22;
	v4 =	vld.idx.msk [tilespmem:v4+s7+$0x0], $0xffff;
	v6 =	vor.u32 v6, v8  }
0x3a9: {  	v22 =	vmovc v23;
	v23 =	vmovc v26;
	v26 =	vmov v27;
	v27 =	vld [tilespmem:$0x1FF10];
	v0 =	vadd.f32 v1, v0;
	v1 =	vor.u32 $0x180, v6  }
0x3aa: {  	v3 =	vld.idx.msk [tilespmem:v3+s7+$0x0], $0xffff;
	v10 =	vmov v24;
	v24 =	vmov v25;
	v25 =	vmov v34  }
0x3ab: {  	v34 =	vmovc v36;
	v36 =	vmovc v38;
	v38 =	vmov v40;
	v40 =	vmov v42;
	v42 =	vld [tilespmem:$0x1FF20];
	v0 =	vadd.f32 v2, v0  }
0x3ac: {  	v2 =	vld.idx.msk [tilespmem:v5+s7+$0x0], $0xffff  }
0x3ad: {  	v8 =	vld [tilespmem:$0x1FFF0];
	v0 =	vadd.f32 v4, v0  }
0x3ae: {  	v1 =	vld.idx.msk [tilespmem:v1+s7+$0x0], $0xffff  }
0x3af: {  	v4 =	vld [tilespmem:$0x1FFC0];
	v0 =	vadd.f32 v3, v0  }
0x3b0: {  	p0 =	sne.s32 s14, $0x70;
	v6 =	vld [tilespmem:$0x1FFE0]  }
.Ltmp0:
0x3b1: {  	v3 =	vld [tilespmem:$0x1FFB0];
	v0 =	vadd.f32 v2, v0;
	(pc) =	sbr.rel @p0 .LBB2_2-.Ltmp0, $4  }
0x3b2: {  	v5 =	vld [tilespmem:$0x1FFD0]  }
0x3b3: {  	v2 =	vld [tilespmem:$0x1FFA0];
	v0 =	vadd.f32 v1, v0  }
0x3b4: {  	v1 =	vld [tilespmem:$0x1FF90]  }
0x3b5: {  	s14 =	sadd.s32 $0x10, s14;
	[tilespmem:s13+$0x0] =	vst v0;
	v0 =	vld [tilespmem:$0x1FF80];
	s13 =	sadd.s32 $0x10, s13  }
0x3b6: {  	s12 =	sadd.s32 $0x1, s12  }
0x3b7: {  	p0 =	sne.s32 s12, s6  }
.Ltmp1:
0x3b8: {  	_ = 	snop;
	(pc) =	sbr.rel @p0 .LBB2_1-.Ltmp1, $4  }
0x3b9: {  	[hbm4b:s5+s2] =	stream.linear.scatter [tilespmem:s10], [sflag:$0x3], $0x80, $0x38;
	[tilespmem:$0x19E80] =	vst v63  }
0x3ba: {  	_ =	swait.ge [sflag:s11], $0x80  }
0x3bb: {  	[sflag:s11] =	ssyncset.done $0x0  }
0x3bc: {  	[sflag:s11] =	ssyncadd.s32 $0xFFFFFF80  }
0x3bd: {  	_ =	sfence.sel $0x180000  }
0x3be: {  	[bflag:$0x0] =	sbarrier.arrive $0xFFFF  }
0x3bf: {  	p0 =	sne.s32 s0, $0x0;
	_ =	strace $0x90000047  }
0x3c0: {  	s0 =	sadd.s32 @!p0 $0x100000, s1;
	[bflag:$0x2] =	sbarrier.arrive $0xFFFF  }
0x3c1: {  	[sflag:s0] =	ssyncadd.tile.s32 @!p0 $0x1;
	_ =	shalt  }
.Lfunc_end2:
_tile_overlayer_lowered:
.L_overlay_start_2:
0x3c2: {  	(tag) =	ssettag $0x2  }
0x3c3: {  	s0 =	rddreg [dreg:$0x0];
	s2 =	stileid.u32  }
0x3c4: {  	s1 =	rddreg [dreg:$0x1];
	p0 =	sne.s32 s2, $0x0  }
0x3c5: {  	s3 =	rddreg [dreg:$0x2];
	[bflag:$0x3] =	sbarrier.arrive $0xFFFF;
	s2 =	simm.s32 @!p0 $0x1C03  }
0x3c6: {  	[timem:s3], [sflag:s2] =	dma.local @!p0 [hbm:s0], s1  }
0x3c7: {  	s0 =	simm.s32 @!p0 $0x3  }
0x3c8: {  	_ =	swait.ge @!p0 [sflag:s0], s1  }
0x3c9: {  	s1 =	ssub.s32 @!p0 $0x0, s1;
	[sflag:s0] =	ssyncset.done @!p0 $0x0  }
0x3ca: {  	[sflag:s0] =	ssyncadd.s32 @!p0 s1  }
0x3cb: {  	[bflag:$0x3] =	sbarrier.arrive $0xFFFF  }
0x3cc: {  	_ =	shalt  }

</sc_bundles>
